<compile_context>
chip_gen: v7x
topology: tpu7x:2x2x1
jax: 0.10.2.dev20260603
libtpu: 0.0.44.dev20260713+nightly
codegen_flags: <defaults>
</compile_context>

<pallas_src>
import functools

import jax
import jax.numpy as jnp
from jax import lax
from jax.experimental import pallas as pl
from jax.experimental.pallas import tpu as pltpu
from jax.experimental.pallas import tpu_sc as plsc

B = 16384
NF = 13
NT = 26
VT = 100000
VS = 100000
LS = 50

_info = plsc.get_sparse_core_info()
NC = _info.num_cores
NS = _info.num_subcores
LANES = _info.num_lanes
NW = NC * NS
CH = B // NW
NJ = CH // LANES

_mesh = plsc.VectorSubcoreMesh(core_axis_name="c", subcore_axis_name="s")

_GROUPS = [(0, 13), (13, 26)]
_WAVES_S = [range(10 * w, 10 * (w + 1)) for w in range(5)]


@functools.partial(
    pl.kernel,
    mesh=_mesh,
    out_type=jax.ShapeDtypeStruct((B,), jnp.float32),
    scratch_types=[
        pltpu.VMEM((LS * CH,), jnp.int32),
        pltpu.VMEM((LS * CH,), jnp.float32),
        pltpu.VMEM((CH,), jnp.float32),
        pltpu.VMEM_SHARED((VS,), jnp.float32),
    ] + [pltpu.SemaphoreType.DMA] * len(_WAVES_S),
)
def _fm_seq(sf_hbm, seq_tab, part_hbm, seq_idx, seq_val, part_v, tab_sh,
            *sems):
    wid = lax.axis_index("s") * NC + lax.axis_index("c")
    base = wid * CH

    @pl.when(lax.axis_index("s") == 0)
    def _():
        pltpu.sync_copy(seq_tab, tab_sh)

    pltpu.sync_copy(sf_hbm.at[wid], seq_idx)
    plsc.subcore_barrier()
    waves = []
    for w, fields in enumerate(_WAVES_S):
        waves.append([
            pltpu.async_copy(tab_sh.at[seq_idx.at[pl.ds(l * CH, CH)]],
                             seq_val.at[pl.ds(l * CH, CH)], sems[w])
            for l in fields])

    for w, fields in enumerate(_WAVES_S):
        for cp in waves[w]:
            cp.wait()

        def acc_body(j, carry, fields=fields, first=(w == 0)):
            js = pl.ds(j * LANES, LANES)
            acc = jnp.zeros((LANES,), jnp.float32) if first else part_v[js]
            for l in fields:
                sl = pl.ds(l * CH + j * LANES, LANES)
                acc = acc + jnp.where(seq_idx[sl] != 0, seq_val[sl], 0.0)
            part_v[js] = acc
            return carry

        lax.fori_loop(0, NJ, acc_body, 0)

    pltpu.sync_copy(part_v, part_hbm.at[pl.ds(base, CH)])


def _make_tok(lo, hi, first, last):
    G = hi - lo
    waves = [range(0, (G + 1) // 2), range((G + 1) // 2, G)]
    scratch = [
        pltpu.VMEM((G * CH,), jnp.int32),
        pltpu.VMEM((G * CH,), jnp.float32),
        pltpu.VMEM((CH,), jnp.float32),
    ]
    if first:
        scratch += [
            pltpu.VMEM((NF * CH,), jnp.float32),
            pltpu.VMEM((NF * LANES,), jnp.float32),
            pltpu.VMEM((LANES,), jnp.float32),
        ]
    if last:
        scratch += [pltpu.VMEM((CH,), jnp.float32)]
    scratch += [pltpu.SemaphoreType.DMA] * len(waves)

    @functools.partial(
        pl.kernel,
        mesh=_mesh,
        out_type=jax.ShapeDtypeStruct((B,), jnp.float32),
        scratch_types=scratch,
    )
    def tok_k(tf_hbm, *rest):
        tabs = rest[:G]
        rest = rest[G:]
        if first:
            ff_hbm, fw_hbm, bias_hbm = rest[:3]
            rest = rest[3:]
        else:
            prev_hbm = rest[0]
            rest = rest[1:]
        if last:
            seqp_hbm = rest[0]
            rest = rest[1:]
        out_hbm = rest[0]
        tok_idx, tok_val, acc_v = rest[1:4]
        rest = rest[4:]
        if first:
            ff_v, fw_v, bias_v = rest[:3]
            rest = rest[3:]
        if last:
            seqp_v = rest[0]
            rest = rest[1:]
        sems = rest

        wid = lax.axis_index("s") * NC + lax.axis_index("c")
        base = wid * CH

        pltpu.sync_copy(tf_hbm.at[wid, pl.ds(lo * CH, G * CH)], tok_idx)
        cps = []
        for w, fields in enumerate(waves):
            cps.append([
                pltpu.async_copy(tabs[t].at[tok_idx.at[pl.ds(t * CH, CH)]],
                                 tok_val.at[pl.ds(t * CH, CH)], sems[w])
                for t in fields])

        if first:
            pltpu.sync_copy(ff_hbm.at[wid], ff_v)
            pltpu.sync_copy(fw_hbm, fw_v)
            pltpu.sync_copy(bias_hbm, bias_v)
        else:
            pltpu.sync_copy(prev_hbm.at[pl.ds(base, CH)], acc_v)
        if last:
            pltpu.sync_copy(seqp_hbm.at[pl.ds(base, CH)], seqp_v)

        if first:
            def base_body(j, carry):
                js = pl.ds(j * LANES, LANES)
                acc = bias_v[pl.ds(0, LANES)]
                for f in range(NF):
                    acc = acc + ff_v[pl.ds(f * CH + j * LANES, LANES)] * fw_v[pl.ds(f * LANES, LANES)]
                acc_v[js] = acc
                return carry

            lax.fori_loop(0, NJ, base_body, 0)

        for w, fields in enumerate(waves):
            for cp in cps[w]:
                cp.wait()
            add_seq = last and w == len(waves) - 1

            def acc_body(j, carry, fields=fields, add_seq=add_seq):
                js = pl.ds(j * LANES, LANES)
                acc = acc_v[js]
                for t in fields:
                    acc = acc + tok_val[pl.ds(t * CH + j * LANES, LANES)]
                if add_seq:
                    acc = acc + seqp_v[js]
                acc_v[js] = acc
                return carry

            lax.fori_loop(0, NJ, acc_body, 0)

        pltpu.sync_copy(acc_v, out_hbm.at[pl.ds(base, CH)])

    return tok_k


_TOK_KERNELS = [
    _make_tok(lo, hi, k == 0, k == len(_GROUPS) - 1)
    for k, (lo, hi) in enumerate(_GROUPS)
]


def _field_major(x, nfields):
    return x.T.reshape(nfields, NW, CH).transpose(1, 0, 2).reshape(NW, nfields * CH)


def kernel(float_fields, token_fields, token_seq_field, float_emb_table,
           token_emb_table, token_seq_emb_table, bias, offsets):
    tf_w = _field_major(token_fields, NT)
    sf_w = _field_major(token_seq_field, LS)
    ff_w = _field_major(float_fields, NF)
    fw_rep = jnp.repeat(float_emb_table.reshape(-1), LANES)
    bias_rep = jnp.broadcast_to(bias.reshape(1), (LANES,))
    del offsets
    part = _fm_seq(sf_w, token_seq_emb_table.reshape(-1))
    tabs = [token_emb_table[i * VT:(i + 1) * VT].reshape(-1)
            for i in range(NT)]
    run = None
    for k, (lo, hi) in enumerate(_GROUPS):
        args = [tf_w] + tabs[lo:hi]
        if k == 0:
            args += [ff_w, fw_rep, bias_rep]
        else:
            args += [run]
        if k == len(_GROUPS) - 1:
            args += [part]
        run = _TOK_KERNELS[k](*args)
    return run.reshape(B, 1)

# --- scband reference (transcript-rebuilt; emitter-appended) ---
"""Pipeline reference for scband-fmfirst-order-linear-2714419331140 (READ-ONLY COPY).

The authoritative reference and input builder live on the scoring server;
editing this copy changes nothing except your own understanding.
"""

import jax, jax.numpy as jnp
import numpy as np

B = 16384
NF = 13          # number of float fields
NT = 26          # number of token fields
VT = 100000      # vocab per token field
VS = 100000      # vocab of the token-seq field
L = 50           # hist_len
D = 1            # output_dim (first-order score)


def setup_inputs(seed: int = 0) -> dict:
    key = jax.random.key(seed)
    ks = jax.random.split(key, 7)
    float_fields = jax.random.normal(ks[0], (B, NF), dtype=jnp.float32)
    token_fields = jax.random.randint(ks[1], (B, NT), 0, VT).astype(jnp.int32)
    token_seq_field = jax.random.randint(ks[2], (B, L), 0, VS).astype(jnp.int32)
    # learned parameters
    float_emb_table = 0.01 * jax.random.normal(ks[3], (NF, D), dtype=jnp.float32)
    token_emb_table = 0.01 * jax.random.normal(ks[4], (NT * VT, D), dtype=jnp.float32)
    token_seq_emb_table = 0.01 * jax.random.normal(ks[5], (VS, D), dtype=jnp.float32)
    bias = jnp.zeros((D,), dtype=jnp.float32)
    # per-field offsets into the fused token embedding table
    offsets = (jnp.arange(NT, dtype=jnp.int32) * VT)
    return {
        "float_fields": float_fields,
        "token_fields": token_fields,
        "token_seq_field": token_seq_field,
        "float_emb_table": float_emb_table,
        "token_emb_table": token_emb_table,
        "token_seq_emb_table": token_seq_emb_table,
        "bias": bias,
        "offsets": offsets,
    }


def reference(float_fields, token_fields, token_seq_field,
              float_emb_table, token_emb_table, token_seq_emb_table,
              bias, offsets):
    # --- embed_float_fields ---
    num_float_field = float_fields.shape[1]
    index = jnp.arange(num_float_field)
    fe = jnp.take(float_emb_table, index, axis=0)[None, :, :]      # [1, NF, D]
    fe = fe * float_fields[:, :, None]                              # [B, NF, D]
    fe = jnp.sum(fe, axis=1, keepdims=True)                         # [B, 1, D]
    # --- embed_token_fields (FMEmbedding with offsets) ---
    idx = token_fields + offsets[None, :]                           # [B, NT]
    te = jnp.take(token_emb_table, idx, axis=0)                     # [B, NT, D]
    te = jnp.sum(te, axis=1, keepdims=True)                         # [B, 1, D]
    # --- embed_token_seq_fields (single seq field, masked sum) ---
    mask = (token_seq_field != 0).astype(jnp.float32)               # [B, L]
    se = jnp.take(token_seq_emb_table, token_seq_field, axis=0)     # [B, L, D]
    se = se * mask[:, :, None]
    sres = jnp.sum(se, axis=1, keepdims=True)                       # [B, 1, D]
    seq_total = jnp.sum(sres, axis=1, keepdims=True)                # [B, 1, D]
    # --- combine ---
    total = jnp.concatenate([fe, te, seq_total], axis=1)            # [B, 3, D]
    out = jnp.sum(total, axis=1) + bias                             # [B, D]
    return out

if __name__ == "__main__":
    import jax
    _d = setup_inputs()
    print(jax.jit(kernel)(*tuple(_d.values())))

</pallas_src>

<mosaic_0001>
#map = affine_map<(d0, d1) -> (0, 0)>
#map1 = affine_map<(d0, d1) -> (0)>
module attributes {stable_mosaic.version = 14 : i64} {
  func.func @tok_k(%arg0: i32, %arg1: i32, %arg2: memref<32x13312xi32, #tpu.memory_space<hbm>>, %arg3: memref<100000xf32, #tpu.memory_space<hbm>>, %arg4: memref<100000xf32, #tpu.memory_space<hbm>>, %arg5: memref<100000xf32, #tpu.memory_space<hbm>>, %arg6: memref<100000xf32, #tpu.memory_space<hbm>>, %arg7: memref<100000xf32, #tpu.memory_space<hbm>>, %arg8: memref<100000xf32, #tpu.memory_space<hbm>>, %arg9: memref<100000xf32, #tpu.memory_space<hbm>>, %arg10: memref<100000xf32, #tpu.memory_space<hbm>>, %arg11: memref<100000xf32, #tpu.memory_space<hbm>>, %arg12: memref<100000xf32, #tpu.memory_space<hbm>>, %arg13: memref<100000xf32, #tpu.memory_space<hbm>>, %arg14: memref<100000xf32, #tpu.memory_space<hbm>>, %arg15: memref<100000xf32, #tpu.memory_space<hbm>>, %arg16: memref<32x6656xf32, #tpu.memory_space<hbm>>, %arg17: memref<208xf32, #tpu.memory_space<hbm>>, %arg18: memref<16xf32, #tpu.memory_space<hbm>>, %arg19: memref<16384xf32, #tpu.memory_space<hbm>>, %arg20: memref<6656xi32, #tpu.memory_space<vmem>>, %arg21: memref<6656xf32, #tpu.memory_space<vmem>>, %arg22: memref<512xf32, #tpu.memory_space<vmem>>, %arg23: memref<6656xf32, #tpu.memory_space<vmem>>, %arg24: memref<208xf32, #tpu.memory_space<vmem>>, %arg25: memref<16xf32, #tpu.memory_space<vmem>>, %arg26: memref<!tpu.dma_semaphore, #tpu.memory_space<semaphore_mem>>, %arg27: memref<!tpu.dma_semaphore, #tpu.memory_space<semaphore_mem>>) attributes {dimension_semantics = [#tpu.dimension_semantics<core_parallel>, #tpu.dimension_semantics<subcore_parallel>], iteration_bounds = array<i64: 2, 16>, scalar_prefetch = 0 : i64, scratch_operands = 8 : i64, tpu.core_type = #tpu.core_type<sc_vector_subcore>, window_params = [{transform_indices = #map}, {transform_indices = #map1}, {transform_indices = #map1}, {transform_indices = #map1}, {transform_indices = #map1}, {transform_indices = #map1}, {transform_indices = #map1}, {transform_indices = #map1}, {transform_indices = #map1}, {transform_indices = #map1}, {transform_indices = #map1}, {transform_indices = #map1}, {transform_indices = #map1}, {transform_indices = #map1}, {transform_indices = #map}, {transform_indices = #map1}, {transform_indices = #map1}, {transform_indices = #map1}]} {
    %mul3A = arith.constant 2 : i32
    %mul3A_0 = arith.muli %arg1, %mul3A : i32
    %add3A = arith.addi %mul3A_0, %arg0 : i32
    %mul3A_1 = arith.constant 512 : i32
    %mul3A_2 = arith.muli %add3A, %mul3A_1 : i32
    "tpu.region"() ({
      %run_scoped3A = tpu.sem_alloc : memref<!tpu.dma_semaphore, #tpu.memory_space<semaphore_mem>>
      %dma_start3A_174 = arith.constant 0 : i32
      %dma_start3A_175 = tpu.memref_slice %arg2[%add3A, %dma_start3A_174] : memref<32x13312xi32, #tpu.memory_space<hbm>> -> memref<1x6656xi32, #tpu.memory_space<hbm>>
      %dma_start3A_176 = tpu.memref_squeeze %dma_start3A_175 : memref<1x6656xi32, #tpu.memory_space<hbm>> -> memref<6656xi32, #tpu.memory_space<hbm>>
      %dma_start3A_177 = arith.constant 0 : i32
      %dma_start3A_178 = tpu.memref_slice %arg2[%add3A, %dma_start3A_177] : memref<32x13312xi32, #tpu.memory_space<hbm>> -> memref<1x6656xi32, #tpu.memory_space<hbm>>
      %dma_start3A_179 = tpu.memref_squeeze %dma_start3A_178 : memref<1x6656xi32, #tpu.memory_space<hbm>> -> memref<6656xi32, #tpu.memory_space<hbm>>
      tpu.enqueue_dma source(%dma_start3A_179 : memref<6656xi32, #tpu.memory_space<hbm>>) target(%arg20 : memref<6656xi32, #tpu.memory_space<vmem>>) target_semaphore(%run_scoped3A : memref<!tpu.dma_semaphore, #tpu.memory_space<semaphore_mem>>)
      %dma_wait3A_180 = arith.constant 0 : i32
      %dma_wait3A_181 = tpu.memref_slice %arg2[%add3A, %dma_wait3A_180] : memref<32x13312xi32, #tpu.memory_space<hbm>> -> memref<1x6656xi32, #tpu.memory_space<hbm>>
      %dma_wait3A_182 = tpu.memref_squeeze %dma_wait3A_181 : memref<1x6656xi32, #tpu.memory_space<hbm>> -> memref<6656xi32, #tpu.memory_space<hbm>>
      %dma_wait3A_183 = arith.constant 0 : i32
      %dma_wait3A_184 = tpu.memref_slice %arg2[%add3A, %dma_wait3A_183] : memref<32x13312xi32, #tpu.memory_space<hbm>> -> memref<1x6656xi32, #tpu.memory_space<hbm>>
      %dma_wait3A_185 = tpu.memref_squeeze %dma_wait3A_184 : memref<1x6656xi32, #tpu.memory_space<hbm>> -> memref<6656xi32, #tpu.memory_space<hbm>>
      tpu.wait_dma2 semaphore(%run_scoped3A : memref<!tpu.dma_semaphore, #tpu.memory_space<semaphore_mem>>) src(%dma_wait3A_185 : memref<6656xi32, #tpu.memory_space<hbm>>) dst(%arg20 : memref<6656xi32, #tpu.memory_space<vmem>>)
      tpu.yield
    }) : () -> ()
    %dma_start3A = arith.constant 0 : i32
    %dma_start3A_3 = tpu.memref_slice %arg21[%dma_start3A] : memref<6656xf32, #tpu.memory_space<vmem>> -> memref<512xf32, #tpu.memory_space<vmem>>
    %dma_start3A_4 = arith.constant 0 : i32
    %dma_start3A_5 = tpu.memref_slice %arg20[%dma_start3A_4] : memref<6656xi32, #tpu.memory_space<vmem>> -> memref<512xi32, #tpu.memory_space<vmem>>
    %dma_start3A_6 = arith.constant 0 : i32
    %dma_start3A_7 = tpu.memref_slice %arg3[%dma_start3A_6] : memref<100000xf32, #tpu.memory_space<hbm>> -> memref<100000xf32, #tpu.memory_space<hbm>>
    tpu.enqueue_indirect_dma source(%dma_start3A_7 : memref<100000xf32, #tpu.memory_space<hbm>>) target(%dma_start3A_3 : memref<512xf32, #tpu.memory_space<vmem>>) offsets(%dma_start3A_5 : memref<512xi32, #tpu.memory_space<vmem>>) semaphore(%arg26 : memref<!tpu.dma_semaphore, #tpu.memory_space<semaphore_mem>>)
    %dma_start3A_8 = arith.constant 512 : i32
    %dma_start3A_9 = tpu.memref_slice %arg21[%dma_start3A_8] : memref<6656xf32, #tpu.memory_space<vmem>> -> memref<512xf32, #tpu.memory_space<vmem>>
    %dma_start3A_10 = arith.constant 512 : i32
    %dma_start3A_11 = tpu.memref_slice %arg20[%dma_start3A_10] : memref<6656xi32, #tpu.memory_space<vmem>> -> memref<512xi32, #tpu.memory_space<vmem>>
    %dma_start3A_12 = arith.constant 0 : i32
    %dma_start3A_13 = tpu.memref_slice %arg4[%dma_start3A_12] : memref<100000xf32, #tpu.memory_space<hbm>> -> memref<100000xf32, #tpu.memory_space<hbm>>
    tpu.enqueue_indirect_dma source(%dma_start3A_13 : memref<100000xf32, #tpu.memory_space<hbm>>) target(%dma_start3A_9 : memref<512xf32, #tpu.memory_space<vmem>>) offsets(%dma_start3A_11 : memref<512xi32, #tpu.memory_space<vmem>>) semaphore(%arg26 : memref<!tpu.dma_semaphore, #tpu.memory_space<semaphore_mem>>)
    %dma_start3A_14 = arith.constant 1024 : i32
    %dma_start3A_15 = tpu.memref_slice %arg21[%dma_start3A_14] : memref<6656xf32, #tpu.memory_space<vmem>> -> memref<512xf32, #tpu.memory_space<vmem>>
    %dma_start3A_16 = arith.constant 1024 : i32
    %dma_start3A_17 = tpu.memref_slice %arg20[%dma_start3A_16] : memref<6656xi32, #tpu.memory_space<vmem>> -> memref<512xi32, #tpu.memory_space<vmem>>
    %dma_start3A_18 = arith.constant 0 : i32
    %dma_start3A_19 = tpu.memref_slice %arg5[%dma_start3A_18] : memref<100000xf32, #tpu.memory_space<hbm>> -> memref<100000xf32, #tpu.memory_space<hbm>>
    tpu.enqueue_indirect_dma source(%dma_start3A_19 : memref<100000xf32, #tpu.memory_space<hbm>>) target(%dma_start3A_15 : memref<512xf32, #tpu.memory_space<vmem>>) offsets(%dma_start3A_17 : memref<512xi32, #tpu.memory_space<vmem>>) semaphore(%arg26 : memref<!tpu.dma_semaphore, #tpu.memory_space<semaphore_mem>>)
    %dma_start3A_20 = arith.constant 1536 : i32
    %dma_start3A_21 = tpu.memref_slice %arg21[%dma_start3A_20] : memref<6656xf32, #tpu.memory_space<vmem>> -> memref<512xf32, #tpu.memory_space<vmem>>
    %dma_start3A_22 = arith.constant 1536 : i32
    %dma_start3A_23 = tpu.memref_slice %arg20[%dma_start3A_22] : memref<6656xi32, #tpu.memory_space<vmem>> -> memref<512xi32, #tpu.memory_space<vmem>>
    %dma_start3A_24 = arith.constant 0 : i32
    %dma_start3A_25 = tpu.memref_slice %arg6[%dma_start3A_24] : memref<100000xf32, #tpu.memory_space<hbm>> -> memref<100000xf32, #tpu.memory_space<hbm>>
    tpu.enqueue_indirect_dma source(%dma_start3A_25 : memref<100000xf32, #tpu.memory_space<hbm>>) target(%dma_start3A_21 : memref<512xf32, #tpu.memory_space<vmem>>) offsets(%dma_start3A_23 : memref<512xi32, #tpu.memory_space<vmem>>) semaphore(%arg26 : memref<!tpu.dma_semaphore, #tpu.memory_space<semaphore_mem>>)
    %dma_start3A_26 = arith.constant 2048 : i32
    %dma_start3A_27 = tpu.memref_slice %arg21[%dma_start3A_26] : memref<6656xf32, #tpu.memory_space<vmem>> -> memref<512xf32, #tpu.memory_space<vmem>>
    %dma_start3A_28 = arith.constant 2048 : i32
    %dma_start3A_29 = tpu.memref_slice %arg20[%dma_start3A_28] : memref<6656xi32, #tpu.memory_space<vmem>> -> memref<512xi32, #tpu.memory_space<vmem>>
    %dma_start3A_30 = arith.constant 0 : i32
    %dma_start3A_31 = tpu.memref_slice %arg7[%dma_start3A_30] : memref<100000xf32, #tpu.memory_space<hbm>> -> memref<100000xf32, #tpu.memory_space<hbm>>
    tpu.enqueue_indirect_dma source(%dma_start3A_31 : memref<100000xf32, #tpu.memory_space<hbm>>) target(%dma_start3A_27 : memref<512xf32, #tpu.memory_space<vmem>>) offsets(%dma_start3A_29 : memref<512xi32, #tpu.memory_space<vmem>>) semaphore(%arg26 : memref<!tpu.dma_semaphore, #tpu.memory_space<semaphore_mem>>)
    %dma_start3A_32 = arith.constant 2560 : i32
    %dma_start3A_33 = tpu.memref_slice %arg21[%dma_start3A_32] : memref<6656xf32, #tpu.memory_space<vmem>> -> memref<512xf32, #tpu.memory_space<vmem>>
    %dma_start3A_34 = arith.constant 2560 : i32
    %dma_start3A_35 = tpu.memref_slice %arg20[%dma_start3A_34] : memref<6656xi32, #tpu.memory_space<vmem>> -> memref<512xi32, #tpu.memory_space<vmem>>
    %dma_start3A_36 = arith.constant 0 : i32
    %dma_start3A_37 = tpu.memref_slice %arg8[%dma_start3A_36] : memref<100000xf32, #tpu.memory_space<hbm>> -> memref<100000xf32, #tpu.memory_space<hbm>>
    tpu.enqueue_indirect_dma source(%dma_start3A_37 : memref<100000xf32, #tpu.memory_space<hbm>>) target(%dma_start3A_33 : memref<512xf32, #tpu.memory_space<vmem>>) offsets(%dma_start3A_35 : memref<512xi32, #tpu.memory_space<vmem>>) semaphore(%arg26 : memref<!tpu.dma_semaphore, #tpu.memory_space<semaphore_mem>>)
    %dma_start3A_38 = arith.constant 3072 : i32
    %dma_start3A_39 = tpu.memref_slice %arg21[%dma_start3A_38] : memref<6656xf32, #tpu.memory_space<vmem>> -> memref<512xf32, #tpu.memory_space<vmem>>
    %dma_start3A_40 = arith.constant 3072 : i32
    %dma_start3A_41 = tpu.memref_slice %arg20[%dma_start3A_40] : memref<6656xi32, #tpu.memory_space<vmem>> -> memref<512xi32, #tpu.memory_space<vmem>>
    %dma_start3A_42 = arith.constant 0 : i32
    %dma_start3A_43 = tpu.memref_slice %arg9[%dma_start3A_42] : memref<100000xf32, #tpu.memory_space<hbm>> -> memref<100000xf32, #tpu.memory_space<hbm>>
    tpu.enqueue_indirect_dma source(%dma_start3A_43 : memref<100000xf32, #tpu.memory_space<hbm>>) target(%dma_start3A_39 : memref<512xf32, #tpu.memory_space<vmem>>) offsets(%dma_start3A_41 : memref<512xi32, #tpu.memory_space<vmem>>) semaphore(%arg26 : memref<!tpu.dma_semaphore, #tpu.memory_space<semaphore_mem>>)
    %dma_start3A_44 = arith.constant 3584 : i32
    %dma_start3A_45 = tpu.memref_slice %arg21[%dma_start3A_44] : memref<6656xf32, #tpu.memory_space<vmem>> -> memref<512xf32, #tpu.memory_space<vmem>>
    %dma_start3A_46 = arith.constant 3584 : i32
    %dma_start3A_47 = tpu.memref_slice %arg20[%dma_start3A_46] : memref<6656xi32, #tpu.memory_space<vmem>> -> memref<512xi32, #tpu.memory_space<vmem>>
    %dma_start3A_48 = arith.constant 0 : i32
    %dma_start3A_49 = tpu.memref_slice %arg10[%dma_start3A_48] : memref<100000xf32, #tpu.memory_space<hbm>> -> memref<100000xf32, #tpu.memory_space<hbm>>
    tpu.enqueue_indirect_dma source(%dma_start3A_49 : memref<100000xf32, #tpu.memory_space<hbm>>) target(%dma_start3A_45 : memref<512xf32, #tpu.memory_space<vmem>>) offsets(%dma_start3A_47 : memref<512xi32, #tpu.memory_space<vmem>>) semaphore(%arg27 : memref<!tpu.dma_semaphore, #tpu.memory_space<semaphore_mem>>)
    %dma_start3A_50 = arith.constant 4096 : i32
    %dma_start3A_51 = tpu.memref_slice %arg21[%dma_start3A_50] : memref<6656xf32, #tpu.memory_space<vmem>> -> memref<512xf32, #tpu.memory_space<vmem>>
    %dma_start3A_52 = arith.constant 4096 : i32
    %dma_start3A_53 = tpu.memref_slice %arg20[%dma_start3A_52] : memref<6656xi32, #tpu.memory_space<vmem>> -> memref<512xi32, #tpu.memory_space<vmem>>
    %dma_start3A_54 = arith.constant 0 : i32
    %dma_start3A_55 = tpu.memref_slice %arg11[%dma_start3A_54] : memref<100000xf32, #tpu.memory_space<hbm>> -> memref<100000xf32, #tpu.memory_space<hbm>>
    tpu.enqueue_indirect_dma source(%dma_start3A_55 : memref<100000xf32, #tpu.memory_space<hbm>>) target(%dma_start3A_51 : memref<512xf32, #tpu.memory_space<vmem>>) offsets(%dma_start3A_53 : memref<512xi32, #tpu.memory_space<vmem>>) semaphore(%arg27 : memref<!tpu.dma_semaphore, #tpu.memory_space<semaphore_mem>>)
    %dma_start3A_56 = arith.constant 4608 : i32
    %dma_start3A_57 = tpu.memref_slice %arg21[%dma_start3A_56] : memref<6656xf32, #tpu.memory_space<vmem>> -> memref<512xf32, #tpu.memory_space<vmem>>
    %dma_start3A_58 = arith.constant 4608 : i32
    %dma_start3A_59 = tpu.memref_slice %arg20[%dma_start3A_58] : memref<6656xi32, #tpu.memory_space<vmem>> -> memref<512xi32, #tpu.memory_space<vmem>>
    %dma_start3A_60 = arith.constant 0 : i32
    %dma_start3A_61 = tpu.memref_slice %arg12[%dma_start3A_60] : memref<100000xf32, #tpu.memory_space<hbm>> -> memref<100000xf32, #tpu.memory_space<hbm>>
    tpu.enqueue_indirect_dma source(%dma_start3A_61 : memref<100000xf32, #tpu.memory_space<hbm>>) target(%dma_start3A_57 : memref<512xf32, #tpu.memory_space<vmem>>) offsets(%dma_start3A_59 : memref<512xi32, #tpu.memory_space<vmem>>) semaphore(%arg27 : memref<!tpu.dma_semaphore, #tpu.memory_space<semaphore_mem>>)
    %dma_start3A_62 = arith.constant 5120 : i32
    %dma_start3A_63 = tpu.memref_slice %arg21[%dma_start3A_62] : memref<6656xf32, #tpu.memory_space<vmem>> -> memref<512xf32, #tpu.memory_space<vmem>>
    %dma_start3A_64 = arith.constant 5120 : i32
    %dma_start3A_65 = tpu.memref_slice %arg20[%dma_start3A_64] : memref<6656xi32, #tpu.memory_space<vmem>> -> memref<512xi32, #tpu.memory_space<vmem>>
    %dma_start3A_66 = arith.constant 0 : i32
    %dma_start3A_67 = tpu.memref_slice %arg13[%dma_start3A_66] : memref<100000xf32, #tpu.memory_space<hbm>> -> memref<100000xf32, #tpu.memory_space<hbm>>
    tpu.enqueue_indirect_dma source(%dma_start3A_67 : memref<100000xf32, #tpu.memory_space<hbm>>) target(%dma_start3A_63 : memref<512xf32, #tpu.memory_space<vmem>>) offsets(%dma_start3A_65 : memref<512xi32, #tpu.memory_space<vmem>>) semaphore(%arg27 : memref<!tpu.dma_semaphore, #tpu.memory_space<semaphore_mem>>)
    %dma_start3A_68 = arith.constant 5632 : i32
    %dma_start3A_69 = tpu.memref_slice %arg21[%dma_start3A_68] : memref<6656xf32, #tpu.memory_space<vmem>> -> memref<512xf32, #tpu.memory_space<vmem>>
    %dma_start3A_70 = arith.constant 5632 : i32
    %dma_start3A_71 = tpu.memref_slice %arg20[%dma_start3A_70] : memref<6656xi32, #tpu.memory_space<vmem>> -> memref<512xi32, #tpu.memory_space<vmem>>
    %dma_start3A_72 = arith.constant 0 : i32
    %dma_start3A_73 = tpu.memref_slice %arg14[%dma_start3A_72] : memref<100000xf32, #tpu.memory_space<hbm>> -> memref<100000xf32, #tpu.memory_space<hbm>>
    tpu.enqueue_indirect_dma source(%dma_start3A_73 : memref<100000xf32, #tpu.memory_space<hbm>>) target(%dma_start3A_69 : memref<512xf32, #tpu.memory_space<vmem>>) offsets(%dma_start3A_71 : memref<512xi32, #tpu.memory_space<vmem>>) semaphore(%arg27 : memref<!tpu.dma_semaphore, #tpu.memory_space<semaphore_mem>>)
    %dma_start3A_74 = arith.constant 6144 : i32
    %dma_start3A_75 = tpu.memref_slice %arg21[%dma_start3A_74] : memref<6656xf32, #tpu.memory_space<vmem>> -> memref<512xf32, #tpu.memory_space<vmem>>
    %dma_start3A_76 = arith.constant 6144 : i32
    %dma_start3A_77 = tpu.memref_slice %arg20[%dma_start3A_76] : memref<6656xi32, #tpu.memory_space<vmem>> -> memref<512xi32, #tpu.memory_space<vmem>>
    %dma_start3A_78 = arith.constant 0 : i32
    %dma_start3A_79 = tpu.memref_slice %arg15[%dma_start3A_78] : memref<100000xf32, #tpu.memory_space<hbm>> -> memref<100000xf32, #tpu.memory_space<hbm>>
    tpu.enqueue_indirect_dma source(%dma_start3A_79 : memref<100000xf32, #tpu.memory_space<hbm>>) target(%dma_start3A_75 : memref<512xf32, #tpu.memory_space<vmem>>) offsets(%dma_start3A_77 : memref<512xi32, #tpu.memory_space<vmem>>) semaphore(%arg27 : memref<!tpu.dma_semaphore, #tpu.memory_space<semaphore_mem>>)
    "tpu.region"() ({
      %run_scoped3A = tpu.sem_alloc : memref<!tpu.dma_semaphore, #tpu.memory_space<semaphore_mem>>
      %dma_start3A_174 = arith.constant 0 : i32
      %dma_start3A_175 = tpu.memref_slice %arg16[%add3A, %dma_start3A_174] : memref<32x6656xf32, #tpu.memory_space<hbm>> -> memref<1x6656xf32, #tpu.memory_space<hbm>>
      %dma_start3A_176 = tpu.memref_squeeze %dma_start3A_175 : memref<1x6656xf32, #tpu.memory_space<hbm>> -> memref<6656xf32, #tpu.memory_space<hbm>>
      %dma_start3A_177 = arith.constant 0 : i32
      %dma_start3A_178 = tpu.memref_slice %arg16[%add3A, %dma_start3A_177] : memref<32x6656xf32, #tpu.memory_space<hbm>> -> memref<1x6656xf32, #tpu.memory_space<hbm>>
      %dma_start3A_179 = tpu.memref_squeeze %dma_start3A_178 : memref<1x6656xf32, #tpu.memory_space<hbm>> -> memref<6656xf32, #tpu.memory_space<hbm>>
      tpu.enqueue_dma source(%dma_start3A_179 : memref<6656xf32, #tpu.memory_space<hbm>>) target(%arg23 : memref<6656xf32, #tpu.memory_space<vmem>>) target_semaphore(%run_scoped3A : memref<!tpu.dma_semaphore, #tpu.memory_space<semaphore_mem>>)
      %dma_wait3A_180 = arith.constant 0 : i32
      %dma_wait3A_181 = tpu.memref_slice %arg16[%add3A, %dma_wait3A_180] : memref<32x6656xf32, #tpu.memory_space<hbm>> -> memref<1x6656xf32, #tpu.memory_space<hbm>>
      %dma_wait3A_182 = tpu.memref_squeeze %dma_wait3A_181 : memref<1x6656xf32, #tpu.memory_space<hbm>> -> memref<6656xf32, #tpu.memory_space<hbm>>
      %dma_wait3A_183 = arith.constant 0 : i32
      %dma_wait3A_184 = tpu.memref_slice %arg16[%add3A, %dma_wait3A_183] : memref<32x6656xf32, #tpu.memory_space<hbm>> -> memref<1x6656xf32, #tpu.memory_space<hbm>>
      %dma_wait3A_185 = tpu.memref_squeeze %dma_wait3A_184 : memref<1x6656xf32, #tpu.memory_space<hbm>> -> memref<6656xf32, #tpu.memory_space<hbm>>
      tpu.wait_dma2 semaphore(%run_scoped3A : memref<!tpu.dma_semaphore, #tpu.memory_space<semaphore_mem>>) src(%dma_wait3A_185 : memref<6656xf32, #tpu.memory_space<hbm>>) dst(%arg23 : memref<6656xf32, #tpu.memory_space<vmem>>)
      tpu.yield
    }) : () -> ()
    "tpu.region"() ({
      %run_scoped3A = tpu.sem_alloc : memref<!tpu.dma_semaphore, #tpu.memory_space<semaphore_mem>>
      tpu.enqueue_dma source(%arg17 : memref<208xf32, #tpu.memory_space<hbm>>) target(%arg24 : memref<208xf32, #tpu.memory_space<vmem>>) target_semaphore(%run_scoped3A : memref<!tpu.dma_semaphore, #tpu.memory_space<semaphore_mem>>)
      tpu.wait_dma2 semaphore(%run_scoped3A : memref<!tpu.dma_semaphore, #tpu.memory_space<semaphore_mem>>) src(%arg17 : memref<208xf32, #tpu.memory_space<hbm>>) dst(%arg24 : memref<208xf32, #tpu.memory_space<vmem>>)
      tpu.yield
    }) : () -> ()
    "tpu.region"() ({
      %run_scoped3A = tpu.sem_alloc : memref<!tpu.dma_semaphore, #tpu.memory_space<semaphore_mem>>
      tpu.enqueue_dma source(%arg18 : memref<16xf32, #tpu.memory_space<hbm>>) target(%arg25 : memref<16xf32, #tpu.memory_space<vmem>>) target_semaphore(%run_scoped3A : memref<!tpu.dma_semaphore, #tpu.memory_space<semaphore_mem>>)
      tpu.wait_dma2 semaphore(%run_scoped3A : memref<!tpu.dma_semaphore, #tpu.memory_space<semaphore_mem>>) src(%arg18 : memref<16xf32, #tpu.memory_space<hbm>>) dst(%arg25 : memref<16xf32, #tpu.memory_space<vmem>>)
      tpu.yield
    }) : () -> ()
    %scan3A = arith.constant 0 : i32
    %scan3A_80 = arith.constant 0 : i32
    %scan3A_81 = arith.constant 32 : i32
    %scan3A_82 = arith.addi %scan3A_80, %scan3A_81 : i32
    %scan3A_83 = arith.constant 1 : i32
    scf.for %scan3A_174 = %scan3A_80 to %scan3A_82 step %scan3A_83  : i32 {
      %mul3A_175 = arith.constant 16 : i32
      %mul3A_176 = arith.muli %scan3A_174, %mul3A_175 : i32
      %get3A = arith.constant 0 : index
      %get3A_177 = tpu.vector_load %arg25[%get3A] {strides = array<i32>} : memref<16xf32, #tpu.memory_space<vmem>>, vector<16xf32>,
      %get3A_178 = vector.shape_cast %get3A_177 : vector<16xf32> to vector<16xf32>
      %mul3A_179 = arith.constant 16 : i32
      %mul3A_180 = arith.muli %scan3A_174, %mul3A_179 : i32
      %add3A_181 = arith.constant 0 : i32
      %add3A_182 = arith.addi %add3A_181, %mul3A_180 : i32
      %get3A_183 = arith.index_cast %add3A_182 : i32 to index
      %get3A_184 = tpu.vector_load %arg23[%get3A_183] {strides = array<i32>} : memref<6656xf32, #tpu.memory_space<vmem>>, vector<16xf32>,
      %get3A_185 = vector.shape_cast %get3A_184 : vector<16xf32> to vector<16xf32>
      %get3A_186 = arith.constant 0 : index
      %get3A_187 = tpu.vector_load %arg24[%get3A_186] {strides = array<i32>} : memref<208xf32, #tpu.memory_space<vmem>>, vector<16xf32>,
      %get3A_188 = vector.shape_cast %get3A_187 : vector<16xf32> to vector<16xf32>
      %mul3A_189 = arith.mulf %get3A_185, %get3A_188 : vector<16xf32>
      %add3A_190 = arith.addf %get3A_178, %mul3A_189 : vector<16xf32>
      %mul3A_191 = arith.constant 16 : i32
      %mul3A_192 = arith.muli %scan3A_174, %mul3A_191 : i32
      %add3A_193 = arith.constant 512 : i32
      %add3A_194 = arith.addi %add3A_193, %mul3A_192 : i32
      %get3A_195 = arith.index_cast %add3A_194 : i32 to index
      %get3A_196 = tpu.vector_load %arg23[%get3A_195] {strides = array<i32>} : memref<6656xf32, #tpu.memory_space<vmem>>, vector<16xf32>,
      %get3A_197 = vector.shape_cast %get3A_196 : vector<16xf32> to vector<16xf32>
      %get3A_198 = arith.constant 16 : index
      %get3A_199 = tpu.vector_load %arg24[%get3A_198] {strides = array<i32>} : memref<208xf32, #tpu.memory_space<vmem>>, vector<16xf32>,
      %get3A_200 = vector.shape_cast %get3A_199 : vector<16xf32> to vector<16xf32>
      %mul3A_201 = arith.mulf %get3A_197, %get3A_200 : vector<16xf32>
      %add3A_202 = arith.addf %add3A_190, %mul3A_201 : vector<16xf32>
      %mul3A_203 = arith.constant 16 : i32
      %mul3A_204 = arith.muli %scan3A_174, %mul3A_203 : i32
      %add3A_205 = arith.constant 1024 : i32
      %add3A_206 = arith.addi %add3A_205, %mul3A_204 : i32
      %get3A_207 = arith.index_cast %add3A_206 : i32 to index
      %get3A_208 = tpu.vector_load %arg23[%get3A_207] {strides = array<i32>} : memref<6656xf32, #tpu.memory_space<vmem>>, vector<16xf32>,
      %get3A_209 = vector.shape_cast %get3A_208 : vector<16xf32> to vector<16xf32>
      %get3A_210 = arith.constant 32 : index
      %get3A_211 = tpu.vector_load %arg24[%get3A_210] {strides = array<i32>} : memref<208xf32, #tpu.memory_space<vmem>>, vector<16xf32>,
      %get3A_212 = vector.shape_cast %get3A_211 : vector<16xf32> to vector<16xf32>
      %mul3A_213 = arith.mulf %get3A_209, %get3A_212 : vector<16xf32>
      %add3A_214 = arith.addf %add3A_202, %mul3A_213 : vector<16xf32>
      %mul3A_215 = arith.constant 16 : i32
      %mul3A_216 = arith.muli %scan3A_174, %mul3A_215 : i32
      %add3A_217 = arith.constant 1536 : i32
      %add3A_218 = arith.addi %add3A_217, %mul3A_216 : i32
      %get3A_219 = arith.index_cast %add3A_218 : i32 to index
      %get3A_220 = tpu.vector_load %arg23[%get3A_219] {strides = array<i32>} : memref<6656xf32, #tpu.memory_space<vmem>>, vector<16xf32>,
      %get3A_221 = vector.shape_cast %get3A_220 : vector<16xf32> to vector<16xf32>
      %get3A_222 = arith.constant 48 : index
      %get3A_223 = tpu.vector_load %arg24[%get3A_222] {strides = array<i32>} : memref<208xf32, #tpu.memory_space<vmem>>, vector<16xf32>,
      %get3A_224 = vector.shape_cast %get3A_223 : vector<16xf32> to vector<16xf32>
      %mul3A_225 = arith.mulf %get3A_221, %get3A_224 : vector<16xf32>
      %add3A_226 = arith.addf %add3A_214, %mul3A_225 : vector<16xf32>
      %mul3A_227 = arith.constant 16 : i32
      %mul3A_228 = arith.muli %scan3A_174, %mul3A_227 : i32
      %add3A_229 = arith.constant 2048 : i32
      %add3A_230 = arith.addi %add3A_229, %mul3A_228 : i32
      %get3A_231 = arith.index_cast %add3A_230 : i32 to index
      %get3A_232 = tpu.vector_load %arg23[%get3A_231] {strides = array<i32>} : memref<6656xf32, #tpu.memory_space<vmem>>, vector<16xf32>,
      %get3A_233 = vector.shape_cast %get3A_232 : vector<16xf32> to vector<16xf32>
      %get3A_234 = arith.constant 64 : index
      %get3A_235 = tpu.vector_load %arg24[%get3A_234] {strides = array<i32>} : memref<208xf32, #tpu.memory_space<vmem>>, vector<16xf32>,
      %get3A_236 = vector.shape_cast %get3A_235 : vector<16xf32> to vector<16xf32>
      %mul3A_237 = arith.mulf %get3A_233, %get3A_236 : vector<16xf32>
      %add3A_238 = arith.addf %add3A_226, %mul3A_237 : vector<16xf32>
      %mul3A_239 = arith.constant 16 : i32
      %mul3A_240 = arith.muli %scan3A_174, %mul3A_239 : i32
      %add3A_241 = arith.constant 2560 : i32
      %add3A_242 = arith.addi %add3A_241, %mul3A_240 : i32
      %get3A_243 = arith.index_cast %add3A_242 : i32 to index
      %get3A_244 = tpu.vector_load %arg23[%get3A_243] {strides = array<i32>} : memref<6656xf32, #tpu.memory_space<vmem>>, vector<16xf32>,
      %get3A_245 = vector.shape_cast %get3A_244 : vector<16xf32> to vector<16xf32>
      %get3A_246 = arith.constant 80 : index
      %get3A_247 = tpu.vector_load %arg24[%get3A_246] {strides = array<i32>} : memref<208xf32, #tpu.memory_space<vmem>>, vector<16xf32>,
      %get3A_248 = vector.shape_cast %get3A_247 : vector<16xf32> to vector<16xf32>
      %mul3A_249 = arith.mulf %get3A_245, %get3A_248 : vector<16xf32>
      %add3A_250 = arith.addf %add3A_238, %mul3A_249 : vector<16xf32>
      %mul3A_251 = arith.constant 16 : i32
      %mul3A_252 = arith.muli %scan3A_174, %mul3A_251 : i32
      %add3A_253 = arith.constant 3072 : i32
      %add3A_254 = arith.addi %add3A_253, %mul3A_252 : i32
      %get3A_255 = arith.index_cast %add3A_254 : i32 to index
      %get3A_256 = tpu.vector_load %arg23[%get3A_255] {strides = array<i32>} : memref<6656xf32, #tpu.memory_space<vmem>>, vector<16xf32>,
      %get3A_257 = vector.shape_cast %get3A_256 : vector<16xf32> to vector<16xf32>
      %get3A_258 = arith.constant 96 : index
      %get3A_259 = tpu.vector_load %arg24[%get3A_258] {strides = array<i32>} : memref<208xf32, #tpu.memory_space<vmem>>, vector<16xf32>,
      %get3A_260 = vector.shape_cast %get3A_259 : vector<16xf32> to vector<16xf32>
      %mul3A_261 = arith.mulf %get3A_257, %get3A_260 : vector<16xf32>
      %add3A_262 = arith.addf %add3A_250, %mul3A_261 : vector<16xf32>
      %mul3A_263 = arith.constant 16 : i32
      %mul3A_264 = arith.muli %scan3A_174, %mul3A_263 : i32
      %add3A_265 = arith.constant 3584 : i32
      %add3A_266 = arith.addi %add3A_265, %mul3A_264 : i32
      %get3A_267 = arith.index_cast %add3A_266 : i32 to index
      %get3A_268 = tpu.vector_load %arg23[%get3A_267] {strides = array<i32>} : memref<6656xf32, #tpu.memory_space<vmem>>, vector<16xf32>,
      %get3A_269 = vector.shape_cast %get3A_268 : vector<16xf32> to vector<16xf32>
      %get3A_270 = arith.constant 112 : index
      %get3A_271 = tpu.vector_load %arg24[%get3A_270] {strides = array<i32>} : memref<208xf32, #tpu.memory_space<vmem>>, vector<16xf32>,
      %get3A_272 = vector.shape_cast %get3A_271 : vector<16xf32> to vector<16xf32>
      %mul3A_273 = arith.mulf %get3A_269, %get3A_272 : vector<16xf32>
      %add3A_274 = arith.addf %add3A_262, %mul3A_273 : vector<16xf32>
      %mul3A_275 = arith.constant 16 : i32
      %mul3A_276 = arith.muli %scan3A_174, %mul3A_275 : i32
      %add3A_277 = arith.constant 4096 : i32
      %add3A_278 = arith.addi %add3A_277, %mul3A_276 : i32
      %get3A_279 = arith.index_cast %add3A_278 : i32 to index
      %get3A_280 = tpu.vector_load %arg23[%get3A_279] {strides = array<i32>} : memref<6656xf32, #tpu.memory_space<vmem>>, vector<16xf32>,
      %get3A_281 = vector.shape_cast %get3A_280 : vector<16xf32> to vector<16xf32>
      %get3A_282 = arith.constant 128 : index
      %get3A_283 = tpu.vector_load %arg24[%get3A_282] {strides = array<i32>} : memref<208xf32, #tpu.memory_space<vmem>>, vector<16xf32>,
      %get3A_284 = vector.shape_cast %get3A_283 : vector<16xf32> to vector<16xf32>
      %mul3A_285 = arith.mulf %get3A_281, %get3A_284 : vector<16xf32>
      %add3A_286 = arith.addf %add3A_274, %mul3A_285 : vector<16xf32>
      %mul3A_287 = arith.constant 16 : i32
      %mul3A_288 = arith.muli %scan3A_174, %mul3A_287 : i32
      %add3A_289 = arith.constant 4608 : i32
      %add3A_290 = arith.addi %add3A_289, %mul3A_288 : i32
      %get3A_291 = arith.index_cast %add3A_290 : i32 to index
      %get3A_292 = tpu.vector_load %arg23[%get3A_291] {strides = array<i32>} : memref<6656xf32, #tpu.memory_space<vmem>>, vector<16xf32>,
      %get3A_293 = vector.shape_cast %get3A_292 : vector<16xf32> to vector<16xf32>
      %get3A_294 = arith.constant 144 : index
      %get3A_295 = tpu.vector_load %arg24[%get3A_294] {strides = array<i32>} : memref<208xf32, #tpu.memory_space<vmem>>, vector<16xf32>,
      %get3A_296 = vector.shape_cast %get3A_295 : vector<16xf32> to vector<16xf32>
      %mul3A_297 = arith.mulf %get3A_293, %get3A_296 : vector<16xf32>
      %add3A_298 = arith.addf %add3A_286, %mul3A_297 : vector<16xf32>
      %mul3A_299 = arith.constant 16 : i32
      %mul3A_300 = arith.muli %scan3A_174, %mul3A_299 : i32
      %add3A_301 = arith.constant 5120 : i32
      %add3A_302 = arith.addi %add3A_301, %mul3A_300 : i32
      %get3A_303 = arith.index_cast %add3A_302 : i32 to index
      %get3A_304 = tpu.vector_load %arg23[%get3A_303] {strides = array<i32>} : memref<6656xf32, #tpu.memory_space<vmem>>, vector<16xf32>,
      %get3A_305 = vector.shape_cast %get3A_304 : vector<16xf32> to vector<16xf32>
      %get3A_306 = arith.constant 160 : index
      %get3A_307 = tpu.vector_load %arg24[%get3A_306] {strides = array<i32>} : memref<208xf32, #tpu.memory_space<vmem>>, vector<16xf32>,
      %get3A_308 = vector.shape_cast %get3A_307 : vector<16xf32> to vector<16xf32>
      %mul3A_309 = arith.mulf %get3A_305, %get3A_308 : vector<16xf32>
      %add3A_310 = arith.addf %add3A_298, %mul3A_309 : vector<16xf32>
      %mul3A_311 = arith.constant 16 : i32
      %mul3A_312 = arith.muli %scan3A_174, %mul3A_311 : i32
      %add3A_313 = arith.constant 5632 : i32
      %add3A_314 = arith.addi %add3A_313, %mul3A_312 : i32
      %get3A_315 = arith.index_cast %add3A_314 : i32 to index
      %get3A_316 = tpu.vector_load %arg23[%get3A_315] {strides = array<i32>} : memref<6656xf32, #tpu.memory_space<vmem>>, vector<16xf32>,
      %get3A_317 = vector.shape_cast %get3A_316 : vector<16xf32> to vector<16xf32>
      %get3A_318 = arith.constant 176 : index
      %get3A_319 = tpu.vector_load %arg24[%get3A_318] {strides = array<i32>} : memref<208xf32, #tpu.memory_space<vmem>>, vector<16xf32>,
      %get3A_320 = vector.shape_cast %get3A_319 : vector<16xf32> to vector<16xf32>
      %mul3A_321 = arith.mulf %get3A_317, %get3A_320 : vector<16xf32>
      %add3A_322 = arith.addf %add3A_310, %mul3A_321 : vector<16xf32>
      %mul3A_323 = arith.constant 16 : i32
      %mul3A_324 = arith.muli %scan3A_174, %mul3A_323 : i32
      %add3A_325 = arith.constant 6144 : i32
      %add3A_326 = arith.addi %add3A_325, %mul3A_324 : i32
      %get3A_327 = arith.index_cast %add3A_326 : i32 to index
      %get3A_328 = tpu.vector_load %arg23[%get3A_327] {strides = array<i32>} : memref<6656xf32, #tpu.memory_space<vmem>>, vector<16xf32>,
      %get3A_329 = vector.shape_cast %get3A_328 : vector<16xf32> to vector<16xf32>
      %get3A_330 = arith.constant 192 : index
      %get3A_331 = tpu.vector_load %arg24[%get3A_330] {strides = array<i32>} : memref<208xf32, #tpu.memory_space<vmem>>, vector<16xf32>,
      %get3A_332 = vector.shape_cast %get3A_331 : vector<16xf32> to vector<16xf32>
      %mul3A_333 = arith.mulf %get3A_329, %get3A_332 : vector<16xf32>
      %add3A_334 = arith.addf %add3A_322, %mul3A_333 : vector<16xf32>
      %swap3A = arith.index_cast %mul3A_176 : i32 to index
      %swap3A_335 = tpu.vector_load %arg22[%swap3A] {strides = array<i32>} : memref<512xf32, #tpu.memory_space<vmem>>, vector<16xf32>,
      %swap3A_336 = vector.shape_cast %swap3A_335 : vector<16xf32> to vector<16xf32>
      %swap3A_337 = vector.shape_cast %add3A_334 : vector<16xf32> to vector<16xf32>
      tpu.vector_store %arg22[%swap3A], %swap3A_337 {strides = array<i32>} : memref<512xf32, #tpu.memory_space<vmem>>, vector<16xf32>,
    }
    %scan3A_84 = arith.constant 32 : i32
    %dma_wait3A = arith.constant 0 : i32
    %dma_wait3A_85 = tpu.memref_slice %arg21[%dma_wait3A] : memref<6656xf32, #tpu.memory_space<vmem>> -> memref<512xf32, #tpu.memory_space<vmem>>
    %dma_wait3A_86 = arith.constant 0 : i32
    %dma_wait3A_87 = tpu.memref_slice %arg20[%dma_wait3A_86] : memref<6656xi32, #tpu.memory_space<vmem>> -> memref<512xi32, #tpu.memory_space<vmem>>
    %dma_wait3A_88 = arith.constant 0 : i32
    %dma_wait3A_89 = tpu.memref_slice %arg3[%dma_wait3A_88] : memref<100000xf32, #tpu.memory_space<hbm>> -> memref<100000xf32, #tpu.memory_space<hbm>>
    tpu.wait_indirect_dma semaphore(%arg26 : memref<!tpu.dma_semaphore, #tpu.memory_space<semaphore_mem>>) src(%dma_wait3A_89 : memref<100000xf32, #tpu.memory_space<hbm>>) dst(%dma_wait3A_85 : memref<512xf32, #tpu.memory_space<vmem>>)
    %dma_wait3A_90 = arith.constant 512 : i32
    %dma_wait3A_91 = tpu.memref_slice %arg21[%dma_wait3A_90] : memref<6656xf32, #tpu.memory_space<vmem>> -> memref<512xf32, #tpu.memory_space<vmem>>
    %dma_wait3A_92 = arith.constant 512 : i32
    %dma_wait3A_93 = tpu.memref_slice %arg20[%dma_wait3A_92] : memref<6656xi32, #tpu.memory_space<vmem>> -> memref<512xi32, #tpu.memory_space<vmem>>
    %dma_wait3A_94 = arith.constant 0 : i32
    %dma_wait3A_95 = tpu.memref_slice %arg4[%dma_wait3A_94] : memref<100000xf32, #tpu.memory_space<hbm>> -> memref<100000xf32, #tpu.memory_space<hbm>>
    tpu.wait_indirect_dma semaphore(%arg26 : memref<!tpu.dma_semaphore, #tpu.memory_space<semaphore_mem>>) src(%dma_wait3A_95 : memref<100000xf32, #tpu.memory_space<hbm>>) dst(%dma_wait3A_91 : memref<512xf32, #tpu.memory_space<vmem>>)
    %dma_wait3A_96 = arith.constant 1024 : i32
    %dma_wait3A_97 = tpu.memref_slice %arg21[%dma_wait3A_96] : memref<6656xf32, #tpu.memory_space<vmem>> -> memref<512xf32, #tpu.memory_space<vmem>>
    %dma_wait3A_98 = arith.constant 1024 : i32
    %dma_wait3A_99 = tpu.memref_slice %arg20[%dma_wait3A_98] : memref<6656xi32, #tpu.memory_space<vmem>> -> memref<512xi32, #tpu.memory_space<vmem>>
    %dma_wait3A_100 = arith.constant 0 : i32
    %dma_wait3A_101 = tpu.memref_slice %arg5[%dma_wait3A_100] : memref<100000xf32, #tpu.memory_space<hbm>> -> memref<100000xf32, #tpu.memory_space<hbm>>
    tpu.wait_indirect_dma semaphore(%arg26 : memref<!tpu.dma_semaphore, #tpu.memory_space<semaphore_mem>>) src(%dma_wait3A_101 : memref<100000xf32, #tpu.memory_space<hbm>>) dst(%dma_wait3A_97 : memref<512xf32, #tpu.memory_space<vmem>>)
    %dma_wait3A_102 = arith.constant 1536 : i32
    %dma_wait3A_103 = tpu.memref_slice %arg21[%dma_wait3A_102] : memref<6656xf32, #tpu.memory_space<vmem>> -> memref<512xf32, #tpu.memory_space<vmem>>
    %dma_wait3A_104 = arith.constant 1536 : i32
    %dma_wait3A_105 = tpu.memref_slice %arg20[%dma_wait3A_104] : memref<6656xi32, #tpu.memory_space<vmem>> -> memref<512xi32, #tpu.memory_space<vmem>>
    %dma_wait3A_106 = arith.constant 0 : i32
    %dma_wait3A_107 = tpu.memref_slice %arg6[%dma_wait3A_106] : memref<100000xf32, #tpu.memory_space<hbm>> -> memref<100000xf32, #tpu.memory_space<hbm>>
    tpu.wait_indirect_dma semaphore(%arg26 : memref<!tpu.dma_semaphore, #tpu.memory_space<semaphore_mem>>) src(%dma_wait3A_107 : memref<100000xf32, #tpu.memory_space<hbm>>) dst(%dma_wait3A_103 : memref<512xf32, #tpu.memory_space<vmem>>)
    %dma_wait3A_108 = arith.constant 2048 : i32
    %dma_wait3A_109 = tpu.memref_slice %arg21[%dma_wait3A_108] : memref<6656xf32, #tpu.memory_space<vmem>> -> memref<512xf32, #tpu.memory_space<vmem>>
    %dma_wait3A_110 = arith.constant 2048 : i32
    %dma_wait3A_111 = tpu.memref_slice %arg20[%dma_wait3A_110] : memref<6656xi32, #tpu.memory_space<vmem>> -> memref<512xi32, #tpu.memory_space<vmem>>
    %dma_wait3A_112 = arith.constant 0 : i32
    %dma_wait3A_113 = tpu.memref_slice %arg7[%dma_wait3A_112] : memref<100000xf32, #tpu.memory_space<hbm>> -> memref<100000xf32, #tpu.memory_space<hbm>>
    tpu.wait_indirect_dma semaphore(%arg26 : memref<!tpu.dma_semaphore, #tpu.memory_space<semaphore_mem>>) src(%dma_wait3A_113 : memref<100000xf32, #tpu.memory_space<hbm>>) dst(%dma_wait3A_109 : memref<512xf32, #tpu.memory_space<vmem>>)
    %dma_wait3A_114 = arith.constant 2560 : i32
    %dma_wait3A_115 = tpu.memref_slice %arg21[%dma_wait3A_114] : memref<6656xf32, #tpu.memory_space<vmem>> -> memref<512xf32, #tpu.memory_space<vmem>>
    %dma_wait3A_116 = arith.constant 2560 : i32
    %dma_wait3A_117 = tpu.memref_slice %arg20[%dma_wait3A_116] : memref<6656xi32, #tpu.memory_space<vmem>> -> memref<512xi32, #tpu.memory_space<vmem>>
    %dma_wait3A_118 = arith.constant 0 : i32
    %dma_wait3A_119 = tpu.memref_slice %arg8[%dma_wait3A_118] : memref<100000xf32, #tpu.memory_space<hbm>> -> memref<100000xf32, #tpu.memory_space<hbm>>
    tpu.wait_indirect_dma semaphore(%arg26 : memref<!tpu.dma_semaphore, #tpu.memory_space<semaphore_mem>>) src(%dma_wait3A_119 : memref<100000xf32, #tpu.memory_space<hbm>>) dst(%dma_wait3A_115 : memref<512xf32, #tpu.memory_space<vmem>>)
    %dma_wait3A_120 = arith.constant 3072 : i32
    %dma_wait3A_121 = tpu.memref_slice %arg21[%dma_wait3A_120] : memref<6656xf32, #tpu.memory_space<vmem>> -> memref<512xf32, #tpu.memory_space<vmem>>
    %dma_wait3A_122 = arith.constant 3072 : i32
    %dma_wait3A_123 = tpu.memref_slice %arg20[%dma_wait3A_122] : memref<6656xi32, #tpu.memory_space<vmem>> -> memref<512xi32, #tpu.memory_space<vmem>>
    %dma_wait3A_124 = arith.constant 0 : i32
    %dma_wait3A_125 = tpu.memref_slice %arg9[%dma_wait3A_124] : memref<100000xf32, #tpu.memory_space<hbm>> -> memref<100000xf32, #tpu.memory_space<hbm>>
    tpu.wait_indirect_dma semaphore(%arg26 : memref<!tpu.dma_semaphore, #tpu.memory_space<semaphore_mem>>) src(%dma_wait3A_125 : memref<100000xf32, #tpu.memory_space<hbm>>) dst(%dma_wait3A_121 : memref<512xf32, #tpu.memory_space<vmem>>)
    %scan3A_126 = arith.constant 0 : i32
    %scan3A_127 = arith.constant 0 : i32
    %scan3A_128 = arith.constant 32 : i32
    %scan3A_129 = arith.addi %scan3A_127, %scan3A_128 : i32
    %scan3A_130 = arith.constant 1 : i32
    scf.for %scan3A_174 = %scan3A_127 to %scan3A_129 step %scan3A_130  : i32 {
      %mul3A_175 = arith.constant 16 : i32
      %mul3A_176 = arith.muli %scan3A_174, %mul3A_175 : i32
      %get3A = arith.index_cast %mul3A_176 : i32 to index
      %get3A_177 = tpu.vector_load %arg22[%get3A] {strides = array<i32>} : memref<512xf32, #tpu.memory_space<vmem>>, vector<16xf32>,
      %get3A_178 = vector.shape_cast %get3A_177 : vector<16xf32> to vector<16xf32>
      %mul3A_179 = arith.constant 16 : i32
      %mul3A_180 = arith.muli %scan3A_174, %mul3A_179 : i32
      %add3A_181 = arith.constant 0 : i32
      %add3A_182 = arith.addi %add3A_181, %mul3A_180 : i32
      %get3A_183 = arith.index_cast %add3A_182 : i32 to index
      %get3A_184 = tpu.vector_load %arg21[%get3A_183] {strides = array<i32>} : memref<6656xf32, #tpu.memory_space<vmem>>, vector<16xf32>,
      %get3A_185 = vector.shape_cast %get3A_184 : vector<16xf32> to vector<16xf32>
      %add3A_186 = arith.addf %get3A_178, %get3A_185 : vector<16xf32>
      %mul3A_187 = arith.constant 16 : i32
      %mul3A_188 = arith.muli %scan3A_174, %mul3A_187 : i32
      %add3A_189 = arith.constant 512 : i32
      %add3A_190 = arith.addi %add3A_189, %mul3A_188 : i32
      %get3A_191 = arith.index_cast %add3A_190 : i32 to index
      %get3A_192 = tpu.vector_load %arg21[%get3A_191] {strides = array<i32>} : memref<6656xf32, #tpu.memory_space<vmem>>, vector<16xf32>,
      %get3A_193 = vector.shape_cast %get3A_192 : vector<16xf32> to vector<16xf32>
      %add3A_194 = arith.addf %add3A_186, %get3A_193 : vector<16xf32>
      %mul3A_195 = arith.constant 16 : i32
      %mul3A_196 = arith.muli %scan3A_174, %mul3A_195 : i32
      %add3A_197 = arith.constant 1024 : i32
      %add3A_198 = arith.addi %add3A_197, %mul3A_196 : i32
      %get3A_199 = arith.index_cast %add3A_198 : i32 to index
      %get3A_200 = tpu.vector_load %arg21[%get3A_199] {strides = array<i32>} : memref<6656xf32, #tpu.memory_space<vmem>>, vector<16xf32>,
      %get3A_201 = vector.shape_cast %get3A_200 : vector<16xf32> to vector<16xf32>
      %add3A_202 = arith.addf %add3A_194, %get3A_201 : vector<16xf32>
      %mul3A_203 = arith.constant 16 : i32
      %mul3A_204 = arith.muli %scan3A_174, %mul3A_203 : i32
      %add3A_205 = arith.constant 1536 : i32
      %add3A_206 = arith.addi %add3A_205, %mul3A_204 : i32
      %get3A_207 = arith.index_cast %add3A_206 : i32 to index
      %get3A_208 = tpu.vector_load %arg21[%get3A_207] {strides = array<i32>} : memref<6656xf32, #tpu.memory_space<vmem>>, vector<16xf32>,
      %get3A_209 = vector.shape_cast %get3A_208 : vector<16xf32> to vector<16xf32>
      %add3A_210 = arith.addf %add3A_202, %get3A_209 : vector<16xf32>
      %mul3A_211 = arith.constant 16 : i32
      %mul3A_212 = arith.muli %scan3A_174, %mul3A_211 : i32
      %add3A_213 = arith.constant 2048 : i32
      %add3A_214 = arith.addi %add3A_213, %mul3A_212 : i32
      %get3A_215 = arith.index_cast %add3A_214 : i32 to index
      %get3A_216 = tpu.vector_load %arg21[%get3A_215] {strides = array<i32>} : memref<6656xf32, #tpu.memory_space<vmem>>, vector<16xf32>,
      %get3A_217 = vector.shape_cast %get3A_216 : vector<16xf32> to vector<16xf32>
      %add3A_218 = arith.addf %add3A_210, %get3A_217 : vector<16xf32>
      %mul3A_219 = arith.constant 16 : i32
      %mul3A_220 = arith.muli %scan3A_174, %mul3A_219 : i32
      %add3A_221 = arith.constant 2560 : i32
      %add3A_222 = arith.addi %add3A_221, %mul3A_220 : i32
      %get3A_223 = arith.index_cast %add3A_222 : i32 to index
      %get3A_224 = tpu.vector_load %arg21[%get3A_223] {strides = array<i32>} : memref<6656xf32, #tpu.memory_space<vmem>>, vector<16xf32>,
      %get3A_225 = vector.shape_cast %get3A_224 : vector<16xf32> to vector<16xf32>
      %add3A_226 = arith.addf %add3A_218, %get3A_225 : vector<16xf32>
      %mul3A_227 = arith.constant 16 : i32
      %mul3A_228 = arith.muli %scan3A_174, %mul3A_227 : i32
      %add3A_229 = arith.constant 3072 : i32
      %add3A_230 = arith.addi %add3A_229, %mul3A_228 : i32
      %get3A_231 = arith.index_cast %add3A_230 : i32 to index
      %get3A_232 = tpu.vector_load %arg21[%get3A_231] {strides = array<i32>} : memref<6656xf32, #tpu.memory_space<vmem>>, vector<16xf32>,
      %get3A_233 = vector.shape_cast %get3A_232 : vector<16xf32> to vector<16xf32>
      %add3A_234 = arith.addf %add3A_226, %get3A_233 : vector<16xf32>
      %swap3A = arith.index_cast %mul3A_176 : i32 to index
      %swap3A_235 = tpu.vector_load %arg22[%swap3A] {strides = array<i32>} : memref<512xf32, #tpu.memory_space<vmem>>, vector<16xf32>,
      %swap3A_236 = vector.shape_cast %swap3A_235 : vector<16xf32> to vector<16xf32>
      %swap3A_237 = vector.shape_cast %add3A_234 : vector<16xf32> to vector<16xf32>
      tpu.vector_store %arg22[%swap3A], %swap3A_237 {strides = array<i32>} : memref<512xf32, #tpu.memory_space<vmem>>, vector<16xf32>,
    }
    %scan3A_131 = arith.constant 32 : i32
    %dma_wait3A_132 = arith.constant 3584 : i32
    %dma_wait3A_133 = tpu.memref_slice %arg21[%dma_wait3A_132] : memref<6656xf32, #tpu.memory_space<vmem>> -> memref<512xf32, #tpu.memory_space<vmem>>
    %dma_wait3A_134 = arith.constant 3584 : i32
    %dma_wait3A_135 = tpu.memref_slice %arg20[%dma_wait3A_134] : memref<6656xi32, #tpu.memory_space<vmem>> -> memref<512xi32, #tpu.memory_space<vmem>>
    %dma_wait3A_136 = arith.constant 0 : i32
    %dma_wait3A_137 = tpu.memref_slice %arg10[%dma_wait3A_136] : memref<100000xf32, #tpu.memory_space<hbm>> -> memref<100000xf32, #tpu.memory_space<hbm>>
    tpu.wait_indirect_dma semaphore(%arg27 : memref<!tpu.dma_semaphore, #tpu.memory_space<semaphore_mem>>) src(%dma_wait3A_137 : memref<100000xf32, #tpu.memory_space<hbm>>) dst(%dma_wait3A_133 : memref<512xf32, #tpu.memory_space<vmem>>)
    %dma_wait3A_138 = arith.constant 4096 : i32
    %dma_wait3A_139 = tpu.memref_slice %arg21[%dma_wait3A_138] : memref<6656xf32, #tpu.memory_space<vmem>> -> memref<512xf32, #tpu.memory_space<vmem>>
    %dma_wait3A_140 = arith.constant 4096 : i32
    %dma_wait3A_141 = tpu.memref_slice %arg20[%dma_wait3A_140] : memref<6656xi32, #tpu.memory_space<vmem>> -> memref<512xi32, #tpu.memory_space<vmem>>
    %dma_wait3A_142 = arith.constant 0 : i32
    %dma_wait3A_143 = tpu.memref_slice %arg11[%dma_wait3A_142] : memref<100000xf32, #tpu.memory_space<hbm>> -> memref<100000xf32, #tpu.memory_space<hbm>>
    tpu.wait_indirect_dma semaphore(%arg27 : memref<!tpu.dma_semaphore, #tpu.memory_space<semaphore_mem>>) src(%dma_wait3A_143 : memref<100000xf32, #tpu.memory_space<hbm>>) dst(%dma_wait3A_139 : memref<512xf32, #tpu.memory_space<vmem>>)
    %dma_wait3A_144 = arith.constant 4608 : i32
    %dma_wait3A_145 = tpu.memref_slice %arg21[%dma_wait3A_144] : memref<6656xf32, #tpu.memory_space<vmem>> -> memref<512xf32, #tpu.memory_space<vmem>>
    %dma_wait3A_146 = arith.constant 4608 : i32
    %dma_wait3A_147 = tpu.memref_slice %arg20[%dma_wait3A_146] : memref<6656xi32, #tpu.memory_space<vmem>> -> memref<512xi32, #tpu.memory_space<vmem>>
    %dma_wait3A_148 = arith.constant 0 : i32
    %dma_wait3A_149 = tpu.memref_slice %arg12[%dma_wait3A_148] : memref<100000xf32, #tpu.memory_space<hbm>> -> memref<100000xf32, #tpu.memory_space<hbm>>
    tpu.wait_indirect_dma semaphore(%arg27 : memref<!tpu.dma_semaphore, #tpu.memory_space<semaphore_mem>>) src(%dma_wait3A_149 : memref<100000xf32, #tpu.memory_space<hbm>>) dst(%dma_wait3A_145 : memref<512xf32, #tpu.memory_space<vmem>>)
    %dma_wait3A_150 = arith.constant 5120 : i32
    %dma_wait3A_151 = tpu.memref_slice %arg21[%dma_wait3A_150] : memref<6656xf32, #tpu.memory_space<vmem>> -> memref<512xf32, #tpu.memory_space<vmem>>
    %dma_wait3A_152 = arith.constant 5120 : i32
    %dma_wait3A_153 = tpu.memref_slice %arg20[%dma_wait3A_152] : memref<6656xi32, #tpu.memory_space<vmem>> -> memref<512xi32, #tpu.memory_space<vmem>>
    %dma_wait3A_154 = arith.constant 0 : i32
    %dma_wait3A_155 = tpu.memref_slice %arg13[%dma_wait3A_154] : memref<100000xf32, #tpu.memory_space<hbm>> -> memref<100000xf32, #tpu.memory_space<hbm>>
    tpu.wait_indirect_dma semaphore(%arg27 : memref<!tpu.dma_semaphore, #tpu.memory_space<semaphore_mem>>) src(%dma_wait3A_155 : memref<100000xf32, #tpu.memory_space<hbm>>) dst(%dma_wait3A_151 : memref<512xf32, #tpu.memory_space<vmem>>)
    %dma_wait3A_156 = arith.constant 5632 : i32
    %dma_wait3A_157 = tpu.memref_slice %arg21[%dma_wait3A_156] : memref<6656xf32, #tpu.memory_space<vmem>> -> memref<512xf32, #tpu.memory_space<vmem>>
    %dma_wait3A_158 = arith.constant 5632 : i32
    %dma_wait3A_159 = tpu.memref_slice %arg20[%dma_wait3A_158] : memref<6656xi32, #tpu.memory_space<vmem>> -> memref<512xi32, #tpu.memory_space<vmem>>
    %dma_wait3A_160 = arith.constant 0 : i32
    %dma_wait3A_161 = tpu.memref_slice %arg14[%dma_wait3A_160] : memref<100000xf32, #tpu.memory_space<hbm>> -> memref<100000xf32, #tpu.memory_space<hbm>>
    tpu.wait_indirect_dma semaphore(%arg27 : memref<!tpu.dma_semaphore, #tpu.memory_space<semaphore_mem>>) src(%dma_wait3A_161 : memref<100000xf32, #tpu.memory_space<hbm>>) dst(%dma_wait3A_157 : memref<512xf32, #tpu.memory_space<vmem>>)
    %dma_wait3A_162 = arith.constant 6144 : i32
    %dma_wait3A_163 = tpu.memref_slice %arg21[%dma_wait3A_162] : memref<6656xf32, #tpu.memory_space<vmem>> -> memref<512xf32, #tpu.memory_space<vmem>>
    %dma_wait3A_164 = arith.constant 6144 : i32
    %dma_wait3A_165 = tpu.memref_slice %arg20[%dma_wait3A_164] : memref<6656xi32, #tpu.memory_space<vmem>> -> memref<512xi32, #tpu.memory_space<vmem>>
    %dma_wait3A_166 = arith.constant 0 : i32
    %dma_wait3A_167 = tpu.memref_slice %arg15[%dma_wait3A_166] : memref<100000xf32, #tpu.memory_space<hbm>> -> memref<100000xf32, #tpu.memory_space<hbm>>
    tpu.wait_indirect_dma semaphore(%arg27 : memref<!tpu.dma_semaphore, #tpu.memory_space<semaphore_mem>>) src(%dma_wait3A_167 : memref<100000xf32, #tpu.memory_space<hbm>>) dst(%dma_wait3A_163 : memref<512xf32, #tpu.memory_space<vmem>>)
    %scan3A_168 = arith.constant 0 : i32
    %scan3A_169 = arith.constant 0 : i32
    %scan3A_170 = arith.constant 32 : i32
    %scan3A_171 = arith.addi %scan3A_169, %scan3A_170 : i32
    %scan3A_172 = arith.constant 1 : i32
    scf.for %scan3A_174 = %scan3A_169 to %scan3A_171 step %scan3A_172  : i32 {
      %mul3A_175 = arith.constant 16 : i32
      %mul3A_176 = arith.muli %scan3A_174, %mul3A_175 : i32
      %get3A = arith.index_cast %mul3A_176 : i32 to index
      %get3A_177 = tpu.vector_load %arg22[%get3A] {strides = array<i32>} : memref<512xf32, #tpu.memory_space<vmem>>, vector<16xf32>,
      %get3A_178 = vector.shape_cast %get3A_177 : vector<16xf32> to vector<16xf32>
      %mul3A_179 = arith.constant 16 : i32
      %mul3A_180 = arith.muli %scan3A_174, %mul3A_179 : i32
      %add3A_181 = arith.constant 3584 : i32
      %add3A_182 = arith.addi %add3A_181, %mul3A_180 : i32
      %get3A_183 = arith.index_cast %add3A_182 : i32 to index
      %get3A_184 = tpu.vector_load %arg21[%get3A_183] {strides = array<i32>} : memref<6656xf32, #tpu.memory_space<vmem>>, vector<16xf32>,
      %get3A_185 = vector.shape_cast %get3A_184 : vector<16xf32> to vector<16xf32>
      %add3A_186 = arith.addf %get3A_178, %get3A_185 : vector<16xf32>
      %mul3A_187 = arith.constant 16 : i32
      %mul3A_188 = arith.muli %scan3A_174, %mul3A_187 : i32
      %add3A_189 = arith.constant 4096 : i32
      %add3A_190 = arith.addi %add3A_189, %mul3A_188 : i32
      %get3A_191 = arith.index_cast %add3A_190 : i32 to index
      %get3A_192 = tpu.vector_load %arg21[%get3A_191] {strides = array<i32>} : memref<6656xf32, #tpu.memory_space<vmem>>, vector<16xf32>,
      %get3A_193 = vector.shape_cast %get3A_192 : vector<16xf32> to vector<16xf32>
      %add3A_194 = arith.addf %add3A_186, %get3A_193 : vector<16xf32>
      %mul3A_195 = arith.constant 16 : i32
      %mul3A_196 = arith.muli %scan3A_174, %mul3A_195 : i32
      %add3A_197 = arith.constant 4608 : i32
      %add3A_198 = arith.addi %add3A_197, %mul3A_196 : i32
      %get3A_199 = arith.index_cast %add3A_198 : i32 to index
      %get3A_200 = tpu.vector_load %arg21[%get3A_199] {strides = array<i32>} : memref<6656xf32, #tpu.memory_space<vmem>>, vector<16xf32>,
      %get3A_201 = vector.shape_cast %get3A_200 : vector<16xf32> to vector<16xf32>
      %add3A_202 = arith.addf %add3A_194, %get3A_201 : vector<16xf32>
      %mul3A_203 = arith.constant 16 : i32
      %mul3A_204 = arith.muli %scan3A_174, %mul3A_203 : i32
      %add3A_205 = arith.constant 5120 : i32
      %add3A_206 = arith.addi %add3A_205, %mul3A_204 : i32
      %get3A_207 = arith.index_cast %add3A_206 : i32 to index
      %get3A_208 = tpu.vector_load %arg21[%get3A_207] {strides = array<i32>} : memref<6656xf32, #tpu.memory_space<vmem>>, vector<16xf32>,
      %get3A_209 = vector.shape_cast %get3A_208 : vector<16xf32> to vector<16xf32>
      %add3A_210 = arith.addf %add3A_202, %get3A_209 : vector<16xf32>
      %mul3A_211 = arith.constant 16 : i32
      %mul3A_212 = arith.muli %scan3A_174, %mul3A_211 : i32
      %add3A_213 = arith.constant 5632 : i32
      %add3A_214 = arith.addi %add3A_213, %mul3A_212 : i32
      %get3A_215 = arith.index_cast %add3A_214 : i32 to index
      %get3A_216 = tpu.vector_load %arg21[%get3A_215] {strides = array<i32>} : memref<6656xf32, #tpu.memory_space<vmem>>, vector<16xf32>,
      %get3A_217 = vector.shape_cast %get3A_216 : vector<16xf32> to vector<16xf32>
      %add3A_218 = arith.addf %add3A_210, %get3A_217 : vector<16xf32>
      %mul3A_219 = arith.constant 16 : i32
      %mul3A_220 = arith.muli %scan3A_174, %mul3A_219 : i32
      %add3A_221 = arith.constant 6144 : i32
      %add3A_222 = arith.addi %add3A_221, %mul3A_220 : i32
      %get3A_223 = arith.index_cast %add3A_222 : i32 to index
      %get3A_224 = tpu.vector_load %arg21[%get3A_223] {strides = array<i32>} : memref<6656xf32, #tpu.memory_space<vmem>>, vector<16xf32>,
      %get3A_225 = vector.shape_cast %get3A_224 : vector<16xf32> to vector<16xf32>
      %add3A_226 = arith.addf %add3A_218, %get3A_225 : vector<16xf32>
      %swap3A = arith.index_cast %mul3A_176 : i32 to index
      %swap3A_227 = tpu.vector_load %arg22[%swap3A] {strides = array<i32>} : memref<512xf32, #tpu.memory_space<vmem>>, vector<16xf32>,
      %swap3A_228 = vector.shape_cast %swap3A_227 : vector<16xf32> to vector<16xf32>
      %swap3A_229 = vector.shape_cast %add3A_226 : vector<16xf32> to vector<16xf32>
      tpu.vector_store %arg22[%swap3A], %swap3A_229 {strides = array<i32>} : memref<512xf32, #tpu.memory_space<vmem>>, vector<16xf32>,
    }
    %scan3A_173 = arith.constant 32 : i32
    "tpu.region"() ({
      %run_scoped3A = tpu.sem_alloc : memref<!tpu.dma_semaphore, #tpu.memory_space<semaphore_mem>>
      %dma_start3A_174 = tpu.memref_slice %arg19[%mul3A_2] : memref<16384xf32, #tpu.memory_space<hbm>> -> memref<512xf32, #tpu.memory_space<hbm>>
      %dma_start3A_175 = tpu.memref_slice %arg19[%mul3A_2] : memref<16384xf32, #tpu.memory_space<hbm>> -> memref<512xf32, #tpu.memory_space<hbm>>
      tpu.enqueue_dma source(%arg22 : memref<512xf32, #tpu.memory_space<vmem>>) target(%dma_start3A_175 : memref<512xf32, #tpu.memory_space<hbm>>) target_semaphore(%run_scoped3A : memref<!tpu.dma_semaphore, #tpu.memory_space<semaphore_mem>>)
      %dma_wait3A_176 = tpu.memref_slice %arg19[%mul3A_2] : memref<16384xf32, #tpu.memory_space<hbm>> -> memref<512xf32, #tpu.memory_space<hbm>>
      %dma_wait3A_177 = tpu.memref_slice %arg19[%mul3A_2] : memref<16384xf32, #tpu.memory_space<hbm>> -> memref<512xf32, #tpu.memory_space<hbm>>
      tpu.wait_dma2 semaphore(%run_scoped3A : memref<!tpu.dma_semaphore, #tpu.memory_space<semaphore_mem>>) src(%arg22 : memref<512xf32, #tpu.memory_space<vmem>>) dst(%dma_wait3A_177 : memref<512xf32, #tpu.memory_space<hbm>>)
      tpu.yield
    }) : () -> ()
    return
  }
}

#map = affine_map<(d0, d1) -> (0, 0)>
#map1 = affine_map<(d0, d1) -> (0)>
module attributes {stable_mosaic.version = 14 : i64} {
  func.func @_fm_seq(%arg0: i32, %arg1: i32, %arg2: memref<32x25600xi32, #tpu.memory_space<hbm>>, %arg3: memref<100000xf32, #tpu.memory_space<hbm>>, %arg4: memref<16384xf32, #tpu.memory_space<hbm>>, %arg5: memref<25600xi32, #tpu.memory_space<vmem>>, %arg6: memref<25600xf32, #tpu.memory_space<vmem>>, %arg7: memref<512xf32, #tpu.memory_space<vmem>>, %arg8: memref<100000xf32, #tpu.memory_space<vmem_shared>>, %arg9: memref<!tpu.dma_semaphore, #tpu.memory_space<semaphore_mem>>, %arg10: memref<!tpu.dma_semaphore, #tpu.memory_space<semaphore_mem>>, %arg11: memref<!tpu.dma_semaphore, #tpu.memory_space<semaphore_mem>>, %arg12: memref<!tpu.dma_semaphore, #tpu.memory_space<semaphore_mem>>, %arg13: memref<!tpu.dma_semaphore, #tpu.memory_space<semaphore_mem>>) attributes {dimension_semantics = [#tpu.dimension_semantics<core_parallel>, #tpu.dimension_semantics<subcore_parallel>], iteration_bounds = array<i64: 2, 16>, scalar_prefetch = 0 : i64, scratch_operands = 9 : i64, tpu.core_type = #tpu.core_type<sc_vector_subcore>, window_params = [{transform_indices = #map}, {transform_indices = #map1}, {transform_indices = #map1}]} {
    %mul3A = arith.constant 2 : i32
    %mul3A_0 = arith.muli %arg1, %mul3A : i32
    %add3A = arith.addi %mul3A_0, %arg0 : i32
    %mul3A_1 = arith.constant 512 : i32
    %mul3A_2 = arith.muli %add3A, %mul3A_1 : i32
    %eq3A = arith.constant 0 : i32
    %eq3A_3 = arith.cmpi eq, %arg1, %eq3A : i32
    %convert_element_type3A = arith.extui %eq3A_3 : i1 to i32
    %cond3A = arith.constant 0 : i32
    %cond3A_4 = arith.cmpi ne, %convert_element_type3A, %cond3A : i32
    scf.if %cond3A_4 {
      "tpu.region"() ({
        %run_scoped3A = tpu.sem_alloc : memref<!tpu.dma_semaphore, #tpu.memory_space<semaphore_mem>>
        tpu.enqueue_dma source(%arg3 : memref<100000xf32, #tpu.memory_space<hbm>>) target(%arg8 : memref<100000xf32, #tpu.memory_space<vmem_shared>>) target_semaphore(%run_scoped3A : memref<!tpu.dma_semaphore, #tpu.memory_space<semaphore_mem>>)
        tpu.wait_dma2 semaphore(%run_scoped3A : memref<!tpu.dma_semaphore, #tpu.memory_space<semaphore_mem>>) src(%arg3 : memref<100000xf32, #tpu.memory_space<hbm>>) dst(%arg8 : memref<100000xf32, #tpu.memory_space<vmem_shared>>)
        tpu.yield
      }) : () -> ()
    } else {
    }
    "tpu.region"() ({
      %run_scoped3A = tpu.sem_alloc : memref<!tpu.dma_semaphore, #tpu.memory_space<semaphore_mem>>
      %dma_start3A_632 = arith.constant 0 : i32
      %dma_start3A_633 = tpu.memref_slice %arg2[%add3A, %dma_start3A_632] : memref<32x25600xi32, #tpu.memory_space<hbm>> -> memref<1x25600xi32, #tpu.memory_space<hbm>>
      %dma_start3A_634 = tpu.memref_squeeze %dma_start3A_633 : memref<1x25600xi32, #tpu.memory_space<hbm>> -> memref<25600xi32, #tpu.memory_space<hbm>>
      %dma_start3A_635 = arith.constant 0 : i32
      %dma_start3A_636 = tpu.memref_slice %arg2[%add3A, %dma_start3A_635] : memref<32x25600xi32, #tpu.memory_space<hbm>> -> memref<1x25600xi32, #tpu.memory_space<hbm>>
      %dma_start3A_637 = tpu.memref_squeeze %dma_start3A_636 : memref<1x25600xi32, #tpu.memory_space<hbm>> -> memref<25600xi32, #tpu.memory_space<hbm>>
      tpu.enqueue_dma source(%dma_start3A_637 : memref<25600xi32, #tpu.memory_space<hbm>>) target(%arg5 : memref<25600xi32, #tpu.memory_space<vmem>>) target_semaphore(%run_scoped3A : memref<!tpu.dma_semaphore, #tpu.memory_space<semaphore_mem>>)
      %dma_wait3A_638 = arith.constant 0 : i32
      %dma_wait3A_639 = tpu.memref_slice %arg2[%add3A, %dma_wait3A_638] : memref<32x25600xi32, #tpu.memory_space<hbm>> -> memref<1x25600xi32, #tpu.memory_space<hbm>>
      %dma_wait3A_640 = tpu.memref_squeeze %dma_wait3A_639 : memref<1x25600xi32, #tpu.memory_space<hbm>> -> memref<25600xi32, #tpu.memory_space<hbm>>
      %dma_wait3A_641 = arith.constant 0 : i32
      %dma_wait3A_642 = tpu.memref_slice %arg2[%add3A, %dma_wait3A_641] : memref<32x25600xi32, #tpu.memory_space<hbm>> -> memref<1x25600xi32, #tpu.memory_space<hbm>>
      %dma_wait3A_643 = tpu.memref_squeeze %dma_wait3A_642 : memref<1x25600xi32, #tpu.memory_space<hbm>> -> memref<25600xi32, #tpu.memory_space<hbm>>
      tpu.wait_dma2 semaphore(%run_scoped3A : memref<!tpu.dma_semaphore, #tpu.memory_space<semaphore_mem>>) src(%dma_wait3A_643 : memref<25600xi32, #tpu.memory_space<hbm>>) dst(%arg5 : memref<25600xi32, #tpu.memory_space<vmem>>)
      tpu.yield
    }) : () -> ()
    %barrier3A = arith.constant 0 : index
    tpu.barrier barrier_id(%barrier3A)
    %dma_start3A = arith.constant 0 : i32
    %dma_start3A_5 = tpu.memref_slice %arg6[%dma_start3A] : memref<25600xf32, #tpu.memory_space<vmem>> -> memref<512xf32, #tpu.memory_space<vmem>>
    %dma_start3A_6 = arith.constant 0 : i32
    %dma_start3A_7 = tpu.memref_slice %arg5[%dma_start3A_6] : memref<25600xi32, #tpu.memory_space<vmem>> -> memref<512xi32, #tpu.memory_space<vmem>>
    %dma_start3A_8 = arith.constant 0 : i32
    %dma_start3A_9 = tpu.memref_slice %arg8[%dma_start3A_8] : memref<100000xf32, #tpu.memory_space<vmem_shared>> -> memref<100000xf32, #tpu.memory_space<vmem_shared>>
    tpu.enqueue_indirect_dma source(%dma_start3A_9 : memref<100000xf32, #tpu.memory_space<vmem_shared>>) target(%dma_start3A_5 : memref<512xf32, #tpu.memory_space<vmem>>) offsets(%dma_start3A_7 : memref<512xi32, #tpu.memory_space<vmem>>) semaphore(%arg9 : memref<!tpu.dma_semaphore, #tpu.memory_space<semaphore_mem>>)
    %dma_start3A_10 = arith.constant 512 : i32
    %dma_start3A_11 = tpu.memref_slice %arg6[%dma_start3A_10] : memref<25600xf32, #tpu.memory_space<vmem>> -> memref<512xf32, #tpu.memory_space<vmem>>
    %dma_start3A_12 = arith.constant 512 : i32
    %dma_start3A_13 = tpu.memref_slice %arg5[%dma_start3A_12] : memref<25600xi32, #tpu.memory_space<vmem>> -> memref<512xi32, #tpu.memory_space<vmem>>
    %dma_start3A_14 = arith.constant 0 : i32
    %dma_start3A_15 = tpu.memref_slice %arg8[%dma_start3A_14] : memref<100000xf32, #tpu.memory_space<vmem_shared>> -> memref<100000xf32, #tpu.memory_space<vmem_shared>>
    tpu.enqueue_indirect_dma source(%dma_start3A_15 : memref<100000xf32, #tpu.memory_space<vmem_shared>>) target(%dma_start3A_11 : memref<512xf32, #tpu.memory_space<vmem>>) offsets(%dma_start3A_13 : memref<512xi32, #tpu.memory_space<vmem>>) semaphore(%arg9 : memref<!tpu.dma_semaphore, #tpu.memory_space<semaphore_mem>>)
    %dma_start3A_16 = arith.constant 1024 : i32
    %dma_start3A_17 = tpu.memref_slice %arg6[%dma_start3A_16] : memref<25600xf32, #tpu.memory_space<vmem>> -> memref<512xf32, #tpu.memory_space<vmem>>
    %dma_start3A_18 = arith.constant 1024 : i32
    %dma_start3A_19 = tpu.memref_slice %arg5[%dma_start3A_18] : memref<25600xi32, #tpu.memory_space<vmem>> -> memref<512xi32, #tpu.memory_space<vmem>>
    %dma_start3A_20 = arith.constant 0 : i32
    %dma_start3A_21 = tpu.memref_slice %arg8[%dma_start3A_20] : memref<100000xf32, #tpu.memory_space<vmem_shared>> -> memref<100000xf32, #tpu.memory_space<vmem_shared>>
    tpu.enqueue_indirect_dma source(%dma_start3A_21 : memref<100000xf32, #tpu.memory_space<vmem_shared>>) target(%dma_start3A_17 : memref<512xf32, #tpu.memory_space<vmem>>) offsets(%dma_start3A_19 : memref<512xi32, #tpu.memory_space<vmem>>) semaphore(%arg9 : memref<!tpu.dma_semaphore, #tpu.memory_space<semaphore_mem>>)
    %dma_start3A_22 = arith.constant 1536 : i32
    %dma_start3A_23 = tpu.memref_slice %arg6[%dma_start3A_22] : memref<25600xf32, #tpu.memory_space<vmem>> -> memref<512xf32, #tpu.memory_space<vmem>>
    %dma_start3A_24 = arith.constant 1536 : i32
    %dma_start3A_25 = tpu.memref_slice %arg5[%dma_start3A_24] : memref<25600xi32, #tpu.memory_space<vmem>> -> memref<512xi32, #tpu.memory_space<vmem>>
    %dma_start3A_26 = arith.constant 0 : i32
    %dma_start3A_27 = tpu.memref_slice %arg8[%dma_start3A_26] : memref<100000xf32, #tpu.memory_space<vmem_shared>> -> memref<100000xf32, #tpu.memory_space<vmem_shared>>
    tpu.enqueue_indirect_dma source(%dma_start3A_27 : memref<100000xf32, #tpu.memory_space<vmem_shared>>) target(%dma_start3A_23 : memref<512xf32, #tpu.memory_space<vmem>>) offsets(%dma_start3A_25 : memref<512xi32, #tpu.memory_space<vmem>>) semaphore(%arg9 : memref<!tpu.dma_semaphore, #tpu.memory_space<semaphore_mem>>)
    %dma_start3A_28 = arith.constant 2048 : i32
    %dma_start3A_29 = tpu.memref_slice %arg6[%dma_start3A_28] : memref<25600xf32, #tpu.memory_space<vmem>> -> memref<512xf32, #tpu.memory_space<vmem>>
    %dma_start3A_30 = arith.constant 2048 : i32
    %dma_start3A_31 = tpu.memref_slice %arg5[%dma_start3A_30] : memref<25600xi32, #tpu.memory_space<vmem>> -> memref<512xi32, #tpu.memory_space<vmem>>
    %dma_start3A_32 = arith.constant 0 : i32
    %dma_start3A_33 = tpu.memref_slice %arg8[%dma_start3A_32] : memref<100000xf32, #tpu.memory_space<vmem_shared>> -> memref<100000xf32, #tpu.memory_space<vmem_shared>>
    tpu.enqueue_indirect_dma source(%dma_start3A_33 : memref<100000xf32, #tpu.memory_space<vmem_shared>>) target(%dma_start3A_29 : memref<512xf32, #tpu.memory_space<vmem>>) offsets(%dma_start3A_31 : memref<512xi32, #tpu.memory_space<vmem>>) semaphore(%arg9 : memref<!tpu.dma_semaphore, #tpu.memory_space<semaphore_mem>>)
    %dma_start3A_34 = arith.constant 2560 : i32
    %dma_start3A_35 = tpu.memref_slice %arg6[%dma_start3A_34] : memref<25600xf32, #tpu.memory_space<vmem>> -> memref<512xf32, #tpu.memory_space<vmem>>
    %dma_start3A_36 = arith.constant 2560 : i32
    %dma_start3A_37 = tpu.memref_slice %arg5[%dma_start3A_36] : memref<25600xi32, #tpu.memory_space<vmem>> -> memref<512xi32, #tpu.memory_space<vmem>>
    %dma_start3A_38 = arith.constant 0 : i32
    %dma_start3A_39 = tpu.memref_slice %arg8[%dma_start3A_38] : memref<100000xf32, #tpu.memory_space<vmem_shared>> -> memref<100000xf32, #tpu.memory_space<vmem_shared>>
    tpu.enqueue_indirect_dma source(%dma_start3A_39 : memref<100000xf32, #tpu.memory_space<vmem_shared>>) target(%dma_start3A_35 : memref<512xf32, #tpu.memory_space<vmem>>) offsets(%dma_start3A_37 : memref<512xi32, #tpu.memory_space<vmem>>) semaphore(%arg9 : memref<!tpu.dma_semaphore, #tpu.memory_space<semaphore_mem>>)
    %dma_start3A_40 = arith.constant 3072 : i32
    %dma_start3A_41 = tpu.memref_slice %arg6[%dma_start3A_40] : memref<25600xf32, #tpu.memory_space<vmem>> -> memref<512xf32, #tpu.memory_space<vmem>>
    %dma_start3A_42 = arith.constant 3072 : i32
    %dma_start3A_43 = tpu.memref_slice %arg5[%dma_start3A_42] : memref<25600xi32, #tpu.memory_space<vmem>> -> memref<512xi32, #tpu.memory_space<vmem>>
    %dma_start3A_44 = arith.constant 0 : i32
    %dma_start3A_45 = tpu.memref_slice %arg8[%dma_start3A_44] : memref<100000xf32, #tpu.memory_space<vmem_shared>> -> memref<100000xf32, #tpu.memory_space<vmem_shared>>
    tpu.enqueue_indirect_dma source(%dma_start3A_45 : memref<100000xf32, #tpu.memory_space<vmem_shared>>) target(%dma_start3A_41 : memref<512xf32, #tpu.memory_space<vmem>>) offsets(%dma_start3A_43 : memref<512xi32, #tpu.memory_space<vmem>>) semaphore(%arg9 : memref<!tpu.dma_semaphore, #tpu.memory_space<semaphore_mem>>)
    %dma_start3A_46 = arith.constant 3584 : i32
    %dma_start3A_47 = tpu.memref_slice %arg6[%dma_start3A_46] : memref<25600xf32, #tpu.memory_space<vmem>> -> memref<512xf32, #tpu.memory_space<vmem>>
    %dma_start3A_48 = arith.constant 3584 : i32
    %dma_start3A_49 = tpu.memref_slice %arg5[%dma_start3A_48] : memref<25600xi32, #tpu.memory_space<vmem>> -> memref<512xi32, #tpu.memory_space<vmem>>
    %dma_start3A_50 = arith.constant 0 : i32
    %dma_start3A_51 = tpu.memref_slice %arg8[%dma_start3A_50] : memref<100000xf32, #tpu.memory_space<vmem_shared>> -> memref<100000xf32, #tpu.memory_space<vmem_shared>>
    tpu.enqueue_indirect_dma source(%dma_start3A_51 : memref<100000xf32, #tpu.memory_space<vmem_shared>>) target(%dma_start3A_47 : memref<512xf32, #tpu.memory_space<vmem>>) offsets(%dma_start3A_49 : memref<512xi32, #tpu.memory_space<vmem>>) semaphore(%arg9 : memref<!tpu.dma_semaphore, #tpu.memory_space<semaphore_mem>>)
    %dma_start3A_52 = arith.constant 4096 : i32
    %dma_start3A_53 = tpu.memref_slice %arg6[%dma_start3A_52] : memref<25600xf32, #tpu.memory_space<vmem>> -> memref<512xf32, #tpu.memory_space<vmem>>
    %dma_start3A_54 = arith.constant 4096 : i32
    %dma_start3A_55 = tpu.memref_slice %arg5[%dma_start3A_54] : memref<25600xi32, #tpu.memory_space<vmem>> -> memref<512xi32, #tpu.memory_space<vmem>>
    %dma_start3A_56 = arith.constant 0 : i32
    %dma_start3A_57 = tpu.memref_slice %arg8[%dma_start3A_56] : memref<100000xf32, #tpu.memory_space<vmem_shared>> -> memref<100000xf32, #tpu.memory_space<vmem_shared>>
    tpu.enqueue_indirect_dma source(%dma_start3A_57 : memref<100000xf32, #tpu.memory_space<vmem_shared>>) target(%dma_start3A_53 : memref<512xf32, #tpu.memory_space<vmem>>) offsets(%dma_start3A_55 : memref<512xi32, #tpu.memory_space<vmem>>) semaphore(%arg9 : memref<!tpu.dma_semaphore, #tpu.memory_space<semaphore_mem>>)
    %dma_start3A_58 = arith.constant 4608 : i32
    %dma_start3A_59 = tpu.memref_slice %arg6[%dma_start3A_58] : memref<25600xf32, #tpu.memory_space<vmem>> -> memref<512xf32, #tpu.memory_space<vmem>>
    %dma_start3A_60 = arith.constant 4608 : i32
    %dma_start3A_61 = tpu.memref_slice %arg5[%dma_start3A_60] : memref<25600xi32, #tpu.memory_space<vmem>> -> memref<512xi32, #tpu.memory_space<vmem>>
    %dma_start3A_62 = arith.constant 0 : i32
    %dma_start3A_63 = tpu.memref_slice %arg8[%dma_start3A_62] : memref<100000xf32, #tpu.memory_space<vmem_shared>> -> memref<100000xf32, #tpu.memory_space<vmem_shared>>
    tpu.enqueue_indirect_dma source(%dma_start3A_63 : memref<100000xf32, #tpu.memory_space<vmem_shared>>) target(%dma_start3A_59 : memref<512xf32, #tpu.memory_space<vmem>>) offsets(%dma_start3A_61 : memref<512xi32, #tpu.memory_space<vmem>>) semaphore(%arg9 : memref<!tpu.dma_semaphore, #tpu.memory_space<semaphore_mem>>)
    %dma_start3A_64 = arith.constant 5120 : i32
    %dma_start3A_65 = tpu.memref_slice %arg6[%dma_start3A_64] : memref<25600xf32, #tpu.memory_space<vmem>> -> memref<512xf32, #tpu.memory_space<vmem>>
    %dma_start3A_66 = arith.constant 5120 : i32
    %dma_start3A_67 = tpu.memref_slice %arg5[%dma_start3A_66] : memref<25600xi32, #tpu.memory_space<vmem>> -> memref<512xi32, #tpu.memory_space<vmem>>
    %dma_start3A_68 = arith.constant 0 : i32
    %dma_start3A_69 = tpu.memref_slice %arg8[%dma_start3A_68] : memref<100000xf32, #tpu.memory_space<vmem_shared>> -> memref<100000xf32, #tpu.memory_space<vmem_shared>>
    tpu.enqueue_indirect_dma source(%dma_start3A_69 : memref<100000xf32, #tpu.memory_space<vmem_shared>>) target(%dma_start3A_65 : memref<512xf32, #tpu.memory_space<vmem>>) offsets(%dma_start3A_67 : memref<512xi32, #tpu.memory_space<vmem>>) semaphore(%arg10 : memref<!tpu.dma_semaphore, #tpu.memory_space<semaphore_mem>>)
    %dma_start3A_70 = arith.constant 5632 : i32
    %dma_start3A_71 = tpu.memref_slice %arg6[%dma_start3A_70] : memref<25600xf32, #tpu.memory_space<vmem>> -> memref<512xf32, #tpu.memory_space<vmem>>
    %dma_start3A_72 = arith.constant 5632 : i32
    %dma_start3A_73 = tpu.memref_slice %arg5[%dma_start3A_72] : memref<25600xi32, #tpu.memory_space<vmem>> -> memref<512xi32, #tpu.memory_space<vmem>>
    %dma_start3A_74 = arith.constant 0 : i32
    %dma_start3A_75 = tpu.memref_slice %arg8[%dma_start3A_74] : memref<100000xf32, #tpu.memory_space<vmem_shared>> -> memref<100000xf32, #tpu.memory_space<vmem_shared>>
    tpu.enqueue_indirect_dma source(%dma_start3A_75 : memref<100000xf32, #tpu.memory_space<vmem_shared>>) target(%dma_start3A_71 : memref<512xf32, #tpu.memory_space<vmem>>) offsets(%dma_start3A_73 : memref<512xi32, #tpu.memory_space<vmem>>) semaphore(%arg10 : memref<!tpu.dma_semaphore, #tpu.memory_space<semaphore_mem>>)
    %dma_start3A_76 = arith.constant 6144 : i32
    %dma_start3A_77 = tpu.memref_slice %arg6[%dma_start3A_76] : memref<25600xf32, #tpu.memory_space<vmem>> -> memref<512xf32, #tpu.memory_space<vmem>>
    %dma_start3A_78 = arith.constant 6144 : i32
    %dma_start3A_79 = tpu.memref_slice %arg5[%dma_start3A_78] : memref<25600xi32, #tpu.memory_space<vmem>> -> memref<512xi32, #tpu.memory_space<vmem>>
    %dma_start3A_80 = arith.constant 0 : i32
    %dma_start3A_81 = tpu.memref_slice %arg8[%dma_start3A_80] : memref<100000xf32, #tpu.memory_space<vmem_shared>> -> memref<100000xf32, #tpu.memory_space<vmem_shared>>
    tpu.enqueue_indirect_dma source(%dma_start3A_81 : memref<100000xf32, #tpu.memory_space<vmem_shared>>) target(%dma_start3A_77 : memref<512xf32, #tpu.memory_space<vmem>>) offsets(%dma_start3A_79 : memref<512xi32, #tpu.memory_space<vmem>>) semaphore(%arg10 : memref<!tpu.dma_semaphore, #tpu.memory_space<semaphore_mem>>)
    %dma_start3A_82 = arith.constant 6656 : i32
    %dma_start3A_83 = tpu.memref_slice %arg6[%dma_start3A_82] : memref<25600xf32, #tpu.memory_space<vmem>> -> memref<512xf32, #tpu.memory_space<vmem>>
    %dma_start3A_84 = arith.constant 6656 : i32
    %dma_start3A_85 = tpu.memref_slice %arg5[%dma_start3A_84] : memref<25600xi32, #tpu.memory_space<vmem>> -> memref<512xi32, #tpu.memory_space<vmem>>
    %dma_start3A_86 = arith.constant 0 : i32
    %dma_start3A_87 = tpu.memref_slice %arg8[%dma_start3A_86] : memref<100000xf32, #tpu.memory_space<vmem_shared>> -> memref<100000xf32, #tpu.memory_space<vmem_shared>>
    tpu.enqueue_indirect_dma source(%dma_start3A_87 : memref<100000xf32, #tpu.memory_space<vmem_shared>>) target(%dma_start3A_83 : memref<512xf32, #tpu.memory_space<vmem>>) offsets(%dma_start3A_85 : memref<512xi32, #tpu.memory_space<vmem>>) semaphore(%arg10 : memref<!tpu.dma_semaphore, #tpu.memory_space<semaphore_mem>>)
    %dma_start3A_88 = arith.constant 7168 : i32
    %dma_start3A_89 = tpu.memref_slice %arg6[%dma_start3A_88] : memref<25600xf32, #tpu.memory_space<vmem>> -> memref<512xf32, #tpu.memory_space<vmem>>
    %dma_start3A_90 = arith.constant 7168 : i32
    %dma_start3A_91 = tpu.memref_slice %arg5[%dma_start3A_90] : memref<25600xi32, #tpu.memory_space<vmem>> -> memref<512xi32, #tpu.memory_space<vmem>>
    %dma_start3A_92 = arith.constant 0 : i32
    %dma_start3A_93 = tpu.memref_slice %arg8[%dma_start3A_92] : memref<100000xf32, #tpu.memory_space<vmem_shared>> -> memref<100000xf32, #tpu.memory_space<vmem_shared>>
    tpu.enqueue_indirect_dma source(%dma_start3A_93 : memref<100000xf32, #tpu.memory_space<vmem_shared>>) target(%dma_start3A_89 : memref<512xf32, #tpu.memory_space<vmem>>) offsets(%dma_start3A_91 : memref<512xi32, #tpu.memory_space<vmem>>) semaphore(%arg10 : memref<!tpu.dma_semaphore, #tpu.memory_space<semaphore_mem>>)
    %dma_start3A_94 = arith.constant 7680 : i32
    %dma_start3A_95 = tpu.memref_slice %arg6[%dma_start3A_94] : memref<25600xf32, #tpu.memory_space<vmem>> -> memref<512xf32, #tpu.memory_space<vmem>>
    %dma_start3A_96 = arith.constant 7680 : i32
    %dma_start3A_97 = tpu.memref_slice %arg5[%dma_start3A_96] : memref<25600xi32, #tpu.memory_space<vmem>> -> memref<512xi32, #tpu.memory_space<vmem>>
    %dma_start3A_98 = arith.constant 0 : i32
    %dma_start3A_99 = tpu.memref_slice %arg8[%dma_start3A_98] : memref<100000xf32, #tpu.memory_space<vmem_shared>> -> memref<100000xf32, #tpu.memory_space<vmem_shared>>
    tpu.enqueue_indirect_dma source(%dma_start3A_99 : memref<100000xf32, #tpu.memory_space<vmem_shared>>) target(%dma_start3A_95 : memref<512xf32, #tpu.memory_space<vmem>>) offsets(%dma_start3A_97 : memref<512xi32, #tpu.memory_space<vmem>>) semaphore(%arg10 : memref<!tpu.dma_semaphore, #tpu.memory_space<semaphore_mem>>)
    %dma_start3A_100 = arith.constant 8192 : i32
    %dma_start3A_101 = tpu.memref_slice %arg6[%dma_start3A_100] : memref<25600xf32, #tpu.memory_space<vmem>> -> memref<512xf32, #tpu.memory_space<vmem>>
    %dma_start3A_102 = arith.constant 8192 : i32
    %dma_start3A_103 = tpu.memref_slice %arg5[%dma_start3A_102] : memref<25600xi32, #tpu.memory_space<vmem>> -> memref<512xi32, #tpu.memory_space<vmem>>
    %dma_start3A_104 = arith.constant 0 : i32
    %dma_start3A_105 = tpu.memref_slice %arg8[%dma_start3A_104] : memref<100000xf32, #tpu.memory_space<vmem_shared>> -> memref<100000xf32, #tpu.memory_space<vmem_shared>>
    tpu.enqueue_indirect_dma source(%dma_start3A_105 : memref<100000xf32, #tpu.memory_space<vmem_shared>>) target(%dma_start3A_101 : memref<512xf32, #tpu.memory_space<vmem>>) offsets(%dma_start3A_103 : memref<512xi32, #tpu.memory_space<vmem>>) semaphore(%arg10 : memref<!tpu.dma_semaphore, #tpu.memory_space<semaphore_mem>>)
    %dma_start3A_106 = arith.constant 8704 : i32
    %dma_start3A_107 = tpu.memref_slice %arg6[%dma_start3A_106] : memref<25600xf32, #tpu.memory_space<vmem>> -> memref<512xf32, #tpu.memory_space<vmem>>
    %dma_start3A_108 = arith.constant 8704 : i32
    %dma_start3A_109 = tpu.memref_slice %arg5[%dma_start3A_108] : memref<25600xi32, #tpu.memory_space<vmem>> -> memref<512xi32, #tpu.memory_space<vmem>>
    %dma_start3A_110 = arith.constant 0 : i32
    %dma_start3A_111 = tpu.memref_slice %arg8[%dma_start3A_110] : memref<100000xf32, #tpu.memory_space<vmem_shared>> -> memref<100000xf32, #tpu.memory_space<vmem_shared>>
    tpu.enqueue_indirect_dma source(%dma_start3A_111 : memref<100000xf32, #tpu.memory_space<vmem_shared>>) target(%dma_start3A_107 : memref<512xf32, #tpu.memory_space<vmem>>) offsets(%dma_start3A_109 : memref<512xi32, #tpu.memory_space<vmem>>) semaphore(%arg10 : memref<!tpu.dma_semaphore, #tpu.memory_space<semaphore_mem>>)
    %dma_start3A_112 = arith.constant 9216 : i32
    %dma_start3A_113 = tpu.memref_slice %arg6[%dma_start3A_112] : memref<25600xf32, #tpu.memory_space<vmem>> -> memref<512xf32, #tpu.memory_space<vmem>>
    %dma_start3A_114 = arith.constant 9216 : i32
    %dma_start3A_115 = tpu.memref_slice %arg5[%dma_start3A_114] : memref<25600xi32, #tpu.memory_space<vmem>> -> memref<512xi32, #tpu.memory_space<vmem>>
    %dma_start3A_116 = arith.constant 0 : i32
    %dma_start3A_117 = tpu.memref_slice %arg8[%dma_start3A_116] : memref<100000xf32, #tpu.memory_space<vmem_shared>> -> memref<100000xf32, #tpu.memory_space<vmem_shared>>
    tpu.enqueue_indirect_dma source(%dma_start3A_117 : memref<100000xf32, #tpu.memory_space<vmem_shared>>) target(%dma_start3A_113 : memref<512xf32, #tpu.memory_space<vmem>>) offsets(%dma_start3A_115 : memref<512xi32, #tpu.memory_space<vmem>>) semaphore(%arg10 : memref<!tpu.dma_semaphore, #tpu.memory_space<semaphore_mem>>)
    %dma_start3A_118 = arith.constant 9728 : i32
    %dma_start3A_119 = tpu.memref_slice %arg6[%dma_start3A_118] : memref<25600xf32, #tpu.memory_space<vmem>> -> memref<512xf32, #tpu.memory_space<vmem>>
    %dma_start3A_120 = arith.constant 9728 : i32
    %dma_start3A_121 = tpu.memref_slice %arg5[%dma_start3A_120] : memref<25600xi32, #tpu.memory_space<vmem>> -> memref<512xi32, #tpu.memory_space<vmem>>
    %dma_start3A_122 = arith.constant 0 : i32
    %dma_start3A_123 = tpu.memref_slice %arg8[%dma_start3A_122] : memref<100000xf32, #tpu.memory_space<vmem_shared>> -> memref<100000xf32, #tpu.memory_space<vmem_shared>>
    tpu.enqueue_indirect_dma source(%dma_start3A_123 : memref<100000xf32, #tpu.memory_space<vmem_shared>>) target(%dma_start3A_119 : memref<512xf32, #tpu.memory_space<vmem>>) offsets(%dma_start3A_121 : memref<512xi32, #tpu.memory_space<vmem>>) semaphore(%arg10 : memref<!tpu.dma_semaphore, #tpu.memory_space<semaphore_mem>>)
    %dma_start3A_124 = arith.constant 10240 : i32
    %dma_start3A_125 = tpu.memref_slice %arg6[%dma_start3A_124] : memref<25600xf32, #tpu.memory_space<vmem>> -> memref<512xf32, #tpu.memory_space<vmem>>
    %dma_start3A_126 = arith.constant 10240 : i32
    %dma_start3A_127 = tpu.memref_slice %arg5[%dma_start3A_126] : memref<25600xi32, #tpu.memory_space<vmem>> -> memref<512xi32, #tpu.memory_space<vmem>>
    %dma_start3A_128 = arith.constant 0 : i32
    %dma_start3A_129 = tpu.memref_slice %arg8[%dma_start3A_128] : memref<100000xf32, #tpu.memory_space<vmem_shared>> -> memref<100000xf32, #tpu.memory_space<vmem_shared>>
    tpu.enqueue_indirect_dma source(%dma_start3A_129 : memref<100000xf32, #tpu.memory_space<vmem_shared>>) target(%dma_start3A_125 : memref<512xf32, #tpu.memory_space<vmem>>) offsets(%dma_start3A_127 : memref<512xi32, #tpu.memory_space<vmem>>) semaphore(%arg11 : memref<!tpu.dma_semaphore, #tpu.memory_space<semaphore_mem>>)
    %dma_start3A_130 = arith.constant 10752 : i32
    %dma_start3A_131 = tpu.memref_slice %arg6[%dma_start3A_130] : memref<25600xf32, #tpu.memory_space<vmem>> -> memref<512xf32, #tpu.memory_space<vmem>>
    %dma_start3A_132 = arith.constant 10752 : i32
    %dma_start3A_133 = tpu.memref_slice %arg5[%dma_start3A_132] : memref<25600xi32, #tpu.memory_space<vmem>> -> memref<512xi32, #tpu.memory_space<vmem>>
    %dma_start3A_134 = arith.constant 0 : i32
    %dma_start3A_135 = tpu.memref_slice %arg8[%dma_start3A_134] : memref<100000xf32, #tpu.memory_space<vmem_shared>> -> memref<100000xf32, #tpu.memory_space<vmem_shared>>
    tpu.enqueue_indirect_dma source(%dma_start3A_135 : memref<100000xf32, #tpu.memory_space<vmem_shared>>) target(%dma_start3A_131 : memref<512xf32, #tpu.memory_space<vmem>>) offsets(%dma_start3A_133 : memref<512xi32, #tpu.memory_space<vmem>>) semaphore(%arg11 : memref<!tpu.dma_semaphore, #tpu.memory_space<semaphore_mem>>)
    %dma_start3A_136 = arith.constant 11264 : i32
    %dma_start3A_137 = tpu.memref_slice %arg6[%dma_start3A_136] : memref<25600xf32, #tpu.memory_space<vmem>> -> memref<512xf32, #tpu.memory_space<vmem>>
    %dma_start3A_138 = arith.constant 11264 : i32
    %dma_start3A_139 = tpu.memref_slice %arg5[%dma_start3A_138] : memref<25600xi32, #tpu.memory_space<vmem>> -> memref<512xi32, #tpu.memory_space<vmem>>
    %dma_start3A_140 = arith.constant 0 : i32
    %dma_start3A_141 = tpu.memref_slice %arg8[%dma_start3A_140] : memref<100000xf32, #tpu.memory_space<vmem_shared>> -> memref<100000xf32, #tpu.memory_space<vmem_shared>>
    tpu.enqueue_indirect_dma source(%dma_start3A_141 : memref<100000xf32, #tpu.memory_space<vmem_shared>>) target(%dma_start3A_137 : memref<512xf32, #tpu.memory_space<vmem>>) offsets(%dma_start3A_139 : memref<512xi32, #tpu.memory_space<vmem>>) semaphore(%arg11 : memref<!tpu.dma_semaphore, #tpu.memory_space<semaphore_mem>>)
    %dma_start3A_142 = arith.constant 11776 : i32
    %dma_start3A_143 = tpu.memref_slice %arg6[%dma_start3A_142] : memref<25600xf32, #tpu.memory_space<vmem>> -> memref<512xf32, #tpu.memory_space<vmem>>
    %dma_start3A_144 = arith.constant 11776 : i32
    %dma_start3A_145 = tpu.memref_slice %arg5[%dma_start3A_144] : memref<25600xi32, #tpu.memory_space<vmem>> -> memref<512xi32, #tpu.memory_space<vmem>>
    %dma_start3A_146 = arith.constant 0 : i32
    %dma_start3A_147 = tpu.memref_slice %arg8[%dma_start3A_146] : memref<100000xf32, #tpu.memory_space<vmem_shared>> -> memref<100000xf32, #tpu.memory_space<vmem_shared>>
    tpu.enqueue_indirect_dma source(%dma_start3A_147 : memref<100000xf32, #tpu.memory_space<vmem_shared>>) target(%dma_start3A_143 : memref<512xf32, #tpu.memory_space<vmem>>) offsets(%dma_start3A_145 : memref<512xi32, #tpu.memory_space<vmem>>) semaphore(%arg11 : memref<!tpu.dma_semaphore, #tpu.memory_space<semaphore_mem>>)
    %dma_start3A_148 = arith.constant 12288 : i32
    %dma_start3A_149 = tpu.memref_slice %arg6[%dma_start3A_148] : memref<25600xf32, #tpu.memory_space<vmem>> -> memref<512xf32, #tpu.memory_space<vmem>>
    %dma_start3A_150 = arith.constant 12288 : i32
    %dma_start3A_151 = tpu.memref_slice %arg5[%dma_start3A_150] : memref<25600xi32, #tpu.memory_space<vmem>> -> memref<512xi32, #tpu.memory_space<vmem>>
    %dma_start3A_152 = arith.constant 0 : i32
    %dma_start3A_153 = tpu.memref_slice %arg8[%dma_start3A_152] : memref<100000xf32, #tpu.memory_space<vmem_shared>> -> memref<100000xf32, #tpu.memory_space<vmem_shared>>
    tpu.enqueue_indirect_dma source(%dma_start3A_153 : memref<100000xf32, #tpu.memory_space<vmem_shared>>) target(%dma_start3A_149 : memref<512xf32, #tpu.memory_space<vmem>>) offsets(%dma_start3A_151 : memref<512xi32, #tpu.memory_space<vmem>>) semaphore(%arg11 : memref<!tpu.dma_semaphore, #tpu.memory_space<semaphore_mem>>)
    %dma_start3A_154 = arith.constant 12800 : i32
    %dma_start3A_155 = tpu.memref_slice %arg6[%dma_start3A_154] : memref<25600xf32, #tpu.memory_space<vmem>> -> memref<512xf32, #tpu.memory_space<vmem>>
    %dma_start3A_156 = arith.constant 12800 : i32
    %dma_start3A_157 = tpu.memref_slice %arg5[%dma_start3A_156] : memref<25600xi32, #tpu.memory_space<vmem>> -> memref<512xi32, #tpu.memory_space<vmem>>
    %dma_start3A_158 = arith.constant 0 : i32
    %dma_start3A_159 = tpu.memref_slice %arg8[%dma_start3A_158] : memref<100000xf32, #tpu.memory_space<vmem_shared>> -> memref<100000xf32, #tpu.memory_space<vmem_shared>>
    tpu.enqueue_indirect_dma source(%dma_start3A_159 : memref<100000xf32, #tpu.memory_space<vmem_shared>>) target(%dma_start3A_155 : memref<512xf32, #tpu.memory_space<vmem>>) offsets(%dma_start3A_157 : memref<512xi32, #tpu.memory_space<vmem>>) semaphore(%arg11 : memref<!tpu.dma_semaphore, #tpu.memory_space<semaphore_mem>>)
    %dma_start3A_160 = arith.constant 13312 : i32
    %dma_start3A_161 = tpu.memref_slice %arg6[%dma_start3A_160] : memref<25600xf32, #tpu.memory_space<vmem>> -> memref<512xf32, #tpu.memory_space<vmem>>
    %dma_start3A_162 = arith.constant 13312 : i32
    %dma_start3A_163 = tpu.memref_slice %arg5[%dma_start3A_162] : memref<25600xi32, #tpu.memory_space<vmem>> -> memref<512xi32, #tpu.memory_space<vmem>>
    %dma_start3A_164 = arith.constant 0 : i32
    %dma_start3A_165 = tpu.memref_slice %arg8[%dma_start3A_164] : memref<100000xf32, #tpu.memory_space<vmem_shared>> -> memref<100000xf32, #tpu.memory_space<vmem_shared>>
    tpu.enqueue_indirect_dma source(%dma_start3A_165 : memref<100000xf32, #tpu.memory_space<vmem_shared>>) target(%dma_start3A_161 : memref<512xf32, #tpu.memory_space<vmem>>) offsets(%dma_start3A_163 : memref<512xi32, #tpu.memory_space<vmem>>) semaphore(%arg11 : memref<!tpu.dma_semaphore, #tpu.memory_space<semaphore_mem>>)
    %dma_start3A_166 = arith.constant 13824 : i32
    %dma_start3A_167 = tpu.memref_slice %arg6[%dma_start3A_166] : memref<25600xf32, #tpu.memory_space<vmem>> -> memref<512xf32, #tpu.memory_space<vmem>>
    %dma_start3A_168 = arith.constant 13824 : i32
    %dma_start3A_169 = tpu.memref_slice %arg5[%dma_start3A_168] : memref<25600xi32, #tpu.memory_space<vmem>> -> memref<512xi32, #tpu.memory_space<vmem>>
    %dma_start3A_170 = arith.constant 0 : i32
    %dma_start3A_171 = tpu.memref_slice %arg8[%dma_start3A_170] : memref<100000xf32, #tpu.memory_space<vmem_shared>> -> memref<100000xf32, #tpu.memory_space<vmem_shared>>
    tpu.enqueue_indirect_dma source(%dma_start3A_171 : memref<100000xf32, #tpu.memory_space<vmem_shared>>) target(%dma_start3A_167 : memref<512xf32, #tpu.memory_space<vmem>>) offsets(%dma_start3A_169 : memref<512xi32, #tpu.memory_space<vmem>>) semaphore(%arg11 : memref<!tpu.dma_semaphore, #tpu.memory_space<semaphore_mem>>)
    %dma_start3A_172 = arith.constant 14336 : i32
    %dma_start3A_173 = tpu.memref_slice %arg6[%dma_start3A_172] : memref<25600xf32, #tpu.memory_space<vmem>> -> memref<512xf32, #tpu.memory_space<vmem>>
    %dma_start3A_174 = arith.constant 14336 : i32
    %dma_start3A_175 = tpu.memref_slice %arg5[%dma_start3A_174] : memref<25600xi32, #tpu.memory_space<vmem>> -> memref<512xi32, #tpu.memory_space<vmem>>
    %dma_start3A_176 = arith.constant 0 : i32
    %dma_start3A_177 = tpu.memref_slice %arg8[%dma_start3A_176] : memref<100000xf32, #tpu.memory_space<vmem_shared>> -> memref<100000xf32, #tpu.memory_space<vmem_shared>>
    tpu.enqueue_indirect_dma source(%dma_start3A_177 : memref<100000xf32, #tpu.memory_space<vmem_shared>>) target(%dma_start3A_173 : memref<512xf32, #tpu.memory_space<vmem>>) offsets(%dma_start3A_175 : memref<512xi32, #tpu.memory_space<vmem>>) semaphore(%arg11 : memref<!tpu.dma_semaphore, #tpu.memory_space<semaphore_mem>>)
    %dma_start3A_178 = arith.constant 14848 : i32
    %dma_start3A_179 = tpu.memref_slice %arg6[%dma_start3A_178] : memref<25600xf32, #tpu.memory_space<vmem>> -> memref<512xf32, #tpu.memory_space<vmem>>
    %dma_start3A_180 = arith.constant 14848 : i32
    %dma_start3A_181 = tpu.memref_slice %arg5[%dma_start3A_180] : memref<25600xi32, #tpu.memory_space<vmem>> -> memref<512xi32, #tpu.memory_space<vmem>>
    %dma_start3A_182 = arith.constant 0 : i32
    %dma_start3A_183 = tpu.memref_slice %arg8[%dma_start3A_182] : memref<100000xf32, #tpu.memory_space<vmem_shared>> -> memref<100000xf32, #tpu.memory_space<vmem_shared>>
    tpu.enqueue_indirect_dma source(%dma_start3A_183 : memref<100000xf32, #tpu.memory_space<vmem_shared>>) target(%dma_start3A_179 : memref<512xf32, #tpu.memory_space<vmem>>) offsets(%dma_start3A_181 : memref<512xi32, #tpu.memory_space<vmem>>) semaphore(%arg11 : memref<!tpu.dma_semaphore, #tpu.memory_space<semaphore_mem>>)
    %dma_start3A_184 = arith.constant 15360 : i32
    %dma_start3A_185 = tpu.memref_slice %arg6[%dma_start3A_184] : memref<25600xf32, #tpu.memory_space<vmem>> -> memref<512xf32, #tpu.memory_space<vmem>>
    %dma_start3A_186 = arith.constant 15360 : i32
    %dma_start3A_187 = tpu.memref_slice %arg5[%dma_start3A_186] : memref<25600xi32, #tpu.memory_space<vmem>> -> memref<512xi32, #tpu.memory_space<vmem>>
    %dma_start3A_188 = arith.constant 0 : i32
    %dma_start3A_189 = tpu.memref_slice %arg8[%dma_start3A_188] : memref<100000xf32, #tpu.memory_space<vmem_shared>> -> memref<100000xf32, #tpu.memory_space<vmem_shared>>
    tpu.enqueue_indirect_dma source(%dma_start3A_189 : memref<100000xf32, #tpu.memory_space<vmem_shared>>) target(%dma_start3A_185 : memref<512xf32, #tpu.memory_space<vmem>>) offsets(%dma_start3A_187 : memref<512xi32, #tpu.memory_space<vmem>>) semaphore(%arg12 : memref<!tpu.dma_semaphore, #tpu.memory_space<semaphore_mem>>)
    %dma_start3A_190 = arith.constant 15872 : i32
    %dma_start3A_191 = tpu.memref_slice %arg6[%dma_start3A_190] : memref<25600xf32, #tpu.memory_space<vmem>> -> memref<512xf32, #tpu.memory_space<vmem>>
    %dma_start3A_192 = arith.constant 15872 : i32
    %dma_start3A_193 = tpu.memref_slice %arg5[%dma_start3A_192] : memref<25600xi32, #tpu.memory_space<vmem>> -> memref<512xi32, #tpu.memory_space<vmem>>
    %dma_start3A_194 = arith.constant 0 : i32
    %dma_start3A_195 = tpu.memref_slice %arg8[%dma_start3A_194] : memref<100000xf32, #tpu.memory_space<vmem_shared>> -> memref<100000xf32, #tpu.memory_space<vmem_shared>>
    tpu.enqueue_indirect_dma source(%dma_start3A_195 : memref<100000xf32, #tpu.memory_space<vmem_shared>>) target(%dma_start3A_191 : memref<512xf32, #tpu.memory_space<vmem>>) offsets(%dma_start3A_193 : memref<512xi32, #tpu.memory_space<vmem>>) semaphore(%arg12 : memref<!tpu.dma_semaphore, #tpu.memory_space<semaphore_mem>>)
    %dma_start3A_196 = arith.constant 16384 : i32
    %dma_start3A_197 = tpu.memref_slice %arg6[%dma_start3A_196] : memref<25600xf32, #tpu.memory_space<vmem>> -> memref<512xf32, #tpu.memory_space<vmem>>
    %dma_start3A_198 = arith.constant 16384 : i32
    %dma_start3A_199 = tpu.memref_slice %arg5[%dma_start3A_198] : memref<25600xi32, #tpu.memory_space<vmem>> -> memref<512xi32, #tpu.memory_space<vmem>>
    %dma_start3A_200 = arith.constant 0 : i32
    %dma_start3A_201 = tpu.memref_slice %arg8[%dma_start3A_200] : memref<100000xf32, #tpu.memory_space<vmem_shared>> -> memref<100000xf32, #tpu.memory_space<vmem_shared>>
    tpu.enqueue_indirect_dma source(%dma_start3A_201 : memref<100000xf32, #tpu.memory_space<vmem_shared>>) target(%dma_start3A_197 : memref<512xf32, #tpu.memory_space<vmem>>) offsets(%dma_start3A_199 : memref<512xi32, #tpu.memory_space<vmem>>) semaphore(%arg12 : memref<!tpu.dma_semaphore, #tpu.memory_space<semaphore_mem>>)
    %dma_start3A_202 = arith.constant 16896 : i32
    %dma_start3A_203 = tpu.memref_slice %arg6[%dma_start3A_202] : memref<25600xf32, #tpu.memory_space<vmem>> -> memref<512xf32, #tpu.memory_space<vmem>>
    %dma_start3A_204 = arith.constant 16896 : i32
    %dma_start3A_205 = tpu.memref_slice %arg5[%dma_start3A_204] : memref<25600xi32, #tpu.memory_space<vmem>> -> memref<512xi32, #tpu.memory_space<vmem>>
    %dma_start3A_206 = arith.constant 0 : i32
    %dma_start3A_207 = tpu.memref_slice %arg8[%dma_start3A_206] : memref<100000xf32, #tpu.memory_space<vmem_shared>> -> memref<100000xf32, #tpu.memory_space<vmem_shared>>
    tpu.enqueue_indirect_dma source(%dma_start3A_207 : memref<100000xf32, #tpu.memory_space<vmem_shared>>) target(%dma_start3A_203 : memref<512xf32, #tpu.memory_space<vmem>>) offsets(%dma_start3A_205 : memref<512xi32, #tpu.memory_space<vmem>>) semaphore(%arg12 : memref<!tpu.dma_semaphore, #tpu.memory_space<semaphore_mem>>)
    %dma_start3A_208 = arith.constant 17408 : i32
    %dma_start3A_209 = tpu.memref_slice %arg6[%dma_start3A_208] : memref<25600xf32, #tpu.memory_space<vmem>> -> memref<512xf32, #tpu.memory_space<vmem>>
    %dma_start3A_210 = arith.constant 17408 : i32
    %dma_start3A_211 = tpu.memref_slice %arg5[%dma_start3A_210] : memref<25600xi32, #tpu.memory_space<vmem>> -> memref<512xi32, #tpu.memory_space<vmem>>
    %dma_start3A_212 = arith.constant 0 : i32
    %dma_start3A_213 = tpu.memref_slice %arg8[%dma_start3A_212] : memref<100000xf32, #tpu.memory_space<vmem_shared>> -> memref<100000xf32, #tpu.memory_space<vmem_shared>>
    tpu.enqueue_indirect_dma source(%dma_start3A_213 : memref<100000xf32, #tpu.memory_space<vmem_shared>>) target(%dma_start3A_209 : memref<512xf32, #tpu.memory_space<vmem>>) offsets(%dma_start3A_211 : memref<512xi32, #tpu.memory_space<vmem>>) semaphore(%arg12 : memref<!tpu.dma_semaphore, #tpu.memory_space<semaphore_mem>>)
    %dma_start3A_214 = arith.constant 17920 : i32
    %dma_start3A_215 = tpu.memref_slice %arg6[%dma_start3A_214] : memref<25600xf32, #tpu.memory_space<vmem>> -> memref<512xf32, #tpu.memory_space<vmem>>
    %dma_start3A_216 = arith.constant 17920 : i32
    %dma_start3A_217 = tpu.memref_slice %arg5[%dma_start3A_216] : memref<25600xi32, #tpu.memory_space<vmem>> -> memref<512xi32, #tpu.memory_space<vmem>>
    %dma_start3A_218 = arith.constant 0 : i32
    %dma_start3A_219 = tpu.memref_slice %arg8[%dma_start3A_218] : memref<100000xf32, #tpu.memory_space<vmem_shared>> -> memref<100000xf32, #tpu.memory_space<vmem_shared>>
    tpu.enqueue_indirect_dma source(%dma_start3A_219 : memref<100000xf32, #tpu.memory_space<vmem_shared>>) target(%dma_start3A_215 : memref<512xf32, #tpu.memory_space<vmem>>) offsets(%dma_start3A_217 : memref<512xi32, #tpu.memory_space<vmem>>) semaphore(%arg12 : memref<!tpu.dma_semaphore, #tpu.memory_space<semaphore_mem>>)
    %dma_start3A_220 = arith.constant 18432 : i32
    %dma_start3A_221 = tpu.memref_slice %arg6[%dma_start3A_220] : memref<25600xf32, #tpu.memory_space<vmem>> -> memref<512xf32, #tpu.memory_space<vmem>>
    %dma_start3A_222 = arith.constant 18432 : i32
    %dma_start3A_223 = tpu.memref_slice %arg5[%dma_start3A_222] : memref<25600xi32, #tpu.memory_space<vmem>> -> memref<512xi32, #tpu.memory_space<vmem>>
    %dma_start3A_224 = arith.constant 0 : i32
    %dma_start3A_225 = tpu.memref_slice %arg8[%dma_start3A_224] : memref<100000xf32, #tpu.memory_space<vmem_shared>> -> memref<100000xf32, #tpu.memory_space<vmem_shared>>
    tpu.enqueue_indirect_dma source(%dma_start3A_225 : memref<100000xf32, #tpu.memory_space<vmem_shared>>) target(%dma_start3A_221 : memref<512xf32, #tpu.memory_space<vmem>>) offsets(%dma_start3A_223 : memref<512xi32, #tpu.memory_space<vmem>>) semaphore(%arg12 : memref<!tpu.dma_semaphore, #tpu.memory_space<semaphore_mem>>)
    %dma_start3A_226 = arith.constant 18944 : i32
    %dma_start3A_227 = tpu.memref_slice %arg6[%dma_start3A_226] : memref<25600xf32, #tpu.memory_space<vmem>> -> memref<512xf32, #tpu.memory_space<vmem>>
    %dma_start3A_228 = arith.constant 18944 : i32
    %dma_start3A_229 = tpu.memref_slice %arg5[%dma_start3A_228] : memref<25600xi32, #tpu.memory_space<vmem>> -> memref<512xi32, #tpu.memory_space<vmem>>
    %dma_start3A_230 = arith.constant 0 : i32
    %dma_start3A_231 = tpu.memref_slice %arg8[%dma_start3A_230] : memref<100000xf32, #tpu.memory_space<vmem_shared>> -> memref<100000xf32, #tpu.memory_space<vmem_shared>>
    tpu.enqueue_indirect_dma source(%dma_start3A_231 : memref<100000xf32, #tpu.memory_space<vmem_shared>>) target(%dma_start3A_227 : memref<512xf32, #tpu.memory_space<vmem>>) offsets(%dma_start3A_229 : memref<512xi32, #tpu.memory_space<vmem>>) semaphore(%arg12 : memref<!tpu.dma_semaphore, #tpu.memory_space<semaphore_mem>>)
    %dma_start3A_232 = arith.constant 19456 : i32
    %dma_start3A_233 = tpu.memref_slice %arg6[%dma_start3A_232] : memref<25600xf32, #tpu.memory_space<vmem>> -> memref<512xf32, #tpu.memory_space<vmem>>
    %dma_start3A_234 = arith.constant 19456 : i32
    %dma_start3A_235 = tpu.memref_slice %arg5[%dma_start3A_234] : memref<25600xi32, #tpu.memory_space<vmem>> -> memref<512xi32, #tpu.memory_space<vmem>>
    %dma_start3A_236 = arith.constant 0 : i32
    %dma_start3A_237 = tpu.memref_slice %arg8[%dma_start3A_236] : memref<100000xf32, #tpu.memory_space<vmem_shared>> -> memref<100000xf32, #tpu.memory_space<vmem_shared>>
    tpu.enqueue_indirect_dma source(%dma_start3A_237 : memref<100000xf32, #tpu.memory_space<vmem_shared>>) target(%dma_start3A_233 : memref<512xf32, #tpu.memory_space<vmem>>) offsets(%dma_start3A_235 : memref<512xi32, #tpu.memory_space<vmem>>) semaphore(%arg12 : memref<!tpu.dma_semaphore, #tpu.memory_space<semaphore_mem>>)
    %dma_start3A_238 = arith.constant 19968 : i32
    %dma_start3A_239 = tpu.memref_slice %arg6[%dma_start3A_238] : memref<25600xf32, #tpu.memory_space<vmem>> -> memref<512xf32, #tpu.memory_space<vmem>>
    %dma_start3A_240 = arith.constant 19968 : i32
    %dma_start3A_241 = tpu.memref_slice %arg5[%dma_start3A_240] : memref<25600xi32, #tpu.memory_space<vmem>> -> memref<512xi32, #tpu.memory_space<vmem>>
    %dma_start3A_242 = arith.constant 0 : i32
    %dma_start3A_243 = tpu.memref_slice %arg8[%dma_start3A_242] : memref<100000xf32, #tpu.memory_space<vmem_shared>> -> memref<100000xf32, #tpu.memory_space<vmem_shared>>
    tpu.enqueue_indirect_dma source(%dma_start3A_243 : memref<100000xf32, #tpu.memory_space<vmem_shared>>) target(%dma_start3A_239 : memref<512xf32, #tpu.memory_space<vmem>>) offsets(%dma_start3A_241 : memref<512xi32, #tpu.memory_space<vmem>>) semaphore(%arg12 : memref<!tpu.dma_semaphore, #tpu.memory_space<semaphore_mem>>)
    %dma_start3A_244 = arith.constant 20480 : i32
    %dma_start3A_245 = tpu.memref_slice %arg6[%dma_start3A_244] : memref<25600xf32, #tpu.memory_space<vmem>> -> memref<512xf32, #tpu.memory_space<vmem>>
    %dma_start3A_246 = arith.constant 20480 : i32
    %dma_start3A_247 = tpu.memref_slice %arg5[%dma_start3A_246] : memref<25600xi32, #tpu.memory_space<vmem>> -> memref<512xi32, #tpu.memory_space<vmem>>
    %dma_start3A_248 = arith.constant 0 : i32
    %dma_start3A_249 = tpu.memref_slice %arg8[%dma_start3A_248] : memref<100000xf32, #tpu.memory_space<vmem_shared>> -> memref<100000xf32, #tpu.memory_space<vmem_shared>>
    tpu.enqueue_indirect_dma source(%dma_start3A_249 : memref<100000xf32, #tpu.memory_space<vmem_shared>>) target(%dma_start3A_245 : memref<512xf32, #tpu.memory_space<vmem>>) offsets(%dma_start3A_247 : memref<512xi32, #tpu.memory_space<vmem>>) semaphore(%arg13 : memref<!tpu.dma_semaphore, #tpu.memory_space<semaphore_mem>>)
    %dma_start3A_250 = arith.constant 20992 : i32
    %dma_start3A_251 = tpu.memref_slice %arg6[%dma_start3A_250] : memref<25600xf32, #tpu.memory_space<vmem>> -> memref<512xf32, #tpu.memory_space<vmem>>
    %dma_start3A_252 = arith.constant 20992 : i32
    %dma_start3A_253 = tpu.memref_slice %arg5[%dma_start3A_252] : memref<25600xi32, #tpu.memory_space<vmem>> -> memref<512xi32, #tpu.memory_space<vmem>>
    %dma_start3A_254 = arith.constant 0 : i32
    %dma_start3A_255 = tpu.memref_slice %arg8[%dma_start3A_254] : memref<100000xf32, #tpu.memory_space<vmem_shared>> -> memref<100000xf32, #tpu.memory_space<vmem_shared>>
    tpu.enqueue_indirect_dma source(%dma_start3A_255 : memref<100000xf32, #tpu.memory_space<vmem_shared>>) target(%dma_start3A_251 : memref<512xf32, #tpu.memory_space<vmem>>) offsets(%dma_start3A_253 : memref<512xi32, #tpu.memory_space<vmem>>) semaphore(%arg13 : memref<!tpu.dma_semaphore, #tpu.memory_space<semaphore_mem>>)
    %dma_start3A_256 = arith.constant 21504 : i32
    %dma_start3A_257 = tpu.memref_slice %arg6[%dma_start3A_256] : memref<25600xf32, #tpu.memory_space<vmem>> -> memref<512xf32, #tpu.memory_space<vmem>>
    %dma_start3A_258 = arith.constant 21504 : i32
    %dma_start3A_259 = tpu.memref_slice %arg5[%dma_start3A_258] : memref<25600xi32, #tpu.memory_space<vmem>> -> memref<512xi32, #tpu.memory_space<vmem>>
    %dma_start3A_260 = arith.constant 0 : i32
    %dma_start3A_261 = tpu.memref_slice %arg8[%dma_start3A_260] : memref<100000xf32, #tpu.memory_space<vmem_shared>> -> memref<100000xf32, #tpu.memory_space<vmem_shared>>
    tpu.enqueue_indirect_dma source(%dma_start3A_261 : memref<100000xf32, #tpu.memory_space<vmem_shared>>) target(%dma_start3A_257 : memref<512xf32, #tpu.memory_space<vmem>>) offsets(%dma_start3A_259 : memref<512xi32, #tpu.memory_space<vmem>>) semaphore(%arg13 : memref<!tpu.dma_semaphore, #tpu.memory_space<semaphore_mem>>)
    %dma_start3A_262 = arith.constant 22016 : i32
    %dma_start3A_263 = tpu.memref_slice %arg6[%dma_start3A_262] : memref<25600xf32, #tpu.memory_space<vmem>> -> memref<512xf32, #tpu.memory_space<vmem>>
    %dma_start3A_264 = arith.constant 22016 : i32
    %dma_start3A_265 = tpu.memref_slice %arg5[%dma_start3A_264] : memref<25600xi32, #tpu.memory_space<vmem>> -> memref<512xi32, #tpu.memory_space<vmem>>
    %dma_start3A_266 = arith.constant 0 : i32
    %dma_start3A_267 = tpu.memref_slice %arg8[%dma_start3A_266] : memref<100000xf32, #tpu.memory_space<vmem_shared>> -> memref<100000xf32, #tpu.memory_space<vmem_shared>>
    tpu.enqueue_indirect_dma source(%dma_start3A_267 : memref<100000xf32, #tpu.memory_space<vmem_shared>>) target(%dma_start3A_263 : memref<512xf32, #tpu.memory_space<vmem>>) offsets(%dma_start3A_265 : memref<512xi32, #tpu.memory_space<vmem>>) semaphore(%arg13 : memref<!tpu.dma_semaphore, #tpu.memory_space<semaphore_mem>>)
    %dma_start3A_268 = arith.constant 22528 : i32
    %dma_start3A_269 = tpu.memref_slice %arg6[%dma_start3A_268] : memref<25600xf32, #tpu.memory_space<vmem>> -> memref<512xf32, #tpu.memory_space<vmem>>
    %dma_start3A_270 = arith.constant 22528 : i32
    %dma_start3A_271 = tpu.memref_slice %arg5[%dma_start3A_270] : memref<25600xi32, #tpu.memory_space<vmem>> -> memref<512xi32, #tpu.memory_space<vmem>>
    %dma_start3A_272 = arith.constant 0 : i32
    %dma_start3A_273 = tpu.memref_slice %arg8[%dma_start3A_272] : memref<100000xf32, #tpu.memory_space<vmem_shared>> -> memref<100000xf32, #tpu.memory_space<vmem_shared>>
    tpu.enqueue_indirect_dma source(%dma_start3A_273 : memref<100000xf32, #tpu.memory_space<vmem_shared>>) target(%dma_start3A_269 : memref<512xf32, #tpu.memory_space<vmem>>) offsets(%dma_start3A_271 : memref<512xi32, #tpu.memory_space<vmem>>) semaphore(%arg13 : memref<!tpu.dma_semaphore, #tpu.memory_space<semaphore_mem>>)
    %dma_start3A_274 = arith.constant 23040 : i32
    %dma_start3A_275 = tpu.memref_slice %arg6[%dma_start3A_274] : memref<25600xf32, #tpu.memory_space<vmem>> -> memref<512xf32, #tpu.memory_space<vmem>>
    %dma_start3A_276 = arith.constant 23040 : i32
    %dma_start3A_277 = tpu.memref_slice %arg5[%dma_start3A_276] : memref<25600xi32, #tpu.memory_space<vmem>> -> memref<512xi32, #tpu.memory_space<vmem>>
    %dma_start3A_278 = arith.constant 0 : i32
    %dma_start3A_279 = tpu.memref_slice %arg8[%dma_start3A_278] : memref<100000xf32, #tpu.memory_space<vmem_shared>> -> memref<100000xf32, #tpu.memory_space<vmem_shared>>
    tpu.enqueue_indirect_dma source(%dma_start3A_279 : memref<100000xf32, #tpu.memory_space<vmem_shared>>) target(%dma_start3A_275 : memref<512xf32, #tpu.memory_space<vmem>>) offsets(%dma_start3A_277 : memref<512xi32, #tpu.memory_space<vmem>>) semaphore(%arg13 : memref<!tpu.dma_semaphore, #tpu.memory_space<semaphore_mem>>)
    %dma_start3A_280 = arith.constant 23552 : i32
    %dma_start3A_281 = tpu.memref_slice %arg6[%dma_start3A_280] : memref<25600xf32, #tpu.memory_space<vmem>> -> memref<512xf32, #tpu.memory_space<vmem>>
    %dma_start3A_282 = arith.constant 23552 : i32
    %dma_start3A_283 = tpu.memref_slice %arg5[%dma_start3A_282] : memref<25600xi32, #tpu.memory_space<vmem>> -> memref<512xi32, #tpu.memory_space<vmem>>
    %dma_start3A_284 = arith.constant 0 : i32
    %dma_start3A_285 = tpu.memref_slice %arg8[%dma_start3A_284] : memref<100000xf32, #tpu.memory_space<vmem_shared>> -> memref<100000xf32, #tpu.memory_space<vmem_shared>>
    tpu.enqueue_indirect_dma source(%dma_start3A_285 : memref<100000xf32, #tpu.memory_space<vmem_shared>>) target(%dma_start3A_281 : memref<512xf32, #tpu.memory_space<vmem>>) offsets(%dma_start3A_283 : memref<512xi32, #tpu.memory_space<vmem>>) semaphore(%arg13 : memref<!tpu.dma_semaphore, #tpu.memory_space<semaphore_mem>>)
    %dma_start3A_286 = arith.constant 24064 : i32
    %dma_start3A_287 = tpu.memref_slice %arg6[%dma_start3A_286] : memref<25600xf32, #tpu.memory_space<vmem>> -> memref<512xf32, #tpu.memory_space<vmem>>
    %dma_start3A_288 = arith.constant 24064 : i32
    %dma_start3A_289 = tpu.memref_slice %arg5[%dma_start3A_288] : memref<25600xi32, #tpu.memory_space<vmem>> -> memref<512xi32, #tpu.memory_space<vmem>>
    %dma_start3A_290 = arith.constant 0 : i32
    %dma_start3A_291 = tpu.memref_slice %arg8[%dma_start3A_290] : memref<100000xf32, #tpu.memory_space<vmem_shared>> -> memref<100000xf32, #tpu.memory_space<vmem_shared>>
    tpu.enqueue_indirect_dma source(%dma_start3A_291 : memref<100000xf32, #tpu.memory_space<vmem_shared>>) target(%dma_start3A_287 : memref<512xf32, #tpu.memory_space<vmem>>) offsets(%dma_start3A_289 : memref<512xi32, #tpu.memory_space<vmem>>) semaphore(%arg13 : memref<!tpu.dma_semaphore, #tpu.memory_space<semaphore_mem>>)
    %dma_start3A_292 = arith.constant 24576 : i32
    %dma_start3A_293 = tpu.memref_slice %arg6[%dma_start3A_292] : memref<25600xf32, #tpu.memory_space<vmem>> -> memref<512xf32, #tpu.memory_space<vmem>>
    %dma_start3A_294 = arith.constant 24576 : i32
    %dma_start3A_295 = tpu.memref_slice %arg5[%dma_start3A_294] : memref<25600xi32, #tpu.memory_space<vmem>> -> memref<512xi32, #tpu.memory_space<vmem>>
    %dma_start3A_296 = arith.constant 0 : i32
    %dma_start3A_297 = tpu.memref_slice %arg8[%dma_start3A_296] : memref<100000xf32, #tpu.memory_space<vmem_shared>> -> memref<100000xf32, #tpu.memory_space<vmem_shared>>
    tpu.enqueue_indirect_dma source(%dma_start3A_297 : memref<100000xf32, #tpu.memory_space<vmem_shared>>) target(%dma_start3A_293 : memref<512xf32, #tpu.memory_space<vmem>>) offsets(%dma_start3A_295 : memref<512xi32, #tpu.memory_space<vmem>>) semaphore(%arg13 : memref<!tpu.dma_semaphore, #tpu.memory_space<semaphore_mem>>)
    %dma_start3A_298 = arith.constant 25088 : i32
    %dma_start3A_299 = tpu.memref_slice %arg6[%dma_start3A_298] : memref<25600xf32, #tpu.memory_space<vmem>> -> memref<512xf32, #tpu.memory_space<vmem>>
    %dma_start3A_300 = arith.constant 25088 : i32
    %dma_start3A_301 = tpu.memref_slice %arg5[%dma_start3A_300] : memref<25600xi32, #tpu.memory_space<vmem>> -> memref<512xi32, #tpu.memory_space<vmem>>
    %dma_start3A_302 = arith.constant 0 : i32
    %dma_start3A_303 = tpu.memref_slice %arg8[%dma_start3A_302] : memref<100000xf32, #tpu.memory_space<vmem_shared>> -> memref<100000xf32, #tpu.memory_space<vmem_shared>>
    tpu.enqueue_indirect_dma source(%dma_start3A_303 : memref<100000xf32, #tpu.memory_space<vmem_shared>>) target(%dma_start3A_299 : memref<512xf32, #tpu.memory_space<vmem>>) offsets(%dma_start3A_301 : memref<512xi32, #tpu.memory_space<vmem>>) semaphore(%arg13 : memref<!tpu.dma_semaphore, #tpu.memory_space<semaphore_mem>>)
    %dma_wait3A = arith.constant 0 : i32
    %dma_wait3A_304 = tpu.memref_slice %arg6[%dma_wait3A] : memref<25600xf32, #tpu.memory_space<vmem>> -> memref<512xf32, #tpu.memory_space<vmem>>
    %dma_wait3A_305 = arith.constant 0 : i32
    %dma_wait3A_306 = tpu.memref_slice %arg5[%dma_wait3A_305] : memref<25600xi32, #tpu.memory_space<vmem>> -> memref<512xi32, #tpu.memory_space<vmem>>
    %dma_wait3A_307 = arith.constant 0 : i32
    %dma_wait3A_308 = tpu.memref_slice %arg8[%dma_wait3A_307] : memref<100000xf32, #tpu.memory_space<vmem_shared>> -> memref<100000xf32, #tpu.memory_space<vmem_shared>>
    tpu.wait_indirect_dma semaphore(%arg9 : memref<!tpu.dma_semaphore, #tpu.memory_space<semaphore_mem>>) src(%dma_wait3A_308 : memref<100000xf32, #tpu.memory_space<vmem_shared>>) dst(%dma_wait3A_304 : memref<512xf32, #tpu.memory_space<vmem>>)
    %dma_wait3A_309 = arith.constant 512 : i32
    %dma_wait3A_310 = tpu.memref_slice %arg6[%dma_wait3A_309] : memref<25600xf32, #tpu.memory_space<vmem>> -> memref<512xf32, #tpu.memory_space<vmem>>
    %dma_wait3A_311 = arith.constant 512 : i32
    %dma_wait3A_312 = tpu.memref_slice %arg5[%dma_wait3A_311] : memref<25600xi32, #tpu.memory_space<vmem>> -> memref<512xi32, #tpu.memory_space<vmem>>
    %dma_wait3A_313 = arith.constant 0 : i32
    %dma_wait3A_314 = tpu.memref_slice %arg8[%dma_wait3A_313] : memref<100000xf32, #tpu.memory_space<vmem_shared>> -> memref<100000xf32, #tpu.memory_space<vmem_shared>>
    tpu.wait_indirect_dma semaphore(%arg9 : memref<!tpu.dma_semaphore, #tpu.memory_space<semaphore_mem>>) src(%dma_wait3A_314 : memref<100000xf32, #tpu.memory_space<vmem_shared>>) dst(%dma_wait3A_310 : memref<512xf32, #tpu.memory_space<vmem>>)
    %dma_wait3A_315 = arith.constant 1024 : i32
    %dma_wait3A_316 = tpu.memref_slice %arg6[%dma_wait3A_315] : memref<25600xf32, #tpu.memory_space<vmem>> -> memref<512xf32, #tpu.memory_space<vmem>>
    %dma_wait3A_317 = arith.constant 1024 : i32
    %dma_wait3A_318 = tpu.memref_slice %arg5[%dma_wait3A_317] : memref<25600xi32, #tpu.memory_space<vmem>> -> memref<512xi32, #tpu.memory_space<vmem>>
    %dma_wait3A_319 = arith.constant 0 : i32
    %dma_wait3A_320 = tpu.memref_slice %arg8[%dma_wait3A_319] : memref<100000xf32, #tpu.memory_space<vmem_shared>> -> memref<100000xf32, #tpu.memory_space<vmem_shared>>
    tpu.wait_indirect_dma semaphore(%arg9 : memref<!tpu.dma_semaphore, #tpu.memory_space<semaphore_mem>>) src(%dma_wait3A_320 : memref<100000xf32, #tpu.memory_space<vmem_shared>>) dst(%dma_wait3A_316 : memref<512xf32, #tpu.memory_space<vmem>>)
    %dma_wait3A_321 = arith.constant 1536 : i32
    %dma_wait3A_322 = tpu.memref_slice %arg6[%dma_wait3A_321] : memref<25600xf32, #tpu.memory_space<vmem>> -> memref<512xf32, #tpu.memory_space<vmem>>
    %dma_wait3A_323 = arith.constant 1536 : i32
    %dma_wait3A_324 = tpu.memref_slice %arg5[%dma_wait3A_323] : memref<25600xi32, #tpu.memory_space<vmem>> -> memref<512xi32, #tpu.memory_space<vmem>>
    %dma_wait3A_325 = arith.constant 0 : i32
    %dma_wait3A_326 = tpu.memref_slice %arg8[%dma_wait3A_325] : memref<100000xf32, #tpu.memory_space<vmem_shared>> -> memref<100000xf32, #tpu.memory_space<vmem_shared>>
    tpu.wait_indirect_dma semaphore(%arg9 : memref<!tpu.dma_semaphore, #tpu.memory_space<semaphore_mem>>) src(%dma_wait3A_326 : memref<100000xf32, #tpu.memory_space<vmem_shared>>) dst(%dma_wait3A_322 : memref<512xf32, #tpu.memory_space<vmem>>)
    %dma_wait3A_327 = arith.constant 2048 : i32
    %dma_wait3A_328 = tpu.memref_slice %arg6[%dma_wait3A_327] : memref<25600xf32, #tpu.memory_space<vmem>> -> memref<512xf32, #tpu.memory_space<vmem>>
    %dma_wait3A_329 = arith.constant 2048 : i32
    %dma_wait3A_330 = tpu.memref_slice %arg5[%dma_wait3A_329] : memref<25600xi32, #tpu.memory_space<vmem>> -> memref<512xi32, #tpu.memory_space<vmem>>
    %dma_wait3A_331 = arith.constant 0 : i32
    %dma_wait3A_332 = tpu.memref_slice %arg8[%dma_wait3A_331] : memref<100000xf32, #tpu.memory_space<vmem_shared>> -> memref<100000xf32, #tpu.memory_space<vmem_shared>>
    tpu.wait_indirect_dma semaphore(%arg9 : memref<!tpu.dma_semaphore, #tpu.memory_space<semaphore_mem>>) src(%dma_wait3A_332 : memref<100000xf32, #tpu.memory_space<vmem_shared>>) dst(%dma_wait3A_328 : memref<512xf32, #tpu.memory_space<vmem>>)
    %dma_wait3A_333 = arith.constant 2560 : i32
    %dma_wait3A_334 = tpu.memref_slice %arg6[%dma_wait3A_333] : memref<25600xf32, #tpu.memory_space<vmem>> -> memref<512xf32, #tpu.memory_space<vmem>>
    %dma_wait3A_335 = arith.constant 2560 : i32
    %dma_wait3A_336 = tpu.memref_slice %arg5[%dma_wait3A_335] : memref<25600xi32, #tpu.memory_space<vmem>> -> memref<512xi32, #tpu.memory_space<vmem>>
    %dma_wait3A_337 = arith.constant 0 : i32
    %dma_wait3A_338 = tpu.memref_slice %arg8[%dma_wait3A_337] : memref<100000xf32, #tpu.memory_space<vmem_shared>> -> memref<100000xf32, #tpu.memory_space<vmem_shared>>
    tpu.wait_indirect_dma semaphore(%arg9 : memref<!tpu.dma_semaphore, #tpu.memory_space<semaphore_mem>>) src(%dma_wait3A_338 : memref<100000xf32, #tpu.memory_space<vmem_shared>>) dst(%dma_wait3A_334 : memref<512xf32, #tpu.memory_space<vmem>>)
    %dma_wait3A_339 = arith.constant 3072 : i32
    %dma_wait3A_340 = tpu.memref_slice %arg6[%dma_wait3A_339] : memref<25600xf32, #tpu.memory_space<vmem>> -> memref<512xf32, #tpu.memory_space<vmem>>
    %dma_wait3A_341 = arith.constant 3072 : i32
    %dma_wait3A_342 = tpu.memref_slice %arg5[%dma_wait3A_341] : memref<25600xi32, #tpu.memory_space<vmem>> -> memref<512xi32, #tpu.memory_space<vmem>>
    %dma_wait3A_343 = arith.constant 0 : i32
    %dma_wait3A_344 = tpu.memref_slice %arg8[%dma_wait3A_343] : memref<100000xf32, #tpu.memory_space<vmem_shared>> -> memref<100000xf32, #tpu.memory_space<vmem_shared>>
    tpu.wait_indirect_dma semaphore(%arg9 : memref<!tpu.dma_semaphore, #tpu.memory_space<semaphore_mem>>) src(%dma_wait3A_344 : memref<100000xf32, #tpu.memory_space<vmem_shared>>) dst(%dma_wait3A_340 : memref<512xf32, #tpu.memory_space<vmem>>)
    %dma_wait3A_345 = arith.constant 3584 : i32
    %dma_wait3A_346 = tpu.memref_slice %arg6[%dma_wait3A_345] : memref<25600xf32, #tpu.memory_space<vmem>> -> memref<512xf32, #tpu.memory_space<vmem>>
    %dma_wait3A_347 = arith.constant 3584 : i32
    %dma_wait3A_348 = tpu.memref_slice %arg5[%dma_wait3A_347] : memref<25600xi32, #tpu.memory_space<vmem>> -> memref<512xi32, #tpu.memory_space<vmem>>
    %dma_wait3A_349 = arith.constant 0 : i32
    %dma_wait3A_350 = tpu.memref_slice %arg8[%dma_wait3A_349] : memref<100000xf32, #tpu.memory_space<vmem_shared>> -> memref<100000xf32, #tpu.memory_space<vmem_shared>>
    tpu.wait_indirect_dma semaphore(%arg9 : memref<!tpu.dma_semaphore, #tpu.memory_space<semaphore_mem>>) src(%dma_wait3A_350 : memref<100000xf32, #tpu.memory_space<vmem_shared>>) dst(%dma_wait3A_346 : memref<512xf32, #tpu.memory_space<vmem>>)
    %dma_wait3A_351 = arith.constant 4096 : i32
    %dma_wait3A_352 = tpu.memref_slice %arg6[%dma_wait3A_351] : memref<25600xf32, #tpu.memory_space<vmem>> -> memref<512xf32, #tpu.memory_space<vmem>>
    %dma_wait3A_353 = arith.constant 4096 : i32
    %dma_wait3A_354 = tpu.memref_slice %arg5[%dma_wait3A_353] : memref<25600xi32, #tpu.memory_space<vmem>> -> memref<512xi32, #tpu.memory_space<vmem>>
    %dma_wait3A_355 = arith.constant 0 : i32
    %dma_wait3A_356 = tpu.memref_slice %arg8[%dma_wait3A_355] : memref<100000xf32, #tpu.memory_space<vmem_shared>> -> memref<100000xf32, #tpu.memory_space<vmem_shared>>
    tpu.wait_indirect_dma semaphore(%arg9 : memref<!tpu.dma_semaphore, #tpu.memory_space<semaphore_mem>>) src(%dma_wait3A_356 : memref<100000xf32, #tpu.memory_space<vmem_shared>>) dst(%dma_wait3A_352 : memref<512xf32, #tpu.memory_space<vmem>>)
    %dma_wait3A_357 = arith.constant 4608 : i32
    %dma_wait3A_358 = tpu.memref_slice %arg6[%dma_wait3A_357] : memref<25600xf32, #tpu.memory_space<vmem>> -> memref<512xf32, #tpu.memory_space<vmem>>
    %dma_wait3A_359 = arith.constant 4608 : i32
    %dma_wait3A_360 = tpu.memref_slice %arg5[%dma_wait3A_359] : memref<25600xi32, #tpu.memory_space<vmem>> -> memref<512xi32, #tpu.memory_space<vmem>>
    %dma_wait3A_361 = arith.constant 0 : i32
    %dma_wait3A_362 = tpu.memref_slice %arg8[%dma_wait3A_361] : memref<100000xf32, #tpu.memory_space<vmem_shared>> -> memref<100000xf32, #tpu.memory_space<vmem_shared>>
    tpu.wait_indirect_dma semaphore(%arg9 : memref<!tpu.dma_semaphore, #tpu.memory_space<semaphore_mem>>) src(%dma_wait3A_362 : memref<100000xf32, #tpu.memory_space<vmem_shared>>) dst(%dma_wait3A_358 : memref<512xf32, #tpu.memory_space<vmem>>)
    %scan3A = arith.constant 0 : i32
    %scan3A_363 = arith.constant 0 : i32
    %scan3A_364 = arith.constant 32 : i32
    %scan3A_365 = arith.addi %scan3A_363, %scan3A_364 : i32
    %scan3A_366 = arith.constant 1 : i32
    scf.for %scan3A_632 = %scan3A_363 to %scan3A_365 step %scan3A_366  : i32 {
      %mul3A_633 = arith.constant 16 : i32
      %mul3A_634 = arith.muli %scan3A_632, %mul3A_633 : i32
      %broadcast_in_dim3A = arith.constant 0.000000e+00 : f32
      %broadcast_in_dim3A_635 = vector.broadcast %broadcast_in_dim3A : f32 to vector<16xf32>
      %mul3A_636 = arith.constant 16 : i32
      %mul3A_637 = arith.muli %scan3A_632, %mul3A_636 : i32
      %add3A_638 = arith.constant 0 : i32
      %add3A_639 = arith.addi %add3A_638, %mul3A_637 : i32
      %get3A = arith.index_cast %add3A_639 : i32 to index
      %get3A_640 = tpu.vector_load %arg5[%get3A] {strides = array<i32>} : memref<25600xi32, #tpu.memory_space<vmem>>, vector<16xi32>,
      %get3A_641 = vector.shape_cast %get3A_640 : vector<16xi32> to vector<16xi32>
      %ne3A = arith.constant 0 : i32
      %ne3A_642 = vector.broadcast %ne3A : i32 to vector<16xi32>
      %ne3A_643 = arith.cmpi ne, %get3A_641, %ne3A_642 : vector<16xi32>
      %get3A_644 = arith.index_cast %add3A_639 : i32 to index
      %get3A_645 = tpu.vector_load %arg6[%get3A_644] {strides = array<i32>} : memref<25600xf32, #tpu.memory_space<vmem>>, vector<16xf32>,
      %get3A_646 = vector.shape_cast %get3A_645 : vector<16xf32> to vector<16xf32>
      %jit3A = arith.constant 0.000000e+00 : f32
      %broadcast_in_dim3A_647 = vector.broadcast %jit3A : f32 to vector<16xf32>
      %select_n3A = arith.select %ne3A_643, %get3A_646, %broadcast_in_dim3A_647 : vector<16xi1>, vector<16xf32>
      %add3A_648 = arith.addf %broadcast_in_dim3A_635, %select_n3A : vector<16xf32>
      %mul3A_649 = arith.constant 16 : i32
      %mul3A_650 = arith.muli %scan3A_632, %mul3A_649 : i32
      %add3A_651 = arith.constant 512 : i32
      %add3A_652 = arith.addi %add3A_651, %mul3A_650 : i32
      %get3A_653 = arith.index_cast %add3A_652 : i32 to index
      %get3A_654 = tpu.vector_load %arg5[%get3A_653] {strides = array<i32>} : memref<25600xi32, #tpu.memory_space<vmem>>, vector<16xi32>,
      %get3A_655 = vector.shape_cast %get3A_654 : vector<16xi32> to vector<16xi32>
      %ne3A_656 = arith.constant 0 : i32
      %ne3A_657 = vector.broadcast %ne3A_656 : i32 to vector<16xi32>
      %ne3A_658 = arith.cmpi ne, %get3A_655, %ne3A_657 : vector<16xi32>
      %get3A_659 = arith.index_cast %add3A_652 : i32 to index
      %get3A_660 = tpu.vector_load %arg6[%get3A_659] {strides = array<i32>} : memref<25600xf32, #tpu.memory_space<vmem>>, vector<16xf32>,
      %get3A_661 = vector.shape_cast %get3A_660 : vector<16xf32> to vector<16xf32>
      %jit3A_662 = arith.constant 0.000000e+00 : f32
      %broadcast_in_dim3A_663 = vector.broadcast %jit3A_662 : f32 to vector<16xf32>
      %select_n3A_664 = arith.select %ne3A_658, %get3A_661, %broadcast_in_dim3A_663 : vector<16xi1>, vector<16xf32>
      %add3A_665 = arith.addf %add3A_648, %select_n3A_664 : vector<16xf32>
      %mul3A_666 = arith.constant 16 : i32
      %mul3A_667 = arith.muli %scan3A_632, %mul3A_666 : i32
      %add3A_668 = arith.constant 1024 : i32
      %add3A_669 = arith.addi %add3A_668, %mul3A_667 : i32
      %get3A_670 = arith.index_cast %add3A_669 : i32 to index
      %get3A_671 = tpu.vector_load %arg5[%get3A_670] {strides = array<i32>} : memref<25600xi32, #tpu.memory_space<vmem>>, vector<16xi32>,
      %get3A_672 = vector.shape_cast %get3A_671 : vector<16xi32> to vector<16xi32>
      %ne3A_673 = arith.constant 0 : i32
      %ne3A_674 = vector.broadcast %ne3A_673 : i32 to vector<16xi32>
      %ne3A_675 = arith.cmpi ne, %get3A_672, %ne3A_674 : vector<16xi32>
      %get3A_676 = arith.index_cast %add3A_669 : i32 to index
      %get3A_677 = tpu.vector_load %arg6[%get3A_676] {strides = array<i32>} : memref<25600xf32, #tpu.memory_space<vmem>>, vector<16xf32>,
      %get3A_678 = vector.shape_cast %get3A_677 : vector<16xf32> to vector<16xf32>
      %jit3A_679 = arith.constant 0.000000e+00 : f32
      %broadcast_in_dim3A_680 = vector.broadcast %jit3A_679 : f32 to vector<16xf32>
      %select_n3A_681 = arith.select %ne3A_675, %get3A_678, %broadcast_in_dim3A_680 : vector<16xi1>, vector<16xf32>
      %add3A_682 = arith.addf %add3A_665, %select_n3A_681 : vector<16xf32>
      %mul3A_683 = arith.constant 16 : i32
      %mul3A_684 = arith.muli %scan3A_632, %mul3A_683 : i32
      %add3A_685 = arith.constant 1536 : i32
      %add3A_686 = arith.addi %add3A_685, %mul3A_684 : i32
      %get3A_687 = arith.index_cast %add3A_686 : i32 to index
      %get3A_688 = tpu.vector_load %arg5[%get3A_687] {strides = array<i32>} : memref<25600xi32, #tpu.memory_space<vmem>>, vector<16xi32>,
      %get3A_689 = vector.shape_cast %get3A_688 : vector<16xi32> to vector<16xi32>
      %ne3A_690 = arith.constant 0 : i32
      %ne3A_691 = vector.broadcast %ne3A_690 : i32 to vector<16xi32>
      %ne3A_692 = arith.cmpi ne, %get3A_689, %ne3A_691 : vector<16xi32>
      %get3A_693 = arith.index_cast %add3A_686 : i32 to index
      %get3A_694 = tpu.vector_load %arg6[%get3A_693] {strides = array<i32>} : memref<25600xf32, #tpu.memory_space<vmem>>, vector<16xf32>,
      %get3A_695 = vector.shape_cast %get3A_694 : vector<16xf32> to vector<16xf32>
      %jit3A_696 = arith.constant 0.000000e+00 : f32
      %broadcast_in_dim3A_697 = vector.broadcast %jit3A_696 : f32 to vector<16xf32>
      %select_n3A_698 = arith.select %ne3A_692, %get3A_695, %broadcast_in_dim3A_697 : vector<16xi1>, vector<16xf32>
      %add3A_699 = arith.addf %add3A_682, %select_n3A_698 : vector<16xf32>
      %mul3A_700 = arith.constant 16 : i32
      %mul3A_701 = arith.muli %scan3A_632, %mul3A_700 : i32
      %add3A_702 = arith.constant 2048 : i32
      %add3A_703 = arith.addi %add3A_702, %mul3A_701 : i32
      %get3A_704 = arith.index_cast %add3A_703 : i32 to index
      %get3A_705 = tpu.vector_load %arg5[%get3A_704] {strides = array<i32>} : memref<25600xi32, #tpu.memory_space<vmem>>, vector<16xi32>,
      %get3A_706 = vector.shape_cast %get3A_705 : vector<16xi32> to vector<16xi32>
      %ne3A_707 = arith.constant 0 : i32
      %ne3A_708 = vector.broadcast %ne3A_707 : i32 to vector<16xi32>
      %ne3A_709 = arith.cmpi ne, %get3A_706, %ne3A_708 : vector<16xi32>
      %get3A_710 = arith.index_cast %add3A_703 : i32 to index
      %get3A_711 = tpu.vector_load %arg6[%get3A_710] {strides = array<i32>} : memref<25600xf32, #tpu.memory_space<vmem>>, vector<16xf32>,
      %get3A_712 = vector.shape_cast %get3A_711 : vector<16xf32> to vector<16xf32>
      %jit3A_713 = arith.constant 0.000000e+00 : f32
      %broadcast_in_dim3A_714 = vector.broadcast %jit3A_713 : f32 to vector<16xf32>
      %select_n3A_715 = arith.select %ne3A_709, %get3A_712, %broadcast_in_dim3A_714 : vector<16xi1>, vector<16xf32>
      %add3A_716 = arith.addf %add3A_699, %select_n3A_715 : vector<16xf32>
      %mul3A_717 = arith.constant 16 : i32
      %mul3A_718 = arith.muli %scan3A_632, %mul3A_717 : i32
      %add3A_719 = arith.constant 2560 : i32
      %add3A_720 = arith.addi %add3A_719, %mul3A_718 : i32
      %get3A_721 = arith.index_cast %add3A_720 : i32 to index
      %get3A_722 = tpu.vector_load %arg5[%get3A_721] {strides = array<i32>} : memref<25600xi32, #tpu.memory_space<vmem>>, vector<16xi32>,
      %get3A_723 = vector.shape_cast %get3A_722 : vector<16xi32> to vector<16xi32>
      %ne3A_724 = arith.constant 0 : i32
      %ne3A_725 = vector.broadcast %ne3A_724 : i32 to vector<16xi32>
      %ne3A_726 = arith.cmpi ne, %get3A_723, %ne3A_725 : vector<16xi32>
      %get3A_727 = arith.index_cast %add3A_720 : i32 to index
      %get3A_728 = tpu.vector_load %arg6[%get3A_727] {strides = array<i32>} : memref<25600xf32, #tpu.memory_space<vmem>>, vector<16xf32>,
      %get3A_729 = vector.shape_cast %get3A_728 : vector<16xf32> to vector<16xf32>
      %jit3A_730 = arith.constant 0.000000e+00 : f32
      %broadcast_in_dim3A_731 = vector.broadcast %jit3A_730 : f32 to vector<16xf32>
      %select_n3A_732 = arith.select %ne3A_726, %get3A_729, %broadcast_in_dim3A_731 : vector<16xi1>, vector<16xf32>
      %add3A_733 = arith.addf %add3A_716, %select_n3A_732 : vector<16xf32>
      %mul3A_734 = arith.constant 16 : i32
      %mul3A_735 = arith.muli %scan3A_632, %mul3A_734 : i32
      %add3A_736 = arith.constant 3072 : i32
      %add3A_737 = arith.addi %add3A_736, %mul3A_735 : i32
      %get3A_738 = arith.index_cast %add3A_737 : i32 to index
      %get3A_739 = tpu.vector_load %arg5[%get3A_738] {strides = array<i32>} : memref<25600xi32, #tpu.memory_space<vmem>>, vector<16xi32>,
      %get3A_740 = vector.shape_cast %get3A_739 : vector<16xi32> to vector<16xi32>
      %ne3A_741 = arith.constant 0 : i32
      %ne3A_742 = vector.broadcast %ne3A_741 : i32 to vector<16xi32>
      %ne3A_743 = arith.cmpi ne, %get3A_740, %ne3A_742 : vector<16xi32>
      %get3A_744 = arith.index_cast %add3A_737 : i32 to index
      %get3A_745 = tpu.vector_load %arg6[%get3A_744] {strides = array<i32>} : memref<25600xf32, #tpu.memory_space<vmem>>, vector<16xf32>,
      %get3A_746 = vector.shape_cast %get3A_745 : vector<16xf32> to vector<16xf32>
      %jit3A_747 = arith.constant 0.000000e+00 : f32
      %broadcast_in_dim3A_748 = vector.broadcast %jit3A_747 : f32 to vector<16xf32>
      %select_n3A_749 = arith.select %ne3A_743, %get3A_746, %broadcast_in_dim3A_748 : vector<16xi1>, vector<16xf32>
      %add3A_750 = arith.addf %add3A_733, %select_n3A_749 : vector<16xf32>
      %mul3A_751 = arith.constant 16 : i32
      %mul3A_752 = arith.muli %scan3A_632, %mul3A_751 : i32
      %add3A_753 = arith.constant 3584 : i32
      %add3A_754 = arith.addi %add3A_753, %mul3A_752 : i32
      %get3A_755 = arith.index_cast %add3A_754 : i32 to index
      %get3A_756 = tpu.vector_load %arg5[%get3A_755] {strides = array<i32>} : memref<25600xi32, #tpu.memory_space<vmem>>, vector<16xi32>,
      %get3A_757 = vector.shape_cast %get3A_756 : vector<16xi32> to vector<16xi32>
      %ne3A_758 = arith.constant 0 : i32
      %ne3A_759 = vector.broadcast %ne3A_758 : i32 to vector<16xi32>
      %ne3A_760 = arith.cmpi ne, %get3A_757, %ne3A_759 : vector<16xi32>
      %get3A_761 = arith.index_cast %add3A_754 : i32 to index
      %get3A_762 = tpu.vector_load %arg6[%get3A_761] {strides = array<i32>} : memref<25600xf32, #tpu.memory_space<vmem>>, vector<16xf32>,
      %get3A_763 = vector.shape_cast %get3A_762 : vector<16xf32> to vector<16xf32>
      %jit3A_764 = arith.constant 0.000000e+00 : f32
      %broadcast_in_dim3A_765 = vector.broadcast %jit3A_764 : f32 to vector<16xf32>
      %select_n3A_766 = arith.select %ne3A_760, %get3A_763, %broadcast_in_dim3A_765 : vector<16xi1>, vector<16xf32>
      %add3A_767 = arith.addf %add3A_750, %select_n3A_766 : vector<16xf32>
      %mul3A_768 = arith.constant 16 : i32
      %mul3A_769 = arith.muli %scan3A_632, %mul3A_768 : i32
      %add3A_770 = arith.constant 4096 : i32
      %add3A_771 = arith.addi %add3A_770, %mul3A_769 : i32
      %get3A_772 = arith.index_cast %add3A_771 : i32 to index
      %get3A_773 = tpu.vector_load %arg5[%get3A_772] {strides = array<i32>} : memref<25600xi32, #tpu.memory_space<vmem>>, vector<16xi32>,
      %get3A_774 = vector.shape_cast %get3A_773 : vector<16xi32> to vector<16xi32>
      %ne3A_775 = arith.constant 0 : i32
      %ne3A_776 = vector.broadcast %ne3A_775 : i32 to vector<16xi32>
      %ne3A_777 = arith.cmpi ne, %get3A_774, %ne3A_776 : vector<16xi32>
      %get3A_778 = arith.index_cast %add3A_771 : i32 to index
      %get3A_779 = tpu.vector_load %arg6[%get3A_778] {strides = array<i32>} : memref<25600xf32, #tpu.memory_space<vmem>>, vector<16xf32>,
      %get3A_780 = vector.shape_cast %get3A_779 : vector<16xf32> to vector<16xf32>
      %jit3A_781 = arith.constant 0.000000e+00 : f32
      %broadcast_in_dim3A_782 = vector.broadcast %jit3A_781 : f32 to vector<16xf32>
      %select_n3A_783 = arith.select %ne3A_777, %get3A_780, %broadcast_in_dim3A_782 : vector<16xi1>, vector<16xf32>
      %add3A_784 = arith.addf %add3A_767, %select_n3A_783 : vector<16xf32>
      %mul3A_785 = arith.constant 16 : i32
      %mul3A_786 = arith.muli %scan3A_632, %mul3A_785 : i32
      %add3A_787 = arith.constant 4608 : i32
      %add3A_788 = arith.addi %add3A_787, %mul3A_786 : i32
      %get3A_789 = arith.index_cast %add3A_788 : i32 to index
      %get3A_790 = tpu.vector_load %arg5[%get3A_789] {strides = array<i32>} : memref<25600xi32, #tpu.memory_space<vmem>>, vector<16xi32>,
      %get3A_791 = vector.shape_cast %get3A_790 : vector<16xi32> to vector<16xi32>
      %ne3A_792 = arith.constant 0 : i32
      %ne3A_793 = vector.broadcast %ne3A_792 : i32 to vector<16xi32>
      %ne3A_794 = arith.cmpi ne, %get3A_791, %ne3A_793 : vector<16xi32>
      %get3A_795 = arith.index_cast %add3A_788 : i32 to index
      %get3A_796 = tpu.vector_load %arg6[%get3A_795] {strides = array<i32>} : memref<25600xf32, #tpu.memory_space<vmem>>, vector<16xf32>,
      %get3A_797 = vector.shape_cast %get3A_796 : vector<16xf32> to vector<16xf32>
      %jit3A_798 = arith.constant 0.000000e+00 : f32
      %broadcast_in_dim3A_799 = vector.broadcast %jit3A_798 : f32 to vector<16xf32>
      %select_n3A_800 = arith.select %ne3A_794, %get3A_797, %broadcast_in_dim3A_799 : vector<16xi1>, vector<16xf32>
      %add3A_801 = arith.addf %add3A_784, %select_n3A_800 : vector<16xf32>
      %swap3A = arith.index_cast %mul3A_634 : i32 to index
      %swap3A_802 = tpu.vector_load %arg7[%swap3A] {strides = array<i32>} : memref<512xf32, #tpu.memory_space<vmem>>, vector<16xf32>,
      %swap3A_803 = vector.shape_cast %swap3A_802 : vector<16xf32> to vector<16xf32>
      %swap3A_804 = vector.shape_cast %add3A_801 : vector<16xf32> to vector<16xf32>
      tpu.vector_store %arg7[%swap3A], %swap3A_804 {strides = array<i32>} : memref<512xf32, #tpu.memory_space<vmem>>, vector<16xf32>,
    }
    %scan3A_367 = arith.constant 32 : i32
    %dma_wait3A_368 = arith.constant 5120 : i32
    %dma_wait3A_369 = tpu.memref_slice %arg6[%dma_wait3A_368] : memref<25600xf32, #tpu.memory_space<vmem>> -> memref<512xf32, #tpu.memory_space<vmem>>
    %dma_wait3A_370 = arith.constant 5120 : i32
    %dma_wait3A_371 = tpu.memref_slice %arg5[%dma_wait3A_370] : memref<25600xi32, #tpu.memory_space<vmem>> -> memref<512xi32, #tpu.memory_space<vmem>>
    %dma_wait3A_372 = arith.constant 0 : i32
    %dma_wait3A_373 = tpu.memref_slice %arg8[%dma_wait3A_372] : memref<100000xf32, #tpu.memory_space<vmem_shared>> -> memref<100000xf32, #tpu.memory_space<vmem_shared>>
    tpu.wait_indirect_dma semaphore(%arg10 : memref<!tpu.dma_semaphore, #tpu.memory_space<semaphore_mem>>) src(%dma_wait3A_373 : memref<100000xf32, #tpu.memory_space<vmem_shared>>) dst(%dma_wait3A_369 : memref<512xf32, #tpu.memory_space<vmem>>)
    %dma_wait3A_374 = arith.constant 5632 : i32
    %dma_wait3A_375 = tpu.memref_slice %arg6[%dma_wait3A_374] : memref<25600xf32, #tpu.memory_space<vmem>> -> memref<512xf32, #tpu.memory_space<vmem>>
    %dma_wait3A_376 = arith.constant 5632 : i32
    %dma_wait3A_377 = tpu.memref_slice %arg5[%dma_wait3A_376] : memref<25600xi32, #tpu.memory_space<vmem>> -> memref<512xi32, #tpu.memory_space<vmem>>
    %dma_wait3A_378 = arith.constant 0 : i32
    %dma_wait3A_379 = tpu.memref_slice %arg8[%dma_wait3A_378] : memref<100000xf32, #tpu.memory_space<vmem_shared>> -> memref<100000xf32, #tpu.memory_space<vmem_shared>>
    tpu.wait_indirect_dma semaphore(%arg10 : memref<!tpu.dma_semaphore, #tpu.memory_space<semaphore_mem>>) src(%dma_wait3A_379 : memref<100000xf32, #tpu.memory_space<vmem_shared>>) dst(%dma_wait3A_375 : memref<512xf32, #tpu.memory_space<vmem>>)
    %dma_wait3A_380 = arith.constant 6144 : i32
    %dma_wait3A_381 = tpu.memref_slice %arg6[%dma_wait3A_380] : memref<25600xf32, #tpu.memory_space<vmem>> -> memref<512xf32, #tpu.memory_space<vmem>>
    %dma_wait3A_382 = arith.constant 6144 : i32
    %dma_wait3A_383 = tpu.memref_slice %arg5[%dma_wait3A_382] : memref<25600xi32, #tpu.memory_space<vmem>> -> memref<512xi32, #tpu.memory_space<vmem>>
    %dma_wait3A_384 = arith.constant 0 : i32
    %dma_wait3A_385 = tpu.memref_slice %arg8[%dma_wait3A_384] : memref<100000xf32, #tpu.memory_space<vmem_shared>> -> memref<100000xf32, #tpu.memory_space<vmem_shared>>
    tpu.wait_indirect_dma semaphore(%arg10 : memref<!tpu.dma_semaphore, #tpu.memory_space<semaphore_mem>>) src(%dma_wait3A_385 : memref<100000xf32, #tpu.memory_space<vmem_shared>>) dst(%dma_wait3A_381 : memref<512xf32, #tpu.memory_space<vmem>>)
    %dma_wait3A_386 = arith.constant 6656 : i32
    %dma_wait3A_387 = tpu.memref_slice %arg6[%dma_wait3A_386] : memref<25600xf32, #tpu.memory_space<vmem>> -> memref<512xf32, #tpu.memory_space<vmem>>
    %dma_wait3A_388 = arith.constant 6656 : i32
    %dma_wait3A_389 = tpu.memref_slice %arg5[%dma_wait3A_388] : memref<25600xi32, #tpu.memory_space<vmem>> -> memref<512xi32, #tpu.memory_space<vmem>>
    %dma_wait3A_390 = arith.constant 0 : i32
    %dma_wait3A_391 = tpu.memref_slice %arg8[%dma_wait3A_390] : memref<100000xf32, #tpu.memory_space<vmem_shared>> -> memref<100000xf32, #tpu.memory_space<vmem_shared>>
    tpu.wait_indirect_dma semaphore(%arg10 : memref<!tpu.dma_semaphore, #tpu.memory_space<semaphore_mem>>) src(%dma_wait3A_391 : memref<100000xf32, #tpu.memory_space<vmem_shared>>) dst(%dma_wait3A_387 : memref<512xf32, #tpu.memory_space<vmem>>)
    %dma_wait3A_392 = arith.constant 7168 : i32
    %dma_wait3A_393 = tpu.memref_slice %arg6[%dma_wait3A_392] : memref<25600xf32, #tpu.memory_space<vmem>> -> memref<512xf32, #tpu.memory_space<vmem>>
    %dma_wait3A_394 = arith.constant 7168 : i32
    %dma_wait3A_395 = tpu.memref_slice %arg5[%dma_wait3A_394] : memref<25600xi32, #tpu.memory_space<vmem>> -> memref<512xi32, #tpu.memory_space<vmem>>
    %dma_wait3A_396 = arith.constant 0 : i32
    %dma_wait3A_397 = tpu.memref_slice %arg8[%dma_wait3A_396] : memref<100000xf32, #tpu.memory_space<vmem_shared>> -> memref<100000xf32, #tpu.memory_space<vmem_shared>>
    tpu.wait_indirect_dma semaphore(%arg10 : memref<!tpu.dma_semaphore, #tpu.memory_space<semaphore_mem>>) src(%dma_wait3A_397 : memref<100000xf32, #tpu.memory_space<vmem_shared>>) dst(%dma_wait3A_393 : memref<512xf32, #tpu.memory_space<vmem>>)
    %dma_wait3A_398 = arith.constant 7680 : i32
    %dma_wait3A_399 = tpu.memref_slice %arg6[%dma_wait3A_398] : memref<25600xf32, #tpu.memory_space<vmem>> -> memref<512xf32, #tpu.memory_space<vmem>>
    %dma_wait3A_400 = arith.constant 7680 : i32
    %dma_wait3A_401 = tpu.memref_slice %arg5[%dma_wait3A_400] : memref<25600xi32, #tpu.memory_space<vmem>> -> memref<512xi32, #tpu.memory_space<vmem>>
    %dma_wait3A_402 = arith.constant 0 : i32
    %dma_wait3A_403 = tpu.memref_slice %arg8[%dma_wait3A_402] : memref<100000xf32, #tpu.memory_space<vmem_shared>> -> memref<100000xf32, #tpu.memory_space<vmem_shared>>
    tpu.wait_indirect_dma semaphore(%arg10 : memref<!tpu.dma_semaphore, #tpu.memory_space<semaphore_mem>>) src(%dma_wait3A_403 : memref<100000xf32, #tpu.memory_space<vmem_shared>>) dst(%dma_wait3A_399 : memref<512xf32, #tpu.memory_space<vmem>>)
    %dma_wait3A_404 = arith.constant 8192 : i32
    %dma_wait3A_405 = tpu.memref_slice %arg6[%dma_wait3A_404] : memref<25600xf32, #tpu.memory_space<vmem>> -> memref<512xf32, #tpu.memory_space<vmem>>
    %dma_wait3A_406 = arith.constant 8192 : i32
    %dma_wait3A_407 = tpu.memref_slice %arg5[%dma_wait3A_406] : memref<25600xi32, #tpu.memory_space<vmem>> -> memref<512xi32, #tpu.memory_space<vmem>>
    %dma_wait3A_408 = arith.constant 0 : i32
    %dma_wait3A_409 = tpu.memref_slice %arg8[%dma_wait3A_408] : memref<100000xf32, #tpu.memory_space<vmem_shared>> -> memref<100000xf32, #tpu.memory_space<vmem_shared>>
    tpu.wait_indirect_dma semaphore(%arg10 : memref<!tpu.dma_semaphore, #tpu.memory_space<semaphore_mem>>) src(%dma_wait3A_409 : memref<100000xf32, #tpu.memory_space<vmem_shared>>) dst(%dma_wait3A_405 : memref<512xf32, #tpu.memory_space<vmem>>)
    %dma_wait3A_410 = arith.constant 8704 : i32
    %dma_wait3A_411 = tpu.memref_slice %arg6[%dma_wait3A_410] : memref<25600xf32, #tpu.memory_space<vmem>> -> memref<512xf32, #tpu.memory_space<vmem>>
    %dma_wait3A_412 = arith.constant 8704 : i32
    %dma_wait3A_413 = tpu.memref_slice %arg5[%dma_wait3A_412] : memref<25600xi32, #tpu.memory_space<vmem>> -> memref<512xi32, #tpu.memory_space<vmem>>
    %dma_wait3A_414 = arith.constant 0 : i32
    %dma_wait3A_415 = tpu.memref_slice %arg8[%dma_wait3A_414] : memref<100000xf32, #tpu.memory_space<vmem_shared>> -> memref<100000xf32, #tpu.memory_space<vmem_shared>>
    tpu.wait_indirect_dma semaphore(%arg10 : memref<!tpu.dma_semaphore, #tpu.memory_space<semaphore_mem>>) src(%dma_wait3A_415 : memref<100000xf32, #tpu.memory_space<vmem_shared>>) dst(%dma_wait3A_411 : memref<512xf32, #tpu.memory_space<vmem>>)
    %dma_wait3A_416 = arith.constant 9216 : i32
    %dma_wait3A_417 = tpu.memref_slice %arg6[%dma_wait3A_416] : memref<25600xf32, #tpu.memory_space<vmem>> -> memref<512xf32, #tpu.memory_space<vmem>>
    %dma_wait3A_418 = arith.constant 9216 : i32
    %dma_wait3A_419 = tpu.memref_slice %arg5[%dma_wait3A_418] : memref<25600xi32, #tpu.memory_space<vmem>> -> memref<512xi32, #tpu.memory_space<vmem>>
    %dma_wait3A_420 = arith.constant 0 : i32
    %dma_wait3A_421 = tpu.memref_slice %arg8[%dma_wait3A_420] : memref<100000xf32, #tpu.memory_space<vmem_shared>> -> memref<100000xf32, #tpu.memory_space<vmem_shared>>
    tpu.wait_indirect_dma semaphore(%arg10 : memref<!tpu.dma_semaphore, #tpu.memory_space<semaphore_mem>>) src(%dma_wait3A_421 : memref<100000xf32, #tpu.memory_space<vmem_shared>>) dst(%dma_wait3A_417 : memref<512xf32, #tpu.memory_space<vmem>>)
    %dma_wait3A_422 = arith.constant 9728 : i32
    %dma_wait3A_423 = tpu.memref_slice %arg6[%dma_wait3A_422] : memref<25600xf32, #tpu.memory_space<vmem>> -> memref<512xf32, #tpu.memory_space<vmem>>
    %dma_wait3A_424 = arith.constant 9728 : i32
    %dma_wait3A_425 = tpu.memref_slice %arg5[%dma_wait3A_424] : memref<25600xi32, #tpu.memory_space<vmem>> -> memref<512xi32, #tpu.memory_space<vmem>>
    %dma_wait3A_426 = arith.constant 0 : i32
    %dma_wait3A_427 = tpu.memref_slice %arg8[%dma_wait3A_426] : memref<100000xf32, #tpu.memory_space<vmem_shared>> -> memref<100000xf32, #tpu.memory_space<vmem_shared>>
    tpu.wait_indirect_dma semaphore(%arg10 : memref<!tpu.dma_semaphore, #tpu.memory_space<semaphore_mem>>) src(%dma_wait3A_427 : memref<100000xf32, #tpu.memory_space<vmem_shared>>) dst(%dma_wait3A_423 : memref<512xf32, #tpu.memory_space<vmem>>)
    %scan3A_428 = arith.constant 0 : i32
    %scan3A_429 = arith.constant 0 : i32
    %scan3A_430 = arith.constant 32 : i32
    %scan3A_431 = arith.addi %scan3A_429, %scan3A_430 : i32
    %scan3A_432 = arith.constant 1 : i32
    scf.for %scan3A_632 = %scan3A_429 to %scan3A_431 step %scan3A_432  : i32 {
      %mul3A_633 = arith.constant 16 : i32
      %mul3A_634 = arith.muli %scan3A_632, %mul3A_633 : i32
      %get3A = arith.index_cast %mul3A_634 : i32 to index
      %get3A_635 = tpu.vector_load %arg7[%get3A] {strides = array<i32>} : memref<512xf32, #tpu.memory_space<vmem>>, vector<16xf32>,
      %get3A_636 = vector.shape_cast %get3A_635 : vector<16xf32> to vector<16xf32>
      %mul3A_637 = arith.constant 16 : i32
      %mul3A_638 = arith.muli %scan3A_632, %mul3A_637 : i32
      %add3A_639 = arith.constant 5120 : i32
      %add3A_640 = arith.addi %add3A_639, %mul3A_638 : i32
      %get3A_641 = arith.index_cast %add3A_640 : i32 to index
      %get3A_642 = tpu.vector_load %arg5[%get3A_641] {strides = array<i32>} : memref<25600xi32, #tpu.memory_space<vmem>>, vector<16xi32>,
      %get3A_643 = vector.shape_cast %get3A_642 : vector<16xi32> to vector<16xi32>
      %ne3A = arith.constant 0 : i32
      %ne3A_644 = vector.broadcast %ne3A : i32 to vector<16xi32>
      %ne3A_645 = arith.cmpi ne, %get3A_643, %ne3A_644 : vector<16xi32>
      %get3A_646 = arith.index_cast %add3A_640 : i32 to index
      %get3A_647 = tpu.vector_load %arg6[%get3A_646] {strides = array<i32>} : memref<25600xf32, #tpu.memory_space<vmem>>, vector<16xf32>,
      %get3A_648 = vector.shape_cast %get3A_647 : vector<16xf32> to vector<16xf32>
      %jit3A = arith.constant 0.000000e+00 : f32
      %broadcast_in_dim3A = vector.broadcast %jit3A : f32 to vector<16xf32>
      %select_n3A = arith.select %ne3A_645, %get3A_648, %broadcast_in_dim3A : vector<16xi1>, vector<16xf32>
      %add3A_649 = arith.addf %get3A_636, %select_n3A : vector<16xf32>
      %mul3A_650 = arith.constant 16 : i32
      %mul3A_651 = arith.muli %scan3A_632, %mul3A_650 : i32
      %add3A_652 = arith.constant 5632 : i32
      %add3A_653 = arith.addi %add3A_652, %mul3A_651 : i32
      %get3A_654 = arith.index_cast %add3A_653 : i32 to index
      %get3A_655 = tpu.vector_load %arg5[%get3A_654] {strides = array<i32>} : memref<25600xi32, #tpu.memory_space<vmem>>, vector<16xi32>,
      %get3A_656 = vector.shape_cast %get3A_655 : vector<16xi32> to vector<16xi32>
      %ne3A_657 = arith.constant 0 : i32
      %ne3A_658 = vector.broadcast %ne3A_657 : i32 to vector<16xi32>
      %ne3A_659 = arith.cmpi ne, %get3A_656, %ne3A_658 : vector<16xi32>
      %get3A_660 = arith.index_cast %add3A_653 : i32 to index
      %get3A_661 = tpu.vector_load %arg6[%get3A_660] {strides = array<i32>} : memref<25600xf32, #tpu.memory_space<vmem>>, vector<16xf32>,
      %get3A_662 = vector.shape_cast %get3A_661 : vector<16xf32> to vector<16xf32>
      %jit3A_663 = arith.constant 0.000000e+00 : f32
      %broadcast_in_dim3A_664 = vector.broadcast %jit3A_663 : f32 to vector<16xf32>
      %select_n3A_665 = arith.select %ne3A_659, %get3A_662, %broadcast_in_dim3A_664 : vector<16xi1>, vector<16xf32>
      %add3A_666 = arith.addf %add3A_649, %select_n3A_665 : vector<16xf32>
      %mul3A_667 = arith.constant 16 : i32
      %mul3A_668 = arith.muli %scan3A_632, %mul3A_667 : i32
      %add3A_669 = arith.constant 6144 : i32
      %add3A_670 = arith.addi %add3A_669, %mul3A_668 : i32
      %get3A_671 = arith.index_cast %add3A_670 : i32 to index
      %get3A_672 = tpu.vector_load %arg5[%get3A_671] {strides = array<i32>} : memref<25600xi32, #tpu.memory_space<vmem>>, vector<16xi32>,
      %get3A_673 = vector.shape_cast %get3A_672 : vector<16xi32> to vector<16xi32>
      %ne3A_674 = arith.constant 0 : i32
      %ne3A_675 = vector.broadcast %ne3A_674 : i32 to vector<16xi32>
      %ne3A_676 = arith.cmpi ne, %get3A_673, %ne3A_675 : vector<16xi32>
      %get3A_677 = arith.index_cast %add3A_670 : i32 to index
      %get3A_678 = tpu.vector_load %arg6[%get3A_677] {strides = array<i32>} : memref<25600xf32, #tpu.memory_space<vmem>>, vector<16xf32>,
      %get3A_679 = vector.shape_cast %get3A_678 : vector<16xf32> to vector<16xf32>
      %jit3A_680 = arith.constant 0.000000e+00 : f32
      %broadcast_in_dim3A_681 = vector.broadcast %jit3A_680 : f32 to vector<16xf32>
      %select_n3A_682 = arith.select %ne3A_676, %get3A_679, %broadcast_in_dim3A_681 : vector<16xi1>, vector<16xf32>
      %add3A_683 = arith.addf %add3A_666, %select_n3A_682 : vector<16xf32>
      %mul3A_684 = arith.constant 16 : i32
      %mul3A_685 = arith.muli %scan3A_632, %mul3A_684 : i32
      %add3A_686 = arith.constant 6656 : i32
      %add3A_687 = arith.addi %add3A_686, %mul3A_685 : i32
      %get3A_688 = arith.index_cast %add3A_687 : i32 to index
      %get3A_689 = tpu.vector_load %arg5[%get3A_688] {strides = array<i32>} : memref<25600xi32, #tpu.memory_space<vmem>>, vector<16xi32>,
      %get3A_690 = vector.shape_cast %get3A_689 : vector<16xi32> to vector<16xi32>
      %ne3A_691 = arith.constant 0 : i32
      %ne3A_692 = vector.broadcast %ne3A_691 : i32 to vector<16xi32>
      %ne3A_693 = arith.cmpi ne, %get3A_690, %ne3A_692 : vector<16xi32>
      %get3A_694 = arith.index_cast %add3A_687 : i32 to index
      %get3A_695 = tpu.vector_load %arg6[%get3A_694] {strides = array<i32>} : memref<25600xf32, #tpu.memory_space<vmem>>, vector<16xf32>,
      %get3A_696 = vector.shape_cast %get3A_695 : vector<16xf32> to vector<16xf32>
      %jit3A_697 = arith.constant 0.000000e+00 : f32
      %broadcast_in_dim3A_698 = vector.broadcast %jit3A_697 : f32 to vector<16xf32>
      %select_n3A_699 = arith.select %ne3A_693, %get3A_696, %broadcast_in_dim3A_698 : vector<16xi1>, vector<16xf32>
      %add3A_700 = arith.addf %add3A_683, %select_n3A_699 : vector<16xf32>
      %mul3A_701 = arith.constant 16 : i32
      %mul3A_702 = arith.muli %scan3A_632, %mul3A_701 : i32
      %add3A_703 = arith.constant 7168 : i32
      %add3A_704 = arith.addi %add3A_703, %mul3A_702 : i32
      %get3A_705 = arith.index_cast %add3A_704 : i32 to index
      %get3A_706 = tpu.vector_load %arg5[%get3A_705] {strides = array<i32>} : memref<25600xi32, #tpu.memory_space<vmem>>, vector<16xi32>,
      %get3A_707 = vector.shape_cast %get3A_706 : vector<16xi32> to vector<16xi32>
      %ne3A_708 = arith.constant 0 : i32
      %ne3A_709 = vector.broadcast %ne3A_708 : i32 to vector<16xi32>
      %ne3A_710 = arith.cmpi ne, %get3A_707, %ne3A_709 : vector<16xi32>
      %get3A_711 = arith.index_cast %add3A_704 : i32 to index
      %get3A_712 = tpu.vector_load %arg6[%get3A_711] {strides = array<i32>} : memref<25600xf32, #tpu.memory_space<vmem>>, vector<16xf32>,
      %get3A_713 = vector.shape_cast %get3A_712 : vector<16xf32> to vector<16xf32>
      %jit3A_714 = arith.constant 0.000000e+00 : f32
      %broadcast_in_dim3A_715 = vector.broadcast %jit3A_714 : f32 to vector<16xf32>
      %select_n3A_716 = arith.select %ne3A_710, %get3A_713, %broadcast_in_dim3A_715 : vector<16xi1>, vector<16xf32>
      %add3A_717 = arith.addf %add3A_700, %select_n3A_716 : vector<16xf32>
      %mul3A_718 = arith.constant 16 : i32
      %mul3A_719 = arith.muli %scan3A_632, %mul3A_718 : i32
      %add3A_720 = arith.constant 7680 : i32
      %add3A_721 = arith.addi %add3A_720, %mul3A_719 : i32
      %get3A_722 = arith.index_cast %add3A_721 : i32 to index
      %get3A_723 = tpu.vector_load %arg5[%get3A_722] {strides = array<i32>} : memref<25600xi32, #tpu.memory_space<vmem>>, vector<16xi32>,
      %get3A_724 = vector.shape_cast %get3A_723 : vector<16xi32> to vector<16xi32>
      %ne3A_725 = arith.constant 0 : i32
      %ne3A_726 = vector.broadcast %ne3A_725 : i32 to vector<16xi32>
      %ne3A_727 = arith.cmpi ne, %get3A_724, %ne3A_726 : vector<16xi32>
      %get3A_728 = arith.index_cast %add3A_721 : i32 to index
      %get3A_729 = tpu.vector_load %arg6[%get3A_728] {strides = array<i32>} : memref<25600xf32, #tpu.memory_space<vmem>>, vector<16xf32>,
      %get3A_730 = vector.shape_cast %get3A_729 : vector<16xf32> to vector<16xf32>
      %jit3A_731 = arith.constant 0.000000e+00 : f32
      %broadcast_in_dim3A_732 = vector.broadcast %jit3A_731 : f32 to vector<16xf32>
      %select_n3A_733 = arith.select %ne3A_727, %get3A_730, %broadcast_in_dim3A_732 : vector<16xi1>, vector<16xf32>
      %add3A_734 = arith.addf %add3A_717, %select_n3A_733 : vector<16xf32>
      %mul3A_735 = arith.constant 16 : i32
      %mul3A_736 = arith.muli %scan3A_632, %mul3A_735 : i32
      %add3A_737 = arith.constant 8192 : i32
      %add3A_738 = arith.addi %add3A_737, %mul3A_736 : i32
      %get3A_739 = arith.index_cast %add3A_738 : i32 to index
      %get3A_740 = tpu.vector_load %arg5[%get3A_739] {strides = array<i32>} : memref<25600xi32, #tpu.memory_space<vmem>>, vector<16xi32>,
      %get3A_741 = vector.shape_cast %get3A_740 : vector<16xi32> to vector<16xi32>
      %ne3A_742 = arith.constant 0 : i32
      %ne3A_743 = vector.broadcast %ne3A_742 : i32 to vector<16xi32>
      %ne3A_744 = arith.cmpi ne, %get3A_741, %ne3A_743 : vector<16xi32>
      %get3A_745 = arith.index_cast %add3A_738 : i32 to index
      %get3A_746 = tpu.vector_load %arg6[%get3A_745] {strides = array<i32>} : memref<25600xf32, #tpu.memory_space<vmem>>, vector<16xf32>,
      %get3A_747 = vector.shape_cast %get3A_746 : vector<16xf32> to vector<16xf32>
      %jit3A_748 = arith.constant 0.000000e+00 : f32
      %broadcast_in_dim3A_749 = vector.broadcast %jit3A_748 : f32 to vector<16xf32>
      %select_n3A_750 = arith.select %ne3A_744, %get3A_747, %broadcast_in_dim3A_749 : vector<16xi1>, vector<16xf32>
      %add3A_751 = arith.addf %add3A_734, %select_n3A_750 : vector<16xf32>
      %mul3A_752 = arith.constant 16 : i32
      %mul3A_753 = arith.muli %scan3A_632, %mul3A_752 : i32
      %add3A_754 = arith.constant 8704 : i32
      %add3A_755 = arith.addi %add3A_754, %mul3A_753 : i32
      %get3A_756 = arith.index_cast %add3A_755 : i32 to index
      %get3A_757 = tpu.vector_load %arg5[%get3A_756] {strides = array<i32>} : memref<25600xi32, #tpu.memory_space<vmem>>, vector<16xi32>,
      %get3A_758 = vector.shape_cast %get3A_757 : vector<16xi32> to vector<16xi32>
      %ne3A_759 = arith.constant 0 : i32
      %ne3A_760 = vector.broadcast %ne3A_759 : i32 to vector<16xi32>
      %ne3A_761 = arith.cmpi ne, %get3A_758, %ne3A_760 : vector<16xi32>
      %get3A_762 = arith.index_cast %add3A_755 : i32 to index
      %get3A_763 = tpu.vector_load %arg6[%get3A_762] {strides = array<i32>} : memref<25600xf32, #tpu.memory_space<vmem>>, vector<16xf32>,
      %get3A_764 = vector.shape_cast %get3A_763 : vector<16xf32> to vector<16xf32>
      %jit3A_765 = arith.constant 0.000000e+00 : f32
      %broadcast_in_dim3A_766 = vector.broadcast %jit3A_765 : f32 to vector<16xf32>
      %select_n3A_767 = arith.select %ne3A_761, %get3A_764, %broadcast_in_dim3A_766 : vector<16xi1>, vector<16xf32>
      %add3A_768 = arith.addf %add3A_751, %select_n3A_767 : vector<16xf32>
      %mul3A_769 = arith.constant 16 : i32
      %mul3A_770 = arith.muli %scan3A_632, %mul3A_769 : i32
      %add3A_771 = arith.constant 9216 : i32
      %add3A_772 = arith.addi %add3A_771, %mul3A_770 : i32
      %get3A_773 = arith.index_cast %add3A_772 : i32 to index
      %get3A_774 = tpu.vector_load %arg5[%get3A_773] {strides = array<i32>} : memref<25600xi32, #tpu.memory_space<vmem>>, vector<16xi32>,
      %get3A_775 = vector.shape_cast %get3A_774 : vector<16xi32> to vector<16xi32>
      %ne3A_776 = arith.constant 0 : i32
      %ne3A_777 = vector.broadcast %ne3A_776 : i32 to vector<16xi32>
      %ne3A_778 = arith.cmpi ne, %get3A_775, %ne3A_777 : vector<16xi32>
      %get3A_779 = arith.index_cast %add3A_772 : i32 to index
      %get3A_780 = tpu.vector_load %arg6[%get3A_779] {strides = array<i32>} : memref<25600xf32, #tpu.memory_space<vmem>>, vector<16xf32>,
      %get3A_781 = vector.shape_cast %get3A_780 : vector<16xf32> to vector<16xf32>
      %jit3A_782 = arith.constant 0.000000e+00 : f32
      %broadcast_in_dim3A_783 = vector.broadcast %jit3A_782 : f32 to vector<16xf32>
      %select_n3A_784 = arith.select %ne3A_778, %get3A_781, %broadcast_in_dim3A_783 : vector<16xi1>, vector<16xf32>
      %add3A_785 = arith.addf %add3A_768, %select_n3A_784 : vector<16xf32>
      %mul3A_786 = arith.constant 16 : i32
      %mul3A_787 = arith.muli %scan3A_632, %mul3A_786 : i32
      %add3A_788 = arith.constant 9728 : i32
      %add3A_789 = arith.addi %add3A_788, %mul3A_787 : i32
      %get3A_790 = arith.index_cast %add3A_789 : i32 to index
      %get3A_791 = tpu.vector_load %arg5[%get3A_790] {strides = array<i32>} : memref<25600xi32, #tpu.memory_space<vmem>>, vector<16xi32>,
      %get3A_792 = vector.shape_cast %get3A_791 : vector<16xi32> to vector<16xi32>
      %ne3A_793 = arith.constant 0 : i32
      %ne3A_794 = vector.broadcast %ne3A_793 : i32 to vector<16xi32>
      %ne3A_795 = arith.cmpi ne, %get3A_792, %ne3A_794 : vector<16xi32>
      %get3A_796 = arith.index_cast %add3A_789 : i32 to index
      %get3A_797 = tpu.vector_load %arg6[%get3A_796] {strides = array<i32>} : memref<25600xf32, #tpu.memory_space<vmem>>, vector<16xf32>,
      %get3A_798 = vector.shape_cast %get3A_797 : vector<16xf32> to vector<16xf32>
      %jit3A_799 = arith.constant 0.000000e+00 : f32
      %broadcast_in_dim3A_800 = vector.broadcast %jit3A_799 : f32 to vector<16xf32>
      %select_n3A_801 = arith.select %ne3A_795, %get3A_798, %broadcast_in_dim3A_800 : vector<16xi1>, vector<16xf32>
      %add3A_802 = arith.addf %add3A_785, %select_n3A_801 : vector<16xf32>
      %swap3A = arith.index_cast %mul3A_634 : i32 to index
      %swap3A_803 = tpu.vector_load %arg7[%swap3A] {strides = array<i32>} : memref<512xf32, #tpu.memory_space<vmem>>, vector<16xf32>,
      %swap3A_804 = vector.shape_cast %swap3A_803 : vector<16xf32> to vector<16xf32>
      %swap3A_805 = vector.shape_cast %add3A_802 : vector<16xf32> to vector<16xf32>
      tpu.vector_store %arg7[%swap3A], %swap3A_805 {strides = array<i32>} : memref<512xf32, #tpu.memory_space<vmem>>, vector<16xf32>,
    }
    %scan3A_433 = arith.constant 32 : i32
    %dma_wait3A_434 = arith.constant 10240 : i32
    %dma_wait3A_435 = tpu.memref_slice %arg6[%dma_wait3A_434] : memref<25600xf32, #tpu.memory_space<vmem>> -> memref<512xf32, #tpu.memory_space<vmem>>
    %dma_wait3A_436 = arith.constant 10240 : i32
    %dma_wait3A_437 = tpu.memref_slice %arg5[%dma_wait3A_436] : memref<25600xi32, #tpu.memory_space<vmem>> -> memref<512xi32, #tpu.memory_space<vmem>>
    %dma_wait3A_438 = arith.constant 0 : i32
    %dma_wait3A_439 = tpu.memref_slice %arg8[%dma_wait3A_438] : memref<100000xf32, #tpu.memory_space<vmem_shared>> -> memref<100000xf32, #tpu.memory_space<vmem_shared>>
    tpu.wait_indirect_dma semaphore(%arg11 : memref<!tpu.dma_semaphore, #tpu.memory_space<semaphore_mem>>) src(%dma_wait3A_439 : memref<100000xf32, #tpu.memory_space<vmem_shared>>) dst(%dma_wait3A_435 : memref<512xf32, #tpu.memory_space<vmem>>)
    %dma_wait3A_440 = arith.constant 10752 : i32
    %dma_wait3A_441 = tpu.memref_slice %arg6[%dma_wait3A_440] : memref<25600xf32, #tpu.memory_space<vmem>> -> memref<512xf32, #tpu.memory_space<vmem>>
    %dma_wait3A_442 = arith.constant 10752 : i32
    %dma_wait3A_443 = tpu.memref_slice %arg5[%dma_wait3A_442] : memref<25600xi32, #tpu.memory_space<vmem>> -> memref<512xi32, #tpu.memory_space<vmem>>
    %dma_wait3A_444 = arith.constant 0 : i32
    %dma_wait3A_445 = tpu.memref_slice %arg8[%dma_wait3A_444] : memref<100000xf32, #tpu.memory_space<vmem_shared>> -> memref<100000xf32, #tpu.memory_space<vmem_shared>>
    tpu.wait_indirect_dma semaphore(%arg11 : memref<!tpu.dma_semaphore, #tpu.memory_space<semaphore_mem>>) src(%dma_wait3A_445 : memref<100000xf32, #tpu.memory_space<vmem_shared>>) dst(%dma_wait3A_441 : memref<512xf32, #tpu.memory_space<vmem>>)
    %dma_wait3A_446 = arith.constant 11264 : i32
    %dma_wait3A_447 = tpu.memref_slice %arg6[%dma_wait3A_446] : memref<25600xf32, #tpu.memory_space<vmem>> -> memref<512xf32, #tpu.memory_space<vmem>>
    %dma_wait3A_448 = arith.constant 11264 : i32
    %dma_wait3A_449 = tpu.memref_slice %arg5[%dma_wait3A_448] : memref<25600xi32, #tpu.memory_space<vmem>> -> memref<512xi32, #tpu.memory_space<vmem>>
    %dma_wait3A_450 = arith.constant 0 : i32
    %dma_wait3A_451 = tpu.memref_slice %arg8[%dma_wait3A_450] : memref<100000xf32, #tpu.memory_space<vmem_shared>> -> memref<100000xf32, #tpu.memory_space<vmem_shared>>
    tpu.wait_indirect_dma semaphore(%arg11 : memref<!tpu.dma_semaphore, #tpu.memory_space<semaphore_mem>>) src(%dma_wait3A_451 : memref<100000xf32, #tpu.memory_space<vmem_shared>>) dst(%dma_wait3A_447 : memref<512xf32, #tpu.memory_space<vmem>>)
    %dma_wait3A_452 = arith.constant 11776 : i32
    %dma_wait3A_453 = tpu.memref_slice %arg6[%dma_wait3A_452] : memref<25600xf32, #tpu.memory_space<vmem>> -> memref<512xf32, #tpu.memory_space<vmem>>
    %dma_wait3A_454 = arith.constant 11776 : i32
    %dma_wait3A_455 = tpu.memref_slice %arg5[%dma_wait3A_454] : memref<25600xi32, #tpu.memory_space<vmem>> -> memref<512xi32, #tpu.memory_space<vmem>>
    %dma_wait3A_456 = arith.constant 0 : i32
    %dma_wait3A_457 = tpu.memref_slice %arg8[%dma_wait3A_456] : memref<100000xf32, #tpu.memory_space<vmem_shared>> -> memref<100000xf32, #tpu.memory_space<vmem_shared>>
    tpu.wait_indirect_dma semaphore(%arg11 : memref<!tpu.dma_semaphore, #tpu.memory_space<semaphore_mem>>) src(%dma_wait3A_457 : memref<100000xf32, #tpu.memory_space<vmem_shared>>) dst(%dma_wait3A_453 : memref<512xf32, #tpu.memory_space<vmem>>)
    %dma_wait3A_458 = arith.constant 12288 : i32
    %dma_wait3A_459 = tpu.memref_slice %arg6[%dma_wait3A_458] : memref<25600xf32, #tpu.memory_space<vmem>> -> memref<512xf32, #tpu.memory_space<vmem>>
    %dma_wait3A_460 = arith.constant 12288 : i32
    %dma_wait3A_461 = tpu.memref_slice %arg5[%dma_wait3A_460] : memref<25600xi32, #tpu.memory_space<vmem>> -> memref<512xi32, #tpu.memory_space<vmem>>
    %dma_wait3A_462 = arith.constant 0 : i32
    %dma_wait3A_463 = tpu.memref_slice %arg8[%dma_wait3A_462] : memref<100000xf32, #tpu.memory_space<vmem_shared>> -> memref<100000xf32, #tpu.memory_space<vmem_shared>>
    tpu.wait_indirect_dma semaphore(%arg11 : memref<!tpu.dma_semaphore, #tpu.memory_space<semaphore_mem>>) src(%dma_wait3A_463 : memref<100000xf32, #tpu.memory_space<vmem_shared>>) dst(%dma_wait3A_459 : memref<512xf32, #tpu.memory_space<vmem>>)
    %dma_wait3A_464 = arith.constant 12800 : i32
    %dma_wait3A_465 = tpu.memref_slice %arg6[%dma_wait3A_464] : memref<25600xf32, #tpu.memory_space<vmem>> -> memref<512xf32, #tpu.memory_space<vmem>>
    %dma_wait3A_466 = arith.constant 12800 : i32
    %dma_wait3A_467 = tpu.memref_slice %arg5[%dma_wait3A_466] : memref<25600xi32, #tpu.memory_space<vmem>> -> memref<512xi32, #tpu.memory_space<vmem>>
    %dma_wait3A_468 = arith.constant 0 : i32
    %dma_wait3A_469 = tpu.memref_slice %arg8[%dma_wait3A_468] : memref<100000xf32, #tpu.memory_space<vmem_shared>> -> memref<100000xf32, #tpu.memory_space<vmem_shared>>
    tpu.wait_indirect_dma semaphore(%arg11 : memref<!tpu.dma_semaphore, #tpu.memory_space<semaphore_mem>>) src(%dma_wait3A_469 : memref<100000xf32, #tpu.memory_space<vmem_shared>>) dst(%dma_wait3A_465 : memref<512xf32, #tpu.memory_space<vmem>>)
    %dma_wait3A_470 = arith.constant 13312 : i32
    %dma_wait3A_471 = tpu.memref_slice %arg6[%dma_wait3A_470] : memref<25600xf32, #tpu.memory_space<vmem>> -> memref<512xf32, #tpu.memory_space<vmem>>
    %dma_wait3A_472 = arith.constant 13312 : i32
    %dma_wait3A_473 = tpu.memref_slice %arg5[%dma_wait3A_472] : memref<25600xi32, #tpu.memory_space<vmem>> -> memref<512xi32, #tpu.memory_space<vmem>>
    %dma_wait3A_474 = arith.constant 0 : i32
    %dma_wait3A_475 = tpu.memref_slice %arg8[%dma_wait3A_474] : memref<100000xf32, #tpu.memory_space<vmem_shared>> -> memref<100000xf32, #tpu.memory_space<vmem_shared>>
    tpu.wait_indirect_dma semaphore(%arg11 : memref<!tpu.dma_semaphore, #tpu.memory_space<semaphore_mem>>) src(%dma_wait3A_475 : memref<100000xf32, #tpu.memory_space<vmem_shared>>) dst(%dma_wait3A_471 : memref<512xf32, #tpu.memory_space<vmem>>)
    %dma_wait3A_476 = arith.constant 13824 : i32
    %dma_wait3A_477 = tpu.memref_slice %arg6[%dma_wait3A_476] : memref<25600xf32, #tpu.memory_space<vmem>> -> memref<512xf32, #tpu.memory_space<vmem>>
    %dma_wait3A_478 = arith.constant 13824 : i32
    %dma_wait3A_479 = tpu.memref_slice %arg5[%dma_wait3A_478] : memref<25600xi32, #tpu.memory_space<vmem>> -> memref<512xi32, #tpu.memory_space<vmem>>
    %dma_wait3A_480 = arith.constant 0 : i32
    %dma_wait3A_481 = tpu.memref_slice %arg8[%dma_wait3A_480] : memref<100000xf32, #tpu.memory_space<vmem_shared>> -> memref<100000xf32, #tpu.memory_space<vmem_shared>>
    tpu.wait_indirect_dma semaphore(%arg11 : memref<!tpu.dma_semaphore, #tpu.memory_space<semaphore_mem>>) src(%dma_wait3A_481 : memref<100000xf32, #tpu.memory_space<vmem_shared>>) dst(%dma_wait3A_477 : memref<512xf32, #tpu.memory_space<vmem>>)
    %dma_wait3A_482 = arith.constant 14336 : i32
    %dma_wait3A_483 = tpu.memref_slice %arg6[%dma_wait3A_482] : memref<25600xf32, #tpu.memory_space<vmem>> -> memref<512xf32, #tpu.memory_space<vmem>>
    %dma_wait3A_484 = arith.constant 14336 : i32
    %dma_wait3A_485 = tpu.memref_slice %arg5[%dma_wait3A_484] : memref<25600xi32, #tpu.memory_space<vmem>> -> memref<512xi32, #tpu.memory_space<vmem>>
    %dma_wait3A_486 = arith.constant 0 : i32
    %dma_wait3A_487 = tpu.memref_slice %arg8[%dma_wait3A_486] : memref<100000xf32, #tpu.memory_space<vmem_shared>> -> memref<100000xf32, #tpu.memory_space<vmem_shared>>
    tpu.wait_indirect_dma semaphore(%arg11 : memref<!tpu.dma_semaphore, #tpu.memory_space<semaphore_mem>>) src(%dma_wait3A_487 : memref<100000xf32, #tpu.memory_space<vmem_shared>>) dst(%dma_wait3A_483 : memref<512xf32, #tpu.memory_space<vmem>>)
    %dma_wait3A_488 = arith.constant 14848 : i32
    %dma_wait3A_489 = tpu.memref_slice %arg6[%dma_wait3A_488] : memref<25600xf32, #tpu.memory_space<vmem>> -> memref<512xf32, #tpu.memory_space<vmem>>
    %dma_wait3A_490 = arith.constant 14848 : i32
    %dma_wait3A_491 = tpu.memref_slice %arg5[%dma_wait3A_490] : memref<25600xi32, #tpu.memory_space<vmem>> -> memref<512xi32, #tpu.memory_space<vmem>>
    %dma_wait3A_492 = arith.constant 0 : i32
    %dma_wait3A_493 = tpu.memref_slice %arg8[%dma_wait3A_492] : memref<100000xf32, #tpu.memory_space<vmem_shared>> -> memref<100000xf32, #tpu.memory_space<vmem_shared>>
    tpu.wait_indirect_dma semaphore(%arg11 : memref<!tpu.dma_semaphore, #tpu.memory_space<semaphore_mem>>) src(%dma_wait3A_493 : memref<100000xf32, #tpu.memory_space<vmem_shared>>) dst(%dma_wait3A_489 : memref<512xf32, #tpu.memory_space<vmem>>)
    %scan3A_494 = arith.constant 0 : i32
    %scan3A_495 = arith.constant 0 : i32
    %scan3A_496 = arith.constant 32 : i32
    %scan3A_497 = arith.addi %scan3A_495, %scan3A_496 : i32
    %scan3A_498 = arith.constant 1 : i32
    scf.for %scan3A_632 = %scan3A_495 to %scan3A_497 step %scan3A_498  : i32 {
      %mul3A_633 = arith.constant 16 : i32
      %mul3A_634 = arith.muli %scan3A_632, %mul3A_633 : i32
      %get3A = arith.index_cast %mul3A_634 : i32 to index
      %get3A_635 = tpu.vector_load %arg7[%get3A] {strides = array<i32>} : memref<512xf32, #tpu.memory_space<vmem>>, vector<16xf32>,
      %get3A_636 = vector.shape_cast %get3A_635 : vector<16xf32> to vector<16xf32>
      %mul3A_637 = arith.constant 16 : i32
      %mul3A_638 = arith.muli %scan3A_632, %mul3A_637 : i32
      %add3A_639 = arith.constant 10240 : i32
      %add3A_640 = arith.addi %add3A_639, %mul3A_638 : i32
      %get3A_641 = arith.index_cast %add3A_640 : i32 to index
      %get3A_642 = tpu.vector_load %arg5[%get3A_641] {strides = array<i32>} : memref<25600xi32, #tpu.memory_space<vmem>>, vector<16xi32>,
      %get3A_643 = vector.shape_cast %get3A_642 : vector<16xi32> to vector<16xi32>
      %ne3A = arith.constant 0 : i32
      %ne3A_644 = vector.broadcast %ne3A : i32 to vector<16xi32>
      %ne3A_645 = arith.cmpi ne, %get3A_643, %ne3A_644 : vector<16xi32>
      %get3A_646 = arith.index_cast %add3A_640 : i32 to index
      %get3A_647 = tpu.vector_load %arg6[%get3A_646] {strides = array<i32>} : memref<25600xf32, #tpu.memory_space<vmem>>, vector<16xf32>,
      %get3A_648 = vector.shape_cast %get3A_647 : vector<16xf32> to vector<16xf32>
      %jit3A = arith.constant 0.000000e+00 : f32
      %broadcast_in_dim3A = vector.broadcast %jit3A : f32 to vector<16xf32>
      %select_n3A = arith.select %ne3A_645, %get3A_648, %broadcast_in_dim3A : vector<16xi1>, vector<16xf32>
      %add3A_649 = arith.addf %get3A_636, %select_n3A : vector<16xf32>
      %mul3A_650 = arith.constant 16 : i32
      %mul3A_651 = arith.muli %scan3A_632, %mul3A_650 : i32
      %add3A_652 = arith.constant 10752 : i32
      %add3A_653 = arith.addi %add3A_652, %mul3A_651 : i32
      %get3A_654 = arith.index_cast %add3A_653 : i32 to index
      %get3A_655 = tpu.vector_load %arg5[%get3A_654] {strides = array<i32>} : memref<25600xi32, #tpu.memory_space<vmem>>, vector<16xi32>,
      %get3A_656 = vector.shape_cast %get3A_655 : vector<16xi32> to vector<16xi32>
      %ne3A_657 = arith.constant 0 : i32
      %ne3A_658 = vector.broadcast %ne3A_657 : i32 to vector<16xi32>
      %ne3A_659 = arith.cmpi ne, %get3A_656, %ne3A_658 : vector<16xi32>
      %get3A_660 = arith.index_cast %add3A_653 : i32 to index
      %get3A_661 = tpu.vector_load %arg6[%get3A_660] {strides = array<i32>} : memref<25600xf32, #tpu.memory_space<vmem>>, vector<16xf32>,
      %get3A_662 = vector.shape_cast %get3A_661 : vector<16xf32> to vector<16xf32>
      %jit3A_663 = arith.constant 0.000000e+00 : f32
      %broadcast_in_dim3A_664 = vector.broadcast %jit3A_663 : f32 to vector<16xf32>
      %select_n3A_665 = arith.select %ne3A_659, %get3A_662, %broadcast_in_dim3A_664 : vector<16xi1>, vector<16xf32>
      %add3A_666 = arith.addf %add3A_649, %select_n3A_665 : vector<16xf32>
      %mul3A_667 = arith.constant 16 : i32
      %mul3A_668 = arith.muli %scan3A_632, %mul3A_667 : i32
      %add3A_669 = arith.constant 11264 : i32
      %add3A_670 = arith.addi %add3A_669, %mul3A_668 : i32
      %get3A_671 = arith.index_cast %add3A_670 : i32 to index
      %get3A_672 = tpu.vector_load %arg5[%get3A_671] {strides = array<i32>} : memref<25600xi32, #tpu.memory_space<vmem>>, vector<16xi32>,
      %get3A_673 = vector.shape_cast %get3A_672 : vector<16xi32> to vector<16xi32>
      %ne3A_674 = arith.constant 0 : i32
      %ne3A_675 = vector.broadcast %ne3A_674 : i32 to vector<16xi32>
      %ne3A_676 = arith.cmpi ne, %get3A_673, %ne3A_675 : vector<16xi32>
      %get3A_677 = arith.index_cast %add3A_670 : i32 to index
      %get3A_678 = tpu.vector_load %arg6[%get3A_677] {strides = array<i32>} : memref<25600xf32, #tpu.memory_space<vmem>>, vector<16xf32>,
      %get3A_679 = vector.shape_cast %get3A_678 : vector<16xf32> to vector<16xf32>
      %jit3A_680 = arith.constant 0.000000e+00 : f32
      %broadcast_in_dim3A_681 = vector.broadcast %jit3A_680 : f32 to vector<16xf32>
      %select_n3A_682 = arith.select %ne3A_676, %get3A_679, %broadcast_in_dim3A_681 : vector<16xi1>, vector<16xf32>
      %add3A_683 = arith.addf %add3A_666, %select_n3A_682 : vector<16xf32>
      %mul3A_684 = arith.constant 16 : i32
      %mul3A_685 = arith.muli %scan3A_632, %mul3A_684 : i32
      %add3A_686 = arith.constant 11776 : i32
      %add3A_687 = arith.addi %add3A_686, %mul3A_685 : i32
      %get3A_688 = arith.index_cast %add3A_687 : i32 to index
      %get3A_689 = tpu.vector_load %arg5[%get3A_688] {strides = array<i32>} : memref<25600xi32, #tpu.memory_space<vmem>>, vector<16xi32>,
      %get3A_690 = vector.shape_cast %get3A_689 : vector<16xi32> to vector<16xi32>
      %ne3A_691 = arith.constant 0 : i32
      %ne3A_692 = vector.broadcast %ne3A_691 : i32 to vector<16xi32>
      %ne3A_693 = arith.cmpi ne, %get3A_690, %ne3A_692 : vector<16xi32>
      %get3A_694 = arith.index_cast %add3A_687 : i32 to index
      %get3A_695 = tpu.vector_load %arg6[%get3A_694] {strides = array<i32>} : memref<25600xf32, #tpu.memory_space<vmem>>, vector<16xf32>,
      %get3A_696 = vector.shape_cast %get3A_695 : vector<16xf32> to vector<16xf32>
      %jit3A_697 = arith.constant 0.000000e+00 : f32
      %broadcast_in_dim3A_698 = vector.broadcast %jit3A_697 : f32 to vector<16xf32>
      %select_n3A_699 = arith.select %ne3A_693, %get3A_696, %broadcast_in_dim3A_698 : vector<16xi1>, vector<16xf32>
      %add3A_700 = arith.addf %add3A_683, %select_n3A_699 : vector<16xf32>
      %mul3A_701 = arith.constant 16 : i32
      %mul3A_702 = arith.muli %scan3A_632, %mul3A_701 : i32
      %add3A_703 = arith.constant 12288 : i32
      %add3A_704 = arith.addi %add3A_703, %mul3A_702 : i32
      %get3A_705 = arith.index_cast %add3A_704 : i32 to index
      %get3A_706 = tpu.vector_load %arg5[%get3A_705] {strides = array<i32>} : memref<25600xi32, #tpu.memory_space<vmem>>, vector<16xi32>,
      %get3A_707 = vector.shape_cast %get3A_706 : vector<16xi32> to vector<16xi32>
      %ne3A_708 = arith.constant 0 : i32
      %ne3A_709 = vector.broadcast %ne3A_708 : i32 to vector<16xi32>
      %ne3A_710 = arith.cmpi ne, %get3A_707, %ne3A_709 : vector<16xi32>
      %get3A_711 = arith.index_cast %add3A_704 : i32 to index
      %get3A_712 = tpu.vector_load %arg6[%get3A_711] {strides = array<i32>} : memref<25600xf32, #tpu.memory_space<vmem>>, vector<16xf32>,
      %get3A_713 = vector.shape_cast %get3A_712 : vector<16xf32> to vector<16xf32>
      %jit3A_714 = arith.constant 0.000000e+00 : f32
      %broadcast_in_dim3A_715 = vector.broadcast %jit3A_714 : f32 to vector<16xf32>
      %select_n3A_716 = arith.select %ne3A_710, %get3A_713, %broadcast_in_dim3A_715 : vector<16xi1>, vector<16xf32>
      %add3A_717 = arith.addf %add3A_700, %select_n3A_716 : vector<16xf32>
      %mul3A_718 = arith.constant 16 : i32
      %mul3A_719 = arith.muli %scan3A_632, %mul3A_718 : i32
      %add3A_720 = arith.constant 12800 : i32
      %add3A_721 = arith.addi %add3A_720, %mul3A_719 : i32
      %get3A_722 = arith.index_cast %add3A_721 : i32 to index
      %get3A_723 = tpu.vector_load %arg5[%get3A_722] {strides = array<i32>} : memref<25600xi32, #tpu.memory_space<vmem>>, vector<16xi32>,
      %get3A_724 = vector.shape_cast %get3A_723 : vector<16xi32> to vector<16xi32>
      %ne3A_725 = arith.constant 0 : i32
      %ne3A_726 = vector.broadcast %ne3A_725 : i32 to vector<16xi32>
      %ne3A_727 = arith.cmpi ne, %get3A_724, %ne3A_726 : vector<16xi32>
      %get3A_728 = arith.index_cast %add3A_721 : i32 to index
      %get3A_729 = tpu.vector_load %arg6[%get3A_728] {strides = array<i32>} : memref<25600xf32, #tpu.memory_space<vmem>>, vector<16xf32>,
      %get3A_730 = vector.shape_cast %get3A_729 : vector<16xf32> to vector<16xf32>
      %jit3A_731 = arith.constant 0.000000e+00 : f32
      %broadcast_in_dim3A_732 = vector.broadcast %jit3A_731 : f32 to vector<16xf32>
      %select_n3A_733 = arith.select %ne3A_727, %get3A_730, %broadcast_in_dim3A_732 : vector<16xi1>, vector<16xf32>
      %add3A_734 = arith.addf %add3A_717, %select_n3A_733 : vector<16xf32>
      %mul3A_735 = arith.constant 16 : i32
      %mul3A_736 = arith.muli %scan3A_632, %mul3A_735 : i32
      %add3A_737 = arith.constant 13312 : i32
      %add3A_738 = arith.addi %add3A_737, %mul3A_736 : i32
      %get3A_739 = arith.index_cast %add3A_738 : i32 to index
      %get3A_740 = tpu.vector_load %arg5[%get3A_739] {strides = array<i32>} : memref<25600xi32, #tpu.memory_space<vmem>>, vector<16xi32>,
      %get3A_741 = vector.shape_cast %get3A_740 : vector<16xi32> to vector<16xi32>
      %ne3A_742 = arith.constant 0 : i32
      %ne3A_743 = vector.broadcast %ne3A_742 : i32 to vector<16xi32>
      %ne3A_744 = arith.cmpi ne, %get3A_741, %ne3A_743 : vector<16xi32>
      %get3A_745 = arith.index_cast %add3A_738 : i32 to index
      %get3A_746 = tpu.vector_load %arg6[%get3A_745] {strides = array<i32>} : memref<25600xf32, #tpu.memory_space<vmem>>, vector<16xf32>,
      %get3A_747 = vector.shape_cast %get3A_746 : vector<16xf32> to vector<16xf32>
      %jit3A_748 = arith.constant 0.000000e+00 : f32
      %broadcast_in_dim3A_749 = vector.broadcast %jit3A_748 : f32 to vector<16xf32>
      %select_n3A_750 = arith.select %ne3A_744, %get3A_747, %broadcast_in_dim3A_749 : vector<16xi1>, vector<16xf32>
      %add3A_751 = arith.addf %add3A_734, %select_n3A_750 : vector<16xf32>
      %mul3A_752 = arith.constant 16 : i32
      %mul3A_753 = arith.muli %scan3A_632, %mul3A_752 : i32
      %add3A_754 = arith.constant 13824 : i32
      %add3A_755 = arith.addi %add3A_754, %mul3A_753 : i32
      %get3A_756 = arith.index_cast %add3A_755 : i32 to index
      %get3A_757 = tpu.vector_load %arg5[%get3A_756] {strides = array<i32>} : memref<25600xi32, #tpu.memory_space<vmem>>, vector<16xi32>,
      %get3A_758 = vector.shape_cast %get3A_757 : vector<16xi32> to vector<16xi32>
      %ne3A_759 = arith.constant 0 : i32
      %ne3A_760 = vector.broadcast %ne3A_759 : i32 to vector<16xi32>
      %ne3A_761 = arith.cmpi ne, %get3A_758, %ne3A_760 : vector<16xi32>
      %get3A_762 = arith.index_cast %add3A_755 : i32 to index
      %get3A_763 = tpu.vector_load %arg6[%get3A_762] {strides = array<i32>} : memref<25600xf32, #tpu.memory_space<vmem>>, vector<16xf32>,
      %get3A_764 = vector.shape_cast %get3A_763 : vector<16xf32> to vector<16xf32>
      %jit3A_765 = arith.constant 0.000000e+00 : f32
      %broadcast_in_dim3A_766 = vector.broadcast %jit3A_765 : f32 to vector<16xf32>
      %select_n3A_767 = arith.select %ne3A_761, %get3A_764, %broadcast_in_dim3A_766 : vector<16xi1>, vector<16xf32>
      %add3A_768 = arith.addf %add3A_751, %select_n3A_767 : vector<16xf32>
      %mul3A_769 = arith.constant 16 : i32
      %mul3A_770 = arith.muli %scan3A_632, %mul3A_769 : i32
      %add3A_771 = arith.constant 14336 : i32
      %add3A_772 = arith.addi %add3A_771, %mul3A_770 : i32
      %get3A_773 = arith.index_cast %add3A_772 : i32 to index
      %get3A_774 = tpu.vector_load %arg5[%get3A_773] {strides = array<i32>} : memref<25600xi32, #tpu.memory_space<vmem>>, vector<16xi32>,
      %get3A_775 = vector.shape_cast %get3A_774 : vector<16xi32> to vector<16xi32>
      %ne3A_776 = arith.constant 0 : i32
      %ne3A_777 = vector.broadcast %ne3A_776 : i32 to vector<16xi32>
      %ne3A_778 = arith.cmpi ne, %get3A_775, %ne3A_777 : vector<16xi32>
      %get3A_779 = arith.index_cast %add3A_772 : i32 to index
      %get3A_780 = tpu.vector_load %arg6[%get3A_779] {strides = array<i32>} : memref<25600xf32, #tpu.memory_space<vmem>>, vector<16xf32>,
      %get3A_781 = vector.shape_cast %get3A_780 : vector<16xf32> to vector<16xf32>
      %jit3A_782 = arith.constant 0.000000e+00 : f32
      %broadcast_in_dim3A_783 = vector.broadcast %jit3A_782 : f32 to vector<16xf32>
      %select_n3A_784 = arith.select %ne3A_778, %get3A_781, %broadcast_in_dim3A_783 : vector<16xi1>, vector<16xf32>
      %add3A_785 = arith.addf %add3A_768, %select_n3A_784 : vector<16xf32>
      %mul3A_786 = arith.constant 16 : i32
      %mul3A_787 = arith.muli %scan3A_632, %mul3A_786 : i32
      %add3A_788 = arith.constant 14848 : i32
      %add3A_789 = arith.addi %add3A_788, %mul3A_787 : i32
      %get3A_790 = arith.index_cast %add3A_789 : i32 to index
      %get3A_791 = tpu.vector_load %arg5[%get3A_790] {strides = array<i32>} : memref<25600xi32, #tpu.memory_space<vmem>>, vector<16xi32>,
      %get3A_792 = vector.shape_cast %get3A_791 : vector<16xi32> to vector<16xi32>
      %ne3A_793 = arith.constant 0 : i32
      %ne3A_794 = vector.broadcast %ne3A_793 : i32 to vector<16xi32>
      %ne3A_795 = arith.cmpi ne, %get3A_792, %ne3A_794 : vector<16xi32>
      %get3A_796 = arith.index_cast %add3A_789 : i32 to index
      %get3A_797 = tpu.vector_load %arg6[%get3A_796] {strides = array<i32>} : memref<25600xf32, #tpu.memory_space<vmem>>, vector<16xf32>,
      %get3A_798 = vector.shape_cast %get3A_797 : vector<16xf32> to vector<16xf32>
      %jit3A_799 = arith.constant 0.000000e+00 : f32
      %broadcast_in_dim3A_800 = vector.broadcast %jit3A_799 : f32 to vector<16xf32>
      %select_n3A_801 = arith.select %ne3A_795, %get3A_798, %broadcast_in_dim3A_800 : vector<16xi1>, vector<16xf32>
      %add3A_802 = arith.addf %add3A_785, %select_n3A_801 : vector<16xf32>
      %swap3A = arith.index_cast %mul3A_634 : i32 to index
      %swap3A_803 = tpu.vector_load %arg7[%swap3A] {strides = array<i32>} : memref<512xf32, #tpu.memory_space<vmem>>, vector<16xf32>,
      %swap3A_804 = vector.shape_cast %swap3A_803 : vector<16xf32> to vector<16xf32>
      %swap3A_805 = vector.shape_cast %add3A_802 : vector<16xf32> to vector<16xf32>
      tpu.vector_store %arg7[%swap3A], %swap3A_805 {strides = array<i32>} : memref<512xf32, #tpu.memory_space<vmem>>, vector<16xf32>,
    }
    %scan3A_499 = arith.constant 32 : i32
    %dma_wait3A_500 = arith.constant 15360 : i32
    %dma_wait3A_501 = tpu.memref_slice %arg6[%dma_wait3A_500] : memref<25600xf32, #tpu.memory_space<vmem>> -> memref<512xf32, #tpu.memory_space<vmem>>
    %dma_wait3A_502 = arith.constant 15360 : i32
    %dma_wait3A_503 = tpu.memref_slice %arg5[%dma_wait3A_502] : memref<25600xi32, #tpu.memory_space<vmem>> -> memref<512xi32, #tpu.memory_space<vmem>>
    %dma_wait3A_504 = arith.constant 0 : i32
    %dma_wait3A_505 = tpu.memref_slice %arg8[%dma_wait3A_504] : memref<100000xf32, #tpu.memory_space<vmem_shared>> -> memref<100000xf32, #tpu.memory_space<vmem_shared>>
    tpu.wait_indirect_dma semaphore(%arg12 : memref<!tpu.dma_semaphore, #tpu.memory_space<semaphore_mem>>) src(%dma_wait3A_505 : memref<100000xf32, #tpu.memory_space<vmem_shared>>) dst(%dma_wait3A_501 : memref<512xf32, #tpu.memory_space<vmem>>)
    %dma_wait3A_506 = arith.constant 15872 : i32
    %dma_wait3A_507 = tpu.memref_slice %arg6[%dma_wait3A_506] : memref<25600xf32, #tpu.memory_space<vmem>> -> memref<512xf32, #tpu.memory_space<vmem>>
    %dma_wait3A_508 = arith.constant 15872 : i32
    %dma_wait3A_509 = tpu.memref_slice %arg5[%dma_wait3A_508] : memref<25600xi32, #tpu.memory_space<vmem>> -> memref<512xi32, #tpu.memory_space<vmem>>
    %dma_wait3A_510 = arith.constant 0 : i32
    %dma_wait3A_511 = tpu.memref_slice %arg8[%dma_wait3A_510] : memref<100000xf32, #tpu.memory_space<vmem_shared>> -> memref<100000xf32, #tpu.memory_space<vmem_shared>>
    tpu.wait_indirect_dma semaphore(%arg12 : memref<!tpu.dma_semaphore, #tpu.memory_space<semaphore_mem>>) src(%dma_wait3A_511 : memref<100000xf32, #tpu.memory_space<vmem_shared>>) dst(%dma_wait3A_507 : memref<512xf32, #tpu.memory_space<vmem>>)
    %dma_wait3A_512 = arith.constant 16384 : i32
    %dma_wait3A_513 = tpu.memref_slice %arg6[%dma_wait3A_512] : memref<25600xf32, #tpu.memory_space<vmem>> -> memref<512xf32, #tpu.memory_space<vmem>>
    %dma_wait3A_514 = arith.constant 16384 : i32
    %dma_wait3A_515 = tpu.memref_slice %arg5[%dma_wait3A_514] : memref<25600xi32, #tpu.memory_space<vmem>> -> memref<512xi32, #tpu.memory_space<vmem>>
    %dma_wait3A_516 = arith.constant 0 : i32
    %dma_wait3A_517 = tpu.memref_slice %arg8[%dma_wait3A_516] : memref<100000xf32, #tpu.memory_space<vmem_shared>> -> memref<100000xf32, #tpu.memory_space<vmem_shared>>
    tpu.wait_indirect_dma semaphore(%arg12 : memref<!tpu.dma_semaphore, #tpu.memory_space<semaphore_mem>>) src(%dma_wait3A_517 : memref<100000xf32, #tpu.memory_space<vmem_shared>>) dst(%dma_wait3A_513 : memref<512xf32, #tpu.memory_space<vmem>>)
    %dma_wait3A_518 = arith.constant 16896 : i32
    %dma_wait3A_519 = tpu.memref_slice %arg6[%dma_wait3A_518] : memref<25600xf32, #tpu.memory_space<vmem>> -> memref<512xf32, #tpu.memory_space<vmem>>
    %dma_wait3A_520 = arith.constant 16896 : i32
    %dma_wait3A_521 = tpu.memref_slice %arg5[%dma_wait3A_520] : memref<25600xi32, #tpu.memory_space<vmem>> -> memref<512xi32, #tpu.memory_space<vmem>>
    %dma_wait3A_522 = arith.constant 0 : i32
    %dma_wait3A_523 = tpu.memref_slice %arg8[%dma_wait3A_522] : memref<100000xf32, #tpu.memory_space<vmem_shared>> -> memref<100000xf32, #tpu.memory_space<vmem_shared>>
    tpu.wait_indirect_dma semaphore(%arg12 : memref<!tpu.dma_semaphore, #tpu.memory_space<semaphore_mem>>) src(%dma_wait3A_523 : memref<100000xf32, #tpu.memory_space<vmem_shared>>) dst(%dma_wait3A_519 : memref<512xf32, #tpu.memory_space<vmem>>)
    %dma_wait3A_524 = arith.constant 17408 : i32
    %dma_wait3A_525 = tpu.memref_slice %arg6[%dma_wait3A_524] : memref<25600xf32, #tpu.memory_space<vmem>> -> memref<512xf32, #tpu.memory_space<vmem>>
    %dma_wait3A_526 = arith.constant 17408 : i32
    %dma_wait3A_527 = tpu.memref_slice %arg5[%dma_wait3A_526] : memref<25600xi32, #tpu.memory_space<vmem>> -> memref<512xi32, #tpu.memory_space<vmem>>
    %dma_wait3A_528 = arith.constant 0 : i32
    %dma_wait3A_529 = tpu.memref_slice %arg8[%dma_wait3A_528] : memref<100000xf32, #tpu.memory_space<vmem_shared>> -> memref<100000xf32, #tpu.memory_space<vmem_shared>>
    tpu.wait_indirect_dma semaphore(%arg12 : memref<!tpu.dma_semaphore, #tpu.memory_space<semaphore_mem>>) src(%dma_wait3A_529 : memref<100000xf32, #tpu.memory_space<vmem_shared>>) dst(%dma_wait3A_525 : memref<512xf32, #tpu.memory_space<vmem>>)
    %dma_wait3A_530 = arith.constant 17920 : i32
    %dma_wait3A_531 = tpu.memref_slice %arg6[%dma_wait3A_530] : memref<25600xf32, #tpu.memory_space<vmem>> -> memref<512xf32, #tpu.memory_space<vmem>>
    %dma_wait3A_532 = arith.constant 17920 : i32
    %dma_wait3A_533 = tpu.memref_slice %arg5[%dma_wait3A_532] : memref<25600xi32, #tpu.memory_space<vmem>> -> memref<512xi32, #tpu.memory_space<vmem>>
    %dma_wait3A_534 = arith.constant 0 : i32
    %dma_wait3A_535 = tpu.memref_slice %arg8[%dma_wait3A_534] : memref<100000xf32, #tpu.memory_space<vmem_shared>> -> memref<100000xf32, #tpu.memory_space<vmem_shared>>
    tpu.wait_indirect_dma semaphore(%arg12 : memref<!tpu.dma_semaphore, #tpu.memory_space<semaphore_mem>>) src(%dma_wait3A_535 : memref<100000xf32, #tpu.memory_space<vmem_shared>>) dst(%dma_wait3A_531 : memref<512xf32, #tpu.memory_space<vmem>>)
    %dma_wait3A_536 = arith.constant 18432 : i32
    %dma_wait3A_537 = tpu.memref_slice %arg6[%dma_wait3A_536] : memref<25600xf32, #tpu.memory_space<vmem>> -> memref<512xf32, #tpu.memory_space<vmem>>
    %dma_wait3A_538 = arith.constant 18432 : i32
    %dma_wait3A_539 = tpu.memref_slice %arg5[%dma_wait3A_538] : memref<25600xi32, #tpu.memory_space<vmem>> -> memref<512xi32, #tpu.memory_space<vmem>>
    %dma_wait3A_540 = arith.constant 0 : i32
    %dma_wait3A_541 = tpu.memref_slice %arg8[%dma_wait3A_540] : memref<100000xf32, #tpu.memory_space<vmem_shared>> -> memref<100000xf32, #tpu.memory_space<vmem_shared>>
    tpu.wait_indirect_dma semaphore(%arg12 : memref<!tpu.dma_semaphore, #tpu.memory_space<semaphore_mem>>) src(%dma_wait3A_541 : memref<100000xf32, #tpu.memory_space<vmem_shared>>) dst(%dma_wait3A_537 : memref<512xf32, #tpu.memory_space<vmem>>)
    %dma_wait3A_542 = arith.constant 18944 : i32
    %dma_wait3A_543 = tpu.memref_slice %arg6[%dma_wait3A_542] : memref<25600xf32, #tpu.memory_space<vmem>> -> memref<512xf32, #tpu.memory_space<vmem>>
    %dma_wait3A_544 = arith.constant 18944 : i32
    %dma_wait3A_545 = tpu.memref_slice %arg5[%dma_wait3A_544] : memref<25600xi32, #tpu.memory_space<vmem>> -> memref<512xi32, #tpu.memory_space<vmem>>
    %dma_wait3A_546 = arith.constant 0 : i32
    %dma_wait3A_547 = tpu.memref_slice %arg8[%dma_wait3A_546] : memref<100000xf32, #tpu.memory_space<vmem_shared>> -> memref<100000xf32, #tpu.memory_space<vmem_shared>>
    tpu.wait_indirect_dma semaphore(%arg12 : memref<!tpu.dma_semaphore, #tpu.memory_space<semaphore_mem>>) src(%dma_wait3A_547 : memref<100000xf32, #tpu.memory_space<vmem_shared>>) dst(%dma_wait3A_543 : memref<512xf32, #tpu.memory_space<vmem>>)
    %dma_wait3A_548 = arith.constant 19456 : i32
    %dma_wait3A_549 = tpu.memref_slice %arg6[%dma_wait3A_548] : memref<25600xf32, #tpu.memory_space<vmem>> -> memref<512xf32, #tpu.memory_space<vmem>>
    %dma_wait3A_550 = arith.constant 19456 : i32
    %dma_wait3A_551 = tpu.memref_slice %arg5[%dma_wait3A_550] : memref<25600xi32, #tpu.memory_space<vmem>> -> memref<512xi32, #tpu.memory_space<vmem>>
    %dma_wait3A_552 = arith.constant 0 : i32
    %dma_wait3A_553 = tpu.memref_slice %arg8[%dma_wait3A_552] : memref<100000xf32, #tpu.memory_space<vmem_shared>> -> memref<100000xf32, #tpu.memory_space<vmem_shared>>
    tpu.wait_indirect_dma semaphore(%arg12 : memref<!tpu.dma_semaphore, #tpu.memory_space<semaphore_mem>>) src(%dma_wait3A_553 : memref<100000xf32, #tpu.memory_space<vmem_shared>>) dst(%dma_wait3A_549 : memref<512xf32, #tpu.memory_space<vmem>>)
    %dma_wait3A_554 = arith.constant 19968 : i32
    %dma_wait3A_555 = tpu.memref_slice %arg6[%dma_wait3A_554] : memref<25600xf32, #tpu.memory_space<vmem>> -> memref<512xf32, #tpu.memory_space<vmem>>
    %dma_wait3A_556 = arith.constant 19968 : i32
    %dma_wait3A_557 = tpu.memref_slice %arg5[%dma_wait3A_556] : memref<25600xi32, #tpu.memory_space<vmem>> -> memref<512xi32, #tpu.memory_space<vmem>>
    %dma_wait3A_558 = arith.constant 0 : i32
    %dma_wait3A_559 = tpu.memref_slice %arg8[%dma_wait3A_558] : memref<100000xf32, #tpu.memory_space<vmem_shared>> -> memref<100000xf32, #tpu.memory_space<vmem_shared>>
    tpu.wait_indirect_dma semaphore(%arg12 : memref<!tpu.dma_semaphore, #tpu.memory_space<semaphore_mem>>) src(%dma_wait3A_559 : memref<100000xf32, #tpu.memory_space<vmem_shared>>) dst(%dma_wait3A_555 : memref<512xf32, #tpu.memory_space<vmem>>)
    %scan3A_560 = arith.constant 0 : i32
    %scan3A_561 = arith.constant 0 : i32
    %scan3A_562 = arith.constant 32 : i32
    %scan3A_563 = arith.addi %scan3A_561, %scan3A_562 : i32
    %scan3A_564 = arith.constant 1 : i32
    scf.for %scan3A_632 = %scan3A_561 to %scan3A_563 step %scan3A_564  : i32 {
      %mul3A_633 = arith.constant 16 : i32
      %mul3A_634 = arith.muli %scan3A_632, %mul3A_633 : i32
      %get3A = arith.index_cast %mul3A_634 : i32 to index
      %get3A_635 = tpu.vector_load %arg7[%get3A] {strides = array<i32>} : memref<512xf32, #tpu.memory_space<vmem>>, vector<16xf32>,
      %get3A_636 = vector.shape_cast %get3A_635 : vector<16xf32> to vector<16xf32>
      %mul3A_637 = arith.constant 16 : i32
      %mul3A_638 = arith.muli %scan3A_632, %mul3A_637 : i32
      %add3A_639 = arith.constant 15360 : i32
      %add3A_640 = arith.addi %add3A_639, %mul3A_638 : i32
      %get3A_641 = arith.index_cast %add3A_640 : i32 to index
      %get3A_642 = tpu.vector_load %arg5[%get3A_641] {strides = array<i32>} : memref<25600xi32, #tpu.memory_space<vmem>>, vector<16xi32>,
      %get3A_643 = vector.shape_cast %get3A_642 : vector<16xi32> to vector<16xi32>
      %ne3A = arith.constant 0 : i32
      %ne3A_644 = vector.broadcast %ne3A : i32 to vector<16xi32>
      %ne3A_645 = arith.cmpi ne, %get3A_643, %ne3A_644 : vector<16xi32>
      %get3A_646 = arith.index_cast %add3A_640 : i32 to index
      %get3A_647 = tpu.vector_load %arg6[%get3A_646] {strides = array<i32>} : memref<25600xf32, #tpu.memory_space<vmem>>, vector<16xf32>,
      %get3A_648 = vector.shape_cast %get3A_647 : vector<16xf32> to vector<16xf32>
      %jit3A = arith.constant 0.000000e+00 : f32
      %broadcast_in_dim3A = vector.broadcast %jit3A : f32 to vector<16xf32>
      %select_n3A = arith.select %ne3A_645, %get3A_648, %broadcast_in_dim3A : vector<16xi1>, vector<16xf32>
      %add3A_649 = arith.addf %get3A_636, %select_n3A : vector<16xf32>
      %mul3A_650 = arith.constant 16 : i32
      %mul3A_651 = arith.muli %scan3A_632, %mul3A_650 : i32
      %add3A_652 = arith.constant 15872 : i32
      %add3A_653 = arith.addi %add3A_652, %mul3A_651 : i32
      %get3A_654 = arith.index_cast %add3A_653 : i32 to index
      %get3A_655 = tpu.vector_load %arg5[%get3A_654] {strides = array<i32>} : memref<25600xi32, #tpu.memory_space<vmem>>, vector<16xi32>,
      %get3A_656 = vector.shape_cast %get3A_655 : vector<16xi32> to vector<16xi32>
      %ne3A_657 = arith.constant 0 : i32
      %ne3A_658 = vector.broadcast %ne3A_657 : i32 to vector<16xi32>
      %ne3A_659 = arith.cmpi ne, %get3A_656, %ne3A_658 : vector<16xi32>
      %get3A_660 = arith.index_cast %add3A_653 : i32 to index
      %get3A_661 = tpu.vector_load %arg6[%get3A_660] {strides = array<i32>} : memref<25600xf32, #tpu.memory_space<vmem>>, vector<16xf32>,
      %get3A_662 = vector.shape_cast %get3A_661 : vector<16xf32> to vector<16xf32>
      %jit3A_663 = arith.constant 0.000000e+00 : f32
      %broadcast_in_dim3A_664 = vector.broadcast %jit3A_663 : f32 to vector<16xf32>
      %select_n3A_665 = arith.select %ne3A_659, %get3A_662, %broadcast_in_dim3A_664 : vector<16xi1>, vector<16xf32>
      %add3A_666 = arith.addf %add3A_649, %select_n3A_665 : vector<16xf32>
      %mul3A_667 = arith.constant 16 : i32
      %mul3A_668 = arith.muli %scan3A_632, %mul3A_667 : i32
      %add3A_669 = arith.constant 16384 : i32
      %add3A_670 = arith.addi %add3A_669, %mul3A_668 : i32
      %get3A_671 = arith.index_cast %add3A_670 : i32 to index
      %get3A_672 = tpu.vector_load %arg5[%get3A_671] {strides = array<i32>} : memref<25600xi32, #tpu.memory_space<vmem>>, vector<16xi32>,
      %get3A_673 = vector.shape_cast %get3A_672 : vector<16xi32> to vector<16xi32>
      %ne3A_674 = arith.constant 0 : i32
      %ne3A_675 = vector.broadcast %ne3A_674 : i32 to vector<16xi32>
      %ne3A_676 = arith.cmpi ne, %get3A_673, %ne3A_675 : vector<16xi32>
      %get3A_677 = arith.index_cast %add3A_670 : i32 to index
      %get3A_678 = tpu.vector_load %arg6[%get3A_677] {strides = array<i32>} : memref<25600xf32, #tpu.memory_space<vmem>>, vector<16xf32>,
      %get3A_679 = vector.shape_cast %get3A_678 : vector<16xf32> to vector<16xf32>
      %jit3A_680 = arith.constant 0.000000e+00 : f32
      %broadcast_in_dim3A_681 = vector.broadcast %jit3A_680 : f32 to vector<16xf32>
      %select_n3A_682 = arith.select %ne3A_676, %get3A_679, %broadcast_in_dim3A_681 : vector<16xi1>, vector<16xf32>
      %add3A_683 = arith.addf %add3A_666, %select_n3A_682 : vector<16xf32>
      %mul3A_684 = arith.constant 16 : i32
      %mul3A_685 = arith.muli %scan3A_632, %mul3A_684 : i32
      %add3A_686 = arith.constant 16896 : i32
      %add3A_687 = arith.addi %add3A_686, %mul3A_685 : i32
      %get3A_688 = arith.index_cast %add3A_687 : i32 to index
      %get3A_689 = tpu.vector_load %arg5[%get3A_688] {strides = array<i32>} : memref<25600xi32, #tpu.memory_space<vmem>>, vector<16xi32>,
      %get3A_690 = vector.shape_cast %get3A_689 : vector<16xi32> to vector<16xi32>
      %ne3A_691 = arith.constant 0 : i32
      %ne3A_692 = vector.broadcast %ne3A_691 : i32 to vector<16xi32>
      %ne3A_693 = arith.cmpi ne, %get3A_690, %ne3A_692 : vector<16xi32>
      %get3A_694 = arith.index_cast %add3A_687 : i32 to index
      %get3A_695 = tpu.vector_load %arg6[%get3A_694] {strides = array<i32>} : memref<25600xf32, #tpu.memory_space<vmem>>, vector<16xf32>,
      %get3A_696 = vector.shape_cast %get3A_695 : vector<16xf32> to vector<16xf32>
      %jit3A_697 = arith.constant 0.000000e+00 : f32
      %broadcast_in_dim3A_698 = vector.broadcast %jit3A_697 : f32 to vector<16xf32>
      %select_n3A_699 = arith.select %ne3A_693, %get3A_696, %broadcast_in_dim3A_698 : vector<16xi1>, vector<16xf32>
      %add3A_700 = arith.addf %add3A_683, %select_n3A_699 : vector<16xf32>
      %mul3A_701 = arith.constant 16 : i32
      %mul3A_702 = arith.muli %scan3A_632, %mul3A_701 : i32
      %add3A_703 = arith.constant 17408 : i32
      %add3A_704 = arith.addi %add3A_703, %mul3A_702 : i32
      %get3A_705 = arith.index_cast %add3A_704 : i32 to index
      %get3A_706 = tpu.vector_load %arg5[%get3A_705] {strides = array<i32>} : memref<25600xi32, #tpu.memory_space<vmem>>, vector<16xi32>,
      %get3A_707 = vector.shape_cast %get3A_706 : vector<16xi32> to vector<16xi32>
      %ne3A_708 = arith.constant 0 : i32
      %ne3A_709 = vector.broadcast %ne3A_708 : i32 to vector<16xi32>
      %ne3A_710 = arith.cmpi ne, %get3A_707, %ne3A_709 : vector<16xi32>
      %get3A_711 = arith.index_cast %add3A_704 : i32 to index
      %get3A_712 = tpu.vector_load %arg6[%get3A_711] {strides = array<i32>} : memref<25600xf32, #tpu.memory_space<vmem>>, vector<16xf32>,
      %get3A_713 = vector.shape_cast %get3A_712 : vector<16xf32> to vector<16xf32>
      %jit3A_714 = arith.constant 0.000000e+00 : f32
      %broadcast_in_dim3A_715 = vector.broadcast %jit3A_714 : f32 to vector<16xf32>
      %select_n3A_716 = arith.select %ne3A_710, %get3A_713, %broadcast_in_dim3A_715 : vector<16xi1>, vector<16xf32>
      %add3A_717 = arith.addf %add3A_700, %select_n3A_716 : vector<16xf32>
      %mul3A_718 = arith.constant 16 : i32
      %mul3A_719 = arith.muli %scan3A_632, %mul3A_718 : i32
      %add3A_720 = arith.constant 17920 : i32
      %add3A_721 = arith.addi %add3A_720, %mul3A_719 : i32
      %get3A_722 = arith.index_cast %add3A_721 : i32 to index
      %get3A_723 = tpu.vector_load %arg5[%get3A_722] {strides = array<i32>} : memref<25600xi32, #tpu.memory_space<vmem>>, vector<16xi32>,
      %get3A_724 = vector.shape_cast %get3A_723 : vector<16xi32> to vector<16xi32>
      %ne3A_725 = arith.constant 0 : i32
      %ne3A_726 = vector.broadcast %ne3A_725 : i32 to vector<16xi32>
      %ne3A_727 = arith.cmpi ne, %get3A_724, %ne3A_726 : vector<16xi32>
      %get3A_728 = arith.index_cast %add3A_721 : i32 to index
      %get3A_729 = tpu.vector_load %arg6[%get3A_728] {strides = array<i32>} : memref<25600xf32, #tpu.memory_space<vmem>>, vector<16xf32>,
      %get3A_730 = vector.shape_cast %get3A_729 : vector<16xf32> to vector<16xf32>
      %jit3A_731 = arith.constant 0.000000e+00 : f32
      %broadcast_in_dim3A_732 = vector.broadcast %jit3A_731 : f32 to vector<16xf32>
      %select_n3A_733 = arith.select %ne3A_727, %get3A_730, %broadcast_in_dim3A_732 : vector<16xi1>, vector<16xf32>
      %add3A_734 = arith.addf %add3A_717, %select_n3A_733 : vector<16xf32>
      %mul3A_735 = arith.constant 16 : i32
      %mul3A_736 = arith.muli %scan3A_632, %mul3A_735 : i32
      %add3A_737 = arith.constant 18432 : i32
      %add3A_738 = arith.addi %add3A_737, %mul3A_736 : i32
      %get3A_739 = arith.index_cast %add3A_738 : i32 to index
      %get3A_740 = tpu.vector_load %arg5[%get3A_739] {strides = array<i32>} : memref<25600xi32, #tpu.memory_space<vmem>>, vector<16xi32>,
      %get3A_741 = vector.shape_cast %get3A_740 : vector<16xi32> to vector<16xi32>
      %ne3A_742 = arith.constant 0 : i32
      %ne3A_743 = vector.broadcast %ne3A_742 : i32 to vector<16xi32>
      %ne3A_744 = arith.cmpi ne, %get3A_741, %ne3A_743 : vector<16xi32>
      %get3A_745 = arith.index_cast %add3A_738 : i32 to index
      %get3A_746 = tpu.vector_load %arg6[%get3A_745] {strides = array<i32>} : memref<25600xf32, #tpu.memory_space<vmem>>, vector<16xf32>,
      %get3A_747 = vector.shape_cast %get3A_746 : vector<16xf32> to vector<16xf32>
      %jit3A_748 = arith.constant 0.000000e+00 : f32
      %broadcast_in_dim3A_749 = vector.broadcast %jit3A_748 : f32 to vector<16xf32>
      %select_n3A_750 = arith.select %ne3A_744, %get3A_747, %broadcast_in_dim3A_749 : vector<16xi1>, vector<16xf32>
      %add3A_751 = arith.addf %add3A_734, %select_n3A_750 : vector<16xf32>
      %mul3A_752 = arith.constant 16 : i32
      %mul3A_753 = arith.muli %scan3A_632, %mul3A_752 : i32
      %add3A_754 = arith.constant 18944 : i32
      %add3A_755 = arith.addi %add3A_754, %mul3A_753 : i32
      %get3A_756 = arith.index_cast %add3A_755 : i32 to index
      %get3A_757 = tpu.vector_load %arg5[%get3A_756] {strides = array<i32>} : memref<25600xi32, #tpu.memory_space<vmem>>, vector<16xi32>,
      %get3A_758 = vector.shape_cast %get3A_757 : vector<16xi32> to vector<16xi32>
      %ne3A_759 = arith.constant 0 : i32
      %ne3A_760 = vector.broadcast %ne3A_759 : i32 to vector<16xi32>
      %ne3A_761 = arith.cmpi ne, %get3A_758, %ne3A_760 : vector<16xi32>
      %get3A_762 = arith.index_cast %add3A_755 : i32 to index
      %get3A_763 = tpu.vector_load %arg6[%get3A_762] {strides = array<i32>} : memref<25600xf32, #tpu.memory_space<vmem>>, vector<16xf32>,
      %get3A_764 = vector.shape_cast %get3A_763 : vector<16xf32> to vector<16xf32>
      %jit3A_765 = arith.constant 0.000000e+00 : f32
      %broadcast_in_dim3A_766 = vector.broadcast %jit3A_765 : f32 to vector<16xf32>
      %select_n3A_767 = arith.select %ne3A_761, %get3A_764, %broadcast_in_dim3A_766 : vector<16xi1>, vector<16xf32>
      %add3A_768 = arith.addf %add3A_751, %select_n3A_767 : vector<16xf32>
      %mul3A_769 = arith.constant 16 : i32
      %mul3A_770 = arith.muli %scan3A_632, %mul3A_769 : i32
      %add3A_771 = arith.constant 19456 : i32
      %add3A_772 = arith.addi %add3A_771, %mul3A_770 : i32
      %get3A_773 = arith.index_cast %add3A_772 : i32 to index
      %get3A_774 = tpu.vector_load %arg5[%get3A_773] {strides = array<i32>} : memref<25600xi32, #tpu.memory_space<vmem>>, vector<16xi32>,
      %get3A_775 = vector.shape_cast %get3A_774 : vector<16xi32> to vector<16xi32>
      %ne3A_776 = arith.constant 0 : i32
      %ne3A_777 = vector.broadcast %ne3A_776 : i32 to vector<16xi32>
      %ne3A_778 = arith.cmpi ne, %get3A_775, %ne3A_777 : vector<16xi32>
      %get3A_779 = arith.index_cast %add3A_772 : i32 to index
      %get3A_780 = tpu.vector_load %arg6[%get3A_779] {strides = array<i32>} : memref<25600xf32, #tpu.memory_space<vmem>>, vector<16xf32>,
      %get3A_781 = vector.shape_cast %get3A_780 : vector<16xf32> to vector<16xf32>
      %jit3A_782 = arith.constant 0.000000e+00 : f32
      %broadcast_in_dim3A_783 = vector.broadcast %jit3A_782 : f32 to vector<16xf32>
      %select_n3A_784 = arith.select %ne3A_778, %get3A_781, %broadcast_in_dim3A_783 : vector<16xi1>, vector<16xf32>
      %add3A_785 = arith.addf %add3A_768, %select_n3A_784 : vector<16xf32>
      %mul3A_786 = arith.constant 16 : i32
      %mul3A_787 = arith.muli %scan3A_632, %mul3A_786 : i32
      %add3A_788 = arith.constant 19968 : i32
      %add3A_789 = arith.addi %add3A_788, %mul3A_787 : i32
      %get3A_790 = arith.index_cast %add3A_789 : i32 to index
      %get3A_791 = tpu.vector_load %arg5[%get3A_790] {strides = array<i32>} : memref<25600xi32, #tpu.memory_space<vmem>>, vector<16xi32>,
      %get3A_792 = vector.shape_cast %get3A_791 : vector<16xi32> to vector<16xi32>
      %ne3A_793 = arith.constant 0 : i32
      %ne3A_794 = vector.broadcast %ne3A_793 : i32 to vector<16xi32>
      %ne3A_795 = arith.cmpi ne, %get3A_792, %ne3A_794 : vector<16xi32>
      %get3A_796 = arith.index_cast %add3A_789 : i32 to index
      %get3A_797 = tpu.vector_load %arg6[%get3A_796] {strides = array<i32>} : memref<25600xf32, #tpu.memory_space<vmem>>, vector<16xf32>,
      %get3A_798 = vector.shape_cast %get3A_797 : vector<16xf32> to vector<16xf32>
      %jit3A_799 = arith.constant 0.000000e+00 : f32
      %broadcast_in_dim3A_800 = vector.broadcast %jit3A_799 : f32 to vector<16xf32>
      %select_n3A_801 = arith.select %ne3A_795, %get3A_798, %broadcast_in_dim3A_800 : vector<16xi1>, vector<16xf32>
      %add3A_802 = arith.addf %add3A_785, %select_n3A_801 : vector<16xf32>
      %swap3A = arith.index_cast %mul3A_634 : i32 to index
      %swap3A_803 = tpu.vector_load %arg7[%swap3A] {strides = array<i32>} : memref<512xf32, #tpu.memory_space<vmem>>, vector<16xf32>,
      %swap3A_804 = vector.shape_cast %swap3A_803 : vector<16xf32> to vector<16xf32>
      %swap3A_805 = vector.shape_cast %add3A_802 : vector<16xf32> to vector<16xf32>
      tpu.vector_store %arg7[%swap3A], %swap3A_805 {strides = array<i32>} : memref<512xf32, #tpu.memory_space<vmem>>, vector<16xf32>,
    }
    %scan3A_565 = arith.constant 32 : i32
    %dma_wait3A_566 = arith.constant 20480 : i32
    %dma_wait3A_567 = tpu.memref_slice %arg6[%dma_wait3A_566] : memref<25600xf32, #tpu.memory_space<vmem>> -> memref<512xf32, #tpu.memory_space<vmem>>
    %dma_wait3A_568 = arith.constant 20480 : i32
    %dma_wait3A_569 = tpu.memref_slice %arg5[%dma_wait3A_568] : memref<25600xi32, #tpu.memory_space<vmem>> -> memref<512xi32, #tpu.memory_space<vmem>>
    %dma_wait3A_570 = arith.constant 0 : i32
    %dma_wait3A_571 = tpu.memref_slice %arg8[%dma_wait3A_570] : memref<100000xf32, #tpu.memory_space<vmem_shared>> -> memref<100000xf32, #tpu.memory_space<vmem_shared>>
    tpu.wait_indirect_dma semaphore(%arg13 : memref<!tpu.dma_semaphore, #tpu.memory_space<semaphore_mem>>) src(%dma_wait3A_571 : memref<100000xf32, #tpu.memory_space<vmem_shared>>) dst(%dma_wait3A_567 : memref<512xf32, #tpu.memory_space<vmem>>)
    %dma_wait3A_572 = arith.constant 20992 : i32
    %dma_wait3A_573 = tpu.memref_slice %arg6[%dma_wait3A_572] : memref<25600xf32, #tpu.memory_space<vmem>> -> memref<512xf32, #tpu.memory_space<vmem>>
    %dma_wait3A_574 = arith.constant 20992 : i32
    %dma_wait3A_575 = tpu.memref_slice %arg5[%dma_wait3A_574] : memref<25600xi32, #tpu.memory_space<vmem>> -> memref<512xi32, #tpu.memory_space<vmem>>
    %dma_wait3A_576 = arith.constant 0 : i32
    %dma_wait3A_577 = tpu.memref_slice %arg8[%dma_wait3A_576] : memref<100000xf32, #tpu.memory_space<vmem_shared>> -> memref<100000xf32, #tpu.memory_space<vmem_shared>>
    tpu.wait_indirect_dma semaphore(%arg13 : memref<!tpu.dma_semaphore, #tpu.memory_space<semaphore_mem>>) src(%dma_wait3A_577 : memref<100000xf32, #tpu.memory_space<vmem_shared>>) dst(%dma_wait3A_573 : memref<512xf32, #tpu.memory_space<vmem>>)
    %dma_wait3A_578 = arith.constant 21504 : i32
    %dma_wait3A_579 = tpu.memref_slice %arg6[%dma_wait3A_578] : memref<25600xf32, #tpu.memory_space<vmem>> -> memref<512xf32, #tpu.memory_space<vmem>>
    %dma_wait3A_580 = arith.constant 21504 : i32
    %dma_wait3A_581 = tpu.memref_slice %arg5[%dma_wait3A_580] : memref<25600xi32, #tpu.memory_space<vmem>> -> memref<512xi32, #tpu.memory_space<vmem>>
    %dma_wait3A_582 = arith.constant 0 : i32
    %dma_wait3A_583 = tpu.memref_slice %arg8[%dma_wait3A_582] : memref<100000xf32, #tpu.memory_space<vmem_shared>> -> memref<100000xf32, #tpu.memory_space<vmem_shared>>
    tpu.wait_indirect_dma semaphore(%arg13 : memref<!tpu.dma_semaphore, #tpu.memory_space<semaphore_mem>>) src(%dma_wait3A_583 : memref<100000xf32, #tpu.memory_space<vmem_shared>>) dst(%dma_wait3A_579 : memref<512xf32, #tpu.memory_space<vmem>>)
    %dma_wait3A_584 = arith.constant 22016 : i32
    %dma_wait3A_585 = tpu.memref_slice %arg6[%dma_wait3A_584] : memref<25600xf32, #tpu.memory_space<vmem>> -> memref<512xf32, #tpu.memory_space<vmem>>
    %dma_wait3A_586 = arith.constant 22016 : i32
    %dma_wait3A_587 = tpu.memref_slice %arg5[%dma_wait3A_586] : memref<25600xi32, #tpu.memory_space<vmem>> -> memref<512xi32, #tpu.memory_space<vmem>>
    %dma_wait3A_588 = arith.constant 0 : i32
    %dma_wait3A_589 = tpu.memref_slice %arg8[%dma_wait3A_588] : memref<100000xf32, #tpu.memory_space<vmem_shared>> -> memref<100000xf32, #tpu.memory_space<vmem_shared>>
    tpu.wait_indirect_dma semaphore(%arg13 : memref<!tpu.dma_semaphore, #tpu.memory_space<semaphore_mem>>) src(%dma_wait3A_589 : memref<100000xf32, #tpu.memory_space<vmem_shared>>) dst(%dma_wait3A_585 : memref<512xf32, #tpu.memory_space<vmem>>)
    %dma_wait3A_590 = arith.constant 22528 : i32
    %dma_wait3A_591 = tpu.memref_slice %arg6[%dma_wait3A_590] : memref<25600xf32, #tpu.memory_space<vmem>> -> memref<512xf32, #tpu.memory_space<vmem>>
    %dma_wait3A_592 = arith.constant 22528 : i32
    %dma_wait3A_593 = tpu.memref_slice %arg5[%dma_wait3A_592] : memref<25600xi32, #tpu.memory_space<vmem>> -> memref<512xi32, #tpu.memory_space<vmem>>
    %dma_wait3A_594 = arith.constant 0 : i32
    %dma_wait3A_595 = tpu.memref_slice %arg8[%dma_wait3A_594] : memref<100000xf32, #tpu.memory_space<vmem_shared>> -> memref<100000xf32, #tpu.memory_space<vmem_shared>>
    tpu.wait_indirect_dma semaphore(%arg13 : memref<!tpu.dma_semaphore, #tpu.memory_space<semaphore_mem>>) src(%dma_wait3A_595 : memref<100000xf32, #tpu.memory_space<vmem_shared>>) dst(%dma_wait3A_591 : memref<512xf32, #tpu.memory_space<vmem>>)
    %dma_wait3A_596 = arith.constant 23040 : i32
    %dma_wait3A_597 = tpu.memref_slice %arg6[%dma_wait3A_596] : memref<25600xf32, #tpu.memory_space<vmem>> -> memref<512xf32, #tpu.memory_space<vmem>>
    %dma_wait3A_598 = arith.constant 23040 : i32
    %dma_wait3A_599 = tpu.memref_slice %arg5[%dma_wait3A_598] : memref<25600xi32, #tpu.memory_space<vmem>> -> memref<512xi32, #tpu.memory_space<vmem>>
    %dma_wait3A_600 = arith.constant 0 : i32
    %dma_wait3A_601 = tpu.memref_slice %arg8[%dma_wait3A_600] : memref<100000xf32, #tpu.memory_space<vmem_shared>> -> memref<100000xf32, #tpu.memory_space<vmem_shared>>
    tpu.wait_indirect_dma semaphore(%arg13 : memref<!tpu.dma_semaphore, #tpu.memory_space<semaphore_mem>>) src(%dma_wait3A_601 : memref<100000xf32, #tpu.memory_space<vmem_shared>>) dst(%dma_wait3A_597 : memref<512xf32, #tpu.memory_space<vmem>>)
    %dma_wait3A_602 = arith.constant 23552 : i32
    %dma_wait3A_603 = tpu.memref_slice %arg6[%dma_wait3A_602] : memref<25600xf32, #tpu.memory_space<vmem>> -> memref<512xf32, #tpu.memory_space<vmem>>
    %dma_wait3A_604 = arith.constant 23552 : i32
    %dma_wait3A_605 = tpu.memref_slice %arg5[%dma_wait3A_604] : memref<25600xi32, #tpu.memory_space<vmem>> -> memref<512xi32, #tpu.memory_space<vmem>>
    %dma_wait3A_606 = arith.constant 0 : i32
    %dma_wait3A_607 = tpu.memref_slice %arg8[%dma_wait3A_606] : memref<100000xf32, #tpu.memory_space<vmem_shared>> -> memref<100000xf32, #tpu.memory_space<vmem_shared>>
    tpu.wait_indirect_dma semaphore(%arg13 : memref<!tpu.dma_semaphore, #tpu.memory_space<semaphore_mem>>) src(%dma_wait3A_607 : memref<100000xf32, #tpu.memory_space<vmem_shared>>) dst(%dma_wait3A_603 : memref<512xf32, #tpu.memory_space<vmem>>)
    %dma_wait3A_608 = arith.constant 24064 : i32
    %dma_wait3A_609 = tpu.memref_slice %arg6[%dma_wait3A_608] : memref<25600xf32, #tpu.memory_space<vmem>> -> memref<512xf32, #tpu.memory_space<vmem>>
    %dma_wait3A_610 = arith.constant 24064 : i32
    %dma_wait3A_611 = tpu.memref_slice %arg5[%dma_wait3A_610] : memref<25600xi32, #tpu.memory_space<vmem>> -> memref<512xi32, #tpu.memory_space<vmem>>
    %dma_wait3A_612 = arith.constant 0 : i32
    %dma_wait3A_613 = tpu.memref_slice %arg8[%dma_wait3A_612] : memref<100000xf32, #tpu.memory_space<vmem_shared>> -> memref<100000xf32, #tpu.memory_space<vmem_shared>>
    tpu.wait_indirect_dma semaphore(%arg13 : memref<!tpu.dma_semaphore, #tpu.memory_space<semaphore_mem>>) src(%dma_wait3A_613 : memref<100000xf32, #tpu.memory_space<vmem_shared>>) dst(%dma_wait3A_609 : memref<512xf32, #tpu.memory_space<vmem>>)
    %dma_wait3A_614 = arith.constant 24576 : i32
    %dma_wait3A_615 = tpu.memref_slice %arg6[%dma_wait3A_614] : memref<25600xf32, #tpu.memory_space<vmem>> -> memref<512xf32, #tpu.memory_space<vmem>>
    %dma_wait3A_616 = arith.constant 24576 : i32
    %dma_wait3A_617 = tpu.memref_slice %arg5[%dma_wait3A_616] : memref<25600xi32, #tpu.memory_space<vmem>> -> memref<512xi32, #tpu.memory_space<vmem>>
    %dma_wait3A_618 = arith.constant 0 : i32
    %dma_wait3A_619 = tpu.memref_slice %arg8[%dma_wait3A_618] : memref<100000xf32, #tpu.memory_space<vmem_shared>> -> memref<100000xf32, #tpu.memory_space<vmem_shared>>
    tpu.wait_indirect_dma semaphore(%arg13 : memref<!tpu.dma_semaphore, #tpu.memory_space<semaphore_mem>>) src(%dma_wait3A_619 : memref<100000xf32, #tpu.memory_space<vmem_shared>>) dst(%dma_wait3A_615 : memref<512xf32, #tpu.memory_space<vmem>>)
    %dma_wait3A_620 = arith.constant 25088 : i32
    %dma_wait3A_621 = tpu.memref_slice %arg6[%dma_wait3A_620] : memref<25600xf32, #tpu.memory_space<vmem>> -> memref<512xf32, #tpu.memory_space<vmem>>
    %dma_wait3A_622 = arith.constant 25088 : i32
    %dma_wait3A_623 = tpu.memref_slice %arg5[%dma_wait3A_622] : memref<25600xi32, #tpu.memory_space<vmem>> -> memref<512xi32, #tpu.memory_space<vmem>>
    %dma_wait3A_624 = arith.constant 0 : i32
    %dma_wait3A_625 = tpu.memref_slice %arg8[%dma_wait3A_624] : memref<100000xf32, #tpu.memory_space<vmem_shared>> -> memref<100000xf32, #tpu.memory_space<vmem_shared>>
    tpu.wait_indirect_dma semaphore(%arg13 : memref<!tpu.dma_semaphore, #tpu.memory_space<semaphore_mem>>) src(%dma_wait3A_625 : memref<100000xf32, #tpu.memory_space<vmem_shared>>) dst(%dma_wait3A_621 : memref<512xf32, #tpu.memory_space<vmem>>)
    %scan3A_626 = arith.constant 0 : i32
    %scan3A_627 = arith.constant 0 : i32
    %scan3A_628 = arith.constant 32 : i32
    %scan3A_629 = arith.addi %scan3A_627, %scan3A_628 : i32
    %scan3A_630 = arith.constant 1 : i32
    scf.for %scan3A_632 = %scan3A_627 to %scan3A_629 step %scan3A_630  : i32 {
      %mul3A_633 = arith.constant 16 : i32
      %mul3A_634 = arith.muli %scan3A_632, %mul3A_633 : i32
      %get3A = arith.index_cast %mul3A_634 : i32 to index
      %get3A_635 = tpu.vector_load %arg7[%get3A] {strides = array<i32>} : memref<512xf32, #tpu.memory_space<vmem>>, vector<16xf32>,
      %get3A_636 = vector.shape_cast %get3A_635 : vector<16xf32> to vector<16xf32>
      %mul3A_637 = arith.constant 16 : i32
      %mul3A_638 = arith.muli %scan3A_632, %mul3A_637 : i32
      %add3A_639 = arith.constant 20480 : i32
      %add3A_640 = arith.addi %add3A_639, %mul3A_638 : i32
      %get3A_641 = arith.index_cast %add3A_640 : i32 to index
      %get3A_642 = tpu.vector_load %arg5[%get3A_641] {strides = array<i32>} : memref<25600xi32, #tpu.memory_space<vmem>>, vector<16xi32>,
      %get3A_643 = vector.shape_cast %get3A_642 : vector<16xi32> to vector<16xi32>
      %ne3A = arith.constant 0 : i32
      %ne3A_644 = vector.broadcast %ne3A : i32 to vector<16xi32>
      %ne3A_645 = arith.cmpi ne, %get3A_643, %ne3A_644 : vector<16xi32>
      %get3A_646 = arith.index_cast %add3A_640 : i32 to index
      %get3A_647 = tpu.vector_load %arg6[%get3A_646] {strides = array<i32>} : memref<25600xf32, #tpu.memory_space<vmem>>, vector<16xf32>,
      %get3A_648 = vector.shape_cast %get3A_647 : vector<16xf32> to vector<16xf32>
      %jit3A = arith.constant 0.000000e+00 : f32
      %broadcast_in_dim3A = vector.broadcast %jit3A : f32 to vector<16xf32>
      %select_n3A = arith.select %ne3A_645, %get3A_648, %broadcast_in_dim3A : vector<16xi1>, vector<16xf32>
      %add3A_649 = arith.addf %get3A_636, %select_n3A : vector<16xf32>
      %mul3A_650 = arith.constant 16 : i32
      %mul3A_651 = arith.muli %scan3A_632, %mul3A_650 : i32
      %add3A_652 = arith.constant 20992 : i32
      %add3A_653 = arith.addi %add3A_652, %mul3A_651 : i32
      %get3A_654 = arith.index_cast %add3A_653 : i32 to index
      %get3A_655 = tpu.vector_load %arg5[%get3A_654] {strides = array<i32>} : memref<25600xi32, #tpu.memory_space<vmem>>, vector<16xi32>,
      %get3A_656 = vector.shape_cast %get3A_655 : vector<16xi32> to vector<16xi32>
      %ne3A_657 = arith.constant 0 : i32
      %ne3A_658 = vector.broadcast %ne3A_657 : i32 to vector<16xi32>
      %ne3A_659 = arith.cmpi ne, %get3A_656, %ne3A_658 : vector<16xi32>
      %get3A_660 = arith.index_cast %add3A_653 : i32 to index
      %get3A_661 = tpu.vector_load %arg6[%get3A_660] {strides = array<i32>} : memref<25600xf32, #tpu.memory_space<vmem>>, vector<16xf32>,
      %get3A_662 = vector.shape_cast %get3A_661 : vector<16xf32> to vector<16xf32>
      %jit3A_663 = arith.constant 0.000000e+00 : f32
      %broadcast_in_dim3A_664 = vector.broadcast %jit3A_663 : f32 to vector<16xf32>
      %select_n3A_665 = arith.select %ne3A_659, %get3A_662, %broadcast_in_dim3A_664 : vector<16xi1>, vector<16xf32>
      %add3A_666 = arith.addf %add3A_649, %select_n3A_665 : vector<16xf32>
      %mul3A_667 = arith.constant 16 : i32
      %mul3A_668 = arith.muli %scan3A_632, %mul3A_667 : i32
      %add3A_669 = arith.constant 21504 : i32
      %add3A_670 = arith.addi %add3A_669, %mul3A_668 : i32
      %get3A_671 = arith.index_cast %add3A_670 : i32 to index
      %get3A_672 = tpu.vector_load %arg5[%get3A_671] {strides = array<i32>} : memref<25600xi32, #tpu.memory_space<vmem>>, vector<16xi32>,
      %get3A_673 = vector.shape_cast %get3A_672 : vector<16xi32> to vector<16xi32>
      %ne3A_674 = arith.constant 0 : i32
      %ne3A_675 = vector.broadcast %ne3A_674 : i32 to vector<16xi32>
      %ne3A_676 = arith.cmpi ne, %get3A_673, %ne3A_675 : vector<16xi32>
      %get3A_677 = arith.index_cast %add3A_670 : i32 to index
      %get3A_678 = tpu.vector_load %arg6[%get3A_677] {strides = array<i32>} : memref<25600xf32, #tpu.memory_space<vmem>>, vector<16xf32>,
      %get3A_679 = vector.shape_cast %get3A_678 : vector<16xf32> to vector<16xf32>
      %jit3A_680 = arith.constant 0.000000e+00 : f32
      %broadcast_in_dim3A_681 = vector.broadcast %jit3A_680 : f32 to vector<16xf32>
      %select_n3A_682 = arith.select %ne3A_676, %get3A_679, %broadcast_in_dim3A_681 : vector<16xi1>, vector<16xf32>
      %add3A_683 = arith.addf %add3A_666, %select_n3A_682 : vector<16xf32>
      %mul3A_684 = arith.constant 16 : i32
      %mul3A_685 = arith.muli %scan3A_632, %mul3A_684 : i32
      %add3A_686 = arith.constant 22016 : i32
      %add3A_687 = arith.addi %add3A_686, %mul3A_685 : i32
      %get3A_688 = arith.index_cast %add3A_687 : i32 to index
      %get3A_689 = tpu.vector_load %arg5[%get3A_688] {strides = array<i32>} : memref<25600xi32, #tpu.memory_space<vmem>>, vector<16xi32>,
      %get3A_690 = vector.shape_cast %get3A_689 : vector<16xi32> to vector<16xi32>
      %ne3A_691 = arith.constant 0 : i32
      %ne3A_692 = vector.broadcast %ne3A_691 : i32 to vector<16xi32>
      %ne3A_693 = arith.cmpi ne, %get3A_690, %ne3A_692 : vector<16xi32>
      %get3A_694 = arith.index_cast %add3A_687 : i32 to index
      %get3A_695 = tpu.vector_load %arg6[%get3A_694] {strides = array<i32>} : memref<25600xf32, #tpu.memory_space<vmem>>, vector<16xf32>,
      %get3A_696 = vector.shape_cast %get3A_695 : vector<16xf32> to vector<16xf32>
      %jit3A_697 = arith.constant 0.000000e+00 : f32
      %broadcast_in_dim3A_698 = vector.broadcast %jit3A_697 : f32 to vector<16xf32>
      %select_n3A_699 = arith.select %ne3A_693, %get3A_696, %broadcast_in_dim3A_698 : vector<16xi1>, vector<16xf32>
      %add3A_700 = arith.addf %add3A_683, %select_n3A_699 : vector<16xf32>
      %mul3A_701 = arith.constant 16 : i32
      %mul3A_702 = arith.muli %scan3A_632, %mul3A_701 : i32
      %add3A_703 = arith.constant 22528 : i32
      %add3A_704 = arith.addi %add3A_703, %mul3A_702 : i32
      %get3A_705 = arith.index_cast %add3A_704 : i32 to index
      %get3A_706 = tpu.vector_load %arg5[%get3A_705] {strides = array<i32>} : memref<25600xi32, #tpu.memory_space<vmem>>, vector<16xi32>,
      %get3A_707 = vector.shape_cast %get3A_706 : vector<16xi32> to vector<16xi32>
      %ne3A_708 = arith.constant 0 : i32
      %ne3A_709 = vector.broadcast %ne3A_708 : i32 to vector<16xi32>
      %ne3A_710 = arith.cmpi ne, %get3A_707, %ne3A_709 : vector<16xi32>
      %get3A_711 = arith.index_cast %add3A_704 : i32 to index
      %get3A_712 = tpu.vector_load %arg6[%get3A_711] {strides = array<i32>} : memref<25600xf32, #tpu.memory_space<vmem>>, vector<16xf32>,
      %get3A_713 = vector.shape_cast %get3A_712 : vector<16xf32> to vector<16xf32>
      %jit3A_714 = arith.constant 0.000000e+00 : f32
      %broadcast_in_dim3A_715 = vector.broadcast %jit3A_714 : f32 to vector<16xf32>
      %select_n3A_716 = arith.select %ne3A_710, %get3A_713, %broadcast_in_dim3A_715 : vector<16xi1>, vector<16xf32>
      %add3A_717 = arith.addf %add3A_700, %select_n3A_716 : vector<16xf32>
      %mul3A_718 = arith.constant 16 : i32
      %mul3A_719 = arith.muli %scan3A_632, %mul3A_718 : i32
      %add3A_720 = arith.constant 23040 : i32
      %add3A_721 = arith.addi %add3A_720, %mul3A_719 : i32
      %get3A_722 = arith.index_cast %add3A_721 : i32 to index
      %get3A_723 = tpu.vector_load %arg5[%get3A_722] {strides = array<i32>} : memref<25600xi32, #tpu.memory_space<vmem>>, vector<16xi32>,
      %get3A_724 = vector.shape_cast %get3A_723 : vector<16xi32> to vector<16xi32>
      %ne3A_725 = arith.constant 0 : i32
      %ne3A_726 = vector.broadcast %ne3A_725 : i32 to vector<16xi32>
      %ne3A_727 = arith.cmpi ne, %get3A_724, %ne3A_726 : vector<16xi32>
      %get3A_728 = arith.index_cast %add3A_721 : i32 to index
      %get3A_729 = tpu.vector_load %arg6[%get3A_728] {strides = array<i32>} : memref<25600xf32, #tpu.memory_space<vmem>>, vector<16xf32>,
      %get3A_730 = vector.shape_cast %get3A_729 : vector<16xf32> to vector<16xf32>
      %jit3A_731 = arith.constant 0.000000e+00 : f32
      %broadcast_in_dim3A_732 = vector.broadcast %jit3A_731 : f32 to vector<16xf32>
      %select_n3A_733 = arith.select %ne3A_727, %get3A_730, %broadcast_in_dim3A_732 : vector<16xi1>, vector<16xf32>
      %add3A_734 = arith.addf %add3A_717, %select_n3A_733 : vector<16xf32>
      %mul3A_735 = arith.constant 16 : i32
      %mul3A_736 = arith.muli %scan3A_632, %mul3A_735 : i32
      %add3A_737 = arith.constant 23552 : i32
      %add3A_738 = arith.addi %add3A_737, %mul3A_736 : i32
      %get3A_739 = arith.index_cast %add3A_738 : i32 to index
      %get3A_740 = tpu.vector_load %arg5[%get3A_739] {strides = array<i32>} : memref<25600xi32, #tpu.memory_space<vmem>>, vector<16xi32>,
      %get3A_741 = vector.shape_cast %get3A_740 : vector<16xi32> to vector<16xi32>
      %ne3A_742 = arith.constant 0 : i32
      %ne3A_743 = vector.broadcast %ne3A_742 : i32 to vector<16xi32>
      %ne3A_744 = arith.cmpi ne, %get3A_741, %ne3A_743 : vector<16xi32>
      %get3A_745 = arith.index_cast %add3A_738 : i32 to index
      %get3A_746 = tpu.vector_load %arg6[%get3A_745] {strides = array<i32>} : memref<25600xf32, #tpu.memory_space<vmem>>, vector<16xf32>,
      %get3A_747 = vector.shape_cast %get3A_746 : vector<16xf32> to vector<16xf32>
      %jit3A_748 = arith.constant 0.000000e+00 : f32
      %broadcast_in_dim3A_749 = vector.broadcast %jit3A_748 : f32 to vector<16xf32>
      %select_n3A_750 = arith.select %ne3A_744, %get3A_747, %broadcast_in_dim3A_749 : vector<16xi1>, vector<16xf32>
      %add3A_751 = arith.addf %add3A_734, %select_n3A_750 : vector<16xf32>
      %mul3A_752 = arith.constant 16 : i32
      %mul3A_753 = arith.muli %scan3A_632, %mul3A_752 : i32
      %add3A_754 = arith.constant 24064 : i32
      %add3A_755 = arith.addi %add3A_754, %mul3A_753 : i32
      %get3A_756 = arith.index_cast %add3A_755 : i32 to index
      %get3A_757 = tpu.vector_load %arg5[%get3A_756] {strides = array<i32>} : memref<25600xi32, #tpu.memory_space<vmem>>, vector<16xi32>,
      %get3A_758 = vector.shape_cast %get3A_757 : vector<16xi32> to vector<16xi32>
      %ne3A_759 = arith.constant 0 : i32
      %ne3A_760 = vector.broadcast %ne3A_759 : i32 to vector<16xi32>
      %ne3A_761 = arith.cmpi ne, %get3A_758, %ne3A_760 : vector<16xi32>
      %get3A_762 = arith.index_cast %add3A_755 : i32 to index
      %get3A_763 = tpu.vector_load %arg6[%get3A_762] {strides = array<i32>} : memref<25600xf32, #tpu.memory_space<vmem>>, vector<16xf32>,
      %get3A_764 = vector.shape_cast %get3A_763 : vector<16xf32> to vector<16xf32>
      %jit3A_765 = arith.constant 0.000000e+00 : f32
      %broadcast_in_dim3A_766 = vector.broadcast %jit3A_765 : f32 to vector<16xf32>
      %select_n3A_767 = arith.select %ne3A_761, %get3A_764, %broadcast_in_dim3A_766 : vector<16xi1>, vector<16xf32>
      %add3A_768 = arith.addf %add3A_751, %select_n3A_767 : vector<16xf32>
      %mul3A_769 = arith.constant 16 : i32
      %mul3A_770 = arith.muli %scan3A_632, %mul3A_769 : i32
      %add3A_771 = arith.constant 24576 : i32
      %add3A_772 = arith.addi %add3A_771, %mul3A_770 : i32
      %get3A_773 = arith.index_cast %add3A_772 : i32 to index
      %get3A_774 = tpu.vector_load %arg5[%get3A_773] {strides = array<i32>} : memref<25600xi32, #tpu.memory_space<vmem>>, vector<16xi32>,
      %get3A_775 = vector.shape_cast %get3A_774 : vector<16xi32> to vector<16xi32>
      %ne3A_776 = arith.constant 0 : i32
      %ne3A_777 = vector.broadcast %ne3A_776 : i32 to vector<16xi32>
      %ne3A_778 = arith.cmpi ne, %get3A_775, %ne3A_777 : vector<16xi32>
      %get3A_779 = arith.index_cast %add3A_772 : i32 to index
      %get3A_780 = tpu.vector_load %arg6[%get3A_779] {strides = array<i32>} : memref<25600xf32, #tpu.memory_space<vmem>>, vector<16xf32>,
      %get3A_781 = vector.shape_cast %get3A_780 : vector<16xf32> to vector<16xf32>
      %jit3A_782 = arith.constant 0.000000e+00 : f32
      %broadcast_in_dim3A_783 = vector.broadcast %jit3A_782 : f32 to vector<16xf32>
      %select_n3A_784 = arith.select %ne3A_778, %get3A_781, %broadcast_in_dim3A_783 : vector<16xi1>, vector<16xf32>
      %add3A_785 = arith.addf %add3A_768, %select_n3A_784 : vector<16xf32>
      %mul3A_786 = arith.constant 16 : i32
      %mul3A_787 = arith.muli %scan3A_632, %mul3A_786 : i32
      %add3A_788 = arith.constant 25088 : i32
      %add3A_789 = arith.addi %add3A_788, %mul3A_787 : i32
      %get3A_790 = arith.index_cast %add3A_789 : i32 to index
      %get3A_791 = tpu.vector_load %arg5[%get3A_790] {strides = array<i32>} : memref<25600xi32, #tpu.memory_space<vmem>>, vector<16xi32>,
      %get3A_792 = vector.shape_cast %get3A_791 : vector<16xi32> to vector<16xi32>
      %ne3A_793 = arith.constant 0 : i32
      %ne3A_794 = vector.broadcast %ne3A_793 : i32 to vector<16xi32>
      %ne3A_795 = arith.cmpi ne, %get3A_792, %ne3A_794 : vector<16xi32>
      %get3A_796 = arith.index_cast %add3A_789 : i32 to index
      %get3A_797 = tpu.vector_load %arg6[%get3A_796] {strides = array<i32>} : memref<25600xf32, #tpu.memory_space<vmem>>, vector<16xf32>,
      %get3A_798 = vector.shape_cast %get3A_797 : vector<16xf32> to vector<16xf32>
      %jit3A_799 = arith.constant 0.000000e+00 : f32
      %broadcast_in_dim3A_800 = vector.broadcast %jit3A_799 : f32 to vector<16xf32>
      %select_n3A_801 = arith.select %ne3A_795, %get3A_798, %broadcast_in_dim3A_800 : vector<16xi1>, vector<16xf32>
      %add3A_802 = arith.addf %add3A_785, %select_n3A_801 : vector<16xf32>
      %swap3A = arith.index_cast %mul3A_634 : i32 to index
      %swap3A_803 = tpu.vector_load %arg7[%swap3A] {strides = array<i32>} : memref<512xf32, #tpu.memory_space<vmem>>, vector<16xf32>,
      %swap3A_804 = vector.shape_cast %swap3A_803 : vector<16xf32> to vector<16xf32>
      %swap3A_805 = vector.shape_cast %add3A_802 : vector<16xf32> to vector<16xf32>
      tpu.vector_store %arg7[%swap3A], %swap3A_805 {strides = array<i32>} : memref<512xf32, #tpu.memory_space<vmem>>, vector<16xf32>,
    }
    %scan3A_631 = arith.constant 32 : i32
    "tpu.region"() ({
      %run_scoped3A = tpu.sem_alloc : memref<!tpu.dma_semaphore, #tpu.memory_space<semaphore_mem>>
      %dma_start3A_632 = tpu.memref_slice %arg4[%mul3A_2] : memref<16384xf32, #tpu.memory_space<hbm>> -> memref<512xf32, #tpu.memory_space<hbm>>
      %dma_start3A_633 = tpu.memref_slice %arg4[%mul3A_2] : memref<16384xf32, #tpu.memory_space<hbm>> -> memref<512xf32, #tpu.memory_space<hbm>>
      tpu.enqueue_dma source(%arg7 : memref<512xf32, #tpu.memory_space<vmem>>) target(%dma_start3A_633 : memref<512xf32, #tpu.memory_space<hbm>>) target_semaphore(%run_scoped3A : memref<!tpu.dma_semaphore, #tpu.memory_space<semaphore_mem>>)
      %dma_wait3A_634 = tpu.memref_slice %arg4[%mul3A_2] : memref<16384xf32, #tpu.memory_space<hbm>> -> memref<512xf32, #tpu.memory_space<hbm>>
      %dma_wait3A_635 = tpu.memref_slice %arg4[%mul3A_2] : memref<16384xf32, #tpu.memory_space<hbm>> -> memref<512xf32, #tpu.memory_space<hbm>>
      tpu.wait_dma2 semaphore(%run_scoped3A : memref<!tpu.dma_semaphore, #tpu.memory_space<semaphore_mem>>) src(%arg7 : memref<512xf32, #tpu.memory_space<vmem>>) dst(%dma_wait3A_635 : memref<512xf32, #tpu.memory_space<hbm>>)
      tpu.yield
    }) : () -> ()
    return
  }
}

#map = affine_map<(d0, d1) -> (0, 0)>
#map1 = affine_map<(d0, d1) -> (0)>
module attributes {stable_mosaic.version = 14 : i64} {
  func.func @tok_k(%arg0: i32, %arg1: i32, %arg2: memref<32x13312xi32, #tpu.memory_space<hbm>>, %arg3: memref<100000xf32, #tpu.memory_space<hbm>>, %arg4: memref<100000xf32, #tpu.memory_space<hbm>>, %arg5: memref<100000xf32, #tpu.memory_space<hbm>>, %arg6: memref<100000xf32, #tpu.memory_space<hbm>>, %arg7: memref<100000xf32, #tpu.memory_space<hbm>>, %arg8: memref<100000xf32, #tpu.memory_space<hbm>>, %arg9: memref<100000xf32, #tpu.memory_space<hbm>>, %arg10: memref<100000xf32, #tpu.memory_space<hbm>>, %arg11: memref<100000xf32, #tpu.memory_space<hbm>>, %arg12: memref<100000xf32, #tpu.memory_space<hbm>>, %arg13: memref<100000xf32, #tpu.memory_space<hbm>>, %arg14: memref<100000xf32, #tpu.memory_space<hbm>>, %arg15: memref<100000xf32, #tpu.memory_space<hbm>>, %arg16: memref<16384xf32, #tpu.memory_space<hbm>>, %arg17: memref<16384xf32, #tpu.memory_space<hbm>>, %arg18: memref<16384xf32, #tpu.memory_space<hbm>>, %arg19: memref<6656xi32, #tpu.memory_space<vmem>>, %arg20: memref<6656xf32, #tpu.memory_space<vmem>>, %arg21: memref<512xf32, #tpu.memory_space<vmem>>, %arg22: memref<512xf32, #tpu.memory_space<vmem>>, %arg23: memref<!tpu.dma_semaphore, #tpu.memory_space<semaphore_mem>>, %arg24: memref<!tpu.dma_semaphore, #tpu.memory_space<semaphore_mem>>) attributes {dimension_semantics = [#tpu.dimension_semantics<core_parallel>, #tpu.dimension_semantics<subcore_parallel>], iteration_bounds = array<i64: 2, 16>, scalar_prefetch = 0 : i64, scratch_operands = 6 : i64, tpu.core_type = #tpu.core_type<sc_vector_subcore>, window_params = [{transform_indices = #map}, {transform_indices = #map1}, {transform_indices = #map1}, {transform_indices = #map1}, {transform_indices = #map1}, {transform_indices = #map1}, {transform_indices = #map1}, {transform_indices = #map1}, {transform_indices = #map1}, {transform_indices = #map1}, {transform_indices = #map1}, {transform_indices = #map1}, {transform_indices = #map1}, {transform_indices = #map1}, {transform_indices = #map1}, {transform_indices = #map1}, {transform_indices = #map1}]} {
    %mul3A = arith.constant 2 : i32
    %mul3A_0 = arith.muli %arg1, %mul3A : i32
    %add3A = arith.addi %mul3A_0, %arg0 : i32
    %mul3A_1 = arith.constant 512 : i32
    %mul3A_2 = arith.muli %add3A, %mul3A_1 : i32
    "tpu.region"() ({
      %run_scoped3A = tpu.sem_alloc : memref<!tpu.dma_semaphore, #tpu.memory_space<semaphore_mem>>
      %dma_start3A_168 = arith.constant 6656 : i32
      %dma_start3A_169 = tpu.memref_slice %arg2[%add3A, %dma_start3A_168] : memref<32x13312xi32, #tpu.memory_space<hbm>> -> memref<1x6656xi32, #tpu.memory_space<hbm>>
      %dma_start3A_170 = tpu.memref_squeeze %dma_start3A_169 : memref<1x6656xi32, #tpu.memory_space<hbm>> -> memref<6656xi32, #tpu.memory_space<hbm>>
      %dma_start3A_171 = arith.constant 6656 : i32
      %dma_start3A_172 = tpu.memref_slice %arg2[%add3A, %dma_start3A_171] : memref<32x13312xi32, #tpu.memory_space<hbm>> -> memref<1x6656xi32, #tpu.memory_space<hbm>>
      %dma_start3A_173 = tpu.memref_squeeze %dma_start3A_172 : memref<1x6656xi32, #tpu.memory_space<hbm>> -> memref<6656xi32, #tpu.memory_space<hbm>>
      tpu.enqueue_dma source(%dma_start3A_173 : memref<6656xi32, #tpu.memory_space<hbm>>) target(%arg19 : memref<6656xi32, #tpu.memory_space<vmem>>) target_semaphore(%run_scoped3A : memref<!tpu.dma_semaphore, #tpu.memory_space<semaphore_mem>>)
      %dma_wait3A_174 = arith.constant 6656 : i32
      %dma_wait3A_175 = tpu.memref_slice %arg2[%add3A, %dma_wait3A_174] : memref<32x13312xi32, #tpu.memory_space<hbm>> -> memref<1x6656xi32, #tpu.memory_space<hbm>>
      %dma_wait3A_176 = tpu.memref_squeeze %dma_wait3A_175 : memref<1x6656xi32, #tpu.memory_space<hbm>> -> memref<6656xi32, #tpu.memory_space<hbm>>
      %dma_wait3A_177 = arith.constant 6656 : i32
      %dma_wait3A_178 = tpu.memref_slice %arg2[%add3A, %dma_wait3A_177] : memref<32x13312xi32, #tpu.memory_space<hbm>> -> memref<1x6656xi32, #tpu.memory_space<hbm>>
      %dma_wait3A_179 = tpu.memref_squeeze %dma_wait3A_178 : memref<1x6656xi32, #tpu.memory_space<hbm>> -> memref<6656xi32, #tpu.memory_space<hbm>>
      tpu.wait_dma2 semaphore(%run_scoped3A : memref<!tpu.dma_semaphore, #tpu.memory_space<semaphore_mem>>) src(%dma_wait3A_179 : memref<6656xi32, #tpu.memory_space<hbm>>) dst(%arg19 : memref<6656xi32, #tpu.memory_space<vmem>>)
      tpu.yield
    }) : () -> ()
    %dma_start3A = arith.constant 0 : i32
    %dma_start3A_3 = tpu.memref_slice %arg20[%dma_start3A] : memref<6656xf32, #tpu.memory_space<vmem>> -> memref<512xf32, #tpu.memory_space<vmem>>
    %dma_start3A_4 = arith.constant 0 : i32
    %dma_start3A_5 = tpu.memref_slice %arg19[%dma_start3A_4] : memref<6656xi32, #tpu.memory_space<vmem>> -> memref<512xi32, #tpu.memory_space<vmem>>
    %dma_start3A_6 = arith.constant 0 : i32
    %dma_start3A_7 = tpu.memref_slice %arg3[%dma_start3A_6] : memref<100000xf32, #tpu.memory_space<hbm>> -> memref<100000xf32, #tpu.memory_space<hbm>>
    tpu.enqueue_indirect_dma source(%dma_start3A_7 : memref<100000xf32, #tpu.memory_space<hbm>>) target(%dma_start3A_3 : memref<512xf32, #tpu.memory_space<vmem>>) offsets(%dma_start3A_5 : memref<512xi32, #tpu.memory_space<vmem>>) semaphore(%arg23 : memref<!tpu.dma_semaphore, #tpu.memory_space<semaphore_mem>>)
    %dma_start3A_8 = arith.constant 512 : i32
    %dma_start3A_9 = tpu.memref_slice %arg20[%dma_start3A_8] : memref<6656xf32, #tpu.memory_space<vmem>> -> memref<512xf32, #tpu.memory_space<vmem>>
    %dma_start3A_10 = arith.constant 512 : i32
    %dma_start3A_11 = tpu.memref_slice %arg19[%dma_start3A_10] : memref<6656xi32, #tpu.memory_space<vmem>> -> memref<512xi32, #tpu.memory_space<vmem>>
    %dma_start3A_12 = arith.constant 0 : i32
    %dma_start3A_13 = tpu.memref_slice %arg4[%dma_start3A_12] : memref<100000xf32, #tpu.memory_space<hbm>> -> memref<100000xf32, #tpu.memory_space<hbm>>
    tpu.enqueue_indirect_dma source(%dma_start3A_13 : memref<100000xf32, #tpu.memory_space<hbm>>) target(%dma_start3A_9 : memref<512xf32, #tpu.memory_space<vmem>>) offsets(%dma_start3A_11 : memref<512xi32, #tpu.memory_space<vmem>>) semaphore(%arg23 : memref<!tpu.dma_semaphore, #tpu.memory_space<semaphore_mem>>)
    %dma_start3A_14 = arith.constant 1024 : i32
    %dma_start3A_15 = tpu.memref_slice %arg20[%dma_start3A_14] : memref<6656xf32, #tpu.memory_space<vmem>> -> memref<512xf32, #tpu.memory_space<vmem>>
    %dma_start3A_16 = arith.constant 1024 : i32
    %dma_start3A_17 = tpu.memref_slice %arg19[%dma_start3A_16] : memref<6656xi32, #tpu.memory_space<vmem>> -> memref<512xi32, #tpu.memory_space<vmem>>
    %dma_start3A_18 = arith.constant 0 : i32
    %dma_start3A_19 = tpu.memref_slice %arg5[%dma_start3A_18] : memref<100000xf32, #tpu.memory_space<hbm>> -> memref<100000xf32, #tpu.memory_space<hbm>>
    tpu.enqueue_indirect_dma source(%dma_start3A_19 : memref<100000xf32, #tpu.memory_space<hbm>>) target(%dma_start3A_15 : memref<512xf32, #tpu.memory_space<vmem>>) offsets(%dma_start3A_17 : memref<512xi32, #tpu.memory_space<vmem>>) semaphore(%arg23 : memref<!tpu.dma_semaphore, #tpu.memory_space<semaphore_mem>>)
    %dma_start3A_20 = arith.constant 1536 : i32
    %dma_start3A_21 = tpu.memref_slice %arg20[%dma_start3A_20] : memref<6656xf32, #tpu.memory_space<vmem>> -> memref<512xf32, #tpu.memory_space<vmem>>
    %dma_start3A_22 = arith.constant 1536 : i32
    %dma_start3A_23 = tpu.memref_slice %arg19[%dma_start3A_22] : memref<6656xi32, #tpu.memory_space<vmem>> -> memref<512xi32, #tpu.memory_space<vmem>>
    %dma_start3A_24 = arith.constant 0 : i32
    %dma_start3A_25 = tpu.memref_slice %arg6[%dma_start3A_24] : memref<100000xf32, #tpu.memory_space<hbm>> -> memref<100000xf32, #tpu.memory_space<hbm>>
    tpu.enqueue_indirect_dma source(%dma_start3A_25 : memref<100000xf32, #tpu.memory_space<hbm>>) target(%dma_start3A_21 : memref<512xf32, #tpu.memory_space<vmem>>) offsets(%dma_start3A_23 : memref<512xi32, #tpu.memory_space<vmem>>) semaphore(%arg23 : memref<!tpu.dma_semaphore, #tpu.memory_space<semaphore_mem>>)
    %dma_start3A_26 = arith.constant 2048 : i32
    %dma_start3A_27 = tpu.memref_slice %arg20[%dma_start3A_26] : memref<6656xf32, #tpu.memory_space<vmem>> -> memref<512xf32, #tpu.memory_space<vmem>>
    %dma_start3A_28 = arith.constant 2048 : i32
    %dma_start3A_29 = tpu.memref_slice %arg19[%dma_start3A_28] : memref<6656xi32, #tpu.memory_space<vmem>> -> memref<512xi32, #tpu.memory_space<vmem>>
    %dma_start3A_30 = arith.constant 0 : i32
    %dma_start3A_31 = tpu.memref_slice %arg7[%dma_start3A_30] : memref<100000xf32, #tpu.memory_space<hbm>> -> memref<100000xf32, #tpu.memory_space<hbm>>
    tpu.enqueue_indirect_dma source(%dma_start3A_31 : memref<100000xf32, #tpu.memory_space<hbm>>) target(%dma_start3A_27 : memref<512xf32, #tpu.memory_space<vmem>>) offsets(%dma_start3A_29 : memref<512xi32, #tpu.memory_space<vmem>>) semaphore(%arg23 : memref<!tpu.dma_semaphore, #tpu.memory_space<semaphore_mem>>)
    %dma_start3A_32 = arith.constant 2560 : i32
    %dma_start3A_33 = tpu.memref_slice %arg20[%dma_start3A_32] : memref<6656xf32, #tpu.memory_space<vmem>> -> memref<512xf32, #tpu.memory_space<vmem>>
    %dma_start3A_34 = arith.constant 2560 : i32
    %dma_start3A_35 = tpu.memref_slice %arg19[%dma_start3A_34] : memref<6656xi32, #tpu.memory_space<vmem>> -> memref<512xi32, #tpu.memory_space<vmem>>
    %dma_start3A_36 = arith.constant 0 : i32
    %dma_start3A_37 = tpu.memref_slice %arg8[%dma_start3A_36] : memref<100000xf32, #tpu.memory_space<hbm>> -> memref<100000xf32, #tpu.memory_space<hbm>>
    tpu.enqueue_indirect_dma source(%dma_start3A_37 : memref<100000xf32, #tpu.memory_space<hbm>>) target(%dma_start3A_33 : memref<512xf32, #tpu.memory_space<vmem>>) offsets(%dma_start3A_35 : memref<512xi32, #tpu.memory_space<vmem>>) semaphore(%arg23 : memref<!tpu.dma_semaphore, #tpu.memory_space<semaphore_mem>>)
    %dma_start3A_38 = arith.constant 3072 : i32
    %dma_start3A_39 = tpu.memref_slice %arg20[%dma_start3A_38] : memref<6656xf32, #tpu.memory_space<vmem>> -> memref<512xf32, #tpu.memory_space<vmem>>
    %dma_start3A_40 = arith.constant 3072 : i32
    %dma_start3A_41 = tpu.memref_slice %arg19[%dma_start3A_40] : memref<6656xi32, #tpu.memory_space<vmem>> -> memref<512xi32, #tpu.memory_space<vmem>>
    %dma_start3A_42 = arith.constant 0 : i32
    %dma_start3A_43 = tpu.memref_slice %arg9[%dma_start3A_42] : memref<100000xf32, #tpu.memory_space<hbm>> -> memref<100000xf32, #tpu.memory_space<hbm>>
    tpu.enqueue_indirect_dma source(%dma_start3A_43 : memref<100000xf32, #tpu.memory_space<hbm>>) target(%dma_start3A_39 : memref<512xf32, #tpu.memory_space<vmem>>) offsets(%dma_start3A_41 : memref<512xi32, #tpu.memory_space<vmem>>) semaphore(%arg23 : memref<!tpu.dma_semaphore, #tpu.memory_space<semaphore_mem>>)
    %dma_start3A_44 = arith.constant 3584 : i32
    %dma_start3A_45 = tpu.memref_slice %arg20[%dma_start3A_44] : memref<6656xf32, #tpu.memory_space<vmem>> -> memref<512xf32, #tpu.memory_space<vmem>>
    %dma_start3A_46 = arith.constant 3584 : i32
    %dma_start3A_47 = tpu.memref_slice %arg19[%dma_start3A_46] : memref<6656xi32, #tpu.memory_space<vmem>> -> memref<512xi32, #tpu.memory_space<vmem>>
    %dma_start3A_48 = arith.constant 0 : i32
    %dma_start3A_49 = tpu.memref_slice %arg10[%dma_start3A_48] : memref<100000xf32, #tpu.memory_space<hbm>> -> memref<100000xf32, #tpu.memory_space<hbm>>
    tpu.enqueue_indirect_dma source(%dma_start3A_49 : memref<100000xf32, #tpu.memory_space<hbm>>) target(%dma_start3A_45 : memref<512xf32, #tpu.memory_space<vmem>>) offsets(%dma_start3A_47 : memref<512xi32, #tpu.memory_space<vmem>>) semaphore(%arg24 : memref<!tpu.dma_semaphore, #tpu.memory_space<semaphore_mem>>)
    %dma_start3A_50 = arith.constant 4096 : i32
    %dma_start3A_51 = tpu.memref_slice %arg20[%dma_start3A_50] : memref<6656xf32, #tpu.memory_space<vmem>> -> memref<512xf32, #tpu.memory_space<vmem>>
    %dma_start3A_52 = arith.constant 4096 : i32
    %dma_start3A_53 = tpu.memref_slice %arg19[%dma_start3A_52] : memref<6656xi32, #tpu.memory_space<vmem>> -> memref<512xi32, #tpu.memory_space<vmem>>
    %dma_start3A_54 = arith.constant 0 : i32
    %dma_start3A_55 = tpu.memref_slice %arg11[%dma_start3A_54] : memref<100000xf32, #tpu.memory_space<hbm>> -> memref<100000xf32, #tpu.memory_space<hbm>>
    tpu.enqueue_indirect_dma source(%dma_start3A_55 : memref<100000xf32, #tpu.memory_space<hbm>>) target(%dma_start3A_51 : memref<512xf32, #tpu.memory_space<vmem>>) offsets(%dma_start3A_53 : memref<512xi32, #tpu.memory_space<vmem>>) semaphore(%arg24 : memref<!tpu.dma_semaphore, #tpu.memory_space<semaphore_mem>>)
    %dma_start3A_56 = arith.constant 4608 : i32
    %dma_start3A_57 = tpu.memref_slice %arg20[%dma_start3A_56] : memref<6656xf32, #tpu.memory_space<vmem>> -> memref<512xf32, #tpu.memory_space<vmem>>
    %dma_start3A_58 = arith.constant 4608 : i32
    %dma_start3A_59 = tpu.memref_slice %arg19[%dma_start3A_58] : memref<6656xi32, #tpu.memory_space<vmem>> -> memref<512xi32, #tpu.memory_space<vmem>>
    %dma_start3A_60 = arith.constant 0 : i32
    %dma_start3A_61 = tpu.memref_slice %arg12[%dma_start3A_60] : memref<100000xf32, #tpu.memory_space<hbm>> -> memref<100000xf32, #tpu.memory_space<hbm>>
    tpu.enqueue_indirect_dma source(%dma_start3A_61 : memref<100000xf32, #tpu.memory_space<hbm>>) target(%dma_start3A_57 : memref<512xf32, #tpu.memory_space<vmem>>) offsets(%dma_start3A_59 : memref<512xi32, #tpu.memory_space<vmem>>) semaphore(%arg24 : memref<!tpu.dma_semaphore, #tpu.memory_space<semaphore_mem>>)
    %dma_start3A_62 = arith.constant 5120 : i32
    %dma_start3A_63 = tpu.memref_slice %arg20[%dma_start3A_62] : memref<6656xf32, #tpu.memory_space<vmem>> -> memref<512xf32, #tpu.memory_space<vmem>>
    %dma_start3A_64 = arith.constant 5120 : i32
    %dma_start3A_65 = tpu.memref_slice %arg19[%dma_start3A_64] : memref<6656xi32, #tpu.memory_space<vmem>> -> memref<512xi32, #tpu.memory_space<vmem>>
    %dma_start3A_66 = arith.constant 0 : i32
    %dma_start3A_67 = tpu.memref_slice %arg13[%dma_start3A_66] : memref<100000xf32, #tpu.memory_space<hbm>> -> memref<100000xf32, #tpu.memory_space<hbm>>
    tpu.enqueue_indirect_dma source(%dma_start3A_67 : memref<100000xf32, #tpu.memory_space<hbm>>) target(%dma_start3A_63 : memref<512xf32, #tpu.memory_space<vmem>>) offsets(%dma_start3A_65 : memref<512xi32, #tpu.memory_space<vmem>>) semaphore(%arg24 : memref<!tpu.dma_semaphore, #tpu.memory_space<semaphore_mem>>)
    %dma_start3A_68 = arith.constant 5632 : i32
    %dma_start3A_69 = tpu.memref_slice %arg20[%dma_start3A_68] : memref<6656xf32, #tpu.memory_space<vmem>> -> memref<512xf32, #tpu.memory_space<vmem>>
    %dma_start3A_70 = arith.constant 5632 : i32
    %dma_start3A_71 = tpu.memref_slice %arg19[%dma_start3A_70] : memref<6656xi32, #tpu.memory_space<vmem>> -> memref<512xi32, #tpu.memory_space<vmem>>
    %dma_start3A_72 = arith.constant 0 : i32
    %dma_start3A_73 = tpu.memref_slice %arg14[%dma_start3A_72] : memref<100000xf32, #tpu.memory_space<hbm>> -> memref<100000xf32, #tpu.memory_space<hbm>>
    tpu.enqueue_indirect_dma source(%dma_start3A_73 : memref<100000xf32, #tpu.memory_space<hbm>>) target(%dma_start3A_69 : memref<512xf32, #tpu.memory_space<vmem>>) offsets(%dma_start3A_71 : memref<512xi32, #tpu.memory_space<vmem>>) semaphore(%arg24 : memref<!tpu.dma_semaphore, #tpu.memory_space<semaphore_mem>>)
    %dma_start3A_74 = arith.constant 6144 : i32
    %dma_start3A_75 = tpu.memref_slice %arg20[%dma_start3A_74] : memref<6656xf32, #tpu.memory_space<vmem>> -> memref<512xf32, #tpu.memory_space<vmem>>
    %dma_start3A_76 = arith.constant 6144 : i32
    %dma_start3A_77 = tpu.memref_slice %arg19[%dma_start3A_76] : memref<6656xi32, #tpu.memory_space<vmem>> -> memref<512xi32, #tpu.memory_space<vmem>>
    %dma_start3A_78 = arith.constant 0 : i32
    %dma_start3A_79 = tpu.memref_slice %arg15[%dma_start3A_78] : memref<100000xf32, #tpu.memory_space<hbm>> -> memref<100000xf32, #tpu.memory_space<hbm>>
    tpu.enqueue_indirect_dma source(%dma_start3A_79 : memref<100000xf32, #tpu.memory_space<hbm>>) target(%dma_start3A_75 : memref<512xf32, #tpu.memory_space<vmem>>) offsets(%dma_start3A_77 : memref<512xi32, #tpu.memory_space<vmem>>) semaphore(%arg24 : memref<!tpu.dma_semaphore, #tpu.memory_space<semaphore_mem>>)
    "tpu.region"() ({
      %run_scoped3A = tpu.sem_alloc : memref<!tpu.dma_semaphore, #tpu.memory_space<semaphore_mem>>
      %dma_start3A_168 = tpu.memref_slice %arg16[%mul3A_2] : memref<16384xf32, #tpu.memory_space<hbm>> -> memref<512xf32, #tpu.memory_space<hbm>>
      %dma_start3A_169 = tpu.memref_slice %arg16[%mul3A_2] : memref<16384xf32, #tpu.memory_space<hbm>> -> memref<512xf32, #tpu.memory_space<hbm>>
      tpu.enqueue_dma source(%dma_start3A_169 : memref<512xf32, #tpu.memory_space<hbm>>) target(%arg21 : memref<512xf32, #tpu.memory_space<vmem>>) target_semaphore(%run_scoped3A : memref<!tpu.dma_semaphore, #tpu.memory_space<semaphore_mem>>)
      %dma_wait3A_170 = tpu.memref_slice %arg16[%mul3A_2] : memref<16384xf32, #tpu.memory_space<hbm>> -> memref<512xf32, #tpu.memory_space<hbm>>
      %dma_wait3A_171 = tpu.memref_slice %arg16[%mul3A_2] : memref<16384xf32, #tpu.memory_space<hbm>> -> memref<512xf32, #tpu.memory_space<hbm>>
      tpu.wait_dma2 semaphore(%run_scoped3A : memref<!tpu.dma_semaphore, #tpu.memory_space<semaphore_mem>>) src(%dma_wait3A_171 : memref<512xf32, #tpu.memory_space<hbm>>) dst(%arg21 : memref<512xf32, #tpu.memory_space<vmem>>)
      tpu.yield
    }) : () -> ()
    "tpu.region"() ({
      %run_scoped3A = tpu.sem_alloc : memref<!tpu.dma_semaphore, #tpu.memory_space<semaphore_mem>>
      %dma_start3A_168 = tpu.memref_slice %arg17[%mul3A_2] : memref<16384xf32, #tpu.memory_space<hbm>> -> memref<512xf32, #tpu.memory_space<hbm>>
      %dma_start3A_169 = tpu.memref_slice %arg17[%mul3A_2] : memref<16384xf32, #tpu.memory_space<hbm>> -> memref<512xf32, #tpu.memory_space<hbm>>
      tpu.enqueue_dma source(%dma_start3A_169 : memref<512xf32, #tpu.memory_space<hbm>>) target(%arg22 : memref<512xf32, #tpu.memory_space<vmem>>) target_semaphore(%run_scoped3A : memref<!tpu.dma_semaphore, #tpu.memory_space<semaphore_mem>>)
      %dma_wait3A_170 = tpu.memref_slice %arg17[%mul3A_2] : memref<16384xf32, #tpu.memory_space<hbm>> -> memref<512xf32, #tpu.memory_space<hbm>>
      %dma_wait3A_171 = tpu.memref_slice %arg17[%mul3A_2] : memref<16384xf32, #tpu.memory_space<hbm>> -> memref<512xf32, #tpu.memory_space<hbm>>
      tpu.wait_dma2 semaphore(%run_scoped3A : memref<!tpu.dma_semaphore, #tpu.memory_space<semaphore_mem>>) src(%dma_wait3A_171 : memref<512xf32, #tpu.memory_space<hbm>>) dst(%arg22 : memref<512xf32, #tpu.memory_space<vmem>>)
      tpu.yield
    }) : () -> ()
    %dma_wait3A = arith.constant 0 : i32
    %dma_wait3A_80 = tpu.memref_slice %arg20[%dma_wait3A] : memref<6656xf32, #tpu.memory_space<vmem>> -> memref<512xf32, #tpu.memory_space<vmem>>
    %dma_wait3A_81 = arith.constant 0 : i32
    %dma_wait3A_82 = tpu.memref_slice %arg19[%dma_wait3A_81] : memref<6656xi32, #tpu.memory_space<vmem>> -> memref<512xi32, #tpu.memory_space<vmem>>
    %dma_wait3A_83 = arith.constant 0 : i32
    %dma_wait3A_84 = tpu.memref_slice %arg3[%dma_wait3A_83] : memref<100000xf32, #tpu.memory_space<hbm>> -> memref<100000xf32, #tpu.memory_space<hbm>>
    tpu.wait_indirect_dma semaphore(%arg23 : memref<!tpu.dma_semaphore, #tpu.memory_space<semaphore_mem>>) src(%dma_wait3A_84 : memref<100000xf32, #tpu.memory_space<hbm>>) dst(%dma_wait3A_80 : memref<512xf32, #tpu.memory_space<vmem>>)
    %dma_wait3A_85 = arith.constant 512 : i32
    %dma_wait3A_86 = tpu.memref_slice %arg20[%dma_wait3A_85] : memref<6656xf32, #tpu.memory_space<vmem>> -> memref<512xf32, #tpu.memory_space<vmem>>
    %dma_wait3A_87 = arith.constant 512 : i32
    %dma_wait3A_88 = tpu.memref_slice %arg19[%dma_wait3A_87] : memref<6656xi32, #tpu.memory_space<vmem>> -> memref<512xi32, #tpu.memory_space<vmem>>
    %dma_wait3A_89 = arith.constant 0 : i32
    %dma_wait3A_90 = tpu.memref_slice %arg4[%dma_wait3A_89] : memref<100000xf32, #tpu.memory_space<hbm>> -> memref<100000xf32, #tpu.memory_space<hbm>>
    tpu.wait_indirect_dma semaphore(%arg23 : memref<!tpu.dma_semaphore, #tpu.memory_space<semaphore_mem>>) src(%dma_wait3A_90 : memref<100000xf32, #tpu.memory_space<hbm>>) dst(%dma_wait3A_86 : memref<512xf32, #tpu.memory_space<vmem>>)
    %dma_wait3A_91 = arith.constant 1024 : i32
    %dma_wait3A_92 = tpu.memref_slice %arg20[%dma_wait3A_91] : memref<6656xf32, #tpu.memory_space<vmem>> -> memref<512xf32, #tpu.memory_space<vmem>>
    %dma_wait3A_93 = arith.constant 1024 : i32
    %dma_wait3A_94 = tpu.memref_slice %arg19[%dma_wait3A_93] : memref<6656xi32, #tpu.memory_space<vmem>> -> memref<512xi32, #tpu.memory_space<vmem>>
    %dma_wait3A_95 = arith.constant 0 : i32
    %dma_wait3A_96 = tpu.memref_slice %arg5[%dma_wait3A_95] : memref<100000xf32, #tpu.memory_space<hbm>> -> memref<100000xf32, #tpu.memory_space<hbm>>
    tpu.wait_indirect_dma semaphore(%arg23 : memref<!tpu.dma_semaphore, #tpu.memory_space<semaphore_mem>>) src(%dma_wait3A_96 : memref<100000xf32, #tpu.memory_space<hbm>>) dst(%dma_wait3A_92 : memref<512xf32, #tpu.memory_space<vmem>>)
    %dma_wait3A_97 = arith.constant 1536 : i32
    %dma_wait3A_98 = tpu.memref_slice %arg20[%dma_wait3A_97] : memref<6656xf32, #tpu.memory_space<vmem>> -> memref<512xf32, #tpu.memory_space<vmem>>
    %dma_wait3A_99 = arith.constant 1536 : i32
    %dma_wait3A_100 = tpu.memref_slice %arg19[%dma_wait3A_99] : memref<6656xi32, #tpu.memory_space<vmem>> -> memref<512xi32, #tpu.memory_space<vmem>>
    %dma_wait3A_101 = arith.constant 0 : i32
    %dma_wait3A_102 = tpu.memref_slice %arg6[%dma_wait3A_101] : memref<100000xf32, #tpu.memory_space<hbm>> -> memref<100000xf32, #tpu.memory_space<hbm>>
    tpu.wait_indirect_dma semaphore(%arg23 : memref<!tpu.dma_semaphore, #tpu.memory_space<semaphore_mem>>) src(%dma_wait3A_102 : memref<100000xf32, #tpu.memory_space<hbm>>) dst(%dma_wait3A_98 : memref<512xf32, #tpu.memory_space<vmem>>)
    %dma_wait3A_103 = arith.constant 2048 : i32
    %dma_wait3A_104 = tpu.memref_slice %arg20[%dma_wait3A_103] : memref<6656xf32, #tpu.memory_space<vmem>> -> memref<512xf32, #tpu.memory_space<vmem>>
    %dma_wait3A_105 = arith.constant 2048 : i32
    %dma_wait3A_106 = tpu.memref_slice %arg19[%dma_wait3A_105] : memref<6656xi32, #tpu.memory_space<vmem>> -> memref<512xi32, #tpu.memory_space<vmem>>
    %dma_wait3A_107 = arith.constant 0 : i32
    %dma_wait3A_108 = tpu.memref_slice %arg7[%dma_wait3A_107] : memref<100000xf32, #tpu.memory_space<hbm>> -> memref<100000xf32, #tpu.memory_space<hbm>>
    tpu.wait_indirect_dma semaphore(%arg23 : memref<!tpu.dma_semaphore, #tpu.memory_space<semaphore_mem>>) src(%dma_wait3A_108 : memref<100000xf32, #tpu.memory_space<hbm>>) dst(%dma_wait3A_104 : memref<512xf32, #tpu.memory_space<vmem>>)
    %dma_wait3A_109 = arith.constant 2560 : i32
    %dma_wait3A_110 = tpu.memref_slice %arg20[%dma_wait3A_109] : memref<6656xf32, #tpu.memory_space<vmem>> -> memref<512xf32, #tpu.memory_space<vmem>>
    %dma_wait3A_111 = arith.constant 2560 : i32
    %dma_wait3A_112 = tpu.memref_slice %arg19[%dma_wait3A_111] : memref<6656xi32, #tpu.memory_space<vmem>> -> memref<512xi32, #tpu.memory_space<vmem>>
    %dma_wait3A_113 = arith.constant 0 : i32
    %dma_wait3A_114 = tpu.memref_slice %arg8[%dma_wait3A_113] : memref<100000xf32, #tpu.memory_space<hbm>> -> memref<100000xf32, #tpu.memory_space<hbm>>
    tpu.wait_indirect_dma semaphore(%arg23 : memref<!tpu.dma_semaphore, #tpu.memory_space<semaphore_mem>>) src(%dma_wait3A_114 : memref<100000xf32, #tpu.memory_space<hbm>>) dst(%dma_wait3A_110 : memref<512xf32, #tpu.memory_space<vmem>>)
    %dma_wait3A_115 = arith.constant 3072 : i32
    %dma_wait3A_116 = tpu.memref_slice %arg20[%dma_wait3A_115] : memref<6656xf32, #tpu.memory_space<vmem>> -> memref<512xf32, #tpu.memory_space<vmem>>
    %dma_wait3A_117 = arith.constant 3072 : i32
    %dma_wait3A_118 = tpu.memref_slice %arg19[%dma_wait3A_117] : memref<6656xi32, #tpu.memory_space<vmem>> -> memref<512xi32, #tpu.memory_space<vmem>>
    %dma_wait3A_119 = arith.constant 0 : i32
    %dma_wait3A_120 = tpu.memref_slice %arg9[%dma_wait3A_119] : memref<100000xf32, #tpu.memory_space<hbm>> -> memref<100000xf32, #tpu.memory_space<hbm>>
    tpu.wait_indirect_dma semaphore(%arg23 : memref<!tpu.dma_semaphore, #tpu.memory_space<semaphore_mem>>) src(%dma_wait3A_120 : memref<100000xf32, #tpu.memory_space<hbm>>) dst(%dma_wait3A_116 : memref<512xf32, #tpu.memory_space<vmem>>)
    %scan3A = arith.constant 0 : i32
    %scan3A_121 = arith.constant 0 : i32
    %scan3A_122 = arith.constant 32 : i32
    %scan3A_123 = arith.addi %scan3A_121, %scan3A_122 : i32
    %scan3A_124 = arith.constant 1 : i32
    scf.for %scan3A_168 = %scan3A_121 to %scan3A_123 step %scan3A_124  : i32 {
      %mul3A_169 = arith.constant 16 : i32
      %mul3A_170 = arith.muli %scan3A_168, %mul3A_169 : i32
      %get3A = arith.index_cast %mul3A_170 : i32 to index
      %get3A_171 = tpu.vector_load %arg21[%get3A] {strides = array<i32>} : memref<512xf32, #tpu.memory_space<vmem>>, vector<16xf32>,
      %get3A_172 = vector.shape_cast %get3A_171 : vector<16xf32> to vector<16xf32>
      %mul3A_173 = arith.constant 16 : i32
      %mul3A_174 = arith.muli %scan3A_168, %mul3A_173 : i32
      %add3A_175 = arith.constant 0 : i32
      %add3A_176 = arith.addi %add3A_175, %mul3A_174 : i32
      %get3A_177 = arith.index_cast %add3A_176 : i32 to index
      %get3A_178 = tpu.vector_load %arg20[%get3A_177] {strides = array<i32>} : memref<6656xf32, #tpu.memory_space<vmem>>, vector<16xf32>,
      %get3A_179 = vector.shape_cast %get3A_178 : vector<16xf32> to vector<16xf32>
      %add3A_180 = arith.addf %get3A_172, %get3A_179 : vector<16xf32>
      %mul3A_181 = arith.constant 16 : i32
      %mul3A_182 = arith.muli %scan3A_168, %mul3A_181 : i32
      %add3A_183 = arith.constant 512 : i32
      %add3A_184 = arith.addi %add3A_183, %mul3A_182 : i32
      %get3A_185 = arith.index_cast %add3A_184 : i32 to index
      %get3A_186 = tpu.vector_load %arg20[%get3A_185] {strides = array<i32>} : memref<6656xf32, #tpu.memory_space<vmem>>, vector<16xf32>,
      %get3A_187 = vector.shape_cast %get3A_186 : vector<16xf32> to vector<16xf32>
      %add3A_188 = arith.addf %add3A_180, %get3A_187 : vector<16xf32>
      %mul3A_189 = arith.constant 16 : i32
      %mul3A_190 = arith.muli %scan3A_168, %mul3A_189 : i32
      %add3A_191 = arith.constant 1024 : i32
      %add3A_192 = arith.addi %add3A_191, %mul3A_190 : i32
      %get3A_193 = arith.index_cast %add3A_192 : i32 to index
      %get3A_194 = tpu.vector_load %arg20[%get3A_193] {strides = array<i32>} : memref<6656xf32, #tpu.memory_space<vmem>>, vector<16xf32>,
      %get3A_195 = vector.shape_cast %get3A_194 : vector<16xf32> to vector<16xf32>
      %add3A_196 = arith.addf %add3A_188, %get3A_195 : vector<16xf32>
      %mul3A_197 = arith.constant 16 : i32
      %mul3A_198 = arith.muli %scan3A_168, %mul3A_197 : i32
      %add3A_199 = arith.constant 1536 : i32
      %add3A_200 = arith.addi %add3A_199, %mul3A_198 : i32
      %get3A_201 = arith.index_cast %add3A_200 : i32 to index
      %get3A_202 = tpu.vector_load %arg20[%get3A_201] {strides = array<i32>} : memref<6656xf32, #tpu.memory_space<vmem>>, vector<16xf32>,
      %get3A_203 = vector.shape_cast %get3A_202 : vector<16xf32> to vector<16xf32>
      %add3A_204 = arith.addf %add3A_196, %get3A_203 : vector<16xf32>
      %mul3A_205 = arith.constant 16 : i32
      %mul3A_206 = arith.muli %scan3A_168, %mul3A_205 : i32
      %add3A_207 = arith.constant 2048 : i32
      %add3A_208 = arith.addi %add3A_207, %mul3A_206 : i32
      %get3A_209 = arith.index_cast %add3A_208 : i32 to index
      %get3A_210 = tpu.vector_load %arg20[%get3A_209] {strides = array<i32>} : memref<6656xf32, #tpu.memory_space<vmem>>, vector<16xf32>,
      %get3A_211 = vector.shape_cast %get3A_210 : vector<16xf32> to vector<16xf32>
      %add3A_212 = arith.addf %add3A_204, %get3A_211 : vector<16xf32>
      %mul3A_213 = arith.constant 16 : i32
      %mul3A_214 = arith.muli %scan3A_168, %mul3A_213 : i32
      %add3A_215 = arith.constant 2560 : i32
      %add3A_216 = arith.addi %add3A_215, %mul3A_214 : i32
      %get3A_217 = arith.index_cast %add3A_216 : i32 to index
      %get3A_218 = tpu.vector_load %arg20[%get3A_217] {strides = array<i32>} : memref<6656xf32, #tpu.memory_space<vmem>>, vector<16xf32>,
      %get3A_219 = vector.shape_cast %get3A_218 : vector<16xf32> to vector<16xf32>
      %add3A_220 = arith.addf %add3A_212, %get3A_219 : vector<16xf32>
      %mul3A_221 = arith.constant 16 : i32
      %mul3A_222 = arith.muli %scan3A_168, %mul3A_221 : i32
      %add3A_223 = arith.constant 3072 : i32
      %add3A_224 = arith.addi %add3A_223, %mul3A_222 : i32
      %get3A_225 = arith.index_cast %add3A_224 : i32 to index
      %get3A_226 = tpu.vector_load %arg20[%get3A_225] {strides = array<i32>} : memref<6656xf32, #tpu.memory_space<vmem>>, vector<16xf32>,
      %get3A_227 = vector.shape_cast %get3A_226 : vector<16xf32> to vector<16xf32>
      %add3A_228 = arith.addf %add3A_220, %get3A_227 : vector<16xf32>
      %swap3A = arith.index_cast %mul3A_170 : i32 to index
      %swap3A_229 = tpu.vector_load %arg21[%swap3A] {strides = array<i32>} : memref<512xf32, #tpu.memory_space<vmem>>, vector<16xf32>,
      %swap3A_230 = vector.shape_cast %swap3A_229 : vector<16xf32> to vector<16xf32>
      %swap3A_231 = vector.shape_cast %add3A_228 : vector<16xf32> to vector<16xf32>
      tpu.vector_store %arg21[%swap3A], %swap3A_231 {strides = array<i32>} : memref<512xf32, #tpu.memory_space<vmem>>, vector<16xf32>,
    }
    %scan3A_125 = arith.constant 32 : i32
    %dma_wait3A_126 = arith.constant 3584 : i32
    %dma_wait3A_127 = tpu.memref_slice %arg20[%dma_wait3A_126] : memref<6656xf32, #tpu.memory_space<vmem>> -> memref<512xf32, #tpu.memory_space<vmem>>
    %dma_wait3A_128 = arith.constant 3584 : i32
    %dma_wait3A_129 = tpu.memref_slice %arg19[%dma_wait3A_128] : memref<6656xi32, #tpu.memory_space<vmem>> -> memref<512xi32, #tpu.memory_space<vmem>>
    %dma_wait3A_130 = arith.constant 0 : i32
    %dma_wait3A_131 = tpu.memref_slice %arg10[%dma_wait3A_130] : memref<100000xf32, #tpu.memory_space<hbm>> -> memref<100000xf32, #tpu.memory_space<hbm>>
    tpu.wait_indirect_dma semaphore(%arg24 : memref<!tpu.dma_semaphore, #tpu.memory_space<semaphore_mem>>) src(%dma_wait3A_131 : memref<100000xf32, #tpu.memory_space<hbm>>) dst(%dma_wait3A_127 : memref<512xf32, #tpu.memory_space<vmem>>)
    %dma_wait3A_132 = arith.constant 4096 : i32
    %dma_wait3A_133 = tpu.memref_slice %arg20[%dma_wait3A_132] : memref<6656xf32, #tpu.memory_space<vmem>> -> memref<512xf32, #tpu.memory_space<vmem>>
    %dma_wait3A_134 = arith.constant 4096 : i32
    %dma_wait3A_135 = tpu.memref_slice %arg19[%dma_wait3A_134] : memref<6656xi32, #tpu.memory_space<vmem>> -> memref<512xi32, #tpu.memory_space<vmem>>
    %dma_wait3A_136 = arith.constant 0 : i32
    %dma_wait3A_137 = tpu.memref_slice %arg11[%dma_wait3A_136] : memref<100000xf32, #tpu.memory_space<hbm>> -> memref<100000xf32, #tpu.memory_space<hbm>>
    tpu.wait_indirect_dma semaphore(%arg24 : memref<!tpu.dma_semaphore, #tpu.memory_space<semaphore_mem>>) src(%dma_wait3A_137 : memref<100000xf32, #tpu.memory_space<hbm>>) dst(%dma_wait3A_133 : memref<512xf32, #tpu.memory_space<vmem>>)
    %dma_wait3A_138 = arith.constant 4608 : i32
    %dma_wait3A_139 = tpu.memref_slice %arg20[%dma_wait3A_138] : memref<6656xf32, #tpu.memory_space<vmem>> -> memref<512xf32, #tpu.memory_space<vmem>>
    %dma_wait3A_140 = arith.constant 4608 : i32
    %dma_wait3A_141 = tpu.memref_slice %arg19[%dma_wait3A_140] : memref<6656xi32, #tpu.memory_space<vmem>> -> memref<512xi32, #tpu.memory_space<vmem>>
    %dma_wait3A_142 = arith.constant 0 : i32
    %dma_wait3A_143 = tpu.memref_slice %arg12[%dma_wait3A_142] : memref<100000xf32, #tpu.memory_space<hbm>> -> memref<100000xf32, #tpu.memory_space<hbm>>
    tpu.wait_indirect_dma semaphore(%arg24 : memref<!tpu.dma_semaphore, #tpu.memory_space<semaphore_mem>>) src(%dma_wait3A_143 : memref<100000xf32, #tpu.memory_space<hbm>>) dst(%dma_wait3A_139 : memref<512xf32, #tpu.memory_space<vmem>>)
    %dma_wait3A_144 = arith.constant 5120 : i32
    %dma_wait3A_145 = tpu.memref_slice %arg20[%dma_wait3A_144] : memref<6656xf32, #tpu.memory_space<vmem>> -> memref<512xf32, #tpu.memory_space<vmem>>
    %dma_wait3A_146 = arith.constant 5120 : i32
    %dma_wait3A_147 = tpu.memref_slice %arg19[%dma_wait3A_146] : memref<6656xi32, #tpu.memory_space<vmem>> -> memref<512xi32, #tpu.memory_space<vmem>>
    %dma_wait3A_148 = arith.constant 0 : i32
    %dma_wait3A_149 = tpu.memref_slice %arg13[%dma_wait3A_148] : memref<100000xf32, #tpu.memory_space<hbm>> -> memref<100000xf32, #tpu.memory_space<hbm>>
    tpu.wait_indirect_dma semaphore(%arg24 : memref<!tpu.dma_semaphore, #tpu.memory_space<semaphore_mem>>) src(%dma_wait3A_149 : memref<100000xf32, #tpu.memory_space<hbm>>) dst(%dma_wait3A_145 : memref<512xf32, #tpu.memory_space<vmem>>)
    %dma_wait3A_150 = arith.constant 5632 : i32
    %dma_wait3A_151 = tpu.memref_slice %arg20[%dma_wait3A_150] : memref<6656xf32, #tpu.memory_space<vmem>> -> memref<512xf32, #tpu.memory_space<vmem>>
    %dma_wait3A_152 = arith.constant 5632 : i32
    %dma_wait3A_153 = tpu.memref_slice %arg19[%dma_wait3A_152] : memref<6656xi32, #tpu.memory_space<vmem>> -> memref<512xi32, #tpu.memory_space<vmem>>
    %dma_wait3A_154 = arith.constant 0 : i32
    %dma_wait3A_155 = tpu.memref_slice %arg14[%dma_wait3A_154] : memref<100000xf32, #tpu.memory_space<hbm>> -> memref<100000xf32, #tpu.memory_space<hbm>>
    tpu.wait_indirect_dma semaphore(%arg24 : memref<!tpu.dma_semaphore, #tpu.memory_space<semaphore_mem>>) src(%dma_wait3A_155 : memref<100000xf32, #tpu.memory_space<hbm>>) dst(%dma_wait3A_151 : memref<512xf32, #tpu.memory_space<vmem>>)
    %dma_wait3A_156 = arith.constant 6144 : i32
    %dma_wait3A_157 = tpu.memref_slice %arg20[%dma_wait3A_156] : memref<6656xf32, #tpu.memory_space<vmem>> -> memref<512xf32, #tpu.memory_space<vmem>>
    %dma_wait3A_158 = arith.constant 6144 : i32
    %dma_wait3A_159 = tpu.memref_slice %arg19[%dma_wait3A_158] : memref<6656xi32, #tpu.memory_space<vmem>> -> memref<512xi32, #tpu.memory_space<vmem>>
    %dma_wait3A_160 = arith.constant 0 : i32
    %dma_wait3A_161 = tpu.memref_slice %arg15[%dma_wait3A_160] : memref<100000xf32, #tpu.memory_space<hbm>> -> memref<100000xf32, #tpu.memory_space<hbm>>
    tpu.wait_indirect_dma semaphore(%arg24 : memref<!tpu.dma_semaphore, #tpu.memory_space<semaphore_mem>>) src(%dma_wait3A_161 : memref<100000xf32, #tpu.memory_space<hbm>>) dst(%dma_wait3A_157 : memref<512xf32, #tpu.memory_space<vmem>>)
    %scan3A_162 = arith.constant 0 : i32
    %scan3A_163 = arith.constant 0 : i32
    %scan3A_164 = arith.constant 32 : i32
    %scan3A_165 = arith.addi %scan3A_163, %scan3A_164 : i32
    %scan3A_166 = arith.constant 1 : i32
    scf.for %scan3A_168 = %scan3A_163 to %scan3A_165 step %scan3A_166  : i32 {
      %mul3A_169 = arith.constant 16 : i32
      %mul3A_170 = arith.muli %scan3A_168, %mul3A_169 : i32
      %get3A = arith.index_cast %mul3A_170 : i32 to index
      %get3A_171 = tpu.vector_load %arg21[%get3A] {strides = array<i32>} : memref<512xf32, #tpu.memory_space<vmem>>, vector<16xf32>,
      %get3A_172 = vector.shape_cast %get3A_171 : vector<16xf32> to vector<16xf32>
      %mul3A_173 = arith.constant 16 : i32
      %mul3A_174 = arith.muli %scan3A_168, %mul3A_173 : i32
      %add3A_175 = arith.constant 3584 : i32
      %add3A_176 = arith.addi %add3A_175, %mul3A_174 : i32
      %get3A_177 = arith.index_cast %add3A_176 : i32 to index
      %get3A_178 = tpu.vector_load %arg20[%get3A_177] {strides = array<i32>} : memref<6656xf32, #tpu.memory_space<vmem>>, vector<16xf32>,
      %get3A_179 = vector.shape_cast %get3A_178 : vector<16xf32> to vector<16xf32>
      %add3A_180 = arith.addf %get3A_172, %get3A_179 : vector<16xf32>
      %mul3A_181 = arith.constant 16 : i32
      %mul3A_182 = arith.muli %scan3A_168, %mul3A_181 : i32
      %add3A_183 = arith.constant 4096 : i32
      %add3A_184 = arith.addi %add3A_183, %mul3A_182 : i32
      %get3A_185 = arith.index_cast %add3A_184 : i32 to index
      %get3A_186 = tpu.vector_load %arg20[%get3A_185] {strides = array<i32>} : memref<6656xf32, #tpu.memory_space<vmem>>, vector<16xf32>,
      %get3A_187 = vector.shape_cast %get3A_186 : vector<16xf32> to vector<16xf32>
      %add3A_188 = arith.addf %add3A_180, %get3A_187 : vector<16xf32>
      %mul3A_189 = arith.constant 16 : i32
      %mul3A_190 = arith.muli %scan3A_168, %mul3A_189 : i32
      %add3A_191 = arith.constant 4608 : i32
      %add3A_192 = arith.addi %add3A_191, %mul3A_190 : i32
      %get3A_193 = arith.index_cast %add3A_192 : i32 to index
      %get3A_194 = tpu.vector_load %arg20[%get3A_193] {strides = array<i32>} : memref<6656xf32, #tpu.memory_space<vmem>>, vector<16xf32>,
      %get3A_195 = vector.shape_cast %get3A_194 : vector<16xf32> to vector<16xf32>
      %add3A_196 = arith.addf %add3A_188, %get3A_195 : vector<16xf32>
      %mul3A_197 = arith.constant 16 : i32
      %mul3A_198 = arith.muli %scan3A_168, %mul3A_197 : i32
      %add3A_199 = arith.constant 5120 : i32
      %add3A_200 = arith.addi %add3A_199, %mul3A_198 : i32
      %get3A_201 = arith.index_cast %add3A_200 : i32 to index
      %get3A_202 = tpu.vector_load %arg20[%get3A_201] {strides = array<i32>} : memref<6656xf32, #tpu.memory_space<vmem>>, vector<16xf32>,
      %get3A_203 = vector.shape_cast %get3A_202 : vector<16xf32> to vector<16xf32>
      %add3A_204 = arith.addf %add3A_196, %get3A_203 : vector<16xf32>
      %mul3A_205 = arith.constant 16 : i32
      %mul3A_206 = arith.muli %scan3A_168, %mul3A_205 : i32
      %add3A_207 = arith.constant 5632 : i32
      %add3A_208 = arith.addi %add3A_207, %mul3A_206 : i32
      %get3A_209 = arith.index_cast %add3A_208 : i32 to index
      %get3A_210 = tpu.vector_load %arg20[%get3A_209] {strides = array<i32>} : memref<6656xf32, #tpu.memory_space<vmem>>, vector<16xf32>,
      %get3A_211 = vector.shape_cast %get3A_210 : vector<16xf32> to vector<16xf32>
      %add3A_212 = arith.addf %add3A_204, %get3A_211 : vector<16xf32>
      %mul3A_213 = arith.constant 16 : i32
      %mul3A_214 = arith.muli %scan3A_168, %mul3A_213 : i32
      %add3A_215 = arith.constant 6144 : i32
      %add3A_216 = arith.addi %add3A_215, %mul3A_214 : i32
      %get3A_217 = arith.index_cast %add3A_216 : i32 to index
      %get3A_218 = tpu.vector_load %arg20[%get3A_217] {strides = array<i32>} : memref<6656xf32, #tpu.memory_space<vmem>>, vector<16xf32>,
      %get3A_219 = vector.shape_cast %get3A_218 : vector<16xf32> to vector<16xf32>
      %add3A_220 = arith.addf %add3A_212, %get3A_219 : vector<16xf32>
      %get3A_221 = arith.index_cast %mul3A_170 : i32 to index
      %get3A_222 = tpu.vector_load %arg22[%get3A_221] {strides = array<i32>} : memref<512xf32, #tpu.memory_space<vmem>>, vector<16xf32>,
      %get3A_223 = vector.shape_cast %get3A_222 : vector<16xf32> to vector<16xf32>
      %add3A_224 = arith.addf %add3A_220, %get3A_223 : vector<16xf32>
      %swap3A = arith.index_cast %mul3A_170 : i32 to index
      %swap3A_225 = tpu.vector_load %arg21[%swap3A] {strides = array<i32>} : memref<512xf32, #tpu.memory_space<vmem>>, vector<16xf32>,
      %swap3A_226 = vector.shape_cast %swap3A_225 : vector<16xf32> to vector<16xf32>
      %swap3A_227 = vector.shape_cast %add3A_224 : vector<16xf32> to vector<16xf32>
      tpu.vector_store %arg21[%swap3A], %swap3A_227 {strides = array<i32>} : memref<512xf32, #tpu.memory_space<vmem>>, vector<16xf32>,
    }
    %scan3A_167 = arith.constant 32 : i32
    "tpu.region"() ({
      %run_scoped3A = tpu.sem_alloc : memref<!tpu.dma_semaphore, #tpu.memory_space<semaphore_mem>>
      %dma_start3A_168 = tpu.memref_slice %arg18[%mul3A_2] : memref<16384xf32, #tpu.memory_space<hbm>> -> memref<512xf32, #tpu.memory_space<hbm>>
      %dma_start3A_169 = tpu.memref_slice %arg18[%mul3A_2] : memref<16384xf32, #tpu.memory_space<hbm>> -> memref<512xf32, #tpu.memory_space<hbm>>
      tpu.enqueue_dma source(%arg21 : memref<512xf32, #tpu.memory_space<vmem>>) target(%dma_start3A_169 : memref<512xf32, #tpu.memory_space<hbm>>) target_semaphore(%run_scoped3A : memref<!tpu.dma_semaphore, #tpu.memory_space<semaphore_mem>>)
      %dma_wait3A_170 = tpu.memref_slice %arg18[%mul3A_2] : memref<16384xf32, #tpu.memory_space<hbm>> -> memref<512xf32, #tpu.memory_space<hbm>>
      %dma_wait3A_171 = tpu.memref_slice %arg18[%mul3A_2] : memref<16384xf32, #tpu.memory_space<hbm>> -> memref<512xf32, #tpu.memory_space<hbm>>
      tpu.wait_dma2 semaphore(%run_scoped3A : memref<!tpu.dma_semaphore, #tpu.memory_space<semaphore_mem>>) src(%arg21 : memref<512xf32, #tpu.memory_space<vmem>>) dst(%dma_wait3A_171 : memref<512xf32, #tpu.memory_space<hbm>>)
      tpu.yield
    }) : () -> ()
    return
  }
}

</mosaic_0001>

<sc_bundles>
// kernel: kernel.11.cloned.1.call-start
scs
__scs_entry_jumppad:
0x0: {  	(pc) =	sbr.rel $0x88, $3  }
0x1: {  	(tag) =	ssettag $0x0;
	lr =	simm.s32 $0x1  }
0x2: {  	[smem:$0x3F9A] =	sst lr;
	_ =	strace $0xD0000000  }
0x3: {  	_ = 	snop  }
0x4: {  	_ = 	snop  }
0x5: {  	_ = 	snop  }
0x6: {  	_ = 	snop  }
0x7: {  	_ = 	snop  }
__scs_overlays_trampoline_lowered:
0x8: {  	[smem:$0x3FA9] =	sst s0  }
0x9: {  	[smem:$0x3FAA] =	sst s1  }
0xa: {  	[smem:$0x3FAB] =	sst s2  }
0xb: {  	[smem:$0x3FAC] =	sst s3  }
0xc: {  	[smem:$0x3FAD] =	sst s4  }
0xd: {  	[smem:$0x3FAE] =	sst s5  }
0xe: {  	[smem:$0x3FAF] =	sst s6  }
0xf: {  	[smem:$0x3FB0] =	sst s7  }
0x10: {  	[smem:$0x3FB1] =	sst s8  }
0x11: {  	[smem:$0x3FB2] =	sst s9;
	s0 =	simm.s32 @!p0 $0x0  }
0x12: {  	s1 =	sld [smem:$0x3F98];
	s0 =	simm.s32 @p0 $0x1  }
0x13: {  	[smem:$0x3FB3] =	sst s0;
	s0 =	simm.s32 @!p1 $0x0  }
0x14: {  	s2 =	sld [smem:$0x3F97];
	s0 =	simm.s32 @p1 $0x1  }
0x15: {  	[smem:$0x3FB4] =	sst s0;
	s0 =	simm.s32 @!p2 $0x0  }
0x16: {  	s3 =	sld [smem:$0x3FDB];
	s0 =	simm.s32 @p2 $0x1  }
0x17: {  	s4 =	simm.s32 $0x1BF5;
	[smem:$0x3FB6] =	sst s0  }
0x18: {  	s0 =	sld [smem:$0x3F99];
	_ =	swait.ge [sflag:s4], $0x0  }
0x19: {  	s7 =	sld [smem:$0x3F9A]  }
0x1a: {  	s8 =	sadd.s32 $0xFFFFE003, lr  }
0x1b: {  	s9 =	sadd.s32 $0xFFFFFEF7, lr;
	s5 =	simm.s32 $0xFFFFFFFF;
	p2 =	slt.u32 s8, $0xFFFFF086  }
0x1c: {  	p1 =	slt.u32 s9, $0xF7A;
	s5 =	simm.s32 @!p2 $0x0  }
0x1d: {  	s5 =	simm.s32 @p1 $0x1;
	p0 =	seq.s32 s7, s2  }
0x1e: {  	s7 =	smul.u32 @!p0 $0xF7A, s2;
	p2 =	seq.s32 @!p0 s5, $0x0  }
0x1f: {  	s9 =	smul.u32 $0xF7A, s1;
	s8 =	simm.s32 @!p0 $0x1BF5;
	p2 =	por !p2, p0  }
0x20: {  	[sflag:s8] =	ssyncset.s32 @!p0 $0xFFFFF086;
	s6 =	sadd.s32 @!p0 s3, s7;
	s7 =	simm.s32 @!p0 $0x108  }
0x21: {  	s3 =	sadd.s32 s3, s9;
	s6 =	sadd.s32 @!p0 $0x88, s6;
	s7 =	simm.s32 @p2 $0x1082  }
0x22: {  	[simem:s7], [sflag:s8] =	dma.local @!p0 [hbm:s6], $0xF7A  }
0x23: {  	s9 =	sor.u32 $0xD0000000, s2;
	s6 =	simm.s32 $0x108;
	_ =	swait.ge @!p0 [sflag:s8], $0x0  }
0x24: {  	s3 =	sadd.s32 $0x88, s3;
	s6 =	simm.s32 @!p1 $0x1082;
	[sflag:s4] =	ssyncset.s32 $0xFFFFF086  }
0x25: {  	[simem:s6], [sflag:s4] =	dma.local [hbm:s3], $0xF7A  }
0x26: {  	[smem:$0x3F9A] =	sst s1;
	(tag) =	ssettag s2;
	_ =	strace s9  }
0x27: {  	s1 =	sld [smem:$0x3FAA]  }
0x28: {  	s2 =	sld [smem:$0x3FAB]  }
0x29: {  	s4 =	sld [smem:$0x3FAD]  }
0x2a: {  	p0 =	seq.s32 s5, $0x0;
	s5 =	sld [smem:$0x3FAE]  }
0x2b: {  	s6 =	sld [smem:$0x3FAF]  }
0x2c: {  	s7 =	sld [smem:$0x3FB0]  }
0x2d: {  	s3 =	simm.s32 $0x108;
	s8 =	sld [smem:$0x3FB1]  }
0x2e: {  	s3 =	simm.s32 @!p0 $0x1082;
	s9 =	sld [smem:$0x3FB2]  }
0x2f: {  	lr =	sadd.s32 s0, s3;
	s0 =	sld [smem:$0x3FA9]  }
0x30: {  	s3 =	sld [smem:$0x3FAC]  }
0x31: {  	[smem:$0x3FB5] =	sst s10  }
0x32: {  	s10 =	sld [smem:$0x3FB3];
	_ =	sdelay $0x3  }
0x33: {  	p0 =	seq.s32 s10, $0x1;
	s10 =	sld [smem:$0x3FB5];
	_ =	sdelay $0x3  }
0x34: {  	[smem:$0x3FB5] =	sst s10  }
0x35: {  	s10 =	sld [smem:$0x3FB4];
	_ =	sdelay $0x3  }
0x36: {  	p1 =	seq.s32 s10, $0x1;
	s10 =	sld [smem:$0x3FB5];
	_ =	sdelay $0x3  }
0x37: {  	[smem:$0x3FB5] =	sst s10  }
0x38: {  	s10 =	sld [smem:$0x3FB6]  }
0x39: {  	_ = 	snop;
	(pc) =	sbr.ind lr, $3  }
0x3a: {  	_ = 	snop  }
0x3b: {  	_ = 	snop  }
0x3c: {  	p2 =	seq.s32 s10, $0x1;
	s10 =	sld [smem:$0x3FB5]  }
0x3d: {  	_ =	shalt  }
0x3e: {  	_ =	shalt  }
0x3f: {  	_ =	shalt  }
0x40: {  	_ =	shalt  }
0x41: {  	_ =	shalt  }
0x42: {  	_ =	shalt  }
0x43: {  	_ =	shalt  }
0x44: {  	_ =	shalt  }
0x45: {  	_ =	shalt  }
0x46: {  	_ =	shalt  }
0x47: {  	_ =	shalt  }
0x48: {  	_ =	shalt  }
0x49: {  	_ =	shalt  }
0x4a: {  	_ =	shalt  }
0x4b: {  	_ =	shalt  }
0x4c: {  	_ =	shalt  }
0x4d: {  	_ =	shalt  }
0x4e: {  	_ =	shalt  }
0x4f: {  	_ =	shalt  }
0x50: {  	_ =	shalt  }
0x51: {  	_ =	shalt  }
0x52: {  	_ =	shalt  }
0x53: {  	_ =	shalt  }
0x54: {  	_ =	shalt  }
0x55: {  	_ =	shalt  }
0x56: {  	_ =	shalt  }
0x57: {  	_ =	shalt  }
0x58: {  	_ =	shalt  }
0x59: {  	_ =	shalt  }
0x5a: {  	_ =	shalt  }
0x5b: {  	_ =	shalt  }
0x5c: {  	_ =	shalt  }
0x5d: {  	_ =	shalt  }
0x5e: {  	_ =	shalt  }
0x5f: {  	_ =	shalt  }
0x60: {  	_ =	shalt  }
0x61: {  	_ =	shalt  }
0x62: {  	_ =	shalt  }
0x63: {  	_ =	shalt  }
0x64: {  	_ =	shalt  }
0x65: {  	_ =	shalt  }
0x66: {  	_ =	shalt  }
0x67: {  	_ =	shalt  }
0x68: {  	_ =	shalt  }
0x69: {  	_ =	shalt  }
0x6a: {  	_ =	shalt  }
0x6b: {  	_ =	shalt  }
0x6c: {  	_ =	shalt  }
0x6d: {  	_ =	shalt  }
0x6e: {  	_ =	shalt  }
0x6f: {  	_ =	shalt  }
0x70: {  	_ =	shalt  }
0x71: {  	_ =	shalt  }
0x72: {  	_ =	shalt  }
0x73: {  	_ =	shalt  }
0x74: {  	_ =	shalt  }
0x75: {  	_ =	shalt  }
0x76: {  	_ =	shalt  }
0x77: {  	_ =	shalt  }
0x78: {  	_ =	shalt  }
0x79: {  	_ =	shalt  }
0x7a: {  	_ =	shalt  }
0x7b: {  	_ =	shalt  }
0x7c: {  	_ =	shalt  }
0x7d: {  	_ =	shalt  }
0x7e: {  	_ =	shalt  }
0x7f: {  	_ =	shalt  }
0x80: {  	_ =	shalt  }
0x81: {  	_ =	shalt  }
0x82: {  	_ =	shalt  }
0x83: {  	_ =	shalt  }
0x84: {  	_ =	shalt  }
0x85: {  	_ =	shalt  }
0x86: {  	_ =	shalt  }
0x87: {  	_ =	shalt  }
.Lfunc_end0:
.L_simem_size_0:
called_computation.2_lowered:
.L_overlay_start_0:
0x88: {  	s2 =	sld [smem:$0x3FD9]  }
0x89: {  	s3 =	sld [smem:$0x3FFE];
	_ =	sdelay $0x1  }
0x8a: {  	s1 =	srdreg.scid  }
0x8b: {  	s0 =	sand.u32 $0x1, s1  }
0x8c: {  	s17 =	sshll.u32 s0, $0xA;
	s2 =	sadd.s32 s3, s2  }
0x8d: {  	s2 =	sadd.s32 s2, s17  }
0x8e: {  	[smem:$0x3FC1] =	sst s2  }
0x8f: {  	_ = 	snop  }
0x90: {  	s2 =	sld [smem:$0x3FD0];
	(tm) =	ssettm $0x1  }
0x91: {  	s18 =	sld [smem:$0x3FFB];
	_ =	sdelay $0x3  }
0x92: {  	_ =	strace s18  }
0x93: {  	s3 =	sld [smem:$0x3FFC];
	_ =	sdelay $0x3  }
0x94: {  	_ =	strace s3  }
0x95: {  	s3 =	sld [smem:$0x3FFD];
	_ =	sdelay $0x3  }
0x96: {  	_ =	strace s3  }
0x97: {  	_ =	strace $0x8FFFFFFF  }
0x98: {  	s19 =	sld [smem:$0x3FDB];
	_ =	sdelay $0x1  }
0x99: {  	s4 =	simm.s32 $_scs_section_size  }
0x9a: {  	s5 =	simm.s32 $_size__tile_overlayer_lowered;
	s6 =	simm.s32 $_tile_overlayer_lowered  }
0x9b: {  	s22 =	simm.s32 $0x1BFF;
	s21 =	sshll.u32 s6, $0x1;
	s3 =	sadd.s32 s4, s19  }
0x9c: {  	s7 =	simm.s32 $0x0;
	s20 =	sshll.u32 s5, $0x1;
	s5 =	sadd.s32 s21, s3  }
0x9d: {  	[timem:s7], [sflag:s22] =	dma.local [hbm:s5], s20  }
0x9e: {  	_ =	swait.ge [sflag:s22], s20  }
0x9f: {  	s4 =	ssub.s32 $0x0, s20;
	[sflag:s22] =	ssyncset.done $0x0  }
0xa0: {  	[sflag:s22] =	ssyncadd.s32 s4;
	_ =	sdelay $0x1  }
0xa1: {  	s23 =	simm.s32 $0x1B8B  }
0xa2: {  	_ =	swait.ge [sflag:s23], $0x1  }
0xa3: {  	[sflag:s23] =	ssyncset.done $0x0  }
0xa4: {  	s25 =	simm.s32 $0x1B8E;
	s24 =	sld [smem:$0x3FFE];
	[sflag:s23] =	ssyncadd.s32 $0xFFFFFFFF  }
0xa5: {  	s26 =	simm.s32 $execute0_lowered;
	[smem:$0x3FD2] =	sst s25  }
0xa6: {  	s5 =	sshll.u32 s26, $0x1;
	_ =	strace $0x8000004C;
	[dreg:$0x1] =	wrdreg $0xFFFFFFFF  }
0xa7: {  	s28 =	simm.s32 $_size_execute0_lowered;
	s3 =	sadd.s32 s3, s5;
	[dreg:$0x0] =	wrdreg $0x0  }
0xa8: {  	s5 =	sshll.u32 s28, $0x1;
	[dreg:$0x2] =	wrdreg s3  }
0xa9: {  	[dreg:$0x3] =	wrdreg s5  }
0xaa: {  	[dreg:$0x4] =	wrdreg $0xC0  }
0xab: {  	_ =	task [dreg:s7], $0x5FFFF  }
0xac: {  	[dreg:$0x1] =	wrdreg $0xFFFFFFFF  }
0xad: {  	[dreg:$0x0] =	wrdreg $0x60  }
0xae: {  	[dreg:$0x2] =	wrdreg s24  }
0xaf: {  	[dreg:$0x3] =	wrdreg s2  }
0xb0: {  	[dreg:$0x4] =	wrdreg $0x9  }
0xb1: {  	_ =	task.clear_ibuf [dreg:s7], $0x5FFFF;
	_ =	strace $0x9000004C  }
0xb2: {  	s29 =	simm.s32 $0x9;
	_ =	strace $0x8000004E  }
0xb3: {  	_ =	swait.ge [sflag:s29], $0x1  }
0xb4: {  	[sflag:s29] =	ssyncadd.s32 $0xFFFFFFFF  }
0xb5: {  	_ =	strace $0x9000004E  }
0xb6: {  	_ =	sfence  }
0xb7: {  	s30 =	sld [smem:$0x0];
	_ =	sdelay $0x2  }
0xb8: {  	s31 =	sshll.u32 s1, $0xD;
	s1 =	sshrl.u32 s1, $0x2  }
0xb9: {  	s3 =	sand.u32 $0x4000, s31;
	s1 =	sadd.s32 s1, s30  }
0xba: {  	s0 =	sor.u32 s3, s0;
	s1 =	sshll.u32 s1, $0x11  }
0xbb: {  	s0 =	sor.u32 s1, s0  }
0xbc: {  	s0 =	sadd.s32 $0x8F2B, s0  }
0xbd: {  	[sflag:s0] =	ssyncadd.remote.s32 $0x1  }
0xbe: {  	_ =	sfence.sel $0xFFFF  }
0xbf: {  	[dreg:$0x0] =	wrdreg $0xFFFFFFFF;
	(pc) =	sbr.abs _section_cstart, $3  }
0xc0: {  	[dreg:$0x1] =	wrdreg $0xFFFFFFFF  }
0xc1: {  	_ =	task.clear_ibuf [dreg:s7], $0x2FFFF;
	_ =	strace $0x9FFFFFFF  }
0xc2: {  	(tm) =	ssettm $0x7FFFFFFF  }
0xc3: {  	_ =	shalt  }
tec
execute0_lowered:
.L_overlay_start_1:
0x0: {  	(tag) =	ssettag $0x1  }
0x1: {  	s0 =	srdreg.scid  }
0x2: {  	s2 =	stileid.u32;
	s16 =	rddreg [dreg:$0x0]  }
0x3: {  	s19 =	rddreg [dreg:$0x1];
	s22 =	simm.s32 $0x400;
	s23 =	simm.s32 $0x3  }
0x4: {  	s24 =	simm.s32 $0x200;
	s31 =	simm.s32 $0x1;
	s21 =	simm.s32 $0x0  }
0x5: {  	s0 =	sand.u32 $0x1, s0;
	s1 =	sshll.u32 s2, $0x1;
	s2 =	sshrl.u32 s2, $0x2  }
0x6: {  	s4 =	sadd.s32 $0x7BE00, s16;
	s5 =	sadd.s32 $0x78C00, s16;
	s6 =	sadd.s32 $0x75A00, s16  }
0x7: {  	s7 =	sadd.s32 $0x72800, s16;
	s8 =	sadd.s32 $0x6F600, s16;
	s9 =	sadd.s32 $0x6C400, s16  }
0x8: {  	s10 =	sadd.s32 $0x68800, s16;
	s11 =	sadd.s32 $0x65600, s16;
	s12 =	sadd.s32 $0x62400, s16  }
0x9: {  	s13 =	sadd.s32 $0x5F200, s16;
	s14 =	sadd.s32 $0x5C000, s16;
	s1 =	sor.u32 s0, s1  }
0xa: {  	s15 =	sadd.s32 $0x58E00, s16;
	s2 =	smul.u32 $0x1A000, s2;
	s3 =	sshll.u32 s1, $0x7  }
0xb: {  	s0 =	ssub.s32 $0x2, s0;
	s1 =	sshll.u32 s1, $0x6;
	s3 =	sand.u32 $0x380, s3  }
0xc: {  	s18 =	sshrl.u32 s0, $0x1;
	s20 =	sadd.s32 s1, s16;
	s3 =	sor.u32 s3, s2  }
0xd: {  	s0 =	ssub.s32 s0, s18;
	s19 =	sadd.s32 s19, s1;
	s3 =	sadd.s32 $0xD000, s3  }
0xe: {  	s1 =	simm.s32 $0x2;
	s2 =	simm.s32 $0x0;
	s3 =	sshrl.u32 s3, $0x3  }
0xf: {  	s18 =	sadd.s32 $0x1C200, s20;
	[smem:$0x7FF] =	sst s2;
	s17 =	sadd.s32 s3, s16  }
0x10: {  	_ =	strace $0x8000004D;
	s3 =	sadd.s32 $0x7F000, s16;
	s16 =	sadd.s32 $0x23400, s17  }
0x11: {  	s17 =	sadd.s32 $0x6BC00, s20;
	s20 =	smax.u32 s0, $0x1;
	s0 =	simm.s32 $0x3400  }
.LBB2_1:
0x12: {  	s25 =	simm.s32 $0x80  }
0x13: {  	[tilespmem:s2], [sflag:$0x3] =	stream.strided.gather [hbm4b:s16+s25], $0x1A00, s22, s25, $0x38;
	[tilespmem:$0x3800] =	vst v63  }
0x14: {  	_ =	swait.ge [sflag:s23], $0x1A00  }
0x15: {  	[sflag:s23] =	ssyncset.done $0x0  }
0x16: {  	s25 =	simm.s32 $0x1A00;
	[sflag:s23] =	ssyncadd.s32 $0xFFFFE600  }
0x17: {  	[tilespmem:s25], [sflag:$0x1] =	stream.indirect.gather [hbm4b:s3+s24], $0x1, s2, s24, $0xb8;
	[tilespmem:$0x3800] =	vst v63  }
0x18: {  	s26 =	simm.s32 $0x1C00  }
0x19: {  	[tilespmem:s26], [sflag:$0x1] =	stream.indirect.gather [hbm4b:s4+s24], $0x1, s24, s24, $0xb8;
	[tilespmem:$0x3800] =	vst v63  }
0x1a: {  	s30 =	simm.s32 $0x1E00  }
0x1b: {  	[tilespmem:s30], [sflag:$0x1] =	stream.indirect.gather [hbm4b:s5+s24], $0x1, s22, s24, $0xb8;
	[tilespmem:$0x3800] =	vst v63  }
0x1c: {  	s28 =	simm.s32 $0x2000;
	s30 =	simm.s32 $0x600  }
0x1d: {  	[tilespmem:s28], [sflag:$0x1] =	stream.indirect.gather [hbm4b:s6+s24], $0x1, s30, s24, $0xb8;
	[tilespmem:$0x3800] =	vst v63  }
0x1e: {  	s30 =	simm.s32 $0x800;
	s28 =	simm.s32 $0x2200  }
0x1f: {  	[tilespmem:s28], [sflag:$0x1] =	stream.indirect.gather [hbm4b:s7+s24], $0x1, s30, s24, $0xb8;
	[tilespmem:$0x3800] =	vst v63  }
0x20: {  	s30 =	simm.s32 $0xA00;
	s28 =	simm.s32 $0x2400  }
0x21: {  	[tilespmem:s28], [sflag:$0x1] =	stream.indirect.gather [hbm4b:s8+s24], $0x1, s30, s24, $0xb8;
	[tilespmem:$0x3800] =	vst v63  }
0x22: {  	s30 =	simm.s32 $0xC00;
	s28 =	simm.s32 $0x2600  }
0x23: {  	[tilespmem:s28], [sflag:$0x1] =	stream.indirect.gather [hbm4b:s9+s24], $0x1, s30, s24, $0xb8;
	[tilespmem:$0x3800] =	vst v63  }
0x24: {  	s30 =	simm.s32 $0xE00;
	s28 =	simm.s32 $0x2800  }
0x25: {  	[tilespmem:s28], [sflag:$0x2] =	stream.indirect.gather [hbm4b:s10+s24], $0x1, s30, s24, $0xb8;
	[tilespmem:$0x3800] =	vst v63  }
0x26: {  	s30 =	simm.s32 $0x1000;
	s28 =	simm.s32 $0x2A00  }
0x27: {  	[tilespmem:s28], [sflag:$0x2] =	stream.indirect.gather [hbm4b:s11+s24], $0x1, s30, s24, $0xb8;
	[tilespmem:$0x3800] =	vst v63  }
0x28: {  	s30 =	simm.s32 $0x1200;
	s28 =	simm.s32 $0x2C00  }
0x29: {  	[tilespmem:s28], [sflag:$0x2] =	stream.indirect.gather [hbm4b:s12+s24], $0x1, s30, s24, $0xb8;
	[tilespmem:$0x3800] =	vst v63  }
0x2a: {  	s30 =	simm.s32 $0x1400;
	s28 =	simm.s32 $0x2E00  }
0x2b: {  	[tilespmem:s28], [sflag:$0x2] =	stream.indirect.gather [hbm4b:s13+s24], $0x1, s30, s24, $0xb8;
	[tilespmem:$0x3800] =	vst v63  }
0x2c: {  	s30 =	simm.s32 $0x1600;
	s28 =	simm.s32 $0x3000  }
0x2d: {  	[tilespmem:s28], [sflag:$0x2] =	stream.indirect.gather [hbm4b:s14+s24], $0x1, s30, s24, $0xb8;
	[tilespmem:$0x3800] =	vst v63  }
0x2e: {  	s30 =	simm.s32 $0x1800;
	s28 =	simm.s32 $0x3200  }
0x2f: {  	[tilespmem:s28], [sflag:$0x2] =	stream.indirect.gather [hbm4b:s15+s24], $0x1, s30, s24, $0xb8;
	[tilespmem:$0x3800] =	vst v63  }
0x30: {  	_ = 	snop  }
0x31: {  	[tilespmem:s0], [sflag:$0x3] =	stream.linear.gather [hbm4b:s17+s2], $0x200, $0x38;
	[tilespmem:$0x3800] =	vst v63  }
0x32: {  	_ =	swait.ge [sflag:s23], $0x200  }
0x33: {  	[sflag:s23] =	ssyncset.done $0x0  }
0x34: {  	s30 =	simm.s32 $0x3600;
	[sflag:s23] =	ssyncadd.s32 $0xFFFFFE00  }
0x35: {  	[tilespmem:s30], [sflag:$0x3] =	stream.linear.gather [hbm4b:s18+s2], $0x200, $0x38;
	[tilespmem:$0x3800] =	vst v63  }
0x36: {  	_ =	swait.ge [sflag:s23], $0x200  }
0x37: {  	[sflag:s23] =	ssyncset.done $0x0  }
0x38: {  	[sflag:s23] =	ssyncadd.s32 $0xFFFFFE00  }
0x39: {  	_ =	swait.ge [sflag:s31], $0x200  }
0x3a: {  	[sflag:s31] =	ssyncset.done $0x0  }
0x3b: {  	[sflag:s31] =	ssyncadd.s32 $0xFFFFFE00  }
0x3c: {  	_ =	swait.ge [sflag:s31], $0x200  }
0x3d: {  	[sflag:s31] =	ssyncset.done $0x0  }
0x3e: {  	[sflag:s31] =	ssyncadd.s32 $0xFFFFFE00  }
0x3f: {  	_ =	swait.ge [sflag:s31], $0x200  }
0x40: {  	[sflag:s31] =	ssyncset.done $0x0  }
0x41: {  	[sflag:s31] =	ssyncadd.s32 $0xFFFFFE00  }
0x42: {  	_ =	swait.ge [sflag:s31], $0x200  }
0x43: {  	[sflag:s31] =	ssyncset.done $0x0  }
0x44: {  	[sflag:s31] =	ssyncadd.s32 $0xFFFFFE00  }
0x45: {  	_ =	swait.ge [sflag:s31], $0x200  }
0x46: {  	[sflag:s31] =	ssyncset.done $0x0  }
0x47: {  	[sflag:s31] =	ssyncadd.s32 $0xFFFFFE00  }
0x48: {  	_ =	swait.ge [sflag:s31], $0x200  }
0x49: {  	[sflag:s31] =	ssyncset.done $0x0  }
0x4a: {  	[sflag:s31] =	ssyncadd.s32 $0xFFFFFE00  }
0x4b: {  	_ =	swait.ge [sflag:s31], $0x200  }
0x4c: {  	[sflag:s31] =	ssyncset.done $0x0  }
0x4d: {  	[sflag:s31] =	ssyncadd.s32 $0xFFFFFE00  }
0x4e: {  	v0 =	vld [tilespmem:s25+$0x0]  }
0x4f: {  	s29 =	simm.s32 $0x0;
	s26 =	simm.s32 $0x3400;
	s28 =	simm.s32 $0x10;
	v1 =	vld [tilespmem:s0+$0x0]  }
.LBB2_2:
0x50: {  	p0 =	sne.s32 s28, $0x1F0;
	s30 =	sand.u32 $0x1F0, s29;
	s29 =	smov.u32 s28  }
0x51: {  	v2 =	vld [tilespmem:s30+$0x1C00];
	_ =	sdelay $0x1  }
0x52: {  	v3 =	vld [tilespmem:s30+$0x1E00]  }
0x53: {  	v0 =	vadd.f32 v0, v1  }
0x54: {  	v1 =	vld [tilespmem:s30+$0x2000]  }
0x55: {  	v0 =	vadd.f32 v2, v0  }
0x56: {  	v2 =	vld [tilespmem:s30+$0x2200]  }
0x57: {  	v0 =	vadd.f32 v3, v0  }
0x58: {  	v3 =	vld [tilespmem:s30+$0x2400]  }
0x59: {  	v0 =	vadd.f32 v1, v0  }
0x5a: {  	v1 =	vld [tilespmem:s30+$0x2600]  }
0x5b: {  	v0 =	vadd.f32 v2, v0;
	_ =	sdelay $0x1  }
0x5c: {  	v0 =	vadd.f32 v3, v0;
	_ =	sdelay $0x1  }
.Ltmp0:
0x5d: {  	v0 =	vadd.f32 v1, v0;
	(pc) =	sbr.rel @p0 .LBB2_2-.Ltmp0, $4  }
0x5e: {  	_ = 	snop  }
0x5f: {  	s25 =	sadd.s32 $0x10, s25;
	[tilespmem:s26+$0x0] =	vst v0  }
0x60: {  	s26 =	sadd.s32 $0x10, s26;
	v0 =	vld [tilespmem:s25+$0x0]  }
0x61: {  	s28 =	sadd.s32 $0x10, s28;
	v1 =	vld [tilespmem:s26+$0x0]  }
0x62: {  	s25 =	sand.u32 $0x1F0, s29  }
0x63: {  	v2 =	vld [tilespmem:s25+$0x1C00];
	_ =	sdelay $0x1  }
0x64: {  	v3 =	vld [tilespmem:s25+$0x1E00]  }
0x65: {  	v0 =	vadd.f32 v0, v1  }
0x66: {  	v1 =	vld [tilespmem:s25+$0x2000]  }
0x67: {  	v0 =	vadd.f32 v2, v0  }
0x68: {  	v2 =	vld [tilespmem:s25+$0x2200]  }
0x69: {  	v0 =	vadd.f32 v3, v0  }
0x6a: {  	v3 =	vld [tilespmem:s25+$0x2400]  }
0x6b: {  	v0 =	vadd.f32 v1, v0  }
0x6c: {  	v1 =	vld [tilespmem:s25+$0x2600]  }
0x6d: {  	v0 =	vadd.f32 v2, v0;
	_ =	sdelay $0x1  }
0x6e: {  	v0 =	vadd.f32 v3, v0;
	_ =	sdelay $0x1  }
0x6f: {  	v0 =	vadd.f32 v1, v0;
	_ =	sdelay $0x1  }
0x70: {  	[tilespmem:s26+$0x0] =	vst v0  }
0x71: {  	_ =	swait.ge [sflag:s1], $0x200  }
0x72: {  	[sflag:s1] =	ssyncset.done $0x0  }
0x73: {  	[sflag:s1] =	ssyncadd.s32 $0xFFFFFE00  }
0x74: {  	_ =	swait.ge [sflag:s1], $0x200  }
0x75: {  	[sflag:s1] =	ssyncset.done $0x0  }
0x76: {  	[sflag:s1] =	ssyncadd.s32 $0xFFFFFE00  }
0x77: {  	_ =	swait.ge [sflag:s1], $0x200  }
0x78: {  	[sflag:s1] =	ssyncset.done $0x0  }
0x79: {  	[sflag:s1] =	ssyncadd.s32 $0xFFFFFE00  }
0x7a: {  	_ =	swait.ge [sflag:s1], $0x200  }
0x7b: {  	[sflag:s1] =	ssyncset.done $0x0  }
0x7c: {  	[sflag:s1] =	ssyncadd.s32 $0xFFFFFE00  }
0x7d: {  	_ =	swait.ge [sflag:s1], $0x200  }
0x7e: {  	[sflag:s1] =	ssyncset.done $0x0  }
0x7f: {  	[sflag:s1] =	ssyncadd.s32 $0xFFFFFE00  }
0x80: {  	_ =	swait.ge [sflag:s1], $0x200  }
0x81: {  	s26 =	simm.s32 $0x0;
	[sflag:s1] =	ssyncset.done $0x0  }
0x82: {  	s25 =	sand.u32 $0x1F0, s26;
	[sflag:s1] =	ssyncadd.s32 $0xFFFFFE00  }
0x83: {  	s30 =	simm.s32 $0x3400;
	v0 =	vld [tilespmem:s25+$0x2800]  }
0x84: {  	v1 =	vld [tilespmem:s30+$0x0];
	_ =	sdelay $0x1  }
0x85: {  	v2 =	vld [tilespmem:s25+$0x2A00];
	_ =	sdelay $0x1  }
0x86: {  	v3 =	vld [tilespmem:s25+$0x2C00]  }
0x87: {  	v0 =	vadd.f32 v0, v1  }
0x88: {  	v1 =	vld [tilespmem:s25+$0x2E00]  }
0x89: {  	v0 =	vadd.f32 v2, v0  }
0x8a: {  	v2 =	vld [tilespmem:s25+$0x3000]  }
0x8b: {  	v0 =	vadd.f32 v3, v0  }
0x8c: {  	v3 =	vld [tilespmem:s25+$0x3200]  }
0x8d: {  	s25 =	simm.s32 $0x3600;
	v0 =	vadd.f32 v1, v0  }
0x8e: {  	v1 =	vld [tilespmem:s25+$0x0]  }
0x8f: {  	v0 =	vadd.f32 v2, v0;
	_ =	sdelay $0x1  }
0x90: {  	v0 =	vadd.f32 v3, v0;
	_ =	sdelay $0x1  }
0x91: {  	v0 =	vadd.f32 v1, v0  }
0x92: {  	s28 =	simm.s32 $0x10  }
0x93: {  	s29 =	sand.u32 $0x1F0, s28;
	[tilespmem:s30+$0x0] =	vst v0  }
0x94: {  	s28 =	simm.s32 $0x20;
	s26 =	simm.s32 $0x3410;
	v0 =	vld [tilespmem:s29+$0x2800]  }
.LBB2_4:
0x95: {  	p0 =	sne.s32 s28, $0x1F0;
	v1 =	vld [tilespmem:s26+$0x0];
	_ =	sdelay $0x1  }
0x96: {  	v2 =	vld [tilespmem:s29+$0x2A00];
	_ =	sdelay $0x1  }
0x97: {  	v3 =	vld [tilespmem:s29+$0x2C00]  }
0x98: {  	v0 =	vadd.f32 v0, v1  }
0x99: {  	v1 =	vld [tilespmem:s29+$0x2E00]  }
0x9a: {  	v0 =	vadd.f32 v2, v0  }
0x9b: {  	v2 =	vld [tilespmem:s29+$0x3000]  }
0x9c: {  	v0 =	vadd.f32 v3, v0  }
0x9d: {  	v3 =	vld [tilespmem:s29+$0x3200]  }
0x9e: {  	s25 =	sadd.s32 $0x10, s25;
	v0 =	vadd.f32 v1, v0  }
0x9f: {  	v1 =	vld [tilespmem:s25+$0x0]  }
0xa0: {  	v0 =	vadd.f32 v2, v0;
	_ =	sdelay $0x1  }
0xa1: {  	v0 =	vadd.f32 v3, v0  }
.Ltmp1:
0xa2: {  	(pc) =	sbr.rel @p0 .LBB2_4-.Ltmp1, $3  }
0xa3: {  	v0 =	vadd.f32 v1, v0;
	_ =	sdelay $0x1  }
0xa4: {  	s29 =	sand.u32 $0x1F0, s28;
	[tilespmem:s26+$0x0] =	vst v0  }
0xa5: {  	s28 =	sadd.s32 $0x10, s28;
	s26 =	sadd.s32 $0x10, s26;
	v0 =	vld [tilespmem:s29+$0x2800]  }
0xa6: {  	v1 =	vld [tilespmem:s26+$0x0];
	_ =	sdelay $0x1  }
0xa7: {  	v2 =	vld [tilespmem:s29+$0x2A00];
	_ =	sdelay $0x1  }
0xa8: {  	v3 =	vld [tilespmem:s29+$0x2C00]  }
0xa9: {  	v0 =	vadd.f32 v0, v1  }
0xaa: {  	v60 =	vld [tilespmem:s29+$0x2E00]  }
0xab: {  	v0 =	vadd.f32 v2, v0  }
0xac: {  	v61 =	vld [tilespmem:s29+$0x3000]  }
0xad: {  	v0 =	vadd.f32 v3, v0  }
0xae: {  	v62 =	vld [tilespmem:s29+$0x3200]  }
0xaf: {  	s25 =	sadd.s32 $0x10, s25;
	v0 =	vadd.f32 v60, v0  }
0xb0: {  	v63 =	vld [tilespmem:s25+$0x0]  }
0xb1: {  	v0 =	vadd.f32 v61, v0;
	_ =	sdelay $0x1  }
0xb2: {  	v0 =	vadd.f32 v62, v0;
	_ =	sdelay $0x1  }
0xb3: {  	s21 =	sadd.s32 $0x1, s21;
	v0 =	vadd.f32 v63, v0  }
0xb4: {  	p0 =	sne.s32 s21, s20  }
.Ltmp2:
0xb5: {  	[tilespmem:s26+$0x0] =	vst v0;
	(pc) =	sbr.rel @p0 .LBB2_1-.Ltmp2, $4  }
0xb6: {  	[hbm4b:s19+s2] =	stream.linear.scatter [tilespmem:s0], [sflag:$0x3], $0x200, $0x38;
	[tilespmem:$0x3800] =	vst v63  }
0xb7: {  	_ =	swait.ge [sflag:s23], $0x200  }
0xb8: {  	[sflag:s23] =	ssyncset.done $0x0  }
0xb9: {  	[sflag:s23] =	ssyncadd.s32 $0xFFFFFE00  }
0xba: {  	_ =	sfence.sel $0x180000  }
0xbb: {  	[bflag:$0x0] =	sbarrier.arrive $0xFFFF  }
0xbc: {  	_ =	strace $0x9000004D  }
0xbd: {  	s0 =	stileid.u32;
	[bflag:$0x2] =	sbarrier.arrive $0xFFFF  }
0xbe: {  	p0 =	sne.s32 s0, $0x0;
	s0 =	rddreg [dreg:$0x2]  }
0xbf: {  	s0 =	sadd.s32 @!p0 $0x100000, s0  }
0xc0: {  	[sflag:s0] =	ssyncadd.tile.s32 @!p0 $0x1;
	_ =	shalt  }
.Lfunc_end2:
_tile_overlayer_lowered:
.L_overlay_start_2:
0xc1: {  	(tag) =	ssettag $0x2  }
0xc2: {  	s0 =	rddreg [dreg:$0x0];
	s2 =	stileid.u32  }
0xc3: {  	s1 =	rddreg [dreg:$0x1];
	p0 =	sne.s32 s2, $0x0  }
0xc4: {  	s3 =	rddreg [dreg:$0x2];
	[bflag:$0x3] =	sbarrier.arrive $0xFFFF;
	s2 =	simm.s32 @!p0 $0x1C03  }
0xc5: {  	[timem:s3], [sflag:s2] =	dma.local @!p0 [hbm:s0], s1  }
0xc6: {  	s0 =	simm.s32 @!p0 $0x3  }
0xc7: {  	_ =	swait.ge @!p0 [sflag:s0], s1  }
0xc8: {  	s1 =	ssub.s32 @!p0 $0x0, s1;
	[sflag:s0] =	ssyncset.done @!p0 $0x0  }
0xc9: {  	[sflag:s0] =	ssyncadd.s32 @!p0 s1  }
0xca: {  	[bflag:$0x3] =	sbarrier.arrive $0xFFFF  }
0xcb: {  	_ =	shalt  }

// kernel: kernel.5.cloned.1.call-start
scs
__scs_entry_jumppad:
0x0: {  	(pc) =	sbr.rel $0x88, $3  }
0x1: {  	(tag) =	ssettag $0x0;
	lr =	simm.s32 $0x1  }
0x2: {  	[smem:$0x3F9A] =	sst lr;
	_ =	strace $0xD0000000  }
0x3: {  	_ = 	snop  }
0x4: {  	_ = 	snop  }
0x5: {  	_ = 	snop  }
0x6: {  	_ = 	snop  }
0x7: {  	_ = 	snop  }
__scs_overlays_trampoline_lowered:
0x8: {  	[smem:$0x3FA9] =	sst s0  }
0x9: {  	[smem:$0x3FAA] =	sst s1  }
0xa: {  	[smem:$0x3FAB] =	sst s2  }
0xb: {  	[smem:$0x3FAC] =	sst s3  }
0xc: {  	[smem:$0x3FAD] =	sst s4  }
0xd: {  	[smem:$0x3FAE] =	sst s5  }
0xe: {  	[smem:$0x3FAF] =	sst s6  }
0xf: {  	[smem:$0x3FB0] =	sst s7  }
0x10: {  	[smem:$0x3FB1] =	sst s8  }
0x11: {  	[smem:$0x3FB2] =	sst s9;
	s0 =	simm.s32 @!p0 $0x0  }
0x12: {  	s1 =	sld [smem:$0x3F98];
	s0 =	simm.s32 @p0 $0x1  }
0x13: {  	[smem:$0x3FB3] =	sst s0;
	s0 =	simm.s32 @!p1 $0x0  }
0x14: {  	s2 =	sld [smem:$0x3F97];
	s0 =	simm.s32 @p1 $0x1  }
0x15: {  	[smem:$0x3FB4] =	sst s0;
	s0 =	simm.s32 @!p2 $0x0  }
0x16: {  	s3 =	sld [smem:$0x3FDB];
	s0 =	simm.s32 @p2 $0x1  }
0x17: {  	s4 =	simm.s32 $0x1BF5;
	[smem:$0x3FB6] =	sst s0  }
0x18: {  	s0 =	sld [smem:$0x3F99];
	_ =	swait.ge [sflag:s4], $0x0  }
0x19: {  	s7 =	sld [smem:$0x3F9A]  }
0x1a: {  	s8 =	sadd.s32 $0xFFFFE003, lr  }
0x1b: {  	s9 =	sadd.s32 $0xFFFFFEF7, lr;
	s5 =	simm.s32 $0xFFFFFFFF;
	p2 =	slt.u32 s8, $0xFFFFF086  }
0x1c: {  	p1 =	slt.u32 s9, $0xF7A;
	s5 =	simm.s32 @!p2 $0x0  }
0x1d: {  	s5 =	simm.s32 @p1 $0x1;
	p0 =	seq.s32 s7, s2  }
0x1e: {  	s7 =	smul.u32 @!p0 $0xF7A, s2;
	p2 =	seq.s32 @!p0 s5, $0x0  }
0x1f: {  	s9 =	smul.u32 $0xF7A, s1;
	s8 =	simm.s32 @!p0 $0x1BF5;
	p2 =	por !p2, p0  }
0x20: {  	[sflag:s8] =	ssyncset.s32 @!p0 $0xFFFFF086;
	s6 =	sadd.s32 @!p0 s3, s7;
	s7 =	simm.s32 @!p0 $0x108  }
0x21: {  	s3 =	sadd.s32 s3, s9;
	s6 =	sadd.s32 @!p0 $0x88, s6;
	s7 =	simm.s32 @p2 $0x1082  }
0x22: {  	[simem:s7], [sflag:s8] =	dma.local @!p0 [hbm:s6], $0xF7A  }
0x23: {  	s9 =	sor.u32 $0xD0000000, s2;
	s6 =	simm.s32 $0x108;
	_ =	swait.ge @!p0 [sflag:s8], $0x0  }
0x24: {  	s3 =	sadd.s32 $0x88, s3;
	s6 =	simm.s32 @!p1 $0x1082;
	[sflag:s4] =	ssyncset.s32 $0xFFFFF086  }
0x25: {  	[simem:s6], [sflag:s4] =	dma.local [hbm:s3], $0xF7A  }
0x26: {  	[smem:$0x3F9A] =	sst s1;
	(tag) =	ssettag s2;
	_ =	strace s9  }
0x27: {  	s1 =	sld [smem:$0x3FAA]  }
0x28: {  	s2 =	sld [smem:$0x3FAB]  }
0x29: {  	s4 =	sld [smem:$0x3FAD]  }
0x2a: {  	p0 =	seq.s32 s5, $0x0;
	s5 =	sld [smem:$0x3FAE]  }
0x2b: {  	s6 =	sld [smem:$0x3FAF]  }
0x2c: {  	s7 =	sld [smem:$0x3FB0]  }
0x2d: {  	s3 =	simm.s32 $0x108;
	s8 =	sld [smem:$0x3FB1]  }
0x2e: {  	s3 =	simm.s32 @!p0 $0x1082;
	s9 =	sld [smem:$0x3FB2]  }
0x2f: {  	lr =	sadd.s32 s0, s3;
	s0 =	sld [smem:$0x3FA9]  }
0x30: {  	s3 =	sld [smem:$0x3FAC]  }
0x31: {  	[smem:$0x3FB5] =	sst s10  }
0x32: {  	s10 =	sld [smem:$0x3FB3];
	_ =	sdelay $0x3  }
0x33: {  	p0 =	seq.s32 s10, $0x1;
	s10 =	sld [smem:$0x3FB5];
	_ =	sdelay $0x3  }
0x34: {  	[smem:$0x3FB5] =	sst s10  }
0x35: {  	s10 =	sld [smem:$0x3FB4];
	_ =	sdelay $0x3  }
0x36: {  	p1 =	seq.s32 s10, $0x1;
	s10 =	sld [smem:$0x3FB5];
	_ =	sdelay $0x3  }
0x37: {  	[smem:$0x3FB5] =	sst s10  }
0x38: {  	s10 =	sld [smem:$0x3FB6]  }
0x39: {  	_ = 	snop;
	(pc) =	sbr.ind lr, $3  }
0x3a: {  	_ = 	snop  }
0x3b: {  	_ = 	snop  }
0x3c: {  	p2 =	seq.s32 s10, $0x1;
	s10 =	sld [smem:$0x3FB5]  }
0x3d: {  	_ =	shalt  }
0x3e: {  	_ =	shalt  }
0x3f: {  	_ =	shalt  }
0x40: {  	_ =	shalt  }
0x41: {  	_ =	shalt  }
0x42: {  	_ =	shalt  }
0x43: {  	_ =	shalt  }
0x44: {  	_ =	shalt  }
0x45: {  	_ =	shalt  }
0x46: {  	_ =	shalt  }
0x47: {  	_ =	shalt  }
0x48: {  	_ =	shalt  }
0x49: {  	_ =	shalt  }
0x4a: {  	_ =	shalt  }
0x4b: {  	_ =	shalt  }
0x4c: {  	_ =	shalt  }
0x4d: {  	_ =	shalt  }
0x4e: {  	_ =	shalt  }
0x4f: {  	_ =	shalt  }
0x50: {  	_ =	shalt  }
0x51: {  	_ =	shalt  }
0x52: {  	_ =	shalt  }
0x53: {  	_ =	shalt  }
0x54: {  	_ =	shalt  }
0x55: {  	_ =	shalt  }
0x56: {  	_ =	shalt  }
0x57: {  	_ =	shalt  }
0x58: {  	_ =	shalt  }
0x59: {  	_ =	shalt  }
0x5a: {  	_ =	shalt  }
0x5b: {  	_ =	shalt  }
0x5c: {  	_ =	shalt  }
0x5d: {  	_ =	shalt  }
0x5e: {  	_ =	shalt  }
0x5f: {  	_ =	shalt  }
0x60: {  	_ =	shalt  }
0x61: {  	_ =	shalt  }
0x62: {  	_ =	shalt  }
0x63: {  	_ =	shalt  }
0x64: {  	_ =	shalt  }
0x65: {  	_ =	shalt  }
0x66: {  	_ =	shalt  }
0x67: {  	_ =	shalt  }
0x68: {  	_ =	shalt  }
0x69: {  	_ =	shalt  }
0x6a: {  	_ =	shalt  }
0x6b: {  	_ =	shalt  }
0x6c: {  	_ =	shalt  }
0x6d: {  	_ =	shalt  }
0x6e: {  	_ =	shalt  }
0x6f: {  	_ =	shalt  }
0x70: {  	_ =	shalt  }
0x71: {  	_ =	shalt  }
0x72: {  	_ =	shalt  }
0x73: {  	_ =	shalt  }
0x74: {  	_ =	shalt  }
0x75: {  	_ =	shalt  }
0x76: {  	_ =	shalt  }
0x77: {  	_ =	shalt  }
0x78: {  	_ =	shalt  }
0x79: {  	_ =	shalt  }
0x7a: {  	_ =	shalt  }
0x7b: {  	_ =	shalt  }
0x7c: {  	_ =	shalt  }
0x7d: {  	_ =	shalt  }
0x7e: {  	_ =	shalt  }
0x7f: {  	_ =	shalt  }
0x80: {  	_ =	shalt  }
0x81: {  	_ =	shalt  }
0x82: {  	_ =	shalt  }
0x83: {  	_ =	shalt  }
0x84: {  	_ =	shalt  }
0x85: {  	_ =	shalt  }
0x86: {  	_ =	shalt  }
0x87: {  	_ =	shalt  }
.Lfunc_end0:
.L_simem_size_0:
called_computation_lowered:
.L_overlay_start_0:
0x88: {  	s2 =	sld [smem:$0x3FD9]  }
0x89: {  	s3 =	sld [smem:$0x3FFE];
	_ =	sdelay $0x1  }
0x8a: {  	s1 =	srdreg.scid  }
0x8b: {  	s0 =	sand.u32 $0x1, s1  }
0x8c: {  	s16 =	sshll.u32 s0, $0xA;
	s2 =	sadd.s32 s3, s2  }
0x8d: {  	s2 =	sadd.s32 s2, s16  }
0x8e: {  	[smem:$0x3FC1] =	sst s2  }
0x8f: {  	_ = 	snop  }
0x90: {  	(tm) =	ssettm $0x1  }
0x91: {  	s17 =	sld [smem:$0x3FFB];
	_ =	sdelay $0x3  }
0x92: {  	_ =	strace s17  }
0x93: {  	s2 =	sld [smem:$0x3FFC];
	_ =	sdelay $0x3  }
0x94: {  	_ =	strace s2  }
0x95: {  	s2 =	sld [smem:$0x3FFD];
	_ =	sdelay $0x3  }
0x96: {  	_ =	strace s2  }
0x97: {  	_ =	strace $0x8FFFFFFF  }
0x98: {  	s18 =	sld [smem:$0x3FDB];
	_ =	sdelay $0x1  }
0x99: {  	s19 =	simm.s32 $_scs_section_size  }
0x9a: {  	s4 =	simm.s32 $_size__tile_overlayer_lowered;
	s5 =	simm.s32 $_tile_overlayer_lowered  }
0x9b: {  	s22 =	simm.s32 $0x1BFF;
	s21 =	sshll.u32 s5, $0x1;
	s2 =	sadd.s32 s19, s18  }
0x9c: {  	s6 =	simm.s32 $0x0;
	s20 =	sshll.u32 s4, $0x1;
	s4 =	sadd.s32 s21, s2  }
0x9d: {  	[timem:s6], [sflag:s22] =	dma.local [hbm:s4], s20  }
0x9e: {  	_ =	swait.ge [sflag:s22], s20  }
0x9f: {  	s3 =	ssub.s32 $0x0, s20;
	[sflag:s22] =	ssyncset.done $0x0  }
0xa0: {  	[sflag:s22] =	ssyncadd.s32 s3;
	_ =	sdelay $0x1  }
0xa1: {  	s23 =	simm.s32 $0x1B8B  }
0xa2: {  	_ =	swait.ge [sflag:s23], $0x1  }
0xa3: {  	[sflag:s23] =	ssyncset.done $0x0  }
0xa4: {  	s25 =	simm.s32 $0x1B8E;
	s24 =	sld [smem:$0x3FFE];
	[sflag:s23] =	ssyncadd.s32 $0xFFFFFFFF  }
0xa5: {  	s26 =	simm.s32 $execute0_lowered;
	[smem:$0x3FD2] =	sst s25  }
0xa6: {  	s4 =	sshll.u32 s26, $0x1;
	_ =	strace $0x80000046;
	[dreg:$0x1] =	wrdreg $0xFFFFFFFF  }
0xa7: {  	s28 =	simm.s32 $_size_execute0_lowered;
	s2 =	sadd.s32 s2, s4;
	[dreg:$0x0] =	wrdreg $0x0  }
0xa8: {  	s4 =	sshll.u32 s28, $0x1;
	[dreg:$0x2] =	wrdreg s2  }
0xa9: {  	[dreg:$0x3] =	wrdreg s4  }
0xaa: {  	[dreg:$0x4] =	wrdreg $0xC0  }
0xab: {  	_ =	task [dreg:s6], $0x5FFFF  }
0xac: {  	[dreg:$0x1] =	wrdreg $0xFFFFFFFF  }
0xad: {  	[dreg:$0x0] =	wrdreg $0x60  }
0xae: {  	[dreg:$0x2] =	wrdreg s24  }
0xaf: {  	[dreg:$0x3] =	wrdreg $0xCA000  }
0xb0: {  	[dreg:$0x4] =	wrdreg $0x9  }
0xb1: {  	_ =	task.clear_ibuf [dreg:s6], $0x5FFFF;
	_ =	strace $0x90000046  }
0xb2: {  	s29 =	simm.s32 $0x9;
	_ =	strace $0x80000048  }
0xb3: {  	_ =	swait.ge [sflag:s29], $0x1  }
0xb4: {  	[sflag:s29] =	ssyncadd.s32 $0xFFFFFFFF  }
0xb5: {  	_ =	strace $0x90000048  }
0xb6: {  	_ =	sfence  }
0xb7: {  	s30 =	sld [smem:$0x0];
	_ =	sdelay $0x2  }
0xb8: {  	s31 =	sshll.u32 s1, $0xD;
	s1 =	sshrl.u32 s1, $0x2  }
0xb9: {  	s3 =	sand.u32 $0x4000, s31;
	s1 =	sadd.s32 s1, s30  }
0xba: {  	s0 =	sor.u32 s3, s0;
	s1 =	sshll.u32 s1, $0x11  }
0xbb: {  	s0 =	sor.u32 s1, s0  }
0xbc: {  	s0 =	sadd.s32 $0x8F2B, s0  }
0xbd: {  	[sflag:s0] =	ssyncadd.remote.s32 $0x1  }
0xbe: {  	_ =	sfence.sel $0xFFFF  }
0xbf: {  	[dreg:$0x0] =	wrdreg $0xFFFFFFFF;
	(pc) =	sbr.abs _section_cstart, $3  }
0xc0: {  	[dreg:$0x1] =	wrdreg $0xFFFFFFFF  }
0xc1: {  	_ =	task.clear_ibuf [dreg:s6], $0x2FFFF;
	_ =	strace $0x9FFFFFFF  }
0xc2: {  	(tm) =	ssettm $0x7FFFFFFF  }
0xc3: {  	_ =	shalt  }
tec
execute0_lowered:
.L_overlay_start_1:
0x0: {  	(tag) =	ssettag $0x1  }
0x1: {  	s0 =	rddreg [dreg:$0x0]  }
0x2: {  	s1 =	rddreg [dreg:$0x1];
	s2 =	srdreg.scid  }
0x3: {  	s5 =	stileid.u32;
	s9 =	simm.s32 $0x400;
	s10 =	simm.s32 $0x6  }
0x4: {  	s11 =	simm.s32 $0x200;
	s14 =	simm.s32 $0xBC00;
	s15 =	simm.s32 $0x5A00  }
0x5: {  	s16 =	simm.s32 $0xBE00;
	s17 =	simm.s32 $0x5C00;
	s18 =	simm.s32 $0xC000  }
0x6: {  	s19 =	simm.s32 $0x5E00;
	s20 =	simm.s32 $0xC200;
	s21 =	simm.s32 $0x6000  }
0x7: {  	s22 =	simm.s32 $0xC400;
	s23 =	simm.s32 $0x6200;
	s24 =	simm.s32 $0xC600  }
0x8: {  	s28 =	simm.s32 $0x3;
	s29 =	simm.s32 $0x4;
	s30 =	simm.s32 $0x5  }
0x9: {  	s31 =	simm.s32 $0xC800;
	s4 =	sand.u32 $0x1, s2;
	s3 =	sshll.u32 s5, $0x1  }
0xa: {  	s2 =	simm.s32 $0x0;
	s25 =	sshrl.u32 s5, $0x2;
	p0 =	sne.s32 s5, $0x0  }
0xb: {  	s6 =	sor.u32 s4, s3;
	[smem:$0x7FF] =	sst s2;
	s7 =	smul.u32 $0x32000, s25  }
0xc: {  	s3 =	sadd.s32 $0x19000, s0;
	s4 =	ssub.s32 $0x2, s4;
	s25 =	simm.s32 $0x1  }
0xd: {  	s8 =	sshll.u32 s6, $0x7;
	_ =	strace $0x80000047;
	s6 =	sshll.u32 s6, $0x6  }
0xe: {  	s26 =	sshrl.u32 s4, $0x1;
	s8 =	sand.u32 $0x380, s8;
	s6 =	sadd.s32 s6, s0  }
0xf: {  	s7 =	sor.u32 s7, s8;
	s8 =	ssub.s32 s4, s26;
	s5 =	sadd.s32 $0x1C200, s6  }
0x10: {  	s26 =	simm.s32 $0x2;
	s7 =	sshrl.u32 s7, $0x3;
	s6 =	smax.u32 s8, $0x1  }
0x11: {  	s4 =	sadd.s32 s0, s7;
	s7 =	sshrl.u32 @!p0 s1, $0x3;
	s0 =	simm.s32 $0x0  }
.LBB2_1:
0x12: {  	s8 =	simm.s32 @!p0 $0x1C06  }
0x13: {  	[spmem:s7], [sflag:s8] =	dma.local @!p0 [hbm:s3], $0x30E0  }
0x14: {  	s8 =	simm.s32 @!p0 $0x6  }
0x15: {  	_ =	swait.ge @!p0 [sflag:s8], $0x30E0  }
0x16: {  	[sflag:s8] =	ssyncset.done @!p0 $0x0  }
0x17: {  	s13 =	simm.s32 $0x80;
	[sflag:s8] =	ssyncadd.s32 @!p0 $0xFFFFCF20  }
0x18: {  	[tilespmem:s2], [sflag:$0x6] =	stream.strided.gather [hbm4b:s4+s13], $0x6400, s9, s13, $0x38;
	[tilespmem:$0xE270] =	vst v63  }
0x19: {  	_ =	swait.ge [sflag:s10], $0x6400  }
0x1a: {  	[sflag:s10] =	ssyncset.done $0x0  }
0x1b: {  	[sflag:s10] =	ssyncadd.s32 $0xFFFF9C00  }
0x1c: {  	s12 =	simm.s32 $0x6400;
	[bflag:$0x0] =	sbarrier.arrive $0xFFFF  }
0x1d: {  	[tilespmem:s12], [sflag:$0x1] =	stream.indirect.gather [spmem:s1], $0x1, s2, s11, $0xb8;
	[tilespmem:$0xE270] =	vst v63  }
0x1e: {  	s13 =	simm.s32 $0x6600  }
0x1f: {  	[tilespmem:s13], [sflag:$0x1] =	stream.indirect.gather [spmem:s1], $0x1, s11, s11, $0xb8;
	[tilespmem:$0xE270] =	vst v63  }
0x20: {  	s12 =	simm.s32 $0x6800  }
0x21: {  	[tilespmem:s12], [sflag:$0x1] =	stream.indirect.gather [spmem:s1], $0x1, s9, s11, $0xb8;
	[tilespmem:$0xE270] =	vst v63  }
0x22: {  	s13 =	simm.s32 $0x600;
	s12 =	simm.s32 $0x6A00  }
0x23: {  	[tilespmem:s12], [sflag:$0x1] =	stream.indirect.gather [spmem:s1], $0x1, s13, s11, $0xb8;
	[tilespmem:$0xE270] =	vst v63  }
0x24: {  	s12 =	simm.s32 $0x800;
	s13 =	simm.s32 $0x6C00  }
0x25: {  	[tilespmem:s13], [sflag:$0x1] =	stream.indirect.gather [spmem:s1], $0x1, s12, s11, $0xb8;
	[tilespmem:$0xE270] =	vst v63  }
0x26: {  	s12 =	simm.s32 $0xA00;
	s13 =	simm.s32 $0x6E00  }
0x27: {  	[tilespmem:s13], [sflag:$0x1] =	stream.indirect.gather [spmem:s1], $0x1, s12, s11, $0xb8;
	[tilespmem:$0xE270] =	vst v63  }
0x28: {  	s12 =	simm.s32 $0xC00;
	s13 =	simm.s32 $0x7000  }
0x29: {  	[tilespmem:s13], [sflag:$0x1] =	stream.indirect.gather [spmem:s1], $0x1, s12, s11, $0xb8;
	[tilespmem:$0xE270] =	vst v63  }
0x2a: {  	s12 =	simm.s32 $0xE00;
	s13 =	simm.s32 $0x7200  }
0x2b: {  	[tilespmem:s13], [sflag:$0x1] =	stream.indirect.gather [spmem:s1], $0x1, s12, s11, $0xb8;
	[tilespmem:$0xE270] =	vst v63  }
0x2c: {  	s12 =	simm.s32 $0x1000;
	s13 =	simm.s32 $0x7400  }
0x2d: {  	[tilespmem:s13], [sflag:$0x1] =	stream.indirect.gather [spmem:s1], $0x1, s12, s11, $0xb8;
	[tilespmem:$0xE270] =	vst v63  }
0x2e: {  	s12 =	simm.s32 $0x1200;
	s13 =	simm.s32 $0x7600  }
0x2f: {  	[tilespmem:s13], [sflag:$0x1] =	stream.indirect.gather [spmem:s1], $0x1, s12, s11, $0xb8;
	[tilespmem:$0xE270] =	vst v63  }
0x30: {  	s12 =	simm.s32 $0x1400;
	s13 =	simm.s32 $0x7800  }
0x31: {  	[tilespmem:s13], [sflag:$0x2] =	stream.indirect.gather [spmem:s1], $0x1, s12, s11, $0xb8;
	[tilespmem:$0xE270] =	vst v63  }
0x32: {  	s12 =	simm.s32 $0x1600;
	s13 =	simm.s32 $0x7A00  }
0x33: {  	[tilespmem:s13], [sflag:$0x2] =	stream.indirect.gather [spmem:s1], $0x1, s12, s11, $0xb8;
	[tilespmem:$0xE270] =	vst v63  }
0x34: {  	s12 =	simm.s32 $0x1800;
	s13 =	simm.s32 $0x7C00  }
0x35: {  	[tilespmem:s13], [sflag:$0x2] =	stream.indirect.gather [spmem:s1], $0x1, s12, s11, $0xb8;
	[tilespmem:$0xE270] =	vst v63  }
0x36: {  	s12 =	simm.s32 $0x1A00;
	s13 =	simm.s32 $0x7E00  }
0x37: {  	[tilespmem:s13], [sflag:$0x2] =	stream.indirect.gather [spmem:s1], $0x1, s12, s11, $0xb8;
	[tilespmem:$0xE270] =	vst v63  }
0x38: {  	s12 =	simm.s32 $0x1C00;
	s13 =	simm.s32 $0x8000  }
0x39: {  	[tilespmem:s13], [sflag:$0x2] =	stream.indirect.gather [spmem:s1], $0x1, s12, s11, $0xb8;
	[tilespmem:$0xE270] =	vst v63  }
0x3a: {  	s12 =	simm.s32 $0x1E00;
	s13 =	simm.s32 $0x8200  }
0x3b: {  	[tilespmem:s13], [sflag:$0x2] =	stream.indirect.gather [spmem:s1], $0x1, s12, s11, $0xb8;
	[tilespmem:$0xE270] =	vst v63  }
0x3c: {  	s12 =	simm.s32 $0x2000;
	s13 =	simm.s32 $0x8400  }
0x3d: {  	[tilespmem:s13], [sflag:$0x2] =	stream.indirect.gather [spmem:s1], $0x1, s12, s11, $0xb8;
	[tilespmem:$0xE270] =	vst v63  }
0x3e: {  	s12 =	simm.s32 $0x2200;
	s13 =	simm.s32 $0x8600  }
0x3f: {  	[tilespmem:s13], [sflag:$0x2] =	stream.indirect.gather [spmem:s1], $0x1, s12, s11, $0xb8;
	[tilespmem:$0xE270] =	vst v63  }
0x40: {  	s12 =	simm.s32 $0x2400;
	s13 =	simm.s32 $0x8800  }
0x41: {  	[tilespmem:s13], [sflag:$0x2] =	stream.indirect.gather [spmem:s1], $0x1, s12, s11, $0xb8;
	[tilespmem:$0xE270] =	vst v63  }
0x42: {  	s12 =	simm.s32 $0x2600;
	s13 =	simm.s32 $0x8A00  }
0x43: {  	[tilespmem:s13], [sflag:$0x2] =	stream.indirect.gather [spmem:s1], $0x1, s12, s11, $0xb8;
	[tilespmem:$0xE270] =	vst v63  }
0x44: {  	s12 =	simm.s32 $0x2800;
	s13 =	simm.s32 $0x8C00  }
0x45: {  	[tilespmem:s13], [sflag:$0x3] =	stream.indirect.gather [spmem:s1], $0x1, s12, s11, $0xb8;
	[tilespmem:$0xE270] =	vst v63  }
0x46: {  	s12 =	simm.s32 $0x2A00;
	s13 =	simm.s32 $0x8E00  }
0x47: {  	[tilespmem:s13], [sflag:$0x3] =	stream.indirect.gather [spmem:s1], $0x1, s12, s11, $0xb8;
	[tilespmem:$0xE270] =	vst v63  }
0x48: {  	s12 =	simm.s32 $0x2C00;
	s13 =	simm.s32 $0x9000  }
0x49: {  	[tilespmem:s13], [sflag:$0x3] =	stream.indirect.gather [spmem:s1], $0x1, s12, s11, $0xb8;
	[tilespmem:$0xE270] =	vst v63  }
0x4a: {  	s12 =	simm.s32 $0x2E00;
	s13 =	simm.s32 $0x9200  }
0x4b: {  	[tilespmem:s13], [sflag:$0x3] =	stream.indirect.gather [spmem:s1], $0x1, s12, s11, $0xb8;
	[tilespmem:$0xE270] =	vst v63  }
0x4c: {  	s12 =	simm.s32 $0x3000;
	s13 =	simm.s32 $0x9400  }
0x4d: {  	[tilespmem:s13], [sflag:$0x3] =	stream.indirect.gather [spmem:s1], $0x1, s12, s11, $0xb8;
	[tilespmem:$0xE270] =	vst v63  }
0x4e: {  	s12 =	simm.s32 $0x3200;
	s13 =	simm.s32 $0x9600  }
0x4f: {  	[tilespmem:s13], [sflag:$0x3] =	stream.indirect.gather [spmem:s1], $0x1, s12, s11, $0xb8;
	[tilespmem:$0xE270] =	vst v63  }
0x50: {  	s12 =	simm.s32 $0x3400;
	s13 =	simm.s32 $0x9800  }
0x51: {  	[tilespmem:s13], [sflag:$0x3] =	stream.indirect.gather [spmem:s1], $0x1, s12, s11, $0xb8;
	[tilespmem:$0xE270] =	vst v63  }
0x52: {  	s12 =	simm.s32 $0x3600;
	s13 =	simm.s32 $0x9A00  }
0x53: {  	[tilespmem:s13], [sflag:$0x3] =	stream.indirect.gather [spmem:s1], $0x1, s12, s11, $0xb8;
	[tilespmem:$0xE270] =	vst v63  }
0x54: {  	s12 =	simm.s32 $0x3800;
	s13 =	simm.s32 $0x9C00  }
0x55: {  	[tilespmem:s13], [sflag:$0x3] =	stream.indirect.gather [spmem:s1], $0x1, s12, s11, $0xb8;
	[tilespmem:$0xE270] =	vst v63  }
0x56: {  	s12 =	simm.s32 $0x3A00;
	s13 =	simm.s32 $0x9E00  }
0x57: {  	[tilespmem:s13], [sflag:$0x3] =	stream.indirect.gather [spmem:s1], $0x1, s12, s11, $0xb8;
	[tilespmem:$0xE270] =	vst v63  }
0x58: {  	s12 =	simm.s32 $0x3C00;
	s13 =	simm.s32 $0xA000  }
0x59: {  	[tilespmem:s13], [sflag:$0x4] =	stream.indirect.gather [spmem:s1], $0x1, s12, s11, $0xb8;
	[tilespmem:$0xE270] =	vst v63  }
0x5a: {  	s12 =	simm.s32 $0x3E00;
	s13 =	simm.s32 $0xA200  }
0x5b: {  	[tilespmem:s13], [sflag:$0x4] =	stream.indirect.gather [spmem:s1], $0x1, s12, s11, $0xb8;
	[tilespmem:$0xE270] =	vst v63  }
0x5c: {  	s12 =	simm.s32 $0x4000;
	s13 =	simm.s32 $0xA400  }
0x5d: {  	[tilespmem:s13], [sflag:$0x4] =	stream.indirect.gather [spmem:s1], $0x1, s12, s11, $0xb8;
	[tilespmem:$0xE270] =	vst v63  }
0x5e: {  	s12 =	simm.s32 $0x4200;
	s13 =	simm.s32 $0xA600  }
0x5f: {  	[tilespmem:s13], [sflag:$0x4] =	stream.indirect.gather [spmem:s1], $0x1, s12, s11, $0xb8;
	[tilespmem:$0xE270] =	vst v63  }
0x60: {  	s12 =	simm.s32 $0x4400;
	s13 =	simm.s32 $0xA800  }
0x61: {  	[tilespmem:s13], [sflag:$0x4] =	stream.indirect.gather [spmem:s1], $0x1, s12, s11, $0xb8;
	[tilespmem:$0xE270] =	vst v63  }
0x62: {  	s12 =	simm.s32 $0x4600;
	s13 =	simm.s32 $0xAA00  }
0x63: {  	[tilespmem:s13], [sflag:$0x4] =	stream.indirect.gather [spmem:s1], $0x1, s12, s11, $0xb8;
	[tilespmem:$0xE270] =	vst v63  }
0x64: {  	s12 =	simm.s32 $0x4800;
	s13 =	simm.s32 $0xAC00  }
0x65: {  	[tilespmem:s13], [sflag:$0x4] =	stream.indirect.gather [spmem:s1], $0x1, s12, s11, $0xb8;
	[tilespmem:$0xE270] =	vst v63  }
0x66: {  	s12 =	simm.s32 $0x4A00;
	s13 =	simm.s32 $0xAE00  }
0x67: {  	[tilespmem:s13], [sflag:$0x4] =	stream.indirect.gather [spmem:s1], $0x1, s12, s11, $0xb8;
	[tilespmem:$0xE270] =	vst v63  }
0x68: {  	s12 =	simm.s32 $0x4C00;
	s13 =	simm.s32 $0xB000  }
0x69: {  	[tilespmem:s13], [sflag:$0x4] =	stream.indirect.gather [spmem:s1], $0x1, s12, s11, $0xb8;
	[tilespmem:$0xE270] =	vst v63  }
0x6a: {  	s12 =	simm.s32 $0x4E00;
	s13 =	simm.s32 $0xB200  }
0x6b: {  	[tilespmem:s13], [sflag:$0x4] =	stream.indirect.gather [spmem:s1], $0x1, s12, s11, $0xb8;
	[tilespmem:$0xE270] =	vst v63  }
0x6c: {  	s12 =	simm.s32 $0x5000;
	s13 =	simm.s32 $0xB400  }
0x6d: {  	[tilespmem:s13], [sflag:$0x5] =	stream.indirect.gather [spmem:s1], $0x1, s12, s11, $0xb8;
	[tilespmem:$0xE270] =	vst v63  }
0x6e: {  	s12 =	simm.s32 $0x5200;
	s13 =	simm.s32 $0xB600  }
0x6f: {  	[tilespmem:s13], [sflag:$0x5] =	stream.indirect.gather [spmem:s1], $0x1, s12, s11, $0xb8;
	[tilespmem:$0xE270] =	vst v63  }
0x70: {  	s12 =	simm.s32 $0x5400;
	s13 =	simm.s32 $0xB800  }
0x71: {  	[tilespmem:s13], [sflag:$0x5] =	stream.indirect.gather [spmem:s1], $0x1, s12, s11, $0xb8;
	[tilespmem:$0xE270] =	vst v63  }
0x72: {  	s12 =	simm.s32 $0x5600;
	s13 =	simm.s32 $0xBA00  }
0x73: {  	[tilespmem:s13], [sflag:$0x5] =	stream.indirect.gather [spmem:s1], $0x1, s12, s11, $0xb8;
	[tilespmem:$0xE270] =	vst v63  }
0x74: {  	s13 =	simm.s32 $0x5800  }
0x75: {  	[tilespmem:s14], [sflag:$0x5] =	stream.indirect.gather [spmem:s1], $0x1, s13, s11, $0xb8;
	[tilespmem:$0xE270] =	vst v63  }
0x76: {  	_ = 	snop  }
0x77: {  	[tilespmem:s16], [sflag:$0x5] =	stream.indirect.gather [spmem:s1], $0x1, s15, s11, $0xb8;
	[tilespmem:$0xE270] =	vst v63  }
0x78: {  	_ = 	snop  }
0x79: {  	[tilespmem:s18], [sflag:$0x5] =	stream.indirect.gather [spmem:s1], $0x1, s17, s11, $0xb8;
	[tilespmem:$0xE270] =	vst v63  }
0x7a: {  	_ = 	snop  }
0x7b: {  	[tilespmem:s20], [sflag:$0x5] =	stream.indirect.gather [spmem:s1], $0x1, s19, s11, $0xb8;
	[tilespmem:$0xE270] =	vst v63  }
0x7c: {  	_ = 	snop  }
0x7d: {  	[tilespmem:s22], [sflag:$0x5] =	stream.indirect.gather [spmem:s1], $0x1, s21, s11, $0xb8;
	[tilespmem:$0xE270] =	vst v63  }
0x7e: {  	_ = 	snop  }
0x7f: {  	[tilespmem:s24], [sflag:$0x5] =	stream.indirect.gather [spmem:s1], $0x1, s23, s11, $0xb8;
	[tilespmem:$0xE270] =	vst v63  }
0x80: {  	_ =	swait.ge [sflag:s25], $0x200  }
0x81: {  	[sflag:s25] =	ssyncset.done $0x0  }
0x82: {  	[sflag:s25] =	ssyncadd.s32 $0xFFFFFE00  }
0x83: {  	_ =	swait.ge [sflag:s25], $0x200  }
0x84: {  	[sflag:s25] =	ssyncset.done $0x0  }
0x85: {  	[sflag:s25] =	ssyncadd.s32 $0xFFFFFE00  }
0x86: {  	_ =	swait.ge [sflag:s25], $0x200  }
0x87: {  	[sflag:s25] =	ssyncset.done $0x0  }
0x88: {  	[sflag:s25] =	ssyncadd.s32 $0xFFFFFE00  }
0x89: {  	_ =	swait.ge [sflag:s25], $0x200  }
0x8a: {  	[sflag:s25] =	ssyncset.done $0x0  }
0x8b: {  	[sflag:s25] =	ssyncadd.s32 $0xFFFFFE00  }
0x8c: {  	_ =	swait.ge [sflag:s25], $0x200  }
0x8d: {  	[sflag:s25] =	ssyncset.done $0x0  }
0x8e: {  	[sflag:s25] =	ssyncadd.s32 $0xFFFFFE00  }
0x8f: {  	_ =	swait.ge [sflag:s25], $0x200  }
0x90: {  	[sflag:s25] =	ssyncset.done $0x0  }
0x91: {  	[sflag:s25] =	ssyncadd.s32 $0xFFFFFE00  }
0x92: {  	_ =	swait.ge [sflag:s25], $0x200  }
0x93: {  	[sflag:s25] =	ssyncset.done $0x0  }
0x94: {  	[sflag:s25] =	ssyncadd.s32 $0xFFFFFE00  }
0x95: {  	_ =	swait.ge [sflag:s25], $0x200  }
0x96: {  	[sflag:s25] =	ssyncset.done $0x0  }
0x97: {  	[sflag:s25] =	ssyncadd.s32 $0xFFFFFE00  }
0x98: {  	_ =	swait.ge [sflag:s25], $0x200  }
0x99: {  	[sflag:s25] =	ssyncset.done $0x0  }
0x9a: {  	[sflag:s25] =	ssyncadd.s32 $0xFFFFFE00  }
0x9b: {  	_ =	swait.ge [sflag:s25], $0x200  }
0x9c: {  	[sflag:s25] =	ssyncset.done $0x0  }
0x9d: {  	s8 =	simm.s32 $0x0;
	[sflag:s25] =	ssyncadd.s32 $0xFFFFFE00  }
0x9e: {  	v0 =	vld [tilespmem:s8+$0x0]  }
0x9f: {  	v1 =	vld [tilespmem:s8+$0x6400]  }
0xa0: {  	v2 =	vld [tilespmem:s8+$0x200]  }
0xa1: {  	v3 =	vld [tilespmem:s8+$0x6600]  }
0xa2: {  	v4 =	vld [tilespmem:s8+$0x400]  }
0xa3: {  	v5 =	vld [tilespmem:s8+$0x6800]  }
0xa4: {  	v6 =	vld [tilespmem:s8+$0x600];
	v1 =	vadd.f32 $0.0e+00, v1  }
0xa5: {  	v7 =	vld [tilespmem:s8+$0x6A00];
	vm0 =	veq.s32 v0, $0x0;
	vm1 =	veq.s32 v2, $0x0  }
0xa6: {  	v0 =	vld [tilespmem:s8+$0x800];
	v2 =	vsel vm1, $0x0, v3;
	v1 =	vsel vm0, $0x0, v1  }
0xa7: {  	vm10 =	veq.s32 v4, $0x0;
	v3 =	vld [tilespmem:s8+$0x6C00];
	v1 =	vadd.f32 v2, v1  }
0xa8: {  	v4 =	vsel vm10, $0x0, v5;
	v2 =	vld [tilespmem:s8+$0xA00]  }
0xa9: {  	vm11 =	veq.s32 v6, $0x0;
	v5 =	vld [tilespmem:s8+$0x6E00];
	v1 =	vadd.f32 v4, v1  }
0xaa: {  	v6 =	vsel vm11, $0x0, v7;
	v4 =	vld [tilespmem:s8+$0xC00]  }
0xab: {  	v7 =	vld [tilespmem:s8+$0x7000];
	vm12 =	veq.s32 v0, $0x0;
	v1 =	vadd.f32 v6, v1  }
0xac: {  	v0 =	vld [tilespmem:s8+$0xE00];
	v3 =	vsel vm12, $0x0, v3  }
0xad: {  	v6 =	vld [tilespmem:s8+$0x7200];
	vm13 =	veq.s32 v2, $0x0;
	v8 =	vadd.f32 v3, v1  }
0xae: {  	v1 =	vld [tilespmem:s8+$0x1000];
	v2 =	vsel vm13, $0x0, v5  }
0xaf: {  	v3 =	vld [tilespmem:s8+$0x7400];
	vm14 =	veq.s32 v4, $0x0;
	v5 =	vadd.f32 v2, v8  }
0xb0: {  	v2 =	vld [tilespmem:s8+$0x1200];
	v7 =	vsel vm14, $0x0, v7  }
0xb1: {  	s12 =	simm.s32 $0x10;
	vm15 =	veq.s32 v0, $0x0;
	v4 =	vld [tilespmem:s8+$0x7600];
	v5 =	vadd.f32 v7, v5  }
0xb2: {  	s13 =	simm.s32 $0x80;
	v0 =	vld [tilespmem:s12+$0x0];
	v6 =	vsel vm15, $0x0, v6  }
.LBB2_2:
0xb3: {  	p1 =	sne.s32 s13, $0x7C0;
	v7 =	vld [tilespmem:s12+$0x6400];
	v5 =	vadd.f32 v6, v5;
	vm0 =	veq.s32 v1, $0x0  }
0xb4: {  	v1 =	vld [tilespmem:s12+$0x200];
	v3 =	vsel vm0, $0x0, v3  }
0xb5: {  	v6 =	vld [tilespmem:s12+$0x6600];
	v3 =	vadd.f32 v3, v5;
	vm0 =	veq.s32 v2, $0x0  }
0xb6: {  	v2 =	vld [tilespmem:s12+$0x400];
	v4 =	vsel vm0, $0x0, v4  }
0xb7: {  	v5 =	vld [tilespmem:s12+$0x6800];
	v3 =	vadd.f32 v4, v3  }
0xb8: {  	v4 =	vadd.f32 $0.0e+00, v7;
	v7 =	vld [tilespmem:s12+$0x600]  }
0xb9: {  	vm0 =	veq.s32 v0, $0x0;
	vm1 =	veq.s32 v1, $0x0;
	v0 =	vld [tilespmem:s12+$0x6A00];
	[tilespmem:s8+$0xC800] =	vst v3;
	s8 =	smov.u32 s12  }
0xba: {  	v1 =	vsel vm0, $0x0, v4;
	v3 =	vsel vm1, $0x0, v6;
	v4 =	vld [tilespmem:s8+$0x800]  }
0xbb: {  	v1 =	vadd.f32 v3, v1;
	vm0 =	veq.s32 v2, $0x0;
	v2 =	vld [tilespmem:s8+$0x6C00]  }
0xbc: {  	v3 =	vsel vm0, $0x0, v5;
	v5 =	vld [tilespmem:s8+$0xA00]  }
0xbd: {  	v1 =	vadd.f32 v3, v1;
	vm0 =	veq.s32 v7, $0x0;
	v3 =	vld [tilespmem:s8+$0x6E00]  }
0xbe: {  	v0 =	vsel vm0, $0x0, v0;
	v6 =	vld [tilespmem:s8+$0xC00]  }
0xbf: {  	v0 =	vadd.f32 v0, v1;
	vm0 =	veq.s32 v4, $0x0;
	v4 =	vld [tilespmem:s8+$0x7000]  }
0xc0: {  	v1 =	vsel vm0, $0x0, v2;
	v7 =	vld [tilespmem:s8+$0xE00]  }
0xc1: {  	v0 =	vadd.f32 v1, v0;
	vm0 =	veq.s32 v5, $0x0;
	v8 =	vld [tilespmem:s8+$0x7200]  }
.Ltmp0:
0xc2: {  	v2 =	vsel vm0, $0x0, v3;
	v1 =	vld [tilespmem:s8+$0x1000];
	(pc) =	sbr.rel @p1 .LBB2_2-.Ltmp0, $4  }
0xc3: {  	v0 =	vadd.f32 v2, v0;
	vm0 =	veq.s32 v6, $0x0;
	v3 =	vld [tilespmem:s8+$0x7400]  }
0xc4: {  	v4 =	vsel vm0, $0x0, v4;
	v2 =	vld [tilespmem:s8+$0x1200]  }
0xc5: {  	s12 =	sshra.s32 s13, $0x2;
	v5 =	vadd.f32 v4, v0;
	vm0 =	veq.s32 v7, $0x0;
	v4 =	vld [tilespmem:s8+$0x7600]  }
0xc6: {  	s13 =	sadd.s32 $0x40, s13;
	v0 =	vld [tilespmem:s12+$0x0];
	v6 =	vsel vm0, $0x0, v8  }
0xc7: {  	v7 =	vld [tilespmem:s12+$0x6400];
	v5 =	vadd.f32 v6, v5;
	vm0 =	veq.s32 v1, $0x0  }
0xc8: {  	v1 =	vld [tilespmem:s12+$0x200];
	v3 =	vsel vm0, $0x0, v3  }
0xc9: {  	v47 =	vld [tilespmem:s12+$0x6600];
	v3 =	vadd.f32 v3, v5;
	vm8 =	veq.s32 v2, $0x0  }
0xca: {  	v2 =	vld [tilespmem:s12+$0x400];
	v4 =	vsel vm8, $0x0, v4  }
0xcb: {  	v48 =	vld [tilespmem:s12+$0x6800];
	v3 =	vadd.f32 v4, v3  }
0xcc: {  	v49 =	vld [tilespmem:s12+$0x600];
	v7 =	vadd.f32 $0.0e+00, v7  }
0xcd: {  	v8 =	vld [tilespmem:s12+$0x6A00];
	vm9 =	veq.s32 v0, $0x0;
	vm1 =	veq.s32 v1, $0x0;
	[tilespmem:s8+$0xC800] =	vst v3  }
0xce: {  	v1 =	vsel vm1, $0x0, v47;
	v0 =	vsel vm9, $0x0, v7;
	v3 =	vld [tilespmem:s12+$0x800]  }
0xcf: {  	vm10 =	veq.s32 v2, $0x0;
	v0 =	vadd.f32 v1, v0;
	v1 =	vld [tilespmem:s12+$0x6C00]  }
0xd0: {  	v50 =	vld [tilespmem:s12+$0xA00];
	v2 =	vsel vm10, $0x0, v48  }
0xd1: {  	vm11 =	veq.s32 v49, $0x0;
	v0 =	vadd.f32 v2, v0;
	v2 =	vld [tilespmem:s12+$0x6E00]  }
0xd2: {  	v4 =	vsel vm11, $0x0, v8;
	v51 =	vld [tilespmem:s12+$0xC00]  }
0xd3: {  	v0 =	vadd.f32 v4, v0;
	vm12 =	veq.s32 v3, $0x0;
	v3 =	vld [tilespmem:s12+$0x7000]  }
0xd4: {  	v52 =	vld [tilespmem:s12+$0xE00];
	v1 =	vsel vm12, $0x0, v1  }
0xd5: {  	vm13 =	veq.s32 v50, $0x0;
	v0 =	vadd.f32 v1, v0;
	v1 =	vld [tilespmem:s12+$0x7200]  }
0xd6: {  	v53 =	vld [tilespmem:s12+$0x1000];
	v2 =	vsel vm13, $0x0, v2  }
0xd7: {  	vm14 =	veq.s32 v51, $0x0;
	v0 =	vadd.f32 v2, v0;
	v2 =	vld [tilespmem:s12+$0x7400]  }
0xd8: {  	v54 =	vld [tilespmem:s12+$0x1200];
	v3 =	vsel vm14, $0x0, v3  }
0xd9: {  	vm15 =	veq.s32 v52, $0x0;
	v0 =	vadd.f32 v3, v0;
	v3 =	vld [tilespmem:s12+$0x7600]  }
0xda: {  	v1 =	vsel vm15, $0x0, v1  }
0xdb: {  	vm4 =	veq.s32 v53, $0x0;
	v0 =	vadd.f32 v1, v0  }
0xdc: {  	v1 =	vsel vm4, $0x0, v2  }
0xdd: {  	vm5 =	veq.s32 v54, $0x0;
	v0 =	vadd.f32 v1, v0  }
0xde: {  	v1 =	vsel vm5, $0x0, v3  }
0xdf: {  	v0 =	vadd.f32 v1, v0;
	_ =	sdelay $0x1  }
0xe0: {  	[tilespmem:s12+$0xC800] =	vst v0  }
0xe1: {  	_ =	swait.ge [sflag:s26], $0x200  }
0xe2: {  	[sflag:s26] =	ssyncset.done $0x0  }
0xe3: {  	[sflag:s26] =	ssyncadd.s32 $0xFFFFFE00  }
0xe4: {  	_ =	swait.ge [sflag:s26], $0x200  }
0xe5: {  	[sflag:s26] =	ssyncset.done $0x0  }
0xe6: {  	[sflag:s26] =	ssyncadd.s32 $0xFFFFFE00  }
0xe7: {  	_ =	swait.ge [sflag:s26], $0x200  }
0xe8: {  	[sflag:s26] =	ssyncset.done $0x0  }
0xe9: {  	[sflag:s26] =	ssyncadd.s32 $0xFFFFFE00  }
0xea: {  	_ =	swait.ge [sflag:s26], $0x200  }
0xeb: {  	[sflag:s26] =	ssyncset.done $0x0  }
0xec: {  	[sflag:s26] =	ssyncadd.s32 $0xFFFFFE00  }
0xed: {  	_ =	swait.ge [sflag:s26], $0x200  }
0xee: {  	[sflag:s26] =	ssyncset.done $0x0  }
0xef: {  	[sflag:s26] =	ssyncadd.s32 $0xFFFFFE00  }
0xf0: {  	_ =	swait.ge [sflag:s26], $0x200  }
0xf1: {  	[sflag:s26] =	ssyncset.done $0x0  }
0xf2: {  	[sflag:s26] =	ssyncadd.s32 $0xFFFFFE00  }
0xf3: {  	_ =	swait.ge [sflag:s26], $0x200  }
0xf4: {  	[sflag:s26] =	ssyncset.done $0x0  }
0xf5: {  	[sflag:s26] =	ssyncadd.s32 $0xFFFFFE00  }
0xf6: {  	_ =	swait.ge [sflag:s26], $0x200  }
0xf7: {  	[sflag:s26] =	ssyncset.done $0x0  }
0xf8: {  	[sflag:s26] =	ssyncadd.s32 $0xFFFFFE00  }
0xf9: {  	_ =	swait.ge [sflag:s26], $0x200  }
0xfa: {  	[sflag:s26] =	ssyncset.done $0x0  }
0xfb: {  	[sflag:s26] =	ssyncadd.s32 $0xFFFFFE00  }
0xfc: {  	_ =	swait.ge [sflag:s26], $0x200  }
0xfd: {  	[sflag:s26] =	ssyncset.done $0x0  }
0xfe: {  	s8 =	simm.s32 $0x0;
	[sflag:s26] =	ssyncadd.s32 $0xFFFFFE00  }
0xff: {  	v0 =	vld [tilespmem:s8+$0x1600]  }
0x100: {  	v1 =	vld [tilespmem:s8+$0x1400]  }
0x101: {  	v2 =	vld [tilespmem:s8+$0x7800]  }
0x102: {  	v3 =	vld [tilespmem:s8+$0xC800]  }
0x103: {  	v55 =	vld [tilespmem:s8+$0x7A00]  }
0x104: {  	v56 =	vld [tilespmem:s8+$0x1800]  }
0x105: {  	vm6 =	veq.s32 v1, $0x0;
	v1 =	vld [tilespmem:s8+$0x7C00]  }
0x106: {  	v57 =	vld [tilespmem:s8+$0x1A00];
	v2 =	vsel vm6, $0x0, v2  }
0x107: {  	vm7 =	veq.s32 v0, $0x0;
	v0 =	vld [tilespmem:s8+$0x7E00];
	v2 =	vadd.f32 v2, v3  }
0x108: {  	v58 =	vld [tilespmem:s8+$0x1C00];
	v3 =	vsel vm7, $0x0, v55  }
0x109: {  	vm8 =	veq.s32 v56, $0x0;
	v2 =	vadd.f32 v3, v2;
	v3 =	vld [tilespmem:s8+$0x8000]  }
0x10a: {  	v59 =	vld [tilespmem:s8+$0x1E00];
	v1 =	vsel vm8, $0x0, v1  }
0x10b: {  	vm9 =	veq.s32 v57, $0x0;
	v1 =	vadd.f32 v1, v2;
	v2 =	vld [tilespmem:s8+$0x8200]  }
0x10c: {  	v60 =	vld [tilespmem:s8+$0x2000];
	v0 =	vsel vm9, $0x0, v0  }
0x10d: {  	vm10 =	veq.s32 v58, $0x0;
	v0 =	vadd.f32 v0, v1;
	v1 =	vld [tilespmem:s8+$0x8400]  }
0x10e: {  	v61 =	vld [tilespmem:s8+$0x2200];
	v3 =	vsel vm10, $0x0, v3  }
0x10f: {  	vm11 =	veq.s32 v59, $0x0;
	v0 =	vadd.f32 v3, v0;
	v3 =	vld [tilespmem:s8+$0x8600]  }
0x110: {  	v62 =	vld [tilespmem:s8+$0x2400];
	v2 =	vsel vm11, $0x0, v2  }
0x111: {  	vm12 =	veq.s32 v60, $0x0;
	v0 =	vadd.f32 v2, v0;
	v2 =	vld [tilespmem:s8+$0x8800]  }
0x112: {  	v63 =	vld [tilespmem:s8+$0x2600];
	v1 =	vsel vm12, $0x0, v1  }
0x113: {  	vm13 =	veq.s32 v61, $0x0;
	v0 =	vadd.f32 v1, v0;
	v1 =	vld [tilespmem:s8+$0x8A00]  }
0x114: {  	v3 =	vsel vm13, $0x0, v3  }
0x115: {  	vm14 =	veq.s32 v62, $0x0;
	v0 =	vadd.f32 v3, v0  }
0x116: {  	v2 =	vsel vm14, $0x0, v2  }
0x117: {  	vm15 =	veq.s32 v63, $0x0;
	v2 =	vadd.f32 v2, v0  }
0x118: {  	s13 =	simm.s32 $0x10;
	v1 =	vsel vm15, $0x0, v1  }
0x119: {  	s12 =	simm.s32 $0x80;
	v0 =	vld [tilespmem:s13+$0x1600];
	v1 =	vadd.f32 v1, v2  }
.LBB2_4:
0x11a: {  	p1 =	sne.s32 s12, $0x7C0;
	v2 =	vld [tilespmem:s13+$0x1400]  }
0x11b: {  	v3 =	vld [tilespmem:s13+$0x7800];
	[tilespmem:s8+$0xC800] =	vst v1;
	s8 =	smov.u32 s13  }
0x11c: {  	v1 =	vld [tilespmem:s8+$0xC800]  }
0x11d: {  	v4 =	vld [tilespmem:s8+$0x7A00]  }
0x11e: {  	v5 =	vld [tilespmem:s8+$0x1800]  }
0x11f: {  	vm0 =	veq.s32 v2, $0x0;
	v2 =	vld [tilespmem:s8+$0x7C00]  }
0x120: {  	v3 =	vsel vm0, $0x0, v3;
	v6 =	vld [tilespmem:s8+$0x1A00]  }
0x121: {  	vm0 =	veq.s32 v0, $0x0;
	v1 =	vadd.f32 v3, v1;
	v0 =	vld [tilespmem:s8+$0x7E00]  }
0x122: {  	v3 =	vsel vm0, $0x0, v4;
	v4 =	vld [tilespmem:s8+$0x1C00]  }
0x123: {  	v1 =	vadd.f32 v3, v1;
	vm0 =	veq.s32 v5, $0x0;
	v3 =	vld [tilespmem:s8+$0x8000]  }
0x124: {  	v2 =	vsel vm0, $0x0, v2;
	v5 =	vld [tilespmem:s8+$0x1E00]  }
0x125: {  	v1 =	vadd.f32 v2, v1;
	vm0 =	veq.s32 v6, $0x0;
	v2 =	vld [tilespmem:s8+$0x8200]  }
0x126: {  	v0 =	vsel vm0, $0x0, v0;
	v6 =	vld [tilespmem:s8+$0x2000]  }
0x127: {  	v0 =	vadd.f32 v0, v1;
	vm0 =	veq.s32 v4, $0x0;
	v1 =	vld [tilespmem:s8+$0x8400]  }
0x128: {  	v3 =	vsel vm0, $0x0, v3;
	v4 =	vld [tilespmem:s8+$0x2200]  }
0x129: {  	v0 =	vadd.f32 v3, v0;
	vm0 =	veq.s32 v5, $0x0;
	v3 =	vld [tilespmem:s8+$0x8600]  }
0x12a: {  	v2 =	vsel vm0, $0x0, v2;
	v5 =	vld [tilespmem:s8+$0x2400]  }
0x12b: {  	v0 =	vadd.f32 v2, v0;
	vm0 =	veq.s32 v6, $0x0;
	v2 =	vld [tilespmem:s8+$0x8800]  }
0x12c: {  	v1 =	vsel vm0, $0x0, v1;
	v6 =	vld [tilespmem:s8+$0x2600]  }
0x12d: {  	v0 =	vadd.f32 v1, v0;
	vm0 =	veq.s32 v4, $0x0;
	v1 =	vld [tilespmem:s8+$0x8A00]  }
0x12e: {  	v3 =	vsel vm0, $0x0, v3  }
.Ltmp1:
0x12f: {  	v0 =	vadd.f32 v3, v0;
	vm0 =	veq.s32 v5, $0x0;
	(pc) =	sbr.rel @p1 .LBB2_4-.Ltmp1, $4  }
0x130: {  	v2 =	vsel vm0, $0x0, v2  }
0x131: {  	v2 =	vadd.f32 v2, v0;
	vm0 =	veq.s32 v6, $0x0  }
0x132: {  	s13 =	sshra.s32 s12, $0x2;
	v1 =	vsel vm0, $0x0, v1  }
0x133: {  	s12 =	sadd.s32 $0x40, s12;
	v0 =	vld [tilespmem:s13+$0x1600];
	v1 =	vadd.f32 v1, v2  }
0x134: {  	v2 =	vld [tilespmem:s13+$0x1400]  }
0x135: {  	v3 =	vld [tilespmem:s13+$0x7800];
	[tilespmem:s8+$0xC800] =	vst v1  }
0x136: {  	v1 =	vld [tilespmem:s13+$0xC800]  }
0x137: {  	v4 =	vld [tilespmem:s13+$0x7A00]  }
0x138: {  	v5 =	vld [tilespmem:s13+$0x1800]  }
0x139: {  	vm0 =	veq.s32 v2, $0x0;
	v2 =	vld [tilespmem:s13+$0x7C00]  }
0x13a: {  	v6 =	vld [tilespmem:s13+$0x1A00];
	v3 =	vsel vm0, $0x0, v3  }
0x13b: {  	vm9 =	veq.s32 v0, $0x0;
	v0 =	vld [tilespmem:s13+$0x7E00];
	v1 =	vadd.f32 v3, v1  }
0x13c: {  	v49 =	vld [tilespmem:s13+$0x1C00];
	v3 =	vsel vm9, $0x0, v4  }
0x13d: {  	vm10 =	veq.s32 v5, $0x0;
	v1 =	vadd.f32 v3, v1;
	v3 =	vld [tilespmem:s13+$0x8000]  }
0x13e: {  	v50 =	vld [tilespmem:s13+$0x1E00];
	v2 =	vsel vm10, $0x0, v2  }
0x13f: {  	vm11 =	veq.s32 v6, $0x0;
	v1 =	vadd.f32 v2, v1;
	v2 =	vld [tilespmem:s13+$0x8200]  }
0x140: {  	v51 =	vld [tilespmem:s13+$0x2000];
	v0 =	vsel vm11, $0x0, v0  }
0x141: {  	vm12 =	veq.s32 v49, $0x0;
	v0 =	vadd.f32 v0, v1;
	v1 =	vld [tilespmem:s13+$0x8400]  }
0x142: {  	v52 =	vld [tilespmem:s13+$0x2200];
	v3 =	vsel vm12, $0x0, v3  }
0x143: {  	vm13 =	veq.s32 v50, $0x0;
	v0 =	vadd.f32 v3, v0;
	v3 =	vld [tilespmem:s13+$0x8600]  }
0x144: {  	v53 =	vld [tilespmem:s13+$0x2400];
	v2 =	vsel vm13, $0x0, v2  }
0x145: {  	vm14 =	veq.s32 v51, $0x0;
	v0 =	vadd.f32 v2, v0;
	v2 =	vld [tilespmem:s13+$0x8800]  }
0x146: {  	v54 =	vld [tilespmem:s13+$0x2600];
	v1 =	vsel vm14, $0x0, v1  }
0x147: {  	vm15 =	veq.s32 v52, $0x0;
	v0 =	vadd.f32 v1, v0;
	v1 =	vld [tilespmem:s13+$0x8A00]  }
0x148: {  	v3 =	vsel vm15, $0x0, v3  }
0x149: {  	vm4 =	veq.s32 v53, $0x0;
	v0 =	vadd.f32 v3, v0  }
0x14a: {  	v2 =	vsel vm4, $0x0, v2  }
0x14b: {  	vm5 =	veq.s32 v54, $0x0;
	v0 =	vadd.f32 v2, v0  }
0x14c: {  	v1 =	vsel vm5, $0x0, v1  }
0x14d: {  	v0 =	vadd.f32 v1, v0;
	_ =	sdelay $0x1  }
0x14e: {  	[tilespmem:s13+$0xC800] =	vst v0  }
0x14f: {  	_ =	swait.ge [sflag:s28], $0x200  }
0x150: {  	[sflag:s28] =	ssyncset.done $0x0  }
0x151: {  	[sflag:s28] =	ssyncadd.s32 $0xFFFFFE00  }
0x152: {  	_ =	swait.ge [sflag:s28], $0x200  }
0x153: {  	[sflag:s28] =	ssyncset.done $0x0  }
0x154: {  	[sflag:s28] =	ssyncadd.s32 $0xFFFFFE00  }
0x155: {  	_ =	swait.ge [sflag:s28], $0x200  }
0x156: {  	[sflag:s28] =	ssyncset.done $0x0  }
0x157: {  	[sflag:s28] =	ssyncadd.s32 $0xFFFFFE00  }
0x158: {  	_ =	swait.ge [sflag:s28], $0x200  }
0x159: {  	[sflag:s28] =	ssyncset.done $0x0  }
0x15a: {  	[sflag:s28] =	ssyncadd.s32 $0xFFFFFE00  }
0x15b: {  	_ =	swait.ge [sflag:s28], $0x200  }
0x15c: {  	[sflag:s28] =	ssyncset.done $0x0  }
0x15d: {  	[sflag:s28] =	ssyncadd.s32 $0xFFFFFE00  }
0x15e: {  	_ =	swait.ge [sflag:s28], $0x200  }
0x15f: {  	[sflag:s28] =	ssyncset.done $0x0  }
0x160: {  	[sflag:s28] =	ssyncadd.s32 $0xFFFFFE00  }
0x161: {  	_ =	swait.ge [sflag:s28], $0x200  }
0x162: {  	[sflag:s28] =	ssyncset.done $0x0  }
0x163: {  	[sflag:s28] =	ssyncadd.s32 $0xFFFFFE00  }
0x164: {  	_ =	swait.ge [sflag:s28], $0x200  }
0x165: {  	[sflag:s28] =	ssyncset.done $0x0  }
0x166: {  	[sflag:s28] =	ssyncadd.s32 $0xFFFFFE00  }
0x167: {  	_ =	swait.ge [sflag:s28], $0x200  }
0x168: {  	[sflag:s28] =	ssyncset.done $0x0  }
0x169: {  	[sflag:s28] =	ssyncadd.s32 $0xFFFFFE00  }
0x16a: {  	_ =	swait.ge [sflag:s28], $0x200  }
0x16b: {  	[sflag:s28] =	ssyncset.done $0x0  }
0x16c: {  	s8 =	simm.s32 $0x0;
	[sflag:s28] =	ssyncadd.s32 $0xFFFFFE00  }
0x16d: {  	v0 =	vld [tilespmem:s8+$0x2A00]  }
0x16e: {  	v1 =	vld [tilespmem:s8+$0x2800]  }
0x16f: {  	v2 =	vld [tilespmem:s8+$0x8C00]  }
0x170: {  	v3 =	vld [tilespmem:s8+$0xC800]  }
0x171: {  	v55 =	vld [tilespmem:s8+$0x8E00]  }
0x172: {  	v56 =	vld [tilespmem:s8+$0x2C00]  }
0x173: {  	vm6 =	veq.s32 v1, $0x0;
	v1 =	vld [tilespmem:s8+$0x9000]  }
0x174: {  	v57 =	vld [tilespmem:s8+$0x2E00];
	v2 =	vsel vm6, $0x0, v2  }
0x175: {  	vm7 =	veq.s32 v0, $0x0;
	v0 =	vld [tilespmem:s8+$0x9200];
	v2 =	vadd.f32 v2, v3  }
0x176: {  	v58 =	vld [tilespmem:s8+$0x3000];
	v3 =	vsel vm7, $0x0, v55  }
0x177: {  	vm8 =	veq.s32 v56, $0x0;
	v2 =	vadd.f32 v3, v2;
	v3 =	vld [tilespmem:s8+$0x9400]  }
0x178: {  	v59 =	vld [tilespmem:s8+$0x3200];
	v1 =	vsel vm8, $0x0, v1  }
0x179: {  	vm9 =	veq.s32 v57, $0x0;
	v1 =	vadd.f32 v1, v2;
	v2 =	vld [tilespmem:s8+$0x9600]  }
0x17a: {  	v60 =	vld [tilespmem:s8+$0x3400];
	v0 =	vsel vm9, $0x0, v0  }
0x17b: {  	vm10 =	veq.s32 v58, $0x0;
	v0 =	vadd.f32 v0, v1;
	v1 =	vld [tilespmem:s8+$0x9800]  }
0x17c: {  	v61 =	vld [tilespmem:s8+$0x3600];
	v3 =	vsel vm10, $0x0, v3  }
0x17d: {  	vm11 =	veq.s32 v59, $0x0;
	v0 =	vadd.f32 v3, v0;
	v3 =	vld [tilespmem:s8+$0x9A00]  }
0x17e: {  	v62 =	vld [tilespmem:s8+$0x3800];
	v2 =	vsel vm11, $0x0, v2  }
0x17f: {  	vm12 =	veq.s32 v60, $0x0;
	v0 =	vadd.f32 v2, v0;
	v2 =	vld [tilespmem:s8+$0x9C00]  }
0x180: {  	v63 =	vld [tilespmem:s8+$0x3A00];
	v1 =	vsel vm12, $0x0, v1  }
0x181: {  	vm13 =	veq.s32 v61, $0x0;
	v0 =	vadd.f32 v1, v0;
	v1 =	vld [tilespmem:s8+$0x9E00]  }
0x182: {  	v3 =	vsel vm13, $0x0, v3  }
0x183: {  	vm14 =	veq.s32 v62, $0x0;
	v0 =	vadd.f32 v3, v0  }
0x184: {  	v2 =	vsel vm14, $0x0, v2  }
0x185: {  	vm15 =	veq.s32 v63, $0x0;
	v2 =	vadd.f32 v2, v0  }
0x186: {  	s13 =	simm.s32 $0x10;
	v1 =	vsel vm15, $0x0, v1  }
0x187: {  	s12 =	simm.s32 $0x80;
	v0 =	vld [tilespmem:s13+$0x2A00];
	v1 =	vadd.f32 v1, v2  }
.LBB2_6:
0x188: {  	p1 =	sne.s32 s12, $0x7C0;
	v2 =	vld [tilespmem:s13+$0x2800]  }
0x189: {  	v3 =	vld [tilespmem:s13+$0x8C00];
	[tilespmem:s8+$0xC800] =	vst v1;
	s8 =	smov.u32 s13  }
0x18a: {  	v1 =	vld [tilespmem:s8+$0xC800]  }
0x18b: {  	v4 =	vld [tilespmem:s8+$0x8E00]  }
0x18c: {  	v5 =	vld [tilespmem:s8+$0x2C00]  }
0x18d: {  	vm0 =	veq.s32 v2, $0x0;
	v2 =	vld [tilespmem:s8+$0x9000]  }
0x18e: {  	v3 =	vsel vm0, $0x0, v3;
	v6 =	vld [tilespmem:s8+$0x2E00]  }
0x18f: {  	vm0 =	veq.s32 v0, $0x0;
	v1 =	vadd.f32 v3, v1;
	v0 =	vld [tilespmem:s8+$0x9200]  }
0x190: {  	v3 =	vsel vm0, $0x0, v4;
	v4 =	vld [tilespmem:s8+$0x3000]  }
0x191: {  	v1 =	vadd.f32 v3, v1;
	vm0 =	veq.s32 v5, $0x0;
	v3 =	vld [tilespmem:s8+$0x9400]  }
0x192: {  	v2 =	vsel vm0, $0x0, v2;
	v5 =	vld [tilespmem:s8+$0x3200]  }
0x193: {  	v1 =	vadd.f32 v2, v1;
	vm0 =	veq.s32 v6, $0x0;
	v2 =	vld [tilespmem:s8+$0x9600]  }
0x194: {  	v0 =	vsel vm0, $0x0, v0;
	v6 =	vld [tilespmem:s8+$0x3400]  }
0x195: {  	v0 =	vadd.f32 v0, v1;
	vm0 =	veq.s32 v4, $0x0;
	v1 =	vld [tilespmem:s8+$0x9800]  }
0x196: {  	v3 =	vsel vm0, $0x0, v3;
	v4 =	vld [tilespmem:s8+$0x3600]  }
0x197: {  	v0 =	vadd.f32 v3, v0;
	vm0 =	veq.s32 v5, $0x0;
	v3 =	vld [tilespmem:s8+$0x9A00]  }
0x198: {  	v2 =	vsel vm0, $0x0, v2;
	v5 =	vld [tilespmem:s8+$0x3800]  }
0x199: {  	v0 =	vadd.f32 v2, v0;
	vm0 =	veq.s32 v6, $0x0;
	v2 =	vld [tilespmem:s8+$0x9C00]  }
0x19a: {  	v1 =	vsel vm0, $0x0, v1;
	v6 =	vld [tilespmem:s8+$0x3A00]  }
0x19b: {  	v0 =	vadd.f32 v1, v0;
	vm0 =	veq.s32 v4, $0x0;
	v1 =	vld [tilespmem:s8+$0x9E00]  }
0x19c: {  	v3 =	vsel vm0, $0x0, v3  }
.Ltmp2:
0x19d: {  	v0 =	vadd.f32 v3, v0;
	vm0 =	veq.s32 v5, $0x0;
	(pc) =	sbr.rel @p1 .LBB2_6-.Ltmp2, $4  }
0x19e: {  	v2 =	vsel vm0, $0x0, v2  }
0x19f: {  	v2 =	vadd.f32 v2, v0;
	vm0 =	veq.s32 v6, $0x0  }
0x1a0: {  	s13 =	sshra.s32 s12, $0x2;
	v1 =	vsel vm0, $0x0, v1  }
0x1a1: {  	s12 =	sadd.s32 $0x40, s12;
	v0 =	vld [tilespmem:s13+$0x2A00];
	v1 =	vadd.f32 v1, v2  }
0x1a2: {  	v2 =	vld [tilespmem:s13+$0x2800]  }
0x1a3: {  	v3 =	vld [tilespmem:s13+$0x8C00];
	[tilespmem:s8+$0xC800] =	vst v1  }
0x1a4: {  	v1 =	vld [tilespmem:s13+$0xC800]  }
0x1a5: {  	v4 =	vld [tilespmem:s13+$0x8E00]  }
0x1a6: {  	v5 =	vld [tilespmem:s13+$0x2C00]  }
0x1a7: {  	vm0 =	veq.s32 v2, $0x0;
	v2 =	vld [tilespmem:s13+$0x9000]  }
0x1a8: {  	v6 =	vld [tilespmem:s13+$0x2E00];
	v3 =	vsel vm0, $0x0, v3  }
0x1a9: {  	vm9 =	veq.s32 v0, $0x0;
	v0 =	vld [tilespmem:s13+$0x9200];
	v1 =	vadd.f32 v3, v1  }
0x1aa: {  	v49 =	vld [tilespmem:s13+$0x3000];
	v3 =	vsel vm9, $0x0, v4  }
0x1ab: {  	vm10 =	veq.s32 v5, $0x0;
	v1 =	vadd.f32 v3, v1;
	v3 =	vld [tilespmem:s13+$0x9400]  }
0x1ac: {  	v50 =	vld [tilespmem:s13+$0x3200];
	v2 =	vsel vm10, $0x0, v2  }
0x1ad: {  	vm11 =	veq.s32 v6, $0x0;
	v1 =	vadd.f32 v2, v1;
	v2 =	vld [tilespmem:s13+$0x9600]  }
0x1ae: {  	v51 =	vld [tilespmem:s13+$0x3400];
	v0 =	vsel vm11, $0x0, v0  }
0x1af: {  	vm12 =	veq.s32 v49, $0x0;
	v0 =	vadd.f32 v0, v1;
	v1 =	vld [tilespmem:s13+$0x9800]  }
0x1b0: {  	v52 =	vld [tilespmem:s13+$0x3600];
	v3 =	vsel vm12, $0x0, v3  }
0x1b1: {  	vm13 =	veq.s32 v50, $0x0;
	v0 =	vadd.f32 v3, v0;
	v3 =	vld [tilespmem:s13+$0x9A00]  }
0x1b2: {  	v53 =	vld [tilespmem:s13+$0x3800];
	v2 =	vsel vm13, $0x0, v2  }
0x1b3: {  	vm14 =	veq.s32 v51, $0x0;
	v0 =	vadd.f32 v2, v0;
	v2 =	vld [tilespmem:s13+$0x9C00]  }
0x1b4: {  	v54 =	vld [tilespmem:s13+$0x3A00];
	v1 =	vsel vm14, $0x0, v1  }
0x1b5: {  	vm15 =	veq.s32 v52, $0x0;
	v0 =	vadd.f32 v1, v0;
	v1 =	vld [tilespmem:s13+$0x9E00]  }
0x1b6: {  	v3 =	vsel vm15, $0x0, v3  }
0x1b7: {  	vm4 =	veq.s32 v53, $0x0;
	v0 =	vadd.f32 v3, v0  }
0x1b8: {  	v2 =	vsel vm4, $0x0, v2  }
0x1b9: {  	vm5 =	veq.s32 v54, $0x0;
	v0 =	vadd.f32 v2, v0  }
0x1ba: {  	v1 =	vsel vm5, $0x0, v1  }
0x1bb: {  	v0 =	vadd.f32 v1, v0;
	_ =	sdelay $0x1  }
0x1bc: {  	[tilespmem:s13+$0xC800] =	vst v0  }
0x1bd: {  	_ =	swait.ge [sflag:s29], $0x200  }
0x1be: {  	[sflag:s29] =	ssyncset.done $0x0  }
0x1bf: {  	[sflag:s29] =	ssyncadd.s32 $0xFFFFFE00  }
0x1c0: {  	_ =	swait.ge [sflag:s29], $0x200  }
0x1c1: {  	[sflag:s29] =	ssyncset.done $0x0  }
0x1c2: {  	[sflag:s29] =	ssyncadd.s32 $0xFFFFFE00  }
0x1c3: {  	_ =	swait.ge [sflag:s29], $0x200  }
0x1c4: {  	[sflag:s29] =	ssyncset.done $0x0  }
0x1c5: {  	[sflag:s29] =	ssyncadd.s32 $0xFFFFFE00  }
0x1c6: {  	_ =	swait.ge [sflag:s29], $0x200  }
0x1c7: {  	[sflag:s29] =	ssyncset.done $0x0  }
0x1c8: {  	[sflag:s29] =	ssyncadd.s32 $0xFFFFFE00  }
0x1c9: {  	_ =	swait.ge [sflag:s29], $0x200  }
0x1ca: {  	[sflag:s29] =	ssyncset.done $0x0  }
0x1cb: {  	[sflag:s29] =	ssyncadd.s32 $0xFFFFFE00  }
0x1cc: {  	_ =	swait.ge [sflag:s29], $0x200  }
0x1cd: {  	[sflag:s29] =	ssyncset.done $0x0  }
0x1ce: {  	[sflag:s29] =	ssyncadd.s32 $0xFFFFFE00  }
0x1cf: {  	_ =	swait.ge [sflag:s29], $0x200  }
0x1d0: {  	[sflag:s29] =	ssyncset.done $0x0  }
0x1d1: {  	[sflag:s29] =	ssyncadd.s32 $0xFFFFFE00  }
0x1d2: {  	_ =	swait.ge [sflag:s29], $0x200  }
0x1d3: {  	[sflag:s29] =	ssyncset.done $0x0  }
0x1d4: {  	[sflag:s29] =	ssyncadd.s32 $0xFFFFFE00  }
0x1d5: {  	_ =	swait.ge [sflag:s29], $0x200  }
0x1d6: {  	[sflag:s29] =	ssyncset.done $0x0  }
0x1d7: {  	[sflag:s29] =	ssyncadd.s32 $0xFFFFFE00  }
0x1d8: {  	_ =	swait.ge [sflag:s29], $0x200  }
0x1d9: {  	[sflag:s29] =	ssyncset.done $0x0  }
0x1da: {  	s8 =	simm.s32 $0x0;
	[sflag:s29] =	ssyncadd.s32 $0xFFFFFE00  }
0x1db: {  	v0 =	vld [tilespmem:s8+$0x3E00]  }
0x1dc: {  	v1 =	vld [tilespmem:s8+$0x3C00]  }
0x1dd: {  	v2 =	vld [tilespmem:s8+$0xA000]  }
0x1de: {  	v3 =	vld [tilespmem:s8+$0xC800]  }
0x1df: {  	v55 =	vld [tilespmem:s8+$0xA200]  }
0x1e0: {  	v56 =	vld [tilespmem:s8+$0x4000]  }
0x1e1: {  	vm6 =	veq.s32 v1, $0x0;
	v1 =	vld [tilespmem:s8+$0xA400]  }
0x1e2: {  	v57 =	vld [tilespmem:s8+$0x4200];
	v2 =	vsel vm6, $0x0, v2  }
0x1e3: {  	vm7 =	veq.s32 v0, $0x0;
	v0 =	vld [tilespmem:s8+$0xA600];
	v2 =	vadd.f32 v2, v3  }
0x1e4: {  	v58 =	vld [tilespmem:s8+$0x4400];
	v3 =	vsel vm7, $0x0, v55  }
0x1e5: {  	vm8 =	veq.s32 v56, $0x0;
	v2 =	vadd.f32 v3, v2;
	v3 =	vld [tilespmem:s8+$0xA800]  }
0x1e6: {  	v59 =	vld [tilespmem:s8+$0x4600];
	v1 =	vsel vm8, $0x0, v1  }
0x1e7: {  	vm9 =	veq.s32 v57, $0x0;
	v1 =	vadd.f32 v1, v2;
	v2 =	vld [tilespmem:s8+$0xAA00]  }
0x1e8: {  	v60 =	vld [tilespmem:s8+$0x4800];
	v0 =	vsel vm9, $0x0, v0  }
0x1e9: {  	vm10 =	veq.s32 v58, $0x0;
	v0 =	vadd.f32 v0, v1;
	v1 =	vld [tilespmem:s8+$0xAC00]  }
0x1ea: {  	v61 =	vld [tilespmem:s8+$0x4A00];
	v3 =	vsel vm10, $0x0, v3  }
0x1eb: {  	vm11 =	veq.s32 v59, $0x0;
	v0 =	vadd.f32 v3, v0;
	v3 =	vld [tilespmem:s8+$0xAE00]  }
0x1ec: {  	v62 =	vld [tilespmem:s8+$0x4C00];
	v2 =	vsel vm11, $0x0, v2  }
0x1ed: {  	vm12 =	veq.s32 v60, $0x0;
	v0 =	vadd.f32 v2, v0;
	v2 =	vld [tilespmem:s8+$0xB000]  }
0x1ee: {  	v63 =	vld [tilespmem:s8+$0x4E00];
	v1 =	vsel vm12, $0x0, v1  }
0x1ef: {  	vm13 =	veq.s32 v61, $0x0;
	v0 =	vadd.f32 v1, v0;
	v1 =	vld [tilespmem:s8+$0xB200]  }
0x1f0: {  	v3 =	vsel vm13, $0x0, v3  }
0x1f1: {  	vm14 =	veq.s32 v62, $0x0;
	v0 =	vadd.f32 v3, v0  }
0x1f2: {  	v2 =	vsel vm14, $0x0, v2  }
0x1f3: {  	vm15 =	veq.s32 v63, $0x0;
	v2 =	vadd.f32 v2, v0  }
0x1f4: {  	s13 =	simm.s32 $0x10;
	v1 =	vsel vm15, $0x0, v1  }
0x1f5: {  	s12 =	simm.s32 $0x80;
	v0 =	vld [tilespmem:s13+$0x3E00];
	v1 =	vadd.f32 v1, v2  }
.LBB2_8:
0x1f6: {  	p1 =	sne.s32 s12, $0x7C0;
	v2 =	vld [tilespmem:s13+$0x3C00]  }
0x1f7: {  	v3 =	vld [tilespmem:s13+$0xA000];
	[tilespmem:s8+$0xC800] =	vst v1;
	s8 =	smov.u32 s13  }
0x1f8: {  	v1 =	vld [tilespmem:s8+$0xC800]  }
0x1f9: {  	v4 =	vld [tilespmem:s8+$0xA200]  }
0x1fa: {  	v5 =	vld [tilespmem:s8+$0x4000]  }
0x1fb: {  	vm0 =	veq.s32 v2, $0x0;
	v2 =	vld [tilespmem:s8+$0xA400]  }
0x1fc: {  	v3 =	vsel vm0, $0x0, v3;
	v6 =	vld [tilespmem:s8+$0x4200]  }
0x1fd: {  	vm0 =	veq.s32 v0, $0x0;
	v1 =	vadd.f32 v3, v1;
	v0 =	vld [tilespmem:s8+$0xA600]  }
0x1fe: {  	v3 =	vsel vm0, $0x0, v4;
	v4 =	vld [tilespmem:s8+$0x4400]  }
0x1ff: {  	v1 =	vadd.f32 v3, v1;
	vm0 =	veq.s32 v5, $0x0;
	v3 =	vld [tilespmem:s8+$0xA800]  }
0x200: {  	v2 =	vsel vm0, $0x0, v2;
	v5 =	vld [tilespmem:s8+$0x4600]  }
0x201: {  	v1 =	vadd.f32 v2, v1;
	vm0 =	veq.s32 v6, $0x0;
	v2 =	vld [tilespmem:s8+$0xAA00]  }
0x202: {  	v0 =	vsel vm0, $0x0, v0;
	v6 =	vld [tilespmem:s8+$0x4800]  }
0x203: {  	v0 =	vadd.f32 v0, v1;
	vm0 =	veq.s32 v4, $0x0;
	v1 =	vld [tilespmem:s8+$0xAC00]  }
0x204: {  	v3 =	vsel vm0, $0x0, v3;
	v4 =	vld [tilespmem:s8+$0x4A00]  }
0x205: {  	v0 =	vadd.f32 v3, v0;
	vm0 =	veq.s32 v5, $0x0;
	v3 =	vld [tilespmem:s8+$0xAE00]  }
0x206: {  	v2 =	vsel vm0, $0x0, v2;
	v5 =	vld [tilespmem:s8+$0x4C00]  }
0x207: {  	v0 =	vadd.f32 v2, v0;
	vm0 =	veq.s32 v6, $0x0;
	v2 =	vld [tilespmem:s8+$0xB000]  }
0x208: {  	v1 =	vsel vm0, $0x0, v1;
	v6 =	vld [tilespmem:s8+$0x4E00]  }
0x209: {  	v0 =	vadd.f32 v1, v0;
	vm0 =	veq.s32 v4, $0x0;
	v1 =	vld [tilespmem:s8+$0xB200]  }
0x20a: {  	v3 =	vsel vm0, $0x0, v3  }
.Ltmp3:
0x20b: {  	v0 =	vadd.f32 v3, v0;
	vm0 =	veq.s32 v5, $0x0;
	(pc) =	sbr.rel @p1 .LBB2_8-.Ltmp3, $4  }
0x20c: {  	v2 =	vsel vm0, $0x0, v2  }
0x20d: {  	v2 =	vadd.f32 v2, v0;
	vm0 =	veq.s32 v6, $0x0  }
0x20e: {  	s13 =	sshra.s32 s12, $0x2;
	v1 =	vsel vm0, $0x0, v1  }
0x20f: {  	s12 =	sadd.s32 $0x40, s12;
	v0 =	vld [tilespmem:s13+$0x3E00];
	v1 =	vadd.f32 v1, v2  }
0x210: {  	v2 =	vld [tilespmem:s13+$0x3C00]  }
0x211: {  	v3 =	vld [tilespmem:s13+$0xA000];
	[tilespmem:s8+$0xC800] =	vst v1  }
0x212: {  	v1 =	vld [tilespmem:s13+$0xC800]  }
0x213: {  	v4 =	vld [tilespmem:s13+$0xA200]  }
0x214: {  	v5 =	vld [tilespmem:s13+$0x4000]  }
0x215: {  	vm0 =	veq.s32 v2, $0x0;
	v2 =	vld [tilespmem:s13+$0xA400]  }
0x216: {  	v6 =	vld [tilespmem:s13+$0x4200];
	v3 =	vsel vm0, $0x0, v3  }
0x217: {  	vm9 =	veq.s32 v0, $0x0;
	v0 =	vld [tilespmem:s13+$0xA600];
	v1 =	vadd.f32 v3, v1  }
0x218: {  	v49 =	vld [tilespmem:s13+$0x4400];
	v3 =	vsel vm9, $0x0, v4  }
0x219: {  	vm10 =	veq.s32 v5, $0x0;
	v1 =	vadd.f32 v3, v1;
	v3 =	vld [tilespmem:s13+$0xA800]  }
0x21a: {  	v50 =	vld [tilespmem:s13+$0x4600];
	v2 =	vsel vm10, $0x0, v2  }
0x21b: {  	vm11 =	veq.s32 v6, $0x0;
	v1 =	vadd.f32 v2, v1;
	v2 =	vld [tilespmem:s13+$0xAA00]  }
0x21c: {  	v51 =	vld [tilespmem:s13+$0x4800];
	v0 =	vsel vm11, $0x0, v0  }
0x21d: {  	vm12 =	veq.s32 v49, $0x0;
	v0 =	vadd.f32 v0, v1;
	v1 =	vld [tilespmem:s13+$0xAC00]  }
0x21e: {  	v52 =	vld [tilespmem:s13+$0x4A00];
	v3 =	vsel vm12, $0x0, v3  }
0x21f: {  	vm13 =	veq.s32 v50, $0x0;
	v0 =	vadd.f32 v3, v0;
	v3 =	vld [tilespmem:s13+$0xAE00]  }
0x220: {  	v53 =	vld [tilespmem:s13+$0x4C00];
	v2 =	vsel vm13, $0x0, v2  }
0x221: {  	vm14 =	veq.s32 v51, $0x0;
	v0 =	vadd.f32 v2, v0;
	v2 =	vld [tilespmem:s13+$0xB000]  }
0x222: {  	v54 =	vld [tilespmem:s13+$0x4E00];
	v1 =	vsel vm14, $0x0, v1  }
0x223: {  	vm15 =	veq.s32 v52, $0x0;
	v0 =	vadd.f32 v1, v0;
	v1 =	vld [tilespmem:s13+$0xB200]  }
0x224: {  	v3 =	vsel vm15, $0x0, v3  }
0x225: {  	vm4 =	veq.s32 v53, $0x0;
	v0 =	vadd.f32 v3, v0  }
0x226: {  	v2 =	vsel vm4, $0x0, v2  }
0x227: {  	vm5 =	veq.s32 v54, $0x0;
	v0 =	vadd.f32 v2, v0  }
0x228: {  	v1 =	vsel vm5, $0x0, v1  }
0x229: {  	v0 =	vadd.f32 v1, v0;
	_ =	sdelay $0x1  }
0x22a: {  	[tilespmem:s13+$0xC800] =	vst v0  }
0x22b: {  	_ =	swait.ge [sflag:s30], $0x200  }
0x22c: {  	[sflag:s30] =	ssyncset.done $0x0  }
0x22d: {  	[sflag:s30] =	ssyncadd.s32 $0xFFFFFE00  }
0x22e: {  	_ =	swait.ge [sflag:s30], $0x200  }
0x22f: {  	[sflag:s30] =	ssyncset.done $0x0  }
0x230: {  	[sflag:s30] =	ssyncadd.s32 $0xFFFFFE00  }
0x231: {  	_ =	swait.ge [sflag:s30], $0x200  }
0x232: {  	[sflag:s30] =	ssyncset.done $0x0  }
0x233: {  	[sflag:s30] =	ssyncadd.s32 $0xFFFFFE00  }
0x234: {  	_ =	swait.ge [sflag:s30], $0x200  }
0x235: {  	[sflag:s30] =	ssyncset.done $0x0  }
0x236: {  	[sflag:s30] =	ssyncadd.s32 $0xFFFFFE00  }
0x237: {  	_ =	swait.ge [sflag:s30], $0x200  }
0x238: {  	[sflag:s30] =	ssyncset.done $0x0  }
0x239: {  	[sflag:s30] =	ssyncadd.s32 $0xFFFFFE00  }
0x23a: {  	_ =	swait.ge [sflag:s30], $0x200  }
0x23b: {  	[sflag:s30] =	ssyncset.done $0x0  }
0x23c: {  	[sflag:s30] =	ssyncadd.s32 $0xFFFFFE00  }
0x23d: {  	_ =	swait.ge [sflag:s30], $0x200  }
0x23e: {  	[sflag:s30] =	ssyncset.done $0x0  }
0x23f: {  	[sflag:s30] =	ssyncadd.s32 $0xFFFFFE00  }
0x240: {  	_ =	swait.ge [sflag:s30], $0x200  }
0x241: {  	[sflag:s30] =	ssyncset.done $0x0  }
0x242: {  	[sflag:s30] =	ssyncadd.s32 $0xFFFFFE00  }
0x243: {  	_ =	swait.ge [sflag:s30], $0x200  }
0x244: {  	[sflag:s30] =	ssyncset.done $0x0  }
0x245: {  	[sflag:s30] =	ssyncadd.s32 $0xFFFFFE00  }
0x246: {  	_ =	swait.ge [sflag:s30], $0x200  }
0x247: {  	[sflag:s30] =	ssyncset.done $0x0  }
0x248: {  	s8 =	simm.s32 $0x0;
	[sflag:s30] =	ssyncadd.s32 $0xFFFFFE00  }
0x249: {  	v0 =	vld [tilespmem:s8+$0x5200]  }
0x24a: {  	v1 =	vld [tilespmem:s8+$0x5000]  }
0x24b: {  	v2 =	vld [tilespmem:s8+$0xB400]  }
0x24c: {  	v3 =	vld [tilespmem:s8+$0xC800]  }
0x24d: {  	v55 =	vld [tilespmem:s8+$0xB600]  }
0x24e: {  	v56 =	vld [tilespmem:s8+$0x5400]  }
0x24f: {  	vm6 =	veq.s32 v1, $0x0;
	v1 =	vld [tilespmem:s8+$0xB800]  }
0x250: {  	v57 =	vld [tilespmem:s8+$0x5600];
	v2 =	vsel vm6, $0x0, v2  }
0x251: {  	vm7 =	veq.s32 v0, $0x0;
	v0 =	vld [tilespmem:s8+$0xBA00];
	v2 =	vadd.f32 v2, v3  }
0x252: {  	v58 =	vld [tilespmem:s8+$0x5800];
	v3 =	vsel vm7, $0x0, v55  }
0x253: {  	vm8 =	veq.s32 v56, $0x0;
	v2 =	vadd.f32 v3, v2;
	v3 =	vld [tilespmem:s8+$0xBC00]  }
0x254: {  	v59 =	vld [tilespmem:s8+$0x5A00];
	v1 =	vsel vm8, $0x0, v1  }
0x255: {  	vm9 =	veq.s32 v57, $0x0;
	v1 =	vadd.f32 v1, v2;
	v2 =	vld [tilespmem:s8+$0xBE00]  }
0x256: {  	v60 =	vld [tilespmem:s8+$0x5C00];
	v0 =	vsel vm9, $0x0, v0  }
0x257: {  	vm10 =	veq.s32 v58, $0x0;
	v0 =	vadd.f32 v0, v1;
	v1 =	vld [tilespmem:s8+$0xC000]  }
0x258: {  	v61 =	vld [tilespmem:s8+$0x5E00];
	v3 =	vsel vm10, $0x0, v3  }
0x259: {  	vm11 =	veq.s32 v59, $0x0;
	v0 =	vadd.f32 v3, v0;
	v3 =	vld [tilespmem:s8+$0xC200]  }
0x25a: {  	v62 =	vld [tilespmem:s8+$0x6000];
	v2 =	vsel vm11, $0x0, v2  }
0x25b: {  	vm12 =	veq.s32 v60, $0x0;
	v0 =	vadd.f32 v2, v0;
	v2 =	vld [tilespmem:s8+$0xC400]  }
0x25c: {  	v63 =	vld [tilespmem:s8+$0x6200];
	v1 =	vsel vm12, $0x0, v1  }
0x25d: {  	vm13 =	veq.s32 v61, $0x0;
	v0 =	vadd.f32 v1, v0;
	v1 =	vld [tilespmem:s8+$0xC600]  }
0x25e: {  	v3 =	vsel vm13, $0x0, v3  }
0x25f: {  	vm14 =	veq.s32 v62, $0x0;
	v0 =	vadd.f32 v3, v0  }
0x260: {  	v2 =	vsel vm14, $0x0, v2  }
0x261: {  	vm15 =	veq.s32 v63, $0x0;
	v2 =	vadd.f32 v2, v0  }
0x262: {  	s13 =	simm.s32 $0x10;
	v1 =	vsel vm15, $0x0, v1  }
0x263: {  	s12 =	simm.s32 $0x80;
	v0 =	vld [tilespmem:s13+$0x5200];
	v1 =	vadd.f32 v1, v2  }
.LBB2_10:
0x264: {  	p1 =	sne.s32 s12, $0x7C0;
	v2 =	vld [tilespmem:s13+$0x5000]  }
0x265: {  	v3 =	vld [tilespmem:s13+$0xB400];
	[tilespmem:s8+$0xC800] =	vst v1;
	s8 =	smov.u32 s13  }
0x266: {  	v1 =	vld [tilespmem:s8+$0xC800]  }
0x267: {  	v4 =	vld [tilespmem:s8+$0xB600]  }
0x268: {  	v5 =	vld [tilespmem:s8+$0x5400]  }
0x269: {  	vm0 =	veq.s32 v2, $0x0;
	v2 =	vld [tilespmem:s8+$0xB800]  }
0x26a: {  	v3 =	vsel vm0, $0x0, v3;
	v6 =	vld [tilespmem:s8+$0x5600]  }
0x26b: {  	vm0 =	veq.s32 v0, $0x0;
	v1 =	vadd.f32 v3, v1;
	v0 =	vld [tilespmem:s8+$0xBA00]  }
0x26c: {  	v3 =	vsel vm0, $0x0, v4;
	v4 =	vld [tilespmem:s8+$0x5800]  }
0x26d: {  	v1 =	vadd.f32 v3, v1;
	vm0 =	veq.s32 v5, $0x0;
	v3 =	vld [tilespmem:s8+$0xBC00]  }
0x26e: {  	v2 =	vsel vm0, $0x0, v2;
	v5 =	vld [tilespmem:s8+$0x5A00]  }
0x26f: {  	v1 =	vadd.f32 v2, v1;
	vm0 =	veq.s32 v6, $0x0;
	v2 =	vld [tilespmem:s8+$0xBE00]  }
0x270: {  	v0 =	vsel vm0, $0x0, v0;
	v6 =	vld [tilespmem:s8+$0x5C00]  }
0x271: {  	v0 =	vadd.f32 v0, v1;
	vm0 =	veq.s32 v4, $0x0;
	v1 =	vld [tilespmem:s8+$0xC000]  }
0x272: {  	v3 =	vsel vm0, $0x0, v3;
	v4 =	vld [tilespmem:s8+$0x5E00]  }
0x273: {  	v0 =	vadd.f32 v3, v0;
	vm0 =	veq.s32 v5, $0x0;
	v3 =	vld [tilespmem:s8+$0xC200]  }
0x274: {  	v2 =	vsel vm0, $0x0, v2;
	v5 =	vld [tilespmem:s8+$0x6000]  }
0x275: {  	v0 =	vadd.f32 v2, v0;
	vm0 =	veq.s32 v6, $0x0;
	v2 =	vld [tilespmem:s8+$0xC400]  }
0x276: {  	v1 =	vsel vm0, $0x0, v1;
	v6 =	vld [tilespmem:s8+$0x6200]  }
0x277: {  	v0 =	vadd.f32 v1, v0;
	vm0 =	veq.s32 v4, $0x0;
	v1 =	vld [tilespmem:s8+$0xC600]  }
0x278: {  	v3 =	vsel vm0, $0x0, v3  }
.Ltmp4:
0x279: {  	v0 =	vadd.f32 v3, v0;
	vm0 =	veq.s32 v5, $0x0;
	(pc) =	sbr.rel @p1 .LBB2_10-.Ltmp4, $4  }
0x27a: {  	v2 =	vsel vm0, $0x0, v2  }
0x27b: {  	v2 =	vadd.f32 v2, v0;
	vm0 =	veq.s32 v6, $0x0  }
0x27c: {  	s13 =	sshra.s32 s12, $0x2;
	v1 =	vsel vm0, $0x0, v1  }
0x27d: {  	s12 =	sadd.s32 $0x40, s12;
	v0 =	vld [tilespmem:s13+$0x5200];
	v1 =	vadd.f32 v1, v2  }
0x27e: {  	v2 =	vld [tilespmem:s13+$0x5000]  }
0x27f: {  	v3 =	vld [tilespmem:s13+$0xB400];
	[tilespmem:s8+$0xC800] =	vst v1  }
0x280: {  	v1 =	vld [tilespmem:s13+$0xC800]  }
0x281: {  	v4 =	vld [tilespmem:s13+$0xB600]  }
0x282: {  	v5 =	vld [tilespmem:s13+$0x5400]  }
0x283: {  	v49 =	vld [tilespmem:s13+$0xB800];
	vm0 =	veq.s32 v2, $0x0  }
0x284: {  	v6 =	vld [tilespmem:s13+$0x5600];
	v3 =	vsel vm0, $0x0, v3  }
0x285: {  	v50 =	vld [tilespmem:s13+$0xBA00];
	vm7 =	veq.s32 v0, $0x0;
	v1 =	vadd.f32 v3, v1  }
0x286: {  	v52 =	vld [tilespmem:s13+$0x5800];
	v51 =	vsel vm7, $0x0, v4  }
0x287: {  	v53 =	vld [tilespmem:s13+$0xBC00];
	vm8 =	veq.s32 v5, $0x0;
	v1 =	vadd.f32 v51, v1  }
0x288: {  	v54 =	vld [tilespmem:s13+$0x5A00];
	v2 =	vsel vm8, $0x0, v49  }
0x289: {  	v55 =	vld [tilespmem:s13+$0xBE00];
	vm9 =	veq.s32 v6, $0x0;
	v1 =	vadd.f32 v2, v1  }
0x28a: {  	v56 =	vld [tilespmem:s13+$0x5C00];
	v0 =	vsel vm9, $0x0, v50  }
0x28b: {  	v57 =	vld [tilespmem:s13+$0xC000];
	vm10 =	veq.s32 v52, $0x0;
	v0 =	vadd.f32 v0, v1  }
0x28c: {  	v58 =	vld [tilespmem:s13+$0x5E00];
	v3 =	vsel vm10, $0x0, v53  }
0x28d: {  	v59 =	vld [tilespmem:s13+$0xC200];
	vm11 =	veq.s32 v54, $0x0;
	v0 =	vadd.f32 v3, v0  }
0x28e: {  	v60 =	vld [tilespmem:s13+$0x6000];
	v2 =	vsel vm11, $0x0, v55  }
0x28f: {  	v61 =	vld [tilespmem:s13+$0xC400];
	vm12 =	veq.s32 v56, $0x0;
	v0 =	vadd.f32 v2, v0  }
0x290: {  	v62 =	vld [tilespmem:s13+$0x6200];
	v1 =	vsel vm12, $0x0, v57  }
0x291: {  	v63 =	vld [tilespmem:s13+$0xC600];
	vm13 =	veq.s32 v58, $0x0;
	v0 =	vadd.f32 v1, v0  }
0x292: {  	v3 =	vsel vm13, $0x0, v59  }
0x293: {  	vm14 =	veq.s32 v60, $0x0;
	v0 =	vadd.f32 v3, v0  }
0x294: {  	v2 =	vsel vm14, $0x0, v61  }
0x295: {  	vm15 =	veq.s32 v62, $0x0;
	v0 =	vadd.f32 v2, v0  }
0x296: {  	v1 =	vsel vm15, $0x0, v63  }
0x297: {  	s0 =	sadd.s32 $0x1, s0;
	v0 =	vadd.f32 v1, v0  }
0x298: {  	p1 =	sne.s32 s0, s6  }
.Ltmp5:
0x299: {  	[tilespmem:s13+$0xC800] =	vst v0;
	(pc) =	sbr.rel @p1 .LBB2_1-.Ltmp5, $4  }
0x29a: {  	[hbm4b:s5+s2] =	stream.linear.scatter [tilespmem:s31], [sflag:$0x6], $0x200, $0x38;
	[tilespmem:$0xE270] =	vst v63  }
0x29b: {  	_ =	swait.ge [sflag:s10], $0x200  }
0x29c: {  	[sflag:s10] =	ssyncset.done $0x0  }
0x29d: {  	[sflag:s10] =	ssyncadd.s32 $0xFFFFFE00  }
0x29e: {  	_ =	sfence.sel $0x180000  }
0x29f: {  	[bflag:$0x0] =	sbarrier.arrive $0xFFFF  }
0x2a0: {  	_ =	strace $0x90000047  }
0x2a1: {  	[bflag:$0x2] =	sbarrier.arrive $0xFFFF  }
0x2a2: {  	s0 =	rddreg [dreg:$0x2]  }
0x2a3: {  	s0 =	sadd.s32 @!p0 $0x100000, s0  }
0x2a4: {  	[sflag:s0] =	ssyncadd.tile.s32 @!p0 $0x1;
	_ =	shalt  }
.Lfunc_end2:
_tile_overlayer_lowered:
.L_overlay_start_2:
0x2a5: {  	(tag) =	ssettag $0x2  }
0x2a6: {  	s0 =	rddreg [dreg:$0x0];
	s2 =	stileid.u32  }
0x2a7: {  	s1 =	rddreg [dreg:$0x1];
	p0 =	sne.s32 s2, $0x0  }
0x2a8: {  	s3 =	rddreg [dreg:$0x2];
	[bflag:$0x3] =	sbarrier.arrive $0xFFFF;
	s2 =	simm.s32 @!p0 $0x1C06  }
0x2a9: {  	[timem:s3], [sflag:s2] =	dma.local @!p0 [hbm:s0], s1  }
0x2aa: {  	s0 =	simm.s32 @!p0 $0x6  }
0x2ab: {  	_ =	swait.ge @!p0 [sflag:s0], s1  }
0x2ac: {  	s1 =	ssub.s32 @!p0 $0x0, s1;
	[sflag:s0] =	ssyncset.done @!p0 $0x0  }
0x2ad: {  	[sflag:s0] =	ssyncadd.s32 @!p0 s1  }
0x2ae: {  	[bflag:$0x3] =	sbarrier.arrive $0xFFFF  }
0x2af: {  	_ =	shalt  }

// kernel: kernel.8.cloned.1.call-start
scs
__scs_entry_jumppad:
0x0: {  	(pc) =	sbr.rel $0x88, $3  }
0x1: {  	(tag) =	ssettag $0x0;
	lr =	simm.s32 $0x1  }
0x2: {  	[smem:$0x3F9A] =	sst lr;
	_ =	strace $0xD0000000  }
0x3: {  	_ = 	snop  }
0x4: {  	_ = 	snop  }
0x5: {  	_ = 	snop  }
0x6: {  	_ = 	snop  }
0x7: {  	_ = 	snop  }
__scs_overlays_trampoline_lowered:
0x8: {  	[smem:$0x3FA9] =	sst s0  }
0x9: {  	[smem:$0x3FAA] =	sst s1  }
0xa: {  	[smem:$0x3FAB] =	sst s2  }
0xb: {  	[smem:$0x3FAC] =	sst s3  }
0xc: {  	[smem:$0x3FAD] =	sst s4  }
0xd: {  	[smem:$0x3FAE] =	sst s5  }
0xe: {  	[smem:$0x3FAF] =	sst s6  }
0xf: {  	[smem:$0x3FB0] =	sst s7  }
0x10: {  	[smem:$0x3FB1] =	sst s8  }
0x11: {  	[smem:$0x3FB2] =	sst s9;
	s0 =	simm.s32 @!p0 $0x0  }
0x12: {  	s1 =	sld [smem:$0x3F98];
	s0 =	simm.s32 @p0 $0x1  }
0x13: {  	[smem:$0x3FB3] =	sst s0;
	s0 =	simm.s32 @!p1 $0x0  }
0x14: {  	s2 =	sld [smem:$0x3F97];
	s0 =	simm.s32 @p1 $0x1  }
0x15: {  	[smem:$0x3FB4] =	sst s0;
	s0 =	simm.s32 @!p2 $0x0  }
0x16: {  	s3 =	sld [smem:$0x3FDB];
	s0 =	simm.s32 @p2 $0x1  }
0x17: {  	s4 =	simm.s32 $0x1BF5;
	[smem:$0x3FB6] =	sst s0  }
0x18: {  	s0 =	sld [smem:$0x3F99];
	_ =	swait.ge [sflag:s4], $0x0  }
0x19: {  	s7 =	sld [smem:$0x3F9A]  }
0x1a: {  	s8 =	sadd.s32 $0xFFFFE003, lr  }
0x1b: {  	s9 =	sadd.s32 $0xFFFFFEF7, lr;
	s5 =	simm.s32 $0xFFFFFFFF;
	p2 =	slt.u32 s8, $0xFFFFF086  }
0x1c: {  	p1 =	slt.u32 s9, $0xF7A;
	s5 =	simm.s32 @!p2 $0x0  }
0x1d: {  	s5 =	simm.s32 @p1 $0x1;
	p0 =	seq.s32 s7, s2  }
0x1e: {  	s7 =	smul.u32 @!p0 $0xF7A, s2;
	p2 =	seq.s32 @!p0 s5, $0x0  }
0x1f: {  	s9 =	smul.u32 $0xF7A, s1;
	s8 =	simm.s32 @!p0 $0x1BF5;
	p2 =	por !p2, p0  }
0x20: {  	[sflag:s8] =	ssyncset.s32 @!p0 $0xFFFFF086;
	s6 =	sadd.s32 @!p0 s3, s7;
	s7 =	simm.s32 @!p0 $0x108  }
0x21: {  	s3 =	sadd.s32 s3, s9;
	s6 =	sadd.s32 @!p0 $0x88, s6;
	s7 =	simm.s32 @p2 $0x1082  }
0x22: {  	[simem:s7], [sflag:s8] =	dma.local @!p0 [hbm:s6], $0xF7A  }
0x23: {  	s9 =	sor.u32 $0xD0000000, s2;
	s6 =	simm.s32 $0x108;
	_ =	swait.ge @!p0 [sflag:s8], $0x0  }
0x24: {  	s3 =	sadd.s32 $0x88, s3;
	s6 =	simm.s32 @!p1 $0x1082;
	[sflag:s4] =	ssyncset.s32 $0xFFFFF086  }
0x25: {  	[simem:s6], [sflag:s4] =	dma.local [hbm:s3], $0xF7A  }
0x26: {  	[smem:$0x3F9A] =	sst s1;
	(tag) =	ssettag s2;
	_ =	strace s9  }
0x27: {  	s1 =	sld [smem:$0x3FAA]  }
0x28: {  	s2 =	sld [smem:$0x3FAB]  }
0x29: {  	s4 =	sld [smem:$0x3FAD]  }
0x2a: {  	p0 =	seq.s32 s5, $0x0;
	s5 =	sld [smem:$0x3FAE]  }
0x2b: {  	s6 =	sld [smem:$0x3FAF]  }
0x2c: {  	s7 =	sld [smem:$0x3FB0]  }
0x2d: {  	s3 =	simm.s32 $0x108;
	s8 =	sld [smem:$0x3FB1]  }
0x2e: {  	s3 =	simm.s32 @!p0 $0x1082;
	s9 =	sld [smem:$0x3FB2]  }
0x2f: {  	lr =	sadd.s32 s0, s3;
	s0 =	sld [smem:$0x3FA9]  }
0x30: {  	s3 =	sld [smem:$0x3FAC]  }
0x31: {  	[smem:$0x3FB5] =	sst s10  }
0x32: {  	s10 =	sld [smem:$0x3FB3];
	_ =	sdelay $0x3  }
0x33: {  	p0 =	seq.s32 s10, $0x1;
	s10 =	sld [smem:$0x3FB5];
	_ =	sdelay $0x3  }
0x34: {  	[smem:$0x3FB5] =	sst s10  }
0x35: {  	s10 =	sld [smem:$0x3FB4];
	_ =	sdelay $0x3  }
0x36: {  	p1 =	seq.s32 s10, $0x1;
	s10 =	sld [smem:$0x3FB5];
	_ =	sdelay $0x3  }
0x37: {  	[smem:$0x3FB5] =	sst s10  }
0x38: {  	s10 =	sld [smem:$0x3FB6]  }
0x39: {  	_ = 	snop;
	(pc) =	sbr.ind lr, $3  }
0x3a: {  	_ = 	snop  }
0x3b: {  	_ = 	snop  }
0x3c: {  	p2 =	seq.s32 s10, $0x1;
	s10 =	sld [smem:$0x3FB5]  }
0x3d: {  	_ =	shalt  }
0x3e: {  	_ =	shalt  }
0x3f: {  	_ =	shalt  }
0x40: {  	_ =	shalt  }
0x41: {  	_ =	shalt  }
0x42: {  	_ =	shalt  }
0x43: {  	_ =	shalt  }
0x44: {  	_ =	shalt  }
0x45: {  	_ =	shalt  }
0x46: {  	_ =	shalt  }
0x47: {  	_ =	shalt  }
0x48: {  	_ =	shalt  }
0x49: {  	_ =	shalt  }
0x4a: {  	_ =	shalt  }
0x4b: {  	_ =	shalt  }
0x4c: {  	_ =	shalt  }
0x4d: {  	_ =	shalt  }
0x4e: {  	_ =	shalt  }
0x4f: {  	_ =	shalt  }
0x50: {  	_ =	shalt  }
0x51: {  	_ =	shalt  }
0x52: {  	_ =	shalt  }
0x53: {  	_ =	shalt  }
0x54: {  	_ =	shalt  }
0x55: {  	_ =	shalt  }
0x56: {  	_ =	shalt  }
0x57: {  	_ =	shalt  }
0x58: {  	_ =	shalt  }
0x59: {  	_ =	shalt  }
0x5a: {  	_ =	shalt  }
0x5b: {  	_ =	shalt  }
0x5c: {  	_ =	shalt  }
0x5d: {  	_ =	shalt  }
0x5e: {  	_ =	shalt  }
0x5f: {  	_ =	shalt  }
0x60: {  	_ =	shalt  }
0x61: {  	_ =	shalt  }
0x62: {  	_ =	shalt  }
0x63: {  	_ =	shalt  }
0x64: {  	_ =	shalt  }
0x65: {  	_ =	shalt  }
0x66: {  	_ =	shalt  }
0x67: {  	_ =	shalt  }
0x68: {  	_ =	shalt  }
0x69: {  	_ =	shalt  }
0x6a: {  	_ =	shalt  }
0x6b: {  	_ =	shalt  }
0x6c: {  	_ =	shalt  }
0x6d: {  	_ =	shalt  }
0x6e: {  	_ =	shalt  }
0x6f: {  	_ =	shalt  }
0x70: {  	_ =	shalt  }
0x71: {  	_ =	shalt  }
0x72: {  	_ =	shalt  }
0x73: {  	_ =	shalt  }
0x74: {  	_ =	shalt  }
0x75: {  	_ =	shalt  }
0x76: {  	_ =	shalt  }
0x77: {  	_ =	shalt  }
0x78: {  	_ =	shalt  }
0x79: {  	_ =	shalt  }
0x7a: {  	_ =	shalt  }
0x7b: {  	_ =	shalt  }
0x7c: {  	_ =	shalt  }
0x7d: {  	_ =	shalt  }
0x7e: {  	_ =	shalt  }
0x7f: {  	_ =	shalt  }
0x80: {  	_ =	shalt  }
0x81: {  	_ =	shalt  }
0x82: {  	_ =	shalt  }
0x83: {  	_ =	shalt  }
0x84: {  	_ =	shalt  }
0x85: {  	_ =	shalt  }
0x86: {  	_ =	shalt  }
0x87: {  	_ =	shalt  }
.Lfunc_end0:
.L_simem_size_0:
called_computation.1_lowered:
.L_overlay_start_0:
0x88: {  	s2 =	sld [smem:$0x3FD9]  }
0x89: {  	s3 =	sld [smem:$0x3FFE];
	_ =	sdelay $0x1  }
0x8a: {  	s1 =	srdreg.scid  }
0x8b: {  	s0 =	sand.u32 $0x1, s1  }
0x8c: {  	s17 =	sshll.u32 s0, $0xA;
	s2 =	sadd.s32 s3, s2  }
0x8d: {  	s2 =	sadd.s32 s2, s17  }
0x8e: {  	[smem:$0x3FC1] =	sst s2  }
0x8f: {  	_ = 	snop  }
0x90: {  	s18 =	sld [smem:$0x3FD0];
	(tm) =	ssettm $0x1  }
0x91: {  	s19 =	sld [smem:$0x3FFB];
	_ =	sdelay $0x3  }
0x92: {  	_ =	strace s19  }
0x93: {  	s2 =	sld [smem:$0x3FFC];
	_ =	sdelay $0x3  }
0x94: {  	_ =	strace s2  }
0x95: {  	s2 =	sld [smem:$0x3FFD];
	_ =	sdelay $0x3  }
0x96: {  	_ =	strace s2  }
0x97: {  	_ =	strace $0x8FFFFFFF  }
0x98: {  	s20 =	sld [smem:$0x3FDB];
	_ =	sdelay $0x1  }
0x99: {  	s4 =	simm.s32 $_scs_section_size  }
0x9a: {  	s5 =	simm.s32 $_size__tile_overlayer_lowered;
	s6 =	simm.s32 $_tile_overlayer_lowered  }
0x9b: {  	s7 =	simm.s32 $0x1BFF;
	s21 =	sshll.u32 s6, $0x1;
	s4 =	sadd.s32 s4, s20  }
0x9c: {  	s22 =	simm.s32 $0x0;
	s5 =	sshll.u32 s5, $0x1;
	s6 =	sadd.s32 s21, s4  }
0x9d: {  	[timem:s22], [sflag:s7] =	dma.local [hbm:s6], s5  }
0x9e: {  	_ =	swait.ge [sflag:s7], s5  }
0x9f: {  	s5 =	ssub.s32 $0x0, s5;
	[sflag:s7] =	ssyncset.done $0x0  }
0xa0: {  	[sflag:s7] =	ssyncadd.s32 s5;
	_ =	sdelay $0x1  }
0xa1: {  	s23 =	simm.s32 $0x1B8B  }
0xa2: {  	_ =	swait.ge [sflag:s23], $0x1  }
0xa3: {  	[sflag:s23] =	ssyncset.done $0x0  }
0xa4: {  	[sflag:s23] =	ssyncadd.s32 $0xFFFFFFFF  }
0xa5: {  	s5 =	sld [smem:$0x0]  }
0xa6: {  	s6 =	sand.u32 $0xFFFFFFFE, s1  }
0xa7: {  	p0 =	sne.s32 s1, s6  }
0xa8: {  	s6 =	sshll.u32 @p0 s6, $0xE  }
0xa9: {  	s6 =	sadd.s32 @p0 $0x11B8D, s6;
	s7 =	sshll.u32 @p0 s5, $0x11  }
0xaa: {  	s6 =	sor.u32 @p0 s7, s6  }
0xab: {  	[sflag:s6] =	ssyncadd.remote.s32 @p0 $0x1;
	_ =	sdelay $0x1  }
0xac: {  	s6 =	simm.s32 @p0 $0x1B8D  }
0xad: {  	_ =	swait.eq @p0 [sflag:s6], $0x1  }
0xae: {  	[sflag:s6] =	ssyncadd.s32 @p0 $0xFFFFFFFF  }
0xaf: {  	s7 =	sshll.u32 @!p0 s1, $0xE  }
0xb0: {  	s7 =	sor.u32 @!p0 $0x4000, s7;
	s6 =	simm.s32 @!p0 $0x1B8D  }
0xb1: {  	s5 =	sshll.u32 @!p0 s5, $0x11;
	s7 =	sadd.s32 @!p0 $0x11B8D, s7;
	_ =	swait.eq @!p0 [sflag:s6], $0x1  }
0xb2: {  	s5 =	sor.u32 @!p0 s5, s7;
	[sflag:s6] =	ssyncadd.s32 @!p0 $0xFFFFFFFF  }
0xb3: {  	s25 =	simm.s32 $0x1B8E;
	s24 =	sld [smem:$0x3FFE];
	[sflag:s5] =	ssyncadd.remote.s32 @!p0 $0x1  }
0xb4: {  	s26 =	simm.s32 $execute0_lowered;
	[smem:$0x3FD2] =	sst s25  }
0xb5: {  	s6 =	sshll.u32 s26, $0x1;
	_ =	strace $0x80000049;
	[dreg:$0x1] =	wrdreg $0xFFFFFFFF  }
0xb6: {  	s28 =	simm.s32 $_size_execute0_lowered;
	s4 =	sadd.s32 s4, s6;
	[dreg:$0x0] =	wrdreg $0x0  }
0xb7: {  	s6 =	sshll.u32 s28, $0x1;
	[dreg:$0x2] =	wrdreg s4  }
0xb8: {  	[dreg:$0x3] =	wrdreg s6  }
0xb9: {  	[dreg:$0x4] =	wrdreg $0xC0  }
0xba: {  	_ =	task [dreg:s22], $0x5FFFF  }
0xbb: {  	[dreg:$0x1] =	wrdreg $0xFFFFFFFF  }
0xbc: {  	[dreg:$0x0] =	wrdreg $0x60  }
0xbd: {  	[dreg:$0x2] =	wrdreg s24  }
0xbe: {  	[dreg:$0x3] =	wrdreg s18  }
0xbf: {  	[dreg:$0x4] =	wrdreg $0xA  }
0xc0: {  	_ =	task.clear_ibuf [dreg:s22], $0x5FFFF;
	_ =	strace $0x90000049  }
0xc1: {  	s29 =	simm.s32 $0xA;
	_ =	strace $0x8000004B  }
0xc2: {  	_ =	swait.ge [sflag:s29], $0x1  }
0xc3: {  	[sflag:s29] =	ssyncadd.s32 $0xFFFFFFFF  }
0xc4: {  	_ =	strace $0x9000004B  }
0xc5: {  	_ =	sfence  }
0xc6: {  	s30 =	sld [smem:$0x0];
	_ =	sdelay $0x2  }
0xc7: {  	s31 =	sshll.u32 s1, $0xD;
	s1 =	sshrl.u32 s1, $0x2  }
0xc8: {  	s4 =	sand.u32 $0x4000, s31;
	s1 =	sadd.s32 s1, s30  }
0xc9: {  	s0 =	sor.u32 s4, s0;
	s1 =	sshll.u32 s1, $0x11  }
0xca: {  	s0 =	sor.u32 s1, s0  }
0xcb: {  	s0 =	sadd.s32 $0x8F2B, s0  }
0xcc: {  	[sflag:s0] =	ssyncadd.remote.s32 $0x1  }
0xcd: {  	_ =	sfence.sel $0xFFFF  }
0xce: {  	[dreg:$0x0] =	wrdreg $0xFFFFFFFF;
	(pc) =	sbr.abs _section_cstart, $3  }
0xcf: {  	[dreg:$0x1] =	wrdreg $0xFFFFFFFF  }
0xd0: {  	_ =	task.clear_ibuf [dreg:s22], $0x2FFFF;
	_ =	strace $0x9FFFFFFF  }
0xd1: {  	(tm) =	ssettm $0x7FFFFFFF  }
tec
execute0_lowered:
.L_overlay_start_1:
0x0: {  	(tag) =	ssettag $0x1  }
0x1: {  	s0 =	srdreg.scid  }
0x2: {  	s2 =	stileid.u32;
	s18 =	rddreg [dreg:$0x0];
	s22 =	simm.s32 $0x80  }
0x3: {  	s23 =	simm.s32 $0x400;
	s24 =	simm.s32 $0x3;
	s25 =	simm.s32 $0x200  }
0x4: {  	s28 =	simm.s32 $0x1;
	s29 =	simm.s32 $0x2;
	s30 =	simm.s32 $0x3400  }
0x5: {  	s31 =	simm.s32 $0x0;
	s0 =	sand.u32 $0x1, s0;
	s1 =	sshll.u32 s2, $0x1  }
0x6: {  	s2 =	sshrl.u32 s2, $0x2;
	s26 =	sadd.s32 $0x55C00, s18;
	s5 =	sadd.s32 $0x52A00, s18  }
0x7: {  	s6 =	sadd.s32 $0x4F800, s18;
	s7 =	sadd.s32 $0x4C600, s18;
	s8 =	sadd.s32 $0x49400, s18  }
0x8: {  	s9 =	sadd.s32 $0x46200, s18;
	s10 =	sadd.s32 $0x43000, s18;
	s11 =	sadd.s32 $0x3FE00, s18  }
0x9: {  	s12 =	sadd.s32 $0x3CC00, s18;
	s13 =	sadd.s32 $0x39A00, s18;
	s15 =	sadd.s32 $0x33600, s18  }
0xa: {  	s16 =	sadd.s32 $0x30400, s18;
	s17 =	sadd.s32 $0x6BA00, s18;
	s4 =	smul.u32 $0x1A000, s2  }
0xb: {  	s1 =	sor.u32 s0, s1;
	s2 =	smul.u32 $0xD000, s2;
	s0 =	ssub.s32 $0x2, s0  }
0xc: {  	s3 =	sshll.u32 s1, $0x7;
	s1 =	sshll.u32 s1, $0x6;
	s20 =	sshrl.u32 s0, $0x1  }
0xd: {  	s14 =	sand.u32 $0x380, s3;
	s3 =	simm.s32 $0x0;
	s1 =	sadd.s32 s1, s18  }
0xe: {  	s0 =	ssub.s32 s0, s20;
	s4 =	sor.u32 s4, s14;
	[smem:$0x7FF] =	sst s3  }
0xf: {  	s2 =	sor.u32 s2, s14;
	s14 =	sadd.s32 $0x36800, s18;
	s20 =	sadd.s32 $0x6BC00, s1  }
0x10: {  	s21 =	smax.u32 s0, $0x1;
	s4 =	sshrl.u32 s4, $0x3;
	s2 =	sshrl.u32 s2, $0x3  }
0x11: {  	_ =	strace $0x8000004A;
	s19 =	sadd.s32 s4, s18;
	s2 =	sadd.s32 s2, s18  }
0x12: {  	[dreg:$0x3] =	wrdreg s26;
	s18 =	sadd.s32 $0x23400, s19;
	s19 =	sadd.s32 $0x1CC00, s2  }
.LBB2_1:
0x13: {  	[tilespmem:s3], [sflag:$0x3] =	stream.strided.gather [hbm4b:s18+s22], $0x1A00, s23, s22, $0x38;
	[tilespmem:$0x5180] =	vst v63  }
0x14: {  	_ =	swait.ge [sflag:s24], $0x1A00  }
0x15: {  	[sflag:s24] =	ssyncset.done $0x0  }
0x16: {  	s1 =	simm.s32 $0x1A00;
	s0 =	rddreg [dreg:$0x3];
	[sflag:s24] =	ssyncadd.s32 $0xFFFFE600  }
0x17: {  	[tilespmem:s1], [sflag:$0x1] =	stream.indirect.gather [hbm4b:s0+s25], $0x1, s3, s25, $0xb8;
	[tilespmem:$0x5180] =	vst v63  }
0x18: {  	s1 =	simm.s32 $0x1C00  }
0x19: {  	[tilespmem:s1], [sflag:$0x1] =	stream.indirect.gather [hbm4b:s5+s25], $0x1, s25, s25, $0xb8;
	[tilespmem:$0x5180] =	vst v63  }
0x1a: {  	s2 =	simm.s32 $0x1E00  }
0x1b: {  	[tilespmem:s2], [sflag:$0x1] =	stream.indirect.gather [hbm4b:s6+s25], $0x1, s23, s25, $0xb8;
	[tilespmem:$0x5180] =	vst v63  }
0x1c: {  	s4 =	simm.s32 $0x600;
	s26 =	simm.s32 $0x2000  }
0x1d: {  	[tilespmem:s26], [sflag:$0x1] =	stream.indirect.gather [hbm4b:s7+s25], $0x1, s4, s25, $0xb8;
	[tilespmem:$0x5180] =	vst v63  }
0x1e: {  	s1 =	simm.s32 $0x800;
	s2 =	simm.s32 $0x2200  }
0x1f: {  	[tilespmem:s2], [sflag:$0x1] =	stream.indirect.gather [hbm4b:s8+s25], $0x1, s1, s25, $0xb8;
	[tilespmem:$0x5180] =	vst v63  }
0x20: {  	s4 =	simm.s32 $0xA00;
	s26 =	simm.s32 $0x2400  }
0x21: {  	[tilespmem:s26], [sflag:$0x1] =	stream.indirect.gather [hbm4b:s9+s25], $0x1, s4, s25, $0xb8;
	[tilespmem:$0x5180] =	vst v63  }
0x22: {  	s1 =	simm.s32 $0xC00;
	s2 =	simm.s32 $0x2600  }
0x23: {  	[tilespmem:s2], [sflag:$0x1] =	stream.indirect.gather [hbm4b:s10+s25], $0x1, s1, s25, $0xb8;
	[tilespmem:$0x5180] =	vst v63  }
0x24: {  	s4 =	simm.s32 $0xE00;
	s26 =	simm.s32 $0x2800  }
0x25: {  	[tilespmem:s26], [sflag:$0x2] =	stream.indirect.gather [hbm4b:s11+s25], $0x1, s4, s25, $0xb8;
	[tilespmem:$0x5180] =	vst v63  }
0x26: {  	s1 =	simm.s32 $0x1000;
	s2 =	simm.s32 $0x2A00  }
0x27: {  	[tilespmem:s2], [sflag:$0x2] =	stream.indirect.gather [hbm4b:s12+s25], $0x1, s1, s25, $0xb8;
	[tilespmem:$0x5180] =	vst v63  }
0x28: {  	s4 =	simm.s32 $0x1200;
	s26 =	simm.s32 $0x2C00  }
0x29: {  	[tilespmem:s26], [sflag:$0x2] =	stream.indirect.gather [hbm4b:s13+s25], $0x1, s4, s25, $0xb8;
	[tilespmem:$0x5180] =	vst v63  }
0x2a: {  	s1 =	simm.s32 $0x1400;
	s2 =	simm.s32 $0x2E00  }
0x2b: {  	[tilespmem:s2], [sflag:$0x2] =	stream.indirect.gather [hbm4b:s14+s25], $0x1, s1, s25, $0xb8;
	[tilespmem:$0x5180] =	vst v63  }
0x2c: {  	s4 =	simm.s32 $0x1600;
	s26 =	simm.s32 $0x3000  }
0x2d: {  	[tilespmem:s26], [sflag:$0x2] =	stream.indirect.gather [hbm4b:s15+s25], $0x1, s4, s25, $0xb8;
	[tilespmem:$0x5180] =	vst v63  }
0x2e: {  	s1 =	simm.s32 $0x1800;
	s2 =	simm.s32 $0x3200  }
0x2f: {  	[tilespmem:s2], [sflag:$0x2] =	stream.indirect.gather [hbm4b:s16+s25], $0x1, s1, s25, $0xb8;
	[tilespmem:$0x5180] =	vst v63  }
0x30: {  	s4 =	simm.s32 $0x3600  }
0x31: {  	[tilespmem:s4], [sflag:$0x3] =	stream.strided.gather [hbm4b:s19+s22], $0x1A00, s23, s22, $0x38;
	[tilespmem:$0x5180] =	vst v63  }
0x32: {  	_ =	swait.ge [sflag:s24], $0x1A00  }
0x33: {  	[sflag:s24] =	ssyncset.done $0x0  }
0x34: {  	[sflag:s24] =	ssyncadd.s32 $0xFFFFE600  }
0x35: {  	s2 =	simm.s32 $0x5000;
	s26 =	rddreg [dreg:$0x1]  }
0x36: {  	[tilespmem:s2], [sflag:$0x3] =	stream.linear.gather [hbm4b:s26+s3], $0x100, $0x38;
	[tilespmem:$0x5180] =	vst v63  }
0x37: {  	_ =	swait.ge [sflag:s24], $0x100  }
0x38: {  	[sflag:s24] =	ssyncset.done $0x0  }
0x39: {  	s2 =	simm.s32 $0x5100;
	[sflag:s24] =	ssyncadd.s32 $0xFFFFFF00  }
0x3a: {  	[tilespmem:s2], [sflag:$0x3] =	stream.linear.gather [hbm4b:s17+s3], $0x80, $0x38;
	[tilespmem:$0x5180] =	vst v63  }
0x3b: {  	_ =	swait.ge [sflag:s24], $0x80  }
0x3c: {  	[sflag:s24] =	ssyncset.done $0x0  }
0x3d: {  	[sflag:s24] =	ssyncadd.s32 $0xFFFFFF80  }
0x3e: {  	v0 =	vld [tilespmem:$0x5100]  }
0x3f: {  	v1 =	vld [tilespmem:s4+$0x0]  }
0x40: {  	v2 =	vld [tilespmem:$0x5000]  }
0x41: {  	s4 =	sand.u32 $0x1F0, s3;
	v4 =	vld [tilespmem:$0x5010]  }
0x42: {  	v3 =	vld [tilespmem:s4+$0x3800]  }
0x43: {  	v6 =	vld [tilespmem:$0x5020]  }
0x44: {  	v5 =	vld [tilespmem:s4+$0x3A00]  }
0x45: {  	v7 =	vld [tilespmem:$0x5030];
	v1 =	vmul.f32 v2, v1  }
0x46: {  	v2 =	vld [tilespmem:s4+$0x3C00]  }
0x47: {  	v52 =	vld [tilespmem:$0x5040];
	v0 =	vadd.f32 v1, v0;
	v1 =	vmul.f32 v4, v3  }
0x48: {  	v3 =	vld [tilespmem:s4+$0x3E00]  }
0x49: {  	v54 =	vld [tilespmem:$0x5050];
	v0 =	vadd.f32 v1, v0;
	v1 =	vmul.f32 v6, v5  }
0x4a: {  	v53 =	vld [tilespmem:s4+$0x4000]  }
0x4b: {  	v55 =	vld [tilespmem:$0x5060];
	v0 =	vadd.f32 v1, v0;
	v1 =	vmul.f32 v7, v2  }
0x4c: {  	v2 =	vld [tilespmem:s4+$0x4200]  }
0x4d: {  	v56 =	vld [tilespmem:$0x5070];
	v0 =	vadd.f32 v1, v0;
	v1 =	vmul.f32 v52, v3  }
0x4e: {  	v3 =	vld [tilespmem:s4+$0x4400]  }
0x4f: {  	v58 =	vld [tilespmem:$0x5080];
	v0 =	vadd.f32 v1, v0;
	v1 =	vmul.f32 v54, v53  }
0x50: {  	v57 =	vld [tilespmem:s4+$0x4600]  }
0x51: {  	v59 =	vld [tilespmem:$0x5090];
	v0 =	vadd.f32 v1, v0;
	v1 =	vmul.f32 v55, v2  }
0x52: {  	v2 =	vld [tilespmem:s4+$0x4800]  }
0x53: {  	v60 =	vld [tilespmem:$0x50A0];
	v0 =	vadd.f32 v1, v0;
	v1 =	vmul.f32 v56, v3  }
0x54: {  	v3 =	vld [tilespmem:s4+$0x4A00]  }
0x55: {  	v62 =	vld [tilespmem:$0x50B0];
	v0 =	vadd.f32 v1, v0;
	v1 =	vmul.f32 v58, v57  }
0x56: {  	v61 =	vld [tilespmem:s4+$0x4C00]  }
0x57: {  	v63 =	vld [tilespmem:$0x50C0];
	v0 =	vadd.f32 v1, v0;
	v1 =	vmul.f32 v59, v2  }
0x58: {  	v2 =	vld [tilespmem:s4+$0x4E00]  }
0x59: {  	v0 =	vadd.f32 v1, v0;
	v1 =	vmul.f32 v60, v3;
	_ =	sdelay $0x1  }
0x5a: {  	v0 =	vadd.f32 v1, v0;
	v1 =	vmul.f32 v62, v61;
	_ =	sdelay $0x1  }
0x5b: {  	v0 =	vadd.f32 v1, v0;
	v1 =	vmul.f32 v63, v2;
	_ =	sdelay $0x1  }
0x5c: {  	v0 =	vadd.f32 v1, v0;
	_ =	sdelay $0x1  }
0x5d: {  	[tilespmem:s30+$0x0] =	vst v0  }
0x5e: {  	s2 =	simm.s32 $0x3610;
	v0 =	vld [tilespmem:$0x5100]  }
0x5f: {  	s26 =	simm.s32 $0x10;
	v1 =	vld [tilespmem:s2+$0x0]  }
0x60: {  	s1 =	simm.s32 $0x3400;
	s0 =	sand.u32 $0x1F0, s26;
	s26 =	simm.s32 $0x20;
	v2 =	vld [tilespmem:$0x5000]  }
.LBB2_2:
0x61: {  	p0 =	sne.s32 s26, $0x1F0;
	v3 =	vld [tilespmem:s0+$0x3800]  }
0x62: {  	v4 =	vld [tilespmem:$0x5010]  }
0x63: {  	v5 =	vld [tilespmem:s0+$0x3A00]  }
0x64: {  	v6 =	vld [tilespmem:$0x5020]  }
0x65: {  	v1 =	vmul.f32 v2, v1;
	v2 =	vld [tilespmem:s0+$0x3C00]  }
0x66: {  	v7 =	vld [tilespmem:$0x5030]  }
0x67: {  	v0 =	vadd.f32 v1, v0;
	v1 =	vmul.f32 v4, v3;
	v3 =	vld [tilespmem:s0+$0x3E00]  }
0x68: {  	v4 =	vld [tilespmem:$0x5040]  }
0x69: {  	v0 =	vadd.f32 v1, v0;
	v1 =	vmul.f32 v6, v5;
	v5 =	vld [tilespmem:s0+$0x4000]  }
0x6a: {  	v6 =	vld [tilespmem:$0x5050]  }
0x6b: {  	v0 =	vadd.f32 v1, v0;
	v1 =	vmul.f32 v7, v2;
	v2 =	vld [tilespmem:s0+$0x4200]  }
0x6c: {  	v7 =	vld [tilespmem:$0x5060]  }
0x6d: {  	v0 =	vadd.f32 v1, v0;
	v1 =	vmul.f32 v4, v3;
	v3 =	vld [tilespmem:s0+$0x4400]  }
0x6e: {  	v4 =	vld [tilespmem:$0x5070]  }
0x6f: {  	v0 =	vadd.f32 v1, v0;
	v1 =	vmul.f32 v6, v5;
	v5 =	vld [tilespmem:s0+$0x4600]  }
0x70: {  	v6 =	vld [tilespmem:$0x5080]  }
0x71: {  	v0 =	vadd.f32 v1, v0;
	v1 =	vmul.f32 v7, v2;
	v2 =	vld [tilespmem:s0+$0x4800]  }
0x72: {  	v7 =	vld [tilespmem:$0x5090]  }
0x73: {  	v0 =	vadd.f32 v1, v0;
	v1 =	vmul.f32 v4, v3;
	v3 =	vld [tilespmem:s0+$0x4A00]  }
0x74: {  	v4 =	vld [tilespmem:$0x50A0]  }
0x75: {  	v0 =	vadd.f32 v1, v0;
	v1 =	vmul.f32 v6, v5;
	v5 =	vld [tilespmem:s0+$0x4C00]  }
0x76: {  	v6 =	vld [tilespmem:$0x50B0]  }
0x77: {  	v0 =	vadd.f32 v1, v0;
	v1 =	vmul.f32 v7, v2;
	v2 =	vld [tilespmem:s0+$0x4E00]  }
0x78: {  	v7 =	vld [tilespmem:$0x50C0]  }
0x79: {  	v0 =	vadd.f32 v1, v0;
	v1 =	vmul.f32 v4, v3;
	_ =	sdelay $0x1  }
0x7a: {  	v0 =	vadd.f32 v1, v0;
	v1 =	vmul.f32 v6, v5;
	_ =	sdelay $0x1  }
0x7b: {  	v0 =	vadd.f32 v1, v0;
	v1 =	vmul.f32 v7, v2;
	_ =	sdelay $0x1  }
0x7c: {  	v0 =	vadd.f32 v1, v0  }
.Ltmp0:
0x7d: {  	s1 =	sadd.s32 $0x10, s1;
	(pc) =	sbr.rel @p0 .LBB2_2-.Ltmp0, $4  }
0x7e: {  	[tilespmem:s1+$0x0] =	vst v0  }
0x7f: {  	s2 =	sadd.s32 $0x10, s2;
	v0 =	vld [tilespmem:$0x5100]  }
0x80: {  	v1 =	vld [tilespmem:s2+$0x0]  }
0x81: {  	s0 =	sand.u32 $0x1F0, s26;
	s26 =	sadd.s32 $0x10, s26;
	v2 =	vld [tilespmem:$0x5000]  }
0x82: {  	v3 =	vld [tilespmem:s0+$0x3800]  }
0x83: {  	v4 =	vld [tilespmem:$0x5010]  }
0x84: {  	v5 =	vld [tilespmem:s0+$0x3A00]  }
0x85: {  	v6 =	vld [tilespmem:$0x5020]  }
0x86: {  	v7 =	vld [tilespmem:$0x5030];
	v1 =	vmul.f32 v2, v1  }
0x87: {  	v2 =	vld [tilespmem:s0+$0x3C00]  }
0x88: {  	v52 =	vld [tilespmem:$0x5040];
	v0 =	vadd.f32 v1, v0;
	v1 =	vmul.f32 v4, v3  }
0x89: {  	v3 =	vld [tilespmem:s0+$0x3E00]  }
0x8a: {  	v53 =	vld [tilespmem:s0+$0x4000];
	v0 =	vadd.f32 v1, v0;
	v1 =	vmul.f32 v6, v5  }
0x8b: {  	v54 =	vld [tilespmem:$0x5050]  }
0x8c: {  	v55 =	vld [tilespmem:$0x5060];
	v0 =	vadd.f32 v1, v0;
	v1 =	vmul.f32 v7, v2  }
0x8d: {  	v2 =	vld [tilespmem:s0+$0x4200]  }
0x8e: {  	v56 =	vld [tilespmem:$0x5070];
	v0 =	vadd.f32 v1, v0;
	v1 =	vmul.f32 v52, v3  }
0x8f: {  	v3 =	vld [tilespmem:s0+$0x4400]  }
0x90: {  	v57 =	vld [tilespmem:s0+$0x4600];
	v0 =	vadd.f32 v1, v0;
	v1 =	vmul.f32 v54, v53  }
0x91: {  	v58 =	vld [tilespmem:$0x5080]  }
0x92: {  	v59 =	vld [tilespmem:$0x5090];
	v0 =	vadd.f32 v1, v0;
	v1 =	vmul.f32 v55, v2  }
0x93: {  	v2 =	vld [tilespmem:s0+$0x4800]  }
0x94: {  	v60 =	vld [tilespmem:$0x50A0];
	v0 =	vadd.f32 v1, v0;
	v1 =	vmul.f32 v56, v3  }
0x95: {  	v3 =	vld [tilespmem:s0+$0x4A00]  }
0x96: {  	v61 =	vld [tilespmem:s0+$0x4C00];
	v0 =	vadd.f32 v1, v0;
	v1 =	vmul.f32 v58, v57  }
0x97: {  	v62 =	vld [tilespmem:$0x50B0]  }
0x98: {  	v63 =	vld [tilespmem:$0x50C0];
	v0 =	vadd.f32 v1, v0;
	v1 =	vmul.f32 v59, v2  }
0x99: {  	v2 =	vld [tilespmem:s0+$0x4E00]  }
0x9a: {  	v0 =	vadd.f32 v1, v0;
	v1 =	vmul.f32 v60, v3;
	_ =	sdelay $0x1  }
0x9b: {  	v0 =	vadd.f32 v1, v0;
	v1 =	vmul.f32 v62, v61;
	_ =	sdelay $0x1  }
0x9c: {  	v0 =	vadd.f32 v1, v0;
	v1 =	vmul.f32 v63, v2;
	_ =	sdelay $0x1  }
0x9d: {  	v0 =	vadd.f32 v1, v0  }
0x9e: {  	s26 =	sadd.s32 $0x10, s1  }
0x9f: {  	[tilespmem:s26+$0x0] =	vst v0  }
0xa0: {  	_ =	swait.ge [sflag:s28], $0x200  }
0xa1: {  	[sflag:s28] =	ssyncset.done $0x0  }
0xa2: {  	[sflag:s28] =	ssyncadd.s32 $0xFFFFFE00  }
0xa3: {  	_ =	swait.ge [sflag:s28], $0x200  }
0xa4: {  	[sflag:s28] =	ssyncset.done $0x0  }
0xa5: {  	[sflag:s28] =	ssyncadd.s32 $0xFFFFFE00  }
0xa6: {  	_ =	swait.ge [sflag:s28], $0x200  }
0xa7: {  	[sflag:s28] =	ssyncset.done $0x0  }
0xa8: {  	[sflag:s28] =	ssyncadd.s32 $0xFFFFFE00  }
0xa9: {  	_ =	swait.ge [sflag:s28], $0x200  }
0xaa: {  	[sflag:s28] =	ssyncset.done $0x0  }
0xab: {  	[sflag:s28] =	ssyncadd.s32 $0xFFFFFE00  }
0xac: {  	_ =	swait.ge [sflag:s28], $0x200  }
0xad: {  	[sflag:s28] =	ssyncset.done $0x0  }
0xae: {  	[sflag:s28] =	ssyncadd.s32 $0xFFFFFE00  }
0xaf: {  	_ =	swait.ge [sflag:s28], $0x200  }
0xb0: {  	[sflag:s28] =	ssyncset.done $0x0  }
0xb1: {  	[sflag:s28] =	ssyncadd.s32 $0xFFFFFE00  }
0xb2: {  	_ =	swait.ge [sflag:s28], $0x200  }
0xb3: {  	[sflag:s28] =	ssyncset.done $0x0  }
0xb4: {  	s1 =	simm.s32 $0x1A00;
	[sflag:s28] =	ssyncadd.s32 $0xFFFFFE00  }
0xb5: {  	s0 =	simm.s32 $0x3400;
	v0 =	vld [tilespmem:s1+$0x0]  }
0xb6: {  	s2 =	simm.s32 $0x0;
	s26 =	simm.s32 $0x10;
	v1 =	vld [tilespmem:s0+$0x0]  }
.LBB2_4:
0xb7: {  	p0 =	sne.s32 s26, $0x1F0;
	s4 =	sand.u32 $0x1F0, s2;
	s2 =	smov.u32 s26  }
0xb8: {  	v2 =	vld [tilespmem:s4+$0x1C00];
	_ =	sdelay $0x1  }
0xb9: {  	v3 =	vld [tilespmem:s4+$0x1E00]  }
0xba: {  	v0 =	vadd.f32 v0, v1  }
0xbb: {  	v1 =	vld [tilespmem:s4+$0x2000]  }
0xbc: {  	v0 =	vadd.f32 v2, v0  }
0xbd: {  	v2 =	vld [tilespmem:s4+$0x2200]  }
0xbe: {  	v0 =	vadd.f32 v3, v0  }
0xbf: {  	v3 =	vld [tilespmem:s4+$0x2400]  }
0xc0: {  	v0 =	vadd.f32 v1, v0  }
0xc1: {  	v1 =	vld [tilespmem:s4+$0x2600]  }
0xc2: {  	v0 =	vadd.f32 v2, v0;
	_ =	sdelay $0x1  }
0xc3: {  	v0 =	vadd.f32 v3, v0;
	_ =	sdelay $0x1  }
.Ltmp1:
0xc4: {  	v0 =	vadd.f32 v1, v0;
	(pc) =	sbr.rel @p0 .LBB2_4-.Ltmp1, $4  }
0xc5: {  	_ = 	snop  }
0xc6: {  	s1 =	sadd.s32 $0x10, s1;
	[tilespmem:s0+$0x0] =	vst v0  }
0xc7: {  	s0 =	sadd.s32 $0x10, s0;
	v0 =	vld [tilespmem:s1+$0x0]  }
0xc8: {  	s26 =	sadd.s32 $0x10, s26;
	v1 =	vld [tilespmem:s0+$0x0]  }
0xc9: {  	s1 =	sand.u32 $0x1F0, s2  }
0xca: {  	v2 =	vld [tilespmem:s1+$0x1C00];
	_ =	sdelay $0x1  }
0xcb: {  	v3 =	vld [tilespmem:s1+$0x1E00]  }
0xcc: {  	v0 =	vadd.f32 v0, v1  }
0xcd: {  	v1 =	vld [tilespmem:s1+$0x2000]  }
0xce: {  	v0 =	vadd.f32 v2, v0  }
0xcf: {  	v2 =	vld [tilespmem:s1+$0x2200]  }
0xd0: {  	v0 =	vadd.f32 v3, v0  }
0xd1: {  	v3 =	vld [tilespmem:s1+$0x2400]  }
0xd2: {  	v0 =	vadd.f32 v1, v0  }
0xd3: {  	v1 =	vld [tilespmem:s1+$0x2600]  }
0xd4: {  	v0 =	vadd.f32 v2, v0;
	_ =	sdelay $0x1  }
0xd5: {  	v0 =	vadd.f32 v3, v0;
	_ =	sdelay $0x1  }
0xd6: {  	v0 =	vadd.f32 v1, v0;
	_ =	sdelay $0x1  }
0xd7: {  	[tilespmem:s0+$0x0] =	vst v0  }
0xd8: {  	_ =	swait.ge [sflag:s29], $0x200  }
0xd9: {  	[sflag:s29] =	ssyncset.done $0x0  }
0xda: {  	[sflag:s29] =	ssyncadd.s32 $0xFFFFFE00  }
0xdb: {  	_ =	swait.ge [sflag:s29], $0x200  }
0xdc: {  	[sflag:s29] =	ssyncset.done $0x0  }
0xdd: {  	[sflag:s29] =	ssyncadd.s32 $0xFFFFFE00  }
0xde: {  	_ =	swait.ge [sflag:s29], $0x200  }
0xdf: {  	[sflag:s29] =	ssyncset.done $0x0  }
0xe0: {  	[sflag:s29] =	ssyncadd.s32 $0xFFFFFE00  }
0xe1: {  	_ =	swait.ge [sflag:s29], $0x200  }
0xe2: {  	[sflag:s29] =	ssyncset.done $0x0  }
0xe3: {  	[sflag:s29] =	ssyncadd.s32 $0xFFFFFE00  }
0xe4: {  	_ =	swait.ge [sflag:s29], $0x200  }
0xe5: {  	[sflag:s29] =	ssyncset.done $0x0  }
0xe6: {  	[sflag:s29] =	ssyncadd.s32 $0xFFFFFE00  }
0xe7: {  	_ =	swait.ge [sflag:s29], $0x200  }
0xe8: {  	s26 =	simm.s32 $0x0;
	[sflag:s29] =	ssyncset.done $0x0  }
0xe9: {  	s1 =	sand.u32 $0x1F0, s26;
	[sflag:s29] =	ssyncadd.s32 $0xFFFFFE00  }
0xea: {  	s2 =	simm.s32 $0x10;
	s0 =	simm.s32 $0x3400;
	v0 =	vld [tilespmem:s1+$0x2800]  }
.LBB2_6:
0xeb: {  	p0 =	sne.s32 s2, $0x1F0;
	v1 =	vld [tilespmem:s0+$0x0];
	_ =	sdelay $0x1  }
0xec: {  	v2 =	vld [tilespmem:s1+$0x2A00];
	_ =	sdelay $0x1  }
0xed: {  	v3 =	vld [tilespmem:s1+$0x2C00]  }
0xee: {  	v0 =	vadd.f32 v0, v1  }
0xef: {  	v1 =	vld [tilespmem:s1+$0x2E00]  }
0xf0: {  	v0 =	vadd.f32 v2, v0  }
0xf1: {  	v2 =	vld [tilespmem:s1+$0x3000]  }
0xf2: {  	v0 =	vadd.f32 v3, v0  }
0xf3: {  	v3 =	vld [tilespmem:s1+$0x3200]  }
0xf4: {  	v0 =	vadd.f32 v1, v0;
	_ =	sdelay $0x1  }
0xf5: {  	v0 =	vadd.f32 v2, v0  }
.Ltmp2:
0xf6: {  	(pc) =	sbr.rel @p0 .LBB2_6-.Ltmp2, $3  }
0xf7: {  	v0 =	vadd.f32 v3, v0;
	_ =	sdelay $0x1  }
0xf8: {  	s1 =	sand.u32 $0x1F0, s2;
	[tilespmem:s0+$0x0] =	vst v0  }
0xf9: {  	s2 =	sadd.s32 $0x10, s2;
	s0 =	sadd.s32 $0x10, s0;
	v0 =	vld [tilespmem:s1+$0x2800]  }
0xfa: {  	v1 =	vld [tilespmem:s0+$0x0];
	_ =	sdelay $0x1  }
0xfb: {  	v2 =	vld [tilespmem:s1+$0x2A00];
	_ =	sdelay $0x1  }
0xfc: {  	v3 =	vld [tilespmem:s1+$0x2C00]  }
0xfd: {  	v0 =	vadd.f32 v0, v1  }
0xfe: {  	v61 =	vld [tilespmem:s1+$0x2E00]  }
0xff: {  	v0 =	vadd.f32 v2, v0  }
0x100: {  	v62 =	vld [tilespmem:s1+$0x3000]  }
0x101: {  	v0 =	vadd.f32 v3, v0  }
0x102: {  	v63 =	vld [tilespmem:s1+$0x3200]  }
0x103: {  	v0 =	vadd.f32 v61, v0;
	_ =	sdelay $0x1  }
0x104: {  	v0 =	vadd.f32 v62, v0;
	_ =	sdelay $0x1  }
0x105: {  	s31 =	sadd.s32 $0x1, s31;
	v0 =	vadd.f32 v63, v0  }
0x106: {  	p0 =	sne.s32 s31, s21  }
.Ltmp3:
0x107: {  	[tilespmem:s0+$0x0] =	vst v0;
	(pc) =	sbr.rel @p0 .LBB2_1-.Ltmp3, $4  }
0x108: {  	[hbm4b:s20+s3] =	stream.linear.scatter [tilespmem:s30], [sflag:$0x3], $0x200, $0x38;
	[tilespmem:$0x5180] =	vst v63  }
0x109: {  	_ =	swait.ge [sflag:s24], $0x200  }
0x10a: {  	[sflag:s24] =	ssyncset.done $0x0  }
0x10b: {  	[sflag:s24] =	ssyncadd.s32 $0xFFFFFE00  }
0x10c: {  	_ =	sfence.sel $0x180000  }
0x10d: {  	[bflag:$0x0] =	sbarrier.arrive $0xFFFF  }
0x10e: {  	_ =	strace $0x9000004A  }
0x10f: {  	s0 =	stileid.u32;
	[bflag:$0x2] =	sbarrier.arrive $0xFFFF  }
0x110: {  	p0 =	sne.s32 s0, $0x0;
	s0 =	rddreg [dreg:$0x2]  }
0x111: {  	s0 =	sadd.s32 @!p0 $0x100000, s0  }
0x112: {  	[sflag:s0] =	ssyncadd.tile.s32 @!p0 $0x1;
	_ =	shalt  }
.Lfunc_end2:
_tile_overlayer_lowered:
.L_overlay_start_2:
0x113: {  	(tag) =	ssettag $0x2  }
0x114: {  	s0 =	rddreg [dreg:$0x0];
	s2 =	stileid.u32  }
0x115: {  	s1 =	rddreg [dreg:$0x1];
	p0 =	sne.s32 s2, $0x0  }
0x116: {  	s3 =	rddreg [dreg:$0x2];
	[bflag:$0x3] =	sbarrier.arrive $0xFFFF;
	s2 =	simm.s32 @!p0 $0x1C03  }
0x117: {  	[timem:s3], [sflag:s2] =	dma.local @!p0 [hbm:s0], s1  }
0x118: {  	s0 =	simm.s32 @!p0 $0x3  }
0x119: {  	_ =	swait.ge @!p0 [sflag:s0], s1  }
0x11a: {  	s1 =	ssub.s32 @!p0 $0x0, s1;
	[sflag:s0] =	ssyncset.done @!p0 $0x0  }
0x11b: {  	[sflag:s0] =	ssyncadd.s32 @!p0 s1  }
0x11c: {  	[bflag:$0x3] =	sbarrier.arrive $0xFFFF  }
0x11d: {  	_ =	shalt  }

</sc_bundles>
